<compile_context>
chip_gen: v7x
topology: tpu7x:2x2x1
jax: 0.10.2.dev20260603
libtpu: 0.0.44.dev20260713+nightly
codegen_flags: <defaults>
</compile_context>

<pallas_src>
import jax
import jax.numpy as jnp
from jax import lax
from jax.experimental import pallas as pl
from jax.experimental.pallas import tpu as pltpu
from jax.experimental.pallas import tpu_sc as plsc

N, C, H, W = 8, 2, 256, 256
HW = H * W
NC, NS, L = 2, 16, 16
B_PER_SC = N // NC
PIX_SC = B_PER_SC * HW
PIX_TILE = PIX_SC // NS
CH = 4096
NCHUNK = PIX_TILE // CH
NUM_IT = 4


def _sc_body(pred_hbm, disp_out, cnt_out, lidx_out,
             tabx, taby, counts_sh,
             mx, my, gx0, gy0, gx1, gy1,
             idx0, idx1, idx2, idx3, onesb, sem0, sem1, sem2, sem3):
    c = lax.axis_index("c")
    s = lax.axis_index("s")
    b_local = s // 4
    b = c * B_PER_SC + b_local
    poff = (s % 4) * PIX_TILE
    ybase = (s % 4) * (PIX_TILE // W)
    lanef = lax.broadcasted_iota(jnp.int32, (L,), 0).astype(jnp.float32)
    bbase = b_local * HW
    tbase = s * PIX_TILE
    idxs = (idx0, idx1, idx2, idx3)
    gbufs = ((gx0, gy0), (gx1, gy1))
    sems = ((sem0, sem1), (sem2, sem3))

    pltpu.sync_copy(pred_hbm.at[b, 0, pl.ds(poff, PIX_TILE)], mx)
    pltpu.sync_copy(pred_hbm.at[b, 1, pl.ds(poff, PIX_TILE)], my)
    pltpu.sync_copy(mx, tabx.at[pl.ds(tbase, PIX_TILE)])
    pltpu.sync_copy(my, taby.at[pl.ds(tbase, PIX_TILE)])

    @plsc.parallel_loop(0, CH, step=L, unroll=4)
    def _fill(i):
        idx0[pl.ds(i, L)] = jnp.zeros((L,), jnp.int32)
        onesb[pl.ds(i, L)] = jnp.ones((L,), jnp.int32)
    for k in range(NCHUNK):
        pltpu.sync_copy(idx0, counts_sh.at[pl.ds(tbase + k * CH, CH)])
    plsc.subcore_barrier()

    for t in range(NUM_IT):
        last = t == NUM_IT - 1

        def _index(k):
            idxr = idxs[k]

            @plsc.parallel_loop(0, CH, step=L, unroll=4)
            def body(i):
                off = k * CH + i
                dx = mx[pl.ds(off, L)]
                dy = my[pl.ds(off, L)]
                xf = lanef + (off & (W - 1)).astype(jnp.float32)
                yf = (ybase + (off >> 8)).astype(jnp.float32)
                cxv = (xf + dx).astype(jnp.int32)
                cyv = (yf + dy).astype(jnp.int32)
                cxv = jnp.minimum(jnp.maximum(cxv, 0), W - 1)
                cyv = jnp.minimum(jnp.maximum(cyv, 0), H - 1)
                idxr[pl.ds(i, L)] = bbase + (cyv << 8) + cxv
            if last:
                pltpu.sync_copy(onesb, counts_sh.at[idxs[k]], add=True)
                pltpu.sync_copy(
                    idxs[k], lidx_out.at[b, pl.ds(poff + k * CH, CH)])

        def _fire(k):
            gxk, gyk = gbufs[k % 2]
            sx, sy = sems[k % 2]
            cpx = pltpu.async_copy(tabx.at[idxs[k]], gxk, sx)
            cpy = pltpu.async_copy(taby.at[idxs[k]], gyk, sy)
            return cpx, cpy

        def _accum(k, cps):
            gxk, gyk = gbufs[k % 2]
            cps[0].wait()
            cps[1].wait()

            @plsc.parallel_loop(0, CH, step=L, unroll=4)
            def body(i):
                off = k * CH + i
                mx[pl.ds(off, L)] = mx[pl.ds(off, L)] + gxk[pl.ds(i, L)]
                my[pl.ds(off, L)] = my[pl.ds(off, L)] + gyk[pl.ds(i, L)]

        _index(0)
        cp0 = _fire(0)
        _index(1)
        cp1 = _fire(1)
        _accum(0, cp0)
        _index(2)
        cp2 = _fire(2)
        _accum(1, cp1)
        _index(3)
        cp3 = _fire(3)
        _accum(2, cp2)
        _accum(3, cp3)

        if not last:
            plsc.subcore_barrier()
            pltpu.sync_copy(mx, tabx.at[pl.ds(tbase, PIX_TILE)])
            pltpu.sync_copy(my, taby.at[pl.ds(tbase, PIX_TILE)])
            plsc.subcore_barrier()
        else:
            pltpu.sync_copy(mx, disp_out.at[b, 0, pl.ds(poff, PIX_TILE)])
            pltpu.sync_copy(my, disp_out.at[b, 1, pl.ds(poff, PIX_TILE)])
            plsc.subcore_barrier()
            pltpu.sync_copy(counts_sh.at[pl.ds(tbase, PIX_TILE)],
                            cnt_out.at[b, pl.ds(poff, PIX_TILE)])


@jax.jit
def _sc_iterate(pred):
    call = pl.kernel(
        _sc_body,
        mesh=plsc.VectorSubcoreMesh(core_axis_name="c", subcore_axis_name="s"),
        out_type=(
            jax.ShapeDtypeStruct((N, C, HW), jnp.float32),
            jax.ShapeDtypeStruct((N, HW), jnp.int32),
            jax.ShapeDtypeStruct((N, HW), jnp.int32),
        ),
        scratch_types=[
            pltpu.VMEM_SHARED((PIX_SC,), jnp.float32),
            pltpu.VMEM_SHARED((PIX_SC,), jnp.float32),
            pltpu.VMEM_SHARED((PIX_SC,), jnp.int32),
            pltpu.VMEM((PIX_TILE,), jnp.float32),
            pltpu.VMEM((PIX_TILE,), jnp.float32),
            pltpu.VMEM((CH,), jnp.float32),
            pltpu.VMEM((CH,), jnp.float32),
            pltpu.VMEM((CH,), jnp.float32),
            pltpu.VMEM((CH,), jnp.float32),
            pltpu.VMEM((CH,), jnp.int32),
            pltpu.VMEM((CH,), jnp.int32),
            pltpu.VMEM((CH,), jnp.int32),
            pltpu.VMEM((CH,), jnp.int32),
            pltpu.VMEM((CH,), jnp.int32),
            pltpu.SemaphoreType.DMA,
            pltpu.SemaphoreType.DMA,
            pltpu.SemaphoreType.DMA,
            pltpu.SemaphoreType.DMA,
        ],
    )
    return call(pred)


def kernel(pred_disp):
    pred = pred_disp.reshape(N, C, HW)
    disp, cnt, lidx = _sc_iterate(pred)
    disp_out = disp.reshape(N, C, H, W)
    num_touch = cnt.reshape(N, H, W)
    cx = (lidx & (W - 1)).reshape(N, H, W)
    cy = ((lidx >> 8) & (H - 1)).reshape(N, H, W)
    b_idx = jnp.broadcast_to(
        jnp.arange(N, dtype=jnp.int32)[:, None, None], (N, H, W))
    result_cent = jnp.stack([b_idx, cx, cy], axis=1)
    return disp_out, num_touch, result_cent

# --- scband reference (transcript-rebuilt; emitter-appended) ---
"""Pipeline reference for scband-dcroutputs-69767448756596 (READ-ONLY COPY).

The authoritative reference and input builder live on the scoring server;
editing this copy changes nothing except your own understanding.
"""

import jax, jax.numpy as jnp
import numpy as np


def setup_inputs(seed: int = 0) -> dict:
    key = jax.random.key(seed)
    pred_disp = jax.random.normal(key, (8, 2, 256, 256), dtype=jnp.float32)
    return {"pred_disp": pred_disp}


def _iterate_disp(pred_disp, num_it=4):
    # Faithful JAX translation of DCROutputs.iterate_disp for a single FPN level.
    N, _, H, W = pred_disp.shape
    xs = jnp.arange(W, dtype=jnp.float32)
    ys = jnp.arange(H, dtype=jnp.float32)
    loc_x = jnp.broadcast_to(xs[None, None, :], (1, H, W))
    loc_y = jnp.broadcast_to(ys[None, :, None], (1, H, W))
    # location channel order [x, y] as in the torch code (nonzero()[..., [1,0]])
    location = jnp.stack([loc_x, loc_y], axis=1)  # [1, 2, H, W]
    b_idx = jnp.broadcast_to(jnp.arange(N, dtype=jnp.int32)[:, None, None], (N, H, W))
    disp = pred_disp
    num_touch = jnp.ones((N, H, W), dtype=jnp.int32)
    result_cent = jnp.ones((N, 3, H, W), dtype=jnp.int32)
    for _ in range(num_it):
        # .long() in torch truncates toward zero; astype(int32) matches
        pred_cent = (location + disp).astype(jnp.int32)
        cx = jnp.clip(pred_cent[:, 0], 0, W - 1)
        cy = jnp.clip(pred_cent[:, 1], 0, H - 1)
        lin = (b_idx * H + cy) * W + cx  # [N, H, W]
        lin_flat = lin.reshape(-1)
        # unique(dim=0, return_counts=True) + scatter overwrite of counts
        # == scatter-add of ones onto the pointed-to cells
        num_touch = jnp.zeros((N * H * W,), dtype=jnp.int32).at[lin_flat].add(1).reshape(N, H, W)
        # gather displacement stored at the predicted center of each location
        disp_flat = jnp.transpose(disp, (0, 2, 3, 1)).reshape(N * H * W, 2)
        inner = jnp.take(disp_flat, lin_flat, axis=0).reshape(N, H, W, 2)
        inner_disp = jnp.transpose(inner, (0, 3, 1, 2))  # [N, 2, H, W]
        disp = inner_disp + disp
        # result_cent channels: [batch_idx, x, y] as in torch cat
        result_cent = jnp.stack([b_idx, cx, cy], axis=1)
    return disp, num_touch, result_cent


def reference(pred_disp):
    return _iterate_disp(pred_disp)

if __name__ == "__main__":
    import jax
    _d = setup_inputs()
    print(jax.jit(kernel)(*tuple(_d.values())))

</pallas_src>

<mosaic_0001>
#map = affine_map<(d0, d1) -> (0, 0, 0)>
#map1 = affine_map<(d0, d1) -> (0, 0)>
module attributes {stable_mosaic.version = 14 : i64} {
  func.func @_sc_body(%arg0: i32, %arg1: i32, %arg2: memref<8x2x65536xf32, #tpu.memory_space<hbm>>, %arg3: memref<8x2x65536xf32, #tpu.memory_space<hbm>>, %arg4: memref<8x65536xi32, #tpu.memory_space<hbm>>, %arg5: memref<8x65536xi32, #tpu.memory_space<hbm>>, %arg6: memref<262144xf32, #tpu.memory_space<vmem_shared>>, %arg7: memref<262144xf32, #tpu.memory_space<vmem_shared>>, %arg8: memref<262144xi32, #tpu.memory_space<vmem_shared>>, %arg9: memref<16384xf32, #tpu.memory_space<vmem>>, %arg10: memref<16384xf32, #tpu.memory_space<vmem>>, %arg11: memref<4096xf32, #tpu.memory_space<vmem>>, %arg12: memref<4096xf32, #tpu.memory_space<vmem>>, %arg13: memref<4096xf32, #tpu.memory_space<vmem>>, %arg14: memref<4096xf32, #tpu.memory_space<vmem>>, %arg15: memref<4096xi32, #tpu.memory_space<vmem>>, %arg16: memref<4096xi32, #tpu.memory_space<vmem>>, %arg17: memref<4096xi32, #tpu.memory_space<vmem>>, %arg18: memref<4096xi32, #tpu.memory_space<vmem>>, %arg19: memref<4096xi32, #tpu.memory_space<vmem>>, %arg20: memref<!tpu.dma_semaphore, #tpu.memory_space<semaphore_mem>>, %arg21: memref<!tpu.dma_semaphore, #tpu.memory_space<semaphore_mem>>, %arg22: memref<!tpu.dma_semaphore, #tpu.memory_space<semaphore_mem>>, %arg23: memref<!tpu.dma_semaphore, #tpu.memory_space<semaphore_mem>>) attributes {dimension_semantics = [#tpu.dimension_semantics<core_parallel>, #tpu.dimension_semantics<subcore_parallel>], iteration_bounds = array<i64: 2, 16>, scalar_prefetch = 0 : i64, scratch_operands = 18 : i64, tpu.core_type = #tpu.core_type<sc_vector_subcore>, window_params = [{transform_indices = #map}, {transform_indices = #map}, {transform_indices = #map1}, {transform_indices = #map1}]} {
    %jit3A = arith.constant 4 : i32
    %div3A = arith.divsi %arg1, %jit3A : i32
    %sign3A = arith.constant 0 : i32
    %sign3A_0 = arith.cmpi sgt, %arg1, %sign3A : i32
    %sign3A_1 = arith.extui %sign3A_0 : i1 to i32
    %sign3A_2 = arith.constant 0 : i32
    %sign3A_3 = arith.cmpi slt, %arg1, %sign3A_2 : i32
    %sign3A_4 = arith.extui %sign3A_3 : i1 to i32
    %sign3A_5 = arith.subi %sign3A_1, %sign3A_4 : i32
    %sign3A_6 = arith.constant 0 : i32
    %sign3A_7 = arith.cmpi sgt, %jit3A, %sign3A_6 : i32
    %sign3A_8 = arith.extui %sign3A_7 : i1 to i32
    %sign3A_9 = arith.constant 0 : i32
    %sign3A_10 = arith.cmpi slt, %jit3A, %sign3A_9 : i32
    %sign3A_11 = arith.extui %sign3A_10 : i1 to i32
    %sign3A_12 = arith.subi %sign3A_8, %sign3A_11 : i32
    %ne3A = arith.cmpi ne, %sign3A_5, %sign3A_12 : i32
    %rem3A = arith.remsi %arg1, %jit3A : i32
    %ne3A_13 = arith.constant 0 : i32
    %ne3A_14 = arith.cmpi ne, %rem3A, %ne3A_13 : i32
    %and3A = arith.andi %ne3A, %ne3A_14 : i1
    %sub3A = arith.constant 1 : i32
    %sub3A_15 = arith.subi %div3A, %sub3A : i32
    %select_n3A = arith.select %and3A, %sub3A_15, %div3A : i32
    %mul3A = arith.constant 4 : i32
    %mul3A_16 = arith.muli %arg0, %mul3A : i32
    %add3A = arith.addi %mul3A_16, %select_n3A : i32
    %jit3A_17 = arith.constant 4 : i32
    %eq3A = arith.constant 0 : i32
    %eq3A_18 = arith.cmpi eq, %jit3A_17, %eq3A : i32
    %jit3A_19 = arith.constant 1 : i32
    %select_n3A_20 = arith.select %eq3A_18, %jit3A_19, %jit3A_17 : i32
    %rem3A_21 = arith.remsi %arg1, %select_n3A_20 : i32
    %ne3A_22 = arith.constant 0 : i32
    %ne3A_23 = arith.cmpi ne, %rem3A_21, %ne3A_22 : i32
    %lt3A = arith.constant 0 : i32
    %lt3A_24 = arith.cmpi slt, %rem3A_21, %lt3A : i32
    %lt3A_25 = arith.constant 0 : i32
    %lt3A_26 = arith.cmpi slt, %select_n3A_20, %lt3A_25 : i32
    %ne3A_27 = arith.xori %lt3A_24, %lt3A_26 : i1
    %and3A_28 = arith.andi %ne3A_27, %ne3A_23 : i1
    %add3A_29 = arith.addi %rem3A_21, %select_n3A_20 : i32
    %select_n3A_30 = arith.select %and3A_28, %add3A_29, %rem3A_21 : i32
    %mul3A_31 = arith.constant 16384 : i32
    %mul3A_32 = arith.muli %select_n3A_30, %mul3A_31 : i32
    %jit3A_33 = arith.constant 4 : i32
    %eq3A_34 = arith.constant 0 : i32
    %eq3A_35 = arith.cmpi eq, %jit3A_33, %eq3A_34 : i32
    %jit3A_36 = arith.constant 1 : i32
    %select_n3A_37 = arith.select %eq3A_35, %jit3A_36, %jit3A_33 : i32
    %rem3A_38 = arith.remsi %arg1, %select_n3A_37 : i32
    %ne3A_39 = arith.constant 0 : i32
    %ne3A_40 = arith.cmpi ne, %rem3A_38, %ne3A_39 : i32
    %lt3A_41 = arith.constant 0 : i32
    %lt3A_42 = arith.cmpi slt, %rem3A_38, %lt3A_41 : i32
    %lt3A_43 = arith.constant 0 : i32
    %lt3A_44 = arith.cmpi slt, %select_n3A_37, %lt3A_43 : i32
    %ne3A_45 = arith.xori %lt3A_42, %lt3A_44 : i1
    %and3A_46 = arith.andi %ne3A_45, %ne3A_40 : i1
    %add3A_47 = arith.addi %rem3A_38, %select_n3A_37 : i32
    %select_n3A_48 = arith.select %and3A_46, %add3A_47, %rem3A_38 : i32
    %mul3A_49 = arith.constant 64 : i32
    %mul3A_50 = arith.muli %select_n3A_48, %mul3A_49 : i32
    %iota3A = tpu.iota {dimensions = array<i32: 0>} : vector<16xi32>
    %convert_element_type3A = arith.sitofp %iota3A : vector<16xi32> to vector<16xf32>
    %mul3A_51 = arith.constant 65536 : i32
    %mul3A_52 = arith.muli %select_n3A, %mul3A_51 : i32
    %mul3A_53 = arith.constant 16384 : i32
    %mul3A_54 = arith.muli %arg1, %mul3A_53 : i32
    %run_scoped3A = arith.constant 0 : i32
    "tpu.region"() ({
      %run_scoped3A_305 = tpu.sem_alloc : memref<!tpu.dma_semaphore, #tpu.memory_space<semaphore_mem>>
      %dma_start3A_306 = tpu.memref_slice %arg2[%add3A, %run_scoped3A, %mul3A_32] : memref<8x2x65536xf32, #tpu.memory_space<hbm>> -> memref<1x1x16384xf32, #tpu.memory_space<hbm>>
      %dma_start3A_307 = tpu.memref_squeeze %dma_start3A_306 : memref<1x1x16384xf32, #tpu.memory_space<hbm>> -> memref<16384xf32, #tpu.memory_space<hbm>>
      %dma_start3A_308 = tpu.memref_slice %arg2[%add3A, %run_scoped3A, %mul3A_32] : memref<8x2x65536xf32, #tpu.memory_space<hbm>> -> memref<1x1x16384xf32, #tpu.memory_space<hbm>>
      %dma_start3A_309 = tpu.memref_squeeze %dma_start3A_308 : memref<1x1x16384xf32, #tpu.memory_space<hbm>> -> memref<16384xf32, #tpu.memory_space<hbm>>
      tpu.enqueue_dma source(%dma_start3A_309 : memref<16384xf32, #tpu.memory_space<hbm>>) target(%arg9 : memref<16384xf32, #tpu.memory_space<vmem>>) target_semaphore(%run_scoped3A_305 : memref<!tpu.dma_semaphore, #tpu.memory_space<semaphore_mem>>)
      %dma_wait3A_310 = tpu.memref_slice %arg2[%add3A, %run_scoped3A, %mul3A_32] : memref<8x2x65536xf32, #tpu.memory_space<hbm>> -> memref<1x1x16384xf32, #tpu.memory_space<hbm>>
      %dma_wait3A_311 = tpu.memref_squeeze %dma_wait3A_310 : memref<1x1x16384xf32, #tpu.memory_space<hbm>> -> memref<16384xf32, #tpu.memory_space<hbm>>
      %dma_wait3A_312 = tpu.memref_slice %arg2[%add3A, %run_scoped3A, %mul3A_32] : memref<8x2x65536xf32, #tpu.memory_space<hbm>> -> memref<1x1x16384xf32, #tpu.memory_space<hbm>>
      %dma_wait3A_313 = tpu.memref_squeeze %dma_wait3A_312 : memref<1x1x16384xf32, #tpu.memory_space<hbm>> -> memref<16384xf32, #tpu.memory_space<hbm>>
      tpu.wait_dma2 semaphore(%run_scoped3A_305 : memref<!tpu.dma_semaphore, #tpu.memory_space<semaphore_mem>>) src(%dma_wait3A_313 : memref<16384xf32, #tpu.memory_space<hbm>>) dst(%arg9 : memref<16384xf32, #tpu.memory_space<vmem>>)
      tpu.yield
    }) : () -> ()
    %run_scoped3A_55 = arith.constant 1 : i32
    "tpu.region"() ({
      %run_scoped3A_305 = tpu.sem_alloc : memref<!tpu.dma_semaphore, #tpu.memory_space<semaphore_mem>>
      %dma_start3A_306 = tpu.memref_slice %arg2[%add3A, %run_scoped3A_55, %mul3A_32] : memref<8x2x65536xf32, #tpu.memory_space<hbm>> -> memref<1x1x16384xf32, #tpu.memory_space<hbm>>
      %dma_start3A_307 = tpu.memref_squeeze %dma_start3A_306 : memref<1x1x16384xf32, #tpu.memory_space<hbm>> -> memref<16384xf32, #tpu.memory_space<hbm>>
      %dma_start3A_308 = tpu.memref_slice %arg2[%add3A, %run_scoped3A_55, %mul3A_32] : memref<8x2x65536xf32, #tpu.memory_space<hbm>> -> memref<1x1x16384xf32, #tpu.memory_space<hbm>>
      %dma_start3A_309 = tpu.memref_squeeze %dma_start3A_308 : memref<1x1x16384xf32, #tpu.memory_space<hbm>> -> memref<16384xf32, #tpu.memory_space<hbm>>
      tpu.enqueue_dma source(%dma_start3A_309 : memref<16384xf32, #tpu.memory_space<hbm>>) target(%arg10 : memref<16384xf32, #tpu.memory_space<vmem>>) target_semaphore(%run_scoped3A_305 : memref<!tpu.dma_semaphore, #tpu.memory_space<semaphore_mem>>)
      %dma_wait3A_310 = tpu.memref_slice %arg2[%add3A, %run_scoped3A_55, %mul3A_32] : memref<8x2x65536xf32, #tpu.memory_space<hbm>> -> memref<1x1x16384xf32, #tpu.memory_space<hbm>>
      %dma_wait3A_311 = tpu.memref_squeeze %dma_wait3A_310 : memref<1x1x16384xf32, #tpu.memory_space<hbm>> -> memref<16384xf32, #tpu.memory_space<hbm>>
      %dma_wait3A_312 = tpu.memref_slice %arg2[%add3A, %run_scoped3A_55, %mul3A_32] : memref<8x2x65536xf32, #tpu.memory_space<hbm>> -> memref<1x1x16384xf32, #tpu.memory_space<hbm>>
      %dma_wait3A_313 = tpu.memref_squeeze %dma_wait3A_312 : memref<1x1x16384xf32, #tpu.memory_space<hbm>> -> memref<16384xf32, #tpu.memory_space<hbm>>
      tpu.wait_dma2 semaphore(%run_scoped3A_305 : memref<!tpu.dma_semaphore, #tpu.memory_space<semaphore_mem>>) src(%dma_wait3A_313 : memref<16384xf32, #tpu.memory_space<hbm>>) dst(%arg10 : memref<16384xf32, #tpu.memory_space<vmem>>)
      tpu.yield
    }) : () -> ()
    "tpu.region"() ({
      %run_scoped3A_305 = tpu.sem_alloc : memref<!tpu.dma_semaphore, #tpu.memory_space<semaphore_mem>>
      %dma_start3A_306 = tpu.memref_slice %arg6[%mul3A_54] : memref<262144xf32, #tpu.memory_space<vmem_shared>> -> memref<16384xf32, #tpu.memory_space<vmem_shared>>
      %dma_start3A_307 = tpu.memref_slice %arg6[%mul3A_54] : memref<262144xf32, #tpu.memory_space<vmem_shared>> -> memref<16384xf32, #tpu.memory_space<vmem_shared>>
      tpu.enqueue_dma source(%arg9 : memref<16384xf32, #tpu.memory_space<vmem>>) target(%dma_start3A_307 : memref<16384xf32, #tpu.memory_space<vmem_shared>>) target_semaphore(%run_scoped3A_305 : memref<!tpu.dma_semaphore, #tpu.memory_space<semaphore_mem>>)
      %dma_wait3A_308 = tpu.memref_slice %arg6[%mul3A_54] : memref<262144xf32, #tpu.memory_space<vmem_shared>> -> memref<16384xf32, #tpu.memory_space<vmem_shared>>
      %dma_wait3A_309 = tpu.memref_slice %arg6[%mul3A_54] : memref<262144xf32, #tpu.memory_space<vmem_shared>> -> memref<16384xf32, #tpu.memory_space<vmem_shared>>
      tpu.wait_dma2 semaphore(%run_scoped3A_305 : memref<!tpu.dma_semaphore, #tpu.memory_space<semaphore_mem>>) src(%arg9 : memref<16384xf32, #tpu.memory_space<vmem>>) dst(%dma_wait3A_309 : memref<16384xf32, #tpu.memory_space<vmem_shared>>)
      tpu.yield
    }) : () -> ()
    "tpu.region"() ({
      %run_scoped3A_305 = tpu.sem_alloc : memref<!tpu.dma_semaphore, #tpu.memory_space<semaphore_mem>>
      %dma_start3A_306 = tpu.memref_slice %arg7[%mul3A_54] : memref<262144xf32, #tpu.memory_space<vmem_shared>> -> memref<16384xf32, #tpu.memory_space<vmem_shared>>
      %dma_start3A_307 = tpu.memref_slice %arg7[%mul3A_54] : memref<262144xf32, #tpu.memory_space<vmem_shared>> -> memref<16384xf32, #tpu.memory_space<vmem_shared>>
      tpu.enqueue_dma source(%arg10 : memref<16384xf32, #tpu.memory_space<vmem>>) target(%dma_start3A_307 : memref<16384xf32, #tpu.memory_space<vmem_shared>>) target_semaphore(%run_scoped3A_305 : memref<!tpu.dma_semaphore, #tpu.memory_space<semaphore_mem>>)
      %dma_wait3A_308 = tpu.memref_slice %arg7[%mul3A_54] : memref<262144xf32, #tpu.memory_space<vmem_shared>> -> memref<16384xf32, #tpu.memory_space<vmem_shared>>
      %dma_wait3A_309 = tpu.memref_slice %arg7[%mul3A_54] : memref<262144xf32, #tpu.memory_space<vmem_shared>> -> memref<16384xf32, #tpu.memory_space<vmem_shared>>
      tpu.wait_dma2 semaphore(%run_scoped3A_305 : memref<!tpu.dma_semaphore, #tpu.memory_space<semaphore_mem>>) src(%arg10 : memref<16384xf32, #tpu.memory_space<vmem>>) dst(%dma_wait3A_309 : memref<16384xf32, #tpu.memory_space<vmem_shared>>)
      tpu.yield
    }) : () -> ()
    %parallel_loop3A = arith.constant 0 : i32
    %parallel_loop3A_56 = arith.constant 4096 : i32
    %parallel_loop3A_57 = arith.constant 16 : i32
    scf.for %parallel_loop3A_305 = %parallel_loop3A to %parallel_loop3A_56 step %parallel_loop3A_57  : i32 {
      %parallel_loop3A_306 = arith.constant 0 : i32
      %parallel_loop3A_307 = vector.broadcast %parallel_loop3A_306 : i32 to vector<16xi32>
      %parallel_loop3A_308 = arith.index_cast %parallel_loop3A_305 : i32 to index
      %parallel_loop3A_309 = tpu.vector_load %arg15[%parallel_loop3A_308] {strides = array<i32>} : memref<4096xi32, #tpu.memory_space<vmem>>, vector<16xi32>,
      %parallel_loop3A_310 = vector.shape_cast %parallel_loop3A_309 : vector<16xi32> to vector<16xi32>
      %parallel_loop3A_311 = vector.shape_cast %parallel_loop3A_307 : vector<16xi32> to vector<16xi32>
      tpu.vector_store %arg15[%parallel_loop3A_308], %parallel_loop3A_311 {strides = array<i32>} : memref<4096xi32, #tpu.memory_space<vmem>>, vector<16xi32>,
      %parallel_loop3A_312 = arith.constant 1 : i32
      %parallel_loop3A_313 = vector.broadcast %parallel_loop3A_312 : i32 to vector<16xi32>
      %parallel_loop3A_314 = arith.index_cast %parallel_loop3A_305 : i32 to index
      %parallel_loop3A_315 = tpu.vector_load %arg19[%parallel_loop3A_314] {strides = array<i32>} : memref<4096xi32, #tpu.memory_space<vmem>>, vector<16xi32>,
      %parallel_loop3A_316 = vector.shape_cast %parallel_loop3A_315 : vector<16xi32> to vector<16xi32>
      %parallel_loop3A_317 = vector.shape_cast %parallel_loop3A_313 : vector<16xi32> to vector<16xi32>
      tpu.vector_store %arg19[%parallel_loop3A_314], %parallel_loop3A_317 {strides = array<i32>} : memref<4096xi32, #tpu.memory_space<vmem>>, vector<16xi32>,
    } {sc.loop_unroll_factor = 4 : i64, sc.parallel_access}
    %add3A_58 = arith.constant 0 : i32
    %add3A_59 = arith.addi %mul3A_54, %add3A_58 : i32
    "tpu.region"() ({
      %run_scoped3A_305 = tpu.sem_alloc : memref<!tpu.dma_semaphore, #tpu.memory_space<semaphore_mem>>
      %dma_start3A_306 = tpu.memref_slice %arg8[%add3A_59] : memref<262144xi32, #tpu.memory_space<vmem_shared>> -> memref<4096xi32, #tpu.memory_space<vmem_shared>>
      %dma_start3A_307 = tpu.memref_slice %arg8[%add3A_59] : memref<262144xi32, #tpu.memory_space<vmem_shared>> -> memref<4096xi32, #tpu.memory_space<vmem_shared>>
      tpu.enqueue_dma source(%arg15 : memref<4096xi32, #tpu.memory_space<vmem>>) target(%dma_start3A_307 : memref<4096xi32, #tpu.memory_space<vmem_shared>>) target_semaphore(%run_scoped3A_305 : memref<!tpu.dma_semaphore, #tpu.memory_space<semaphore_mem>>)
      %dma_wait3A_308 = tpu.memref_slice %arg8[%add3A_59] : memref<262144xi32, #tpu.memory_space<vmem_shared>> -> memref<4096xi32, #tpu.memory_space<vmem_shared>>
      %dma_wait3A_309 = tpu.memref_slice %arg8[%add3A_59] : memref<262144xi32, #tpu.memory_space<vmem_shared>> -> memref<4096xi32, #tpu.memory_space<vmem_shared>>
      tpu.wait_dma2 semaphore(%run_scoped3A_305 : memref<!tpu.dma_semaphore, #tpu.memory_space<semaphore_mem>>) src(%arg15 : memref<4096xi32, #tpu.memory_space<vmem>>) dst(%dma_wait3A_309 : memref<4096xi32, #tpu.memory_space<vmem_shared>>)
      tpu.yield
    }) : () -> ()
    %add3A_60 = arith.constant 4096 : i32
    %add3A_61 = arith.addi %mul3A_54, %add3A_60 : i32
    "tpu.region"() ({
      %run_scoped3A_305 = tpu.sem_alloc : memref<!tpu.dma_semaphore, #tpu.memory_space<semaphore_mem>>
      %dma_start3A_306 = tpu.memref_slice %arg8[%add3A_61] : memref<262144xi32, #tpu.memory_space<vmem_shared>> -> memref<4096xi32, #tpu.memory_space<vmem_shared>>
      %dma_start3A_307 = tpu.memref_slice %arg8[%add3A_61] : memref<262144xi32, #tpu.memory_space<vmem_shared>> -> memref<4096xi32, #tpu.memory_space<vmem_shared>>
      tpu.enqueue_dma source(%arg15 : memref<4096xi32, #tpu.memory_space<vmem>>) target(%dma_start3A_307 : memref<4096xi32, #tpu.memory_space<vmem_shared>>) target_semaphore(%run_scoped3A_305 : memref<!tpu.dma_semaphore, #tpu.memory_space<semaphore_mem>>)
      %dma_wait3A_308 = tpu.memref_slice %arg8[%add3A_61] : memref<262144xi32, #tpu.memory_space<vmem_shared>> -> memref<4096xi32, #tpu.memory_space<vmem_shared>>
      %dma_wait3A_309 = tpu.memref_slice %arg8[%add3A_61] : memref<262144xi32, #tpu.memory_space<vmem_shared>> -> memref<4096xi32, #tpu.memory_space<vmem_shared>>
      tpu.wait_dma2 semaphore(%run_scoped3A_305 : memref<!tpu.dma_semaphore, #tpu.memory_space<semaphore_mem>>) src(%arg15 : memref<4096xi32, #tpu.memory_space<vmem>>) dst(%dma_wait3A_309 : memref<4096xi32, #tpu.memory_space<vmem_shared>>)
      tpu.yield
    }) : () -> ()
    %add3A_62 = arith.constant 8192 : i32
    %add3A_63 = arith.addi %mul3A_54, %add3A_62 : i32
    "tpu.region"() ({
      %run_scoped3A_305 = tpu.sem_alloc : memref<!tpu.dma_semaphore, #tpu.memory_space<semaphore_mem>>
      %dma_start3A_306 = tpu.memref_slice %arg8[%add3A_63] : memref<262144xi32, #tpu.memory_space<vmem_shared>> -> memref<4096xi32, #tpu.memory_space<vmem_shared>>
      %dma_start3A_307 = tpu.memref_slice %arg8[%add3A_63] : memref<262144xi32, #tpu.memory_space<vmem_shared>> -> memref<4096xi32, #tpu.memory_space<vmem_shared>>
      tpu.enqueue_dma source(%arg15 : memref<4096xi32, #tpu.memory_space<vmem>>) target(%dma_start3A_307 : memref<4096xi32, #tpu.memory_space<vmem_shared>>) target_semaphore(%run_scoped3A_305 : memref<!tpu.dma_semaphore, #tpu.memory_space<semaphore_mem>>)
      %dma_wait3A_308 = tpu.memref_slice %arg8[%add3A_63] : memref<262144xi32, #tpu.memory_space<vmem_shared>> -> memref<4096xi32, #tpu.memory_space<vmem_shared>>
      %dma_wait3A_309 = tpu.memref_slice %arg8[%add3A_63] : memref<262144xi32, #tpu.memory_space<vmem_shared>> -> memref<4096xi32, #tpu.memory_space<vmem_shared>>
      tpu.wait_dma2 semaphore(%run_scoped3A_305 : memref<!tpu.dma_semaphore, #tpu.memory_space<semaphore_mem>>) src(%arg15 : memref<4096xi32, #tpu.memory_space<vmem>>) dst(%dma_wait3A_309 : memref<4096xi32, #tpu.memory_space<vmem_shared>>)
      tpu.yield
    }) : () -> ()
    %add3A_64 = arith.constant 12288 : i32
    %add3A_65 = arith.addi %mul3A_54, %add3A_64 : i32
    "tpu.region"() ({
      %run_scoped3A_305 = tpu.sem_alloc : memref<!tpu.dma_semaphore, #tpu.memory_space<semaphore_mem>>
      %dma_start3A_306 = tpu.memref_slice %arg8[%add3A_65] : memref<262144xi32, #tpu.memory_space<vmem_shared>> -> memref<4096xi32, #tpu.memory_space<vmem_shared>>
      %dma_start3A_307 = tpu.memref_slice %arg8[%add3A_65] : memref<262144xi32, #tpu.memory_space<vmem_shared>> -> memref<4096xi32, #tpu.memory_space<vmem_shared>>
      tpu.enqueue_dma source(%arg15 : memref<4096xi32, #tpu.memory_space<vmem>>) target(%dma_start3A_307 : memref<4096xi32, #tpu.memory_space<vmem_shared>>) target_semaphore(%run_scoped3A_305 : memref<!tpu.dma_semaphore, #tpu.memory_space<semaphore_mem>>)
      %dma_wait3A_308 = tpu.memref_slice %arg8[%add3A_65] : memref<262144xi32, #tpu.memory_space<vmem_shared>> -> memref<4096xi32, #tpu.memory_space<vmem_shared>>
      %dma_wait3A_309 = tpu.memref_slice %arg8[%add3A_65] : memref<262144xi32, #tpu.memory_space<vmem_shared>> -> memref<4096xi32, #tpu.memory_space<vmem_shared>>
      tpu.wait_dma2 semaphore(%run_scoped3A_305 : memref<!tpu.dma_semaphore, #tpu.memory_space<semaphore_mem>>) src(%arg15 : memref<4096xi32, #tpu.memory_space<vmem>>) dst(%dma_wait3A_309 : memref<4096xi32, #tpu.memory_space<vmem_shared>>)
      tpu.yield
    }) : () -> ()
    %barrier3A = arith.constant 0 : index
    tpu.barrier barrier_id(%barrier3A)
    %parallel_loop3A_66 = arith.constant 0 : i32
    %parallel_loop3A_67 = arith.constant 4096 : i32
    %parallel_loop3A_68 = arith.constant 16 : i32
    scf.for %parallel_loop3A_305 = %parallel_loop3A_66 to %parallel_loop3A_67 step %parallel_loop3A_68  : i32 {
      %parallel_loop3A_306 = arith.constant 0 : i32
      %parallel_loop3A_307 = arith.addi %parallel_loop3A_306, %parallel_loop3A_305 : i32
      %parallel_loop3A_308 = arith.index_cast %parallel_loop3A_307 : i32 to index
      %parallel_loop3A_309 = tpu.vector_load %arg9[%parallel_loop3A_308] {strides = array<i32>} : memref<16384xf32, #tpu.memory_space<vmem>>, vector<16xf32>,
      %parallel_loop3A_310 = vector.shape_cast %parallel_loop3A_309 : vector<16xf32> to vector<16xf32>
      %parallel_loop3A_311 = arith.index_cast %parallel_loop3A_307 : i32 to index
      %parallel_loop3A_312 = tpu.vector_load %arg10[%parallel_loop3A_311] {strides = array<i32>} : memref<16384xf32, #tpu.memory_space<vmem>>, vector<16xf32>,
      %parallel_loop3A_313 = vector.shape_cast %parallel_loop3A_312 : vector<16xf32> to vector<16xf32>
      %parallel_loop3A_314 = arith.constant 255 : i32
      %parallel_loop3A_315 = arith.andi %parallel_loop3A_307, %parallel_loop3A_314 : i32
      %parallel_loop3A_316 = arith.sitofp %parallel_loop3A_315 : i32 to f32
      %parallel_loop3A_317 = vector.broadcast %parallel_loop3A_316 : f32 to vector<16xf32>
      %parallel_loop3A_318 = arith.addf %convert_element_type3A, %parallel_loop3A_317 : vector<16xf32>
      %parallel_loop3A_319 = arith.constant 8 : i32
      %parallel_loop3A_320 = arith.shrsi %parallel_loop3A_307, %parallel_loop3A_319 : i32
      %parallel_loop3A_321 = arith.addi %mul3A_50, %parallel_loop3A_320 : i32
      %parallel_loop3A_322 = arith.sitofp %parallel_loop3A_321 : i32 to f32
      %parallel_loop3A_323 = arith.addf %parallel_loop3A_318, %parallel_loop3A_310 : vector<16xf32>
      %parallel_loop3A_324 = arith.fptosi %parallel_loop3A_323 : vector<16xf32> to vector<16xi32>
      %parallel_loop3A_325 = vector.broadcast %parallel_loop3A_322 : f32 to vector<16xf32>
      %parallel_loop3A_326 = arith.addf %parallel_loop3A_325, %parallel_loop3A_313 : vector<16xf32>
      %parallel_loop3A_327 = arith.fptosi %parallel_loop3A_326 : vector<16xf32> to vector<16xi32>
      %parallel_loop3A_328 = arith.constant 0 : i32
      %parallel_loop3A_329 = vector.broadcast %parallel_loop3A_328 : i32 to vector<16xi32>
      %parallel_loop3A_330 = arith.maxsi %parallel_loop3A_324, %parallel_loop3A_329 : vector<16xi32>
      %parallel_loop3A_331 = arith.constant 255 : i32
      %parallel_loop3A_332 = vector.broadcast %parallel_loop3A_331 : i32 to vector<16xi32>
      %parallel_loop3A_333 = arith.minsi %parallel_loop3A_330, %parallel_loop3A_332 : vector<16xi32>
      %parallel_loop3A_334 = arith.constant 0 : i32
      %parallel_loop3A_335 = vector.broadcast %parallel_loop3A_334 : i32 to vector<16xi32>
      %parallel_loop3A_336 = arith.maxsi %parallel_loop3A_327, %parallel_loop3A_335 : vector<16xi32>
      %parallel_loop3A_337 = arith.constant 255 : i32
      %parallel_loop3A_338 = vector.broadcast %parallel_loop3A_337 : i32 to vector<16xi32>
      %parallel_loop3A_339 = arith.minsi %parallel_loop3A_336, %parallel_loop3A_338 : vector<16xi32>
      %parallel_loop3A_340 = arith.constant 8 : i32
      %parallel_loop3A_341 = vector.broadcast %parallel_loop3A_340 : i32 to vector<16xi32>
      %parallel_loop3A_342 = arith.shli %parallel_loop3A_339, %parallel_loop3A_341 : vector<16xi32>
      %parallel_loop3A_343 = vector.broadcast %mul3A_52 : i32 to vector<16xi32>
      %parallel_loop3A_344 = arith.addi %parallel_loop3A_343, %parallel_loop3A_342 : vector<16xi32>
      %parallel_loop3A_345 = arith.addi %parallel_loop3A_344, %parallel_loop3A_333 : vector<16xi32>
      %parallel_loop3A_346 = arith.index_cast %parallel_loop3A_305 : i32 to index
      %parallel_loop3A_347 = tpu.vector_load %arg15[%parallel_loop3A_346] {strides = array<i32>} : memref<4096xi32, #tpu.memory_space<vmem>>, vector<16xi32>,
      %parallel_loop3A_348 = vector.shape_cast %parallel_loop3A_347 : vector<16xi32> to vector<16xi32>
      %parallel_loop3A_349 = vector.shape_cast %parallel_loop3A_345 : vector<16xi32> to vector<16xi32>
      tpu.vector_store %arg15[%parallel_loop3A_346], %parallel_loop3A_349 {strides = array<i32>} : memref<4096xi32, #tpu.memory_space<vmem>>, vector<16xi32>,
    } {sc.loop_unroll_factor = 4 : i64, sc.parallel_access}
    %dma_start3A = arith.constant 0 : i32
    %dma_start3A_69 = tpu.memref_slice %arg6[%dma_start3A] : memref<262144xf32, #tpu.memory_space<vmem_shared>> -> memref<262144xf32, #tpu.memory_space<vmem_shared>>
    tpu.enqueue_indirect_dma source(%dma_start3A_69 : memref<262144xf32, #tpu.memory_space<vmem_shared>>) target(%arg11 : memref<4096xf32, #tpu.memory_space<vmem>>) offsets(%arg15 : memref<4096xi32, #tpu.memory_space<vmem>>) semaphore(%arg20 : memref<!tpu.dma_semaphore, #tpu.memory_space<semaphore_mem>>)
    %dma_start3A_70 = arith.constant 0 : i32
    %dma_start3A_71 = tpu.memref_slice %arg7[%dma_start3A_70] : memref<262144xf32, #tpu.memory_space<vmem_shared>> -> memref<262144xf32, #tpu.memory_space<vmem_shared>>
    tpu.enqueue_indirect_dma source(%dma_start3A_71 : memref<262144xf32, #tpu.memory_space<vmem_shared>>) target(%arg12 : memref<4096xf32, #tpu.memory_space<vmem>>) offsets(%arg15 : memref<4096xi32, #tpu.memory_space<vmem>>) semaphore(%arg21 : memref<!tpu.dma_semaphore, #tpu.memory_space<semaphore_mem>>)
    %parallel_loop3A_72 = arith.constant 0 : i32
    %parallel_loop3A_73 = arith.constant 4096 : i32
    %parallel_loop3A_74 = arith.constant 16 : i32
    scf.for %parallel_loop3A_305 = %parallel_loop3A_72 to %parallel_loop3A_73 step %parallel_loop3A_74  : i32 {
      %parallel_loop3A_306 = arith.constant 4096 : i32
      %parallel_loop3A_307 = arith.addi %parallel_loop3A_306, %parallel_loop3A_305 : i32
      %parallel_loop3A_308 = arith.index_cast %parallel_loop3A_307 : i32 to index
      %parallel_loop3A_309 = tpu.vector_load %arg9[%parallel_loop3A_308] {strides = array<i32>} : memref<16384xf32, #tpu.memory_space<vmem>>, vector<16xf32>,
      %parallel_loop3A_310 = vector.shape_cast %parallel_loop3A_309 : vector<16xf32> to vector<16xf32>
      %parallel_loop3A_311 = arith.index_cast %parallel_loop3A_307 : i32 to index
      %parallel_loop3A_312 = tpu.vector_load %arg10[%parallel_loop3A_311] {strides = array<i32>} : memref<16384xf32, #tpu.memory_space<vmem>>, vector<16xf32>,
      %parallel_loop3A_313 = vector.shape_cast %parallel_loop3A_312 : vector<16xf32> to vector<16xf32>
      %parallel_loop3A_314 = arith.constant 255 : i32
      %parallel_loop3A_315 = arith.andi %parallel_loop3A_307, %parallel_loop3A_314 : i32
      %parallel_loop3A_316 = arith.sitofp %parallel_loop3A_315 : i32 to f32
      %parallel_loop3A_317 = vector.broadcast %parallel_loop3A_316 : f32 to vector<16xf32>
      %parallel_loop3A_318 = arith.addf %convert_element_type3A, %parallel_loop3A_317 : vector<16xf32>
      %parallel_loop3A_319 = arith.constant 8 : i32
      %parallel_loop3A_320 = arith.shrsi %parallel_loop3A_307, %parallel_loop3A_319 : i32
      %parallel_loop3A_321 = arith.addi %mul3A_50, %parallel_loop3A_320 : i32
      %parallel_loop3A_322 = arith.sitofp %parallel_loop3A_321 : i32 to f32
      %parallel_loop3A_323 = arith.addf %parallel_loop3A_318, %parallel_loop3A_310 : vector<16xf32>
      %parallel_loop3A_324 = arith.fptosi %parallel_loop3A_323 : vector<16xf32> to vector<16xi32>
      %parallel_loop3A_325 = vector.broadcast %parallel_loop3A_322 : f32 to vector<16xf32>
      %parallel_loop3A_326 = arith.addf %parallel_loop3A_325, %parallel_loop3A_313 : vector<16xf32>
      %parallel_loop3A_327 = arith.fptosi %parallel_loop3A_326 : vector<16xf32> to vector<16xi32>
      %parallel_loop3A_328 = arith.constant 0 : i32
      %parallel_loop3A_329 = vector.broadcast %parallel_loop3A_328 : i32 to vector<16xi32>
      %parallel_loop3A_330 = arith.maxsi %parallel_loop3A_324, %parallel_loop3A_329 : vector<16xi32>
      %parallel_loop3A_331 = arith.constant 255 : i32
      %parallel_loop3A_332 = vector.broadcast %parallel_loop3A_331 : i32 to vector<16xi32>
      %parallel_loop3A_333 = arith.minsi %parallel_loop3A_330, %parallel_loop3A_332 : vector<16xi32>
      %parallel_loop3A_334 = arith.constant 0 : i32
      %parallel_loop3A_335 = vector.broadcast %parallel_loop3A_334 : i32 to vector<16xi32>
      %parallel_loop3A_336 = arith.maxsi %parallel_loop3A_327, %parallel_loop3A_335 : vector<16xi32>
      %parallel_loop3A_337 = arith.constant 255 : i32
      %parallel_loop3A_338 = vector.broadcast %parallel_loop3A_337 : i32 to vector<16xi32>
      %parallel_loop3A_339 = arith.minsi %parallel_loop3A_336, %parallel_loop3A_338 : vector<16xi32>
      %parallel_loop3A_340 = arith.constant 8 : i32
      %parallel_loop3A_341 = vector.broadcast %parallel_loop3A_340 : i32 to vector<16xi32>
      %parallel_loop3A_342 = arith.shli %parallel_loop3A_339, %parallel_loop3A_341 : vector<16xi32>
      %parallel_loop3A_343 = vector.broadcast %mul3A_52 : i32 to vector<16xi32>
      %parallel_loop3A_344 = arith.addi %parallel_loop3A_343, %parallel_loop3A_342 : vector<16xi32>
      %parallel_loop3A_345 = arith.addi %parallel_loop3A_344, %parallel_loop3A_333 : vector<16xi32>
      %parallel_loop3A_346 = arith.index_cast %parallel_loop3A_305 : i32 to index
      %parallel_loop3A_347 = tpu.vector_load %arg16[%parallel_loop3A_346] {strides = array<i32>} : memref<4096xi32, #tpu.memory_space<vmem>>, vector<16xi32>,
      %parallel_loop3A_348 = vector.shape_cast %parallel_loop3A_347 : vector<16xi32> to vector<16xi32>
      %parallel_loop3A_349 = vector.shape_cast %parallel_loop3A_345 : vector<16xi32> to vector<16xi32>
      tpu.vector_store %arg16[%parallel_loop3A_346], %parallel_loop3A_349 {strides = array<i32>} : memref<4096xi32, #tpu.memory_space<vmem>>, vector<16xi32>,
    } {sc.loop_unroll_factor = 4 : i64, sc.parallel_access}
    %dma_start3A_75 = arith.constant 0 : i32
    %dma_start3A_76 = tpu.memref_slice %arg6[%dma_start3A_75] : memref<262144xf32, #tpu.memory_space<vmem_shared>> -> memref<262144xf32, #tpu.memory_space<vmem_shared>>
    tpu.enqueue_indirect_dma source(%dma_start3A_76 : memref<262144xf32, #tpu.memory_space<vmem_shared>>) target(%arg13 : memref<4096xf32, #tpu.memory_space<vmem>>) offsets(%arg16 : memref<4096xi32, #tpu.memory_space<vmem>>) semaphore(%arg22 : memref<!tpu.dma_semaphore, #tpu.memory_space<semaphore_mem>>)
    %dma_start3A_77 = arith.constant 0 : i32
    %dma_start3A_78 = tpu.memref_slice %arg7[%dma_start3A_77] : memref<262144xf32, #tpu.memory_space<vmem_shared>> -> memref<262144xf32, #tpu.memory_space<vmem_shared>>
    tpu.enqueue_indirect_dma source(%dma_start3A_78 : memref<262144xf32, #tpu.memory_space<vmem_shared>>) target(%arg14 : memref<4096xf32, #tpu.memory_space<vmem>>) offsets(%arg16 : memref<4096xi32, #tpu.memory_space<vmem>>) semaphore(%arg23 : memref<!tpu.dma_semaphore, #tpu.memory_space<semaphore_mem>>)
    %dma_wait3A = arith.constant 0 : i32
    %dma_wait3A_79 = tpu.memref_slice %arg6[%dma_wait3A] : memref<262144xf32, #tpu.memory_space<vmem_shared>> -> memref<262144xf32, #tpu.memory_space<vmem_shared>>
    tpu.wait_indirect_dma semaphore(%arg20 : memref<!tpu.dma_semaphore, #tpu.memory_space<semaphore_mem>>) src(%dma_wait3A_79 : memref<262144xf32, #tpu.memory_space<vmem_shared>>) dst(%arg11 : memref<4096xf32, #tpu.memory_space<vmem>>)
    %dma_wait3A_80 = arith.constant 0 : i32
    %dma_wait3A_81 = tpu.memref_slice %arg7[%dma_wait3A_80] : memref<262144xf32, #tpu.memory_space<vmem_shared>> -> memref<262144xf32, #tpu.memory_space<vmem_shared>>
    tpu.wait_indirect_dma semaphore(%arg21 : memref<!tpu.dma_semaphore, #tpu.memory_space<semaphore_mem>>) src(%dma_wait3A_81 : memref<262144xf32, #tpu.memory_space<vmem_shared>>) dst(%arg12 : memref<4096xf32, #tpu.memory_space<vmem>>)
    %parallel_loop3A_82 = arith.constant 0 : i32
    %parallel_loop3A_83 = arith.constant 4096 : i32
    %parallel_loop3A_84 = arith.constant 16 : i32
    scf.for %parallel_loop3A_305 = %parallel_loop3A_82 to %parallel_loop3A_83 step %parallel_loop3A_84  : i32 {
      %parallel_loop3A_306 = arith.constant 0 : i32
      %parallel_loop3A_307 = arith.addi %parallel_loop3A_306, %parallel_loop3A_305 : i32
      %parallel_loop3A_308 = arith.index_cast %parallel_loop3A_307 : i32 to index
      %parallel_loop3A_309 = tpu.vector_load %arg9[%parallel_loop3A_308] {strides = array<i32>} : memref<16384xf32, #tpu.memory_space<vmem>>, vector<16xf32>,
      %parallel_loop3A_310 = vector.shape_cast %parallel_loop3A_309 : vector<16xf32> to vector<16xf32>
      %parallel_loop3A_311 = arith.index_cast %parallel_loop3A_305 : i32 to index
      %parallel_loop3A_312 = tpu.vector_load %arg11[%parallel_loop3A_311] {strides = array<i32>} : memref<4096xf32, #tpu.memory_space<vmem>>, vector<16xf32>,
      %parallel_loop3A_313 = vector.shape_cast %parallel_loop3A_312 : vector<16xf32> to vector<16xf32>
      %parallel_loop3A_314 = arith.addf %parallel_loop3A_310, %parallel_loop3A_313 : vector<16xf32>
      %parallel_loop3A_315 = arith.index_cast %parallel_loop3A_307 : i32 to index
      %parallel_loop3A_316 = tpu.vector_load %arg9[%parallel_loop3A_315] {strides = array<i32>} : memref<16384xf32, #tpu.memory_space<vmem>>, vector<16xf32>,
      %parallel_loop3A_317 = vector.shape_cast %parallel_loop3A_316 : vector<16xf32> to vector<16xf32>
      %parallel_loop3A_318 = vector.shape_cast %parallel_loop3A_314 : vector<16xf32> to vector<16xf32>
      tpu.vector_store %arg9[%parallel_loop3A_315], %parallel_loop3A_318 {strides = array<i32>} : memref<16384xf32, #tpu.memory_space<vmem>>, vector<16xf32>,
      %parallel_loop3A_319 = arith.index_cast %parallel_loop3A_307 : i32 to index
      %parallel_loop3A_320 = tpu.vector_load %arg10[%parallel_loop3A_319] {strides = array<i32>} : memref<16384xf32, #tpu.memory_space<vmem>>, vector<16xf32>,
      %parallel_loop3A_321 = vector.shape_cast %parallel_loop3A_320 : vector<16xf32> to vector<16xf32>
      %parallel_loop3A_322 = arith.index_cast %parallel_loop3A_305 : i32 to index
      %parallel_loop3A_323 = tpu.vector_load %arg12[%parallel_loop3A_322] {strides = array<i32>} : memref<4096xf32, #tpu.memory_space<vmem>>, vector<16xf32>,
      %parallel_loop3A_324 = vector.shape_cast %parallel_loop3A_323 : vector<16xf32> to vector<16xf32>
      %parallel_loop3A_325 = arith.addf %parallel_loop3A_321, %parallel_loop3A_324 : vector<16xf32>
      %parallel_loop3A_326 = arith.index_cast %parallel_loop3A_307 : i32 to index
      %parallel_loop3A_327 = tpu.vector_load %arg10[%parallel_loop3A_326] {strides = array<i32>} : memref<16384xf32, #tpu.memory_space<vmem>>, vector<16xf32>,
      %parallel_loop3A_328 = vector.shape_cast %parallel_loop3A_327 : vector<16xf32> to vector<16xf32>
      %parallel_loop3A_329 = vector.shape_cast %parallel_loop3A_325 : vector<16xf32> to vector<16xf32>
      tpu.vector_store %arg10[%parallel_loop3A_326], %parallel_loop3A_329 {strides = array<i32>} : memref<16384xf32, #tpu.memory_space<vmem>>, vector<16xf32>,
    } {sc.loop_unroll_factor = 4 : i64, sc.parallel_access}
    %parallel_loop3A_85 = arith.constant 0 : i32
    %parallel_loop3A_86 = arith.constant 4096 : i32
    %parallel_loop3A_87 = arith.constant 16 : i32
    scf.for %parallel_loop3A_305 = %parallel_loop3A_85 to %parallel_loop3A_86 step %parallel_loop3A_87  : i32 {
      %parallel_loop3A_306 = arith.constant 8192 : i32
      %parallel_loop3A_307 = arith.addi %parallel_loop3A_306, %parallel_loop3A_305 : i32
      %parallel_loop3A_308 = arith.index_cast %parallel_loop3A_307 : i32 to index
      %parallel_loop3A_309 = tpu.vector_load %arg9[%parallel_loop3A_308] {strides = array<i32>} : memref<16384xf32, #tpu.memory_space<vmem>>, vector<16xf32>,
      %parallel_loop3A_310 = vector.shape_cast %parallel_loop3A_309 : vector<16xf32> to vector<16xf32>
      %parallel_loop3A_311 = arith.index_cast %parallel_loop3A_307 : i32 to index
      %parallel_loop3A_312 = tpu.vector_load %arg10[%parallel_loop3A_311] {strides = array<i32>} : memref<16384xf32, #tpu.memory_space<vmem>>, vector<16xf32>,
      %parallel_loop3A_313 = vector.shape_cast %parallel_loop3A_312 : vector<16xf32> to vector<16xf32>
      %parallel_loop3A_314 = arith.constant 255 : i32
      %parallel_loop3A_315 = arith.andi %parallel_loop3A_307, %parallel_loop3A_314 : i32
      %parallel_loop3A_316 = arith.sitofp %parallel_loop3A_315 : i32 to f32
      %parallel_loop3A_317 = vector.broadcast %parallel_loop3A_316 : f32 to vector<16xf32>
      %parallel_loop3A_318 = arith.addf %convert_element_type3A, %parallel_loop3A_317 : vector<16xf32>
      %parallel_loop3A_319 = arith.constant 8 : i32
      %parallel_loop3A_320 = arith.shrsi %parallel_loop3A_307, %parallel_loop3A_319 : i32
      %parallel_loop3A_321 = arith.addi %mul3A_50, %parallel_loop3A_320 : i32
      %parallel_loop3A_322 = arith.sitofp %parallel_loop3A_321 : i32 to f32
      %parallel_loop3A_323 = arith.addf %parallel_loop3A_318, %parallel_loop3A_310 : vector<16xf32>
      %parallel_loop3A_324 = arith.fptosi %parallel_loop3A_323 : vector<16xf32> to vector<16xi32>
      %parallel_loop3A_325 = vector.broadcast %parallel_loop3A_322 : f32 to vector<16xf32>
      %parallel_loop3A_326 = arith.addf %parallel_loop3A_325, %parallel_loop3A_313 : vector<16xf32>
      %parallel_loop3A_327 = arith.fptosi %parallel_loop3A_326 : vector<16xf32> to vector<16xi32>
      %parallel_loop3A_328 = arith.constant 0 : i32
      %parallel_loop3A_329 = vector.broadcast %parallel_loop3A_328 : i32 to vector<16xi32>
      %parallel_loop3A_330 = arith.maxsi %parallel_loop3A_324, %parallel_loop3A_329 : vector<16xi32>
      %parallel_loop3A_331 = arith.constant 255 : i32
      %parallel_loop3A_332 = vector.broadcast %parallel_loop3A_331 : i32 to vector<16xi32>
      %parallel_loop3A_333 = arith.minsi %parallel_loop3A_330, %parallel_loop3A_332 : vector<16xi32>
      %parallel_loop3A_334 = arith.constant 0 : i32
      %parallel_loop3A_335 = vector.broadcast %parallel_loop3A_334 : i32 to vector<16xi32>
      %parallel_loop3A_336 = arith.maxsi %parallel_loop3A_327, %parallel_loop3A_335 : vector<16xi32>
      %parallel_loop3A_337 = arith.constant 255 : i32
      %parallel_loop3A_338 = vector.broadcast %parallel_loop3A_337 : i32 to vector<16xi32>
      %parallel_loop3A_339 = arith.minsi %parallel_loop3A_336, %parallel_loop3A_338 : vector<16xi32>
      %parallel_loop3A_340 = arith.constant 8 : i32
      %parallel_loop3A_341 = vector.broadcast %parallel_loop3A_340 : i32 to vector<16xi32>
      %parallel_loop3A_342 = arith.shli %parallel_loop3A_339, %parallel_loop3A_341 : vector<16xi32>
      %parallel_loop3A_343 = vector.broadcast %mul3A_52 : i32 to vector<16xi32>
      %parallel_loop3A_344 = arith.addi %parallel_loop3A_343, %parallel_loop3A_342 : vector<16xi32>
      %parallel_loop3A_345 = arith.addi %parallel_loop3A_344, %parallel_loop3A_333 : vector<16xi32>
      %parallel_loop3A_346 = arith.index_cast %parallel_loop3A_305 : i32 to index
      %parallel_loop3A_347 = tpu.vector_load %arg17[%parallel_loop3A_346] {strides = array<i32>} : memref<4096xi32, #tpu.memory_space<vmem>>, vector<16xi32>,
      %parallel_loop3A_348 = vector.shape_cast %parallel_loop3A_347 : vector<16xi32> to vector<16xi32>
      %parallel_loop3A_349 = vector.shape_cast %parallel_loop3A_345 : vector<16xi32> to vector<16xi32>
      tpu.vector_store %arg17[%parallel_loop3A_346], %parallel_loop3A_349 {strides = array<i32>} : memref<4096xi32, #tpu.memory_space<vmem>>, vector<16xi32>,
    } {sc.loop_unroll_factor = 4 : i64, sc.parallel_access}
    %dma_start3A_88 = arith.constant 0 : i32
    %dma_start3A_89 = tpu.memref_slice %arg6[%dma_start3A_88] : memref<262144xf32, #tpu.memory_space<vmem_shared>> -> memref<262144xf32, #tpu.memory_space<vmem_shared>>
    tpu.enqueue_indirect_dma source(%dma_start3A_89 : memref<262144xf32, #tpu.memory_space<vmem_shared>>) target(%arg11 : memref<4096xf32, #tpu.memory_space<vmem>>) offsets(%arg17 : memref<4096xi32, #tpu.memory_space<vmem>>) semaphore(%arg20 : memref<!tpu.dma_semaphore, #tpu.memory_space<semaphore_mem>>)
    %dma_start3A_90 = arith.constant 0 : i32
    %dma_start3A_91 = tpu.memref_slice %arg7[%dma_start3A_90] : memref<262144xf32, #tpu.memory_space<vmem_shared>> -> memref<262144xf32, #tpu.memory_space<vmem_shared>>
    tpu.enqueue_indirect_dma source(%dma_start3A_91 : memref<262144xf32, #tpu.memory_space<vmem_shared>>) target(%arg12 : memref<4096xf32, #tpu.memory_space<vmem>>) offsets(%arg17 : memref<4096xi32, #tpu.memory_space<vmem>>) semaphore(%arg21 : memref<!tpu.dma_semaphore, #tpu.memory_space<semaphore_mem>>)
    %dma_wait3A_92 = arith.constant 0 : i32
    %dma_wait3A_93 = tpu.memref_slice %arg6[%dma_wait3A_92] : memref<262144xf32, #tpu.memory_space<vmem_shared>> -> memref<262144xf32, #tpu.memory_space<vmem_shared>>
    tpu.wait_indirect_dma semaphore(%arg22 : memref<!tpu.dma_semaphore, #tpu.memory_space<semaphore_mem>>) src(%dma_wait3A_93 : memref<262144xf32, #tpu.memory_space<vmem_shared>>) dst(%arg13 : memref<4096xf32, #tpu.memory_space<vmem>>)
    %dma_wait3A_94 = arith.constant 0 : i32
    %dma_wait3A_95 = tpu.memref_slice %arg7[%dma_wait3A_94] : memref<262144xf32, #tpu.memory_space<vmem_shared>> -> memref<262144xf32, #tpu.memory_space<vmem_shared>>
    tpu.wait_indirect_dma semaphore(%arg23 : memref<!tpu.dma_semaphore, #tpu.memory_space<semaphore_mem>>) src(%dma_wait3A_95 : memref<262144xf32, #tpu.memory_space<vmem_shared>>) dst(%arg14 : memref<4096xf32, #tpu.memory_space<vmem>>)
    %parallel_loop3A_96 = arith.constant 0 : i32
    %parallel_loop3A_97 = arith.constant 4096 : i32
    %parallel_loop3A_98 = arith.constant 16 : i32
    scf.for %parallel_loop3A_305 = %parallel_loop3A_96 to %parallel_loop3A_97 step %parallel_loop3A_98  : i32 {
      %parallel_loop3A_306 = arith.constant 4096 : i32
      %parallel_loop3A_307 = arith.addi %parallel_loop3A_306, %parallel_loop3A_305 : i32
      %parallel_loop3A_308 = arith.index_cast %parallel_loop3A_307 : i32 to index
      %parallel_loop3A_309 = tpu.vector_load %arg9[%parallel_loop3A_308] {strides = array<i32>} : memref<16384xf32, #tpu.memory_space<vmem>>, vector<16xf32>,
      %parallel_loop3A_310 = vector.shape_cast %parallel_loop3A_309 : vector<16xf32> to vector<16xf32>
      %parallel_loop3A_311 = arith.index_cast %parallel_loop3A_305 : i32 to index
      %parallel_loop3A_312 = tpu.vector_load %arg13[%parallel_loop3A_311] {strides = array<i32>} : memref<4096xf32, #tpu.memory_space<vmem>>, vector<16xf32>,
      %parallel_loop3A_313 = vector.shape_cast %parallel_loop3A_312 : vector<16xf32> to vector<16xf32>
      %parallel_loop3A_314 = arith.addf %parallel_loop3A_310, %parallel_loop3A_313 : vector<16xf32>
      %parallel_loop3A_315 = arith.index_cast %parallel_loop3A_307 : i32 to index
      %parallel_loop3A_316 = tpu.vector_load %arg9[%parallel_loop3A_315] {strides = array<i32>} : memref<16384xf32, #tpu.memory_space<vmem>>, vector<16xf32>,
      %parallel_loop3A_317 = vector.shape_cast %parallel_loop3A_316 : vector<16xf32> to vector<16xf32>
      %parallel_loop3A_318 = vector.shape_cast %parallel_loop3A_314 : vector<16xf32> to vector<16xf32>
      tpu.vector_store %arg9[%parallel_loop3A_315], %parallel_loop3A_318 {strides = array<i32>} : memref<16384xf32, #tpu.memory_space<vmem>>, vector<16xf32>,
      %parallel_loop3A_319 = arith.index_cast %parallel_loop3A_307 : i32 to index
      %parallel_loop3A_320 = tpu.vector_load %arg10[%parallel_loop3A_319] {strides = array<i32>} : memref<16384xf32, #tpu.memory_space<vmem>>, vector<16xf32>,
      %parallel_loop3A_321 = vector.shape_cast %parallel_loop3A_320 : vector<16xf32> to vector<16xf32>
      %parallel_loop3A_322 = arith.index_cast %parallel_loop3A_305 : i32 to index
      %parallel_loop3A_323 = tpu.vector_load %arg14[%parallel_loop3A_322] {strides = array<i32>} : memref<4096xf32, #tpu.memory_space<vmem>>, vector<16xf32>,
      %parallel_loop3A_324 = vector.shape_cast %parallel_loop3A_323 : vector<16xf32> to vector<16xf32>
      %parallel_loop3A_325 = arith.addf %parallel_loop3A_321, %parallel_loop3A_324 : vector<16xf32>
      %parallel_loop3A_326 = arith.index_cast %parallel_loop3A_307 : i32 to index
      %parallel_loop3A_327 = tpu.vector_load %arg10[%parallel_loop3A_326] {strides = array<i32>} : memref<16384xf32, #tpu.memory_space<vmem>>, vector<16xf32>,
      %parallel_loop3A_328 = vector.shape_cast %parallel_loop3A_327 : vector<16xf32> to vector<16xf32>
      %parallel_loop3A_329 = vector.shape_cast %parallel_loop3A_325 : vector<16xf32> to vector<16xf32>
      tpu.vector_store %arg10[%parallel_loop3A_326], %parallel_loop3A_329 {strides = array<i32>} : memref<16384xf32, #tpu.memory_space<vmem>>, vector<16xf32>,
    } {sc.loop_unroll_factor = 4 : i64, sc.parallel_access}
    %parallel_loop3A_99 = arith.constant 0 : i32
    %parallel_loop3A_100 = arith.constant 4096 : i32
    %parallel_loop3A_101 = arith.constant 16 : i32
    scf.for %parallel_loop3A_305 = %parallel_loop3A_99 to %parallel_loop3A_100 step %parallel_loop3A_101  : i32 {
      %parallel_loop3A_306 = arith.constant 12288 : i32
      %parallel_loop3A_307 = arith.addi %parallel_loop3A_306, %parallel_loop3A_305 : i32
      %parallel_loop3A_308 = arith.index_cast %parallel_loop3A_307 : i32 to index
      %parallel_loop3A_309 = tpu.vector_load %arg9[%parallel_loop3A_308] {strides = array<i32>} : memref<16384xf32, #tpu.memory_space<vmem>>, vector<16xf32>,
      %parallel_loop3A_310 = vector.shape_cast %parallel_loop3A_309 : vector<16xf32> to vector<16xf32>
      %parallel_loop3A_311 = arith.index_cast %parallel_loop3A_307 : i32 to index
      %parallel_loop3A_312 = tpu.vector_load %arg10[%parallel_loop3A_311] {strides = array<i32>} : memref<16384xf32, #tpu.memory_space<vmem>>, vector<16xf32>,
      %parallel_loop3A_313 = vector.shape_cast %parallel_loop3A_312 : vector<16xf32> to vector<16xf32>
      %parallel_loop3A_314 = arith.constant 255 : i32
      %parallel_loop3A_315 = arith.andi %parallel_loop3A_307, %parallel_loop3A_314 : i32
      %parallel_loop3A_316 = arith.sitofp %parallel_loop3A_315 : i32 to f32
      %parallel_loop3A_317 = vector.broadcast %parallel_loop3A_316 : f32 to vector<16xf32>
      %parallel_loop3A_318 = arith.addf %convert_element_type3A, %parallel_loop3A_317 : vector<16xf32>
      %parallel_loop3A_319 = arith.constant 8 : i32
      %parallel_loop3A_320 = arith.shrsi %parallel_loop3A_307, %parallel_loop3A_319 : i32
      %parallel_loop3A_321 = arith.addi %mul3A_50, %parallel_loop3A_320 : i32
      %parallel_loop3A_322 = arith.sitofp %parallel_loop3A_321 : i32 to f32
      %parallel_loop3A_323 = arith.addf %parallel_loop3A_318, %parallel_loop3A_310 : vector<16xf32>
      %parallel_loop3A_324 = arith.fptosi %parallel_loop3A_323 : vector<16xf32> to vector<16xi32>
      %parallel_loop3A_325 = vector.broadcast %parallel_loop3A_322 : f32 to vector<16xf32>
      %parallel_loop3A_326 = arith.addf %parallel_loop3A_325, %parallel_loop3A_313 : vector<16xf32>
      %parallel_loop3A_327 = arith.fptosi %parallel_loop3A_326 : vector<16xf32> to vector<16xi32>
      %parallel_loop3A_328 = arith.constant 0 : i32
      %parallel_loop3A_329 = vector.broadcast %parallel_loop3A_328 : i32 to vector<16xi32>
      %parallel_loop3A_330 = arith.maxsi %parallel_loop3A_324, %parallel_loop3A_329 : vector<16xi32>
      %parallel_loop3A_331 = arith.constant 255 : i32
      %parallel_loop3A_332 = vector.broadcast %parallel_loop3A_331 : i32 to vector<16xi32>
      %parallel_loop3A_333 = arith.minsi %parallel_loop3A_330, %parallel_loop3A_332 : vector<16xi32>
      %parallel_loop3A_334 = arith.constant 0 : i32
      %parallel_loop3A_335 = vector.broadcast %parallel_loop3A_334 : i32 to vector<16xi32>
      %parallel_loop3A_336 = arith.maxsi %parallel_loop3A_327, %parallel_loop3A_335 : vector<16xi32>
      %parallel_loop3A_337 = arith.constant 255 : i32
      %parallel_loop3A_338 = vector.broadcast %parallel_loop3A_337 : i32 to vector<16xi32>
      %parallel_loop3A_339 = arith.minsi %parallel_loop3A_336, %parallel_loop3A_338 : vector<16xi32>
      %parallel_loop3A_340 = arith.constant 8 : i32
      %parallel_loop3A_341 = vector.broadcast %parallel_loop3A_340 : i32 to vector<16xi32>
      %parallel_loop3A_342 = arith.shli %parallel_loop3A_339, %parallel_loop3A_341 : vector<16xi32>
      %parallel_loop3A_343 = vector.broadcast %mul3A_52 : i32 to vector<16xi32>
      %parallel_loop3A_344 = arith.addi %parallel_loop3A_343, %parallel_loop3A_342 : vector<16xi32>
      %parallel_loop3A_345 = arith.addi %parallel_loop3A_344, %parallel_loop3A_333 : vector<16xi32>
      %parallel_loop3A_346 = arith.index_cast %parallel_loop3A_305 : i32 to index
      %parallel_loop3A_347 = tpu.vector_load %arg18[%parallel_loop3A_346] {strides = array<i32>} : memref<4096xi32, #tpu.memory_space<vmem>>, vector<16xi32>,
      %parallel_loop3A_348 = vector.shape_cast %parallel_loop3A_347 : vector<16xi32> to vector<16xi32>
      %parallel_loop3A_349 = vector.shape_cast %parallel_loop3A_345 : vector<16xi32> to vector<16xi32>
      tpu.vector_store %arg18[%parallel_loop3A_346], %parallel_loop3A_349 {strides = array<i32>} : memref<4096xi32, #tpu.memory_space<vmem>>, vector<16xi32>,
    } {sc.loop_unroll_factor = 4 : i64, sc.parallel_access}
    %dma_start3A_102 = arith.constant 0 : i32
    %dma_start3A_103 = tpu.memref_slice %arg6[%dma_start3A_102] : memref<262144xf32, #tpu.memory_space<vmem_shared>> -> memref<262144xf32, #tpu.memory_space<vmem_shared>>
    tpu.enqueue_indirect_dma source(%dma_start3A_103 : memref<262144xf32, #tpu.memory_space<vmem_shared>>) target(%arg13 : memref<4096xf32, #tpu.memory_space<vmem>>) offsets(%arg18 : memref<4096xi32, #tpu.memory_space<vmem>>) semaphore(%arg22 : memref<!tpu.dma_semaphore, #tpu.memory_space<semaphore_mem>>)
    %dma_start3A_104 = arith.constant 0 : i32
    %dma_start3A_105 = tpu.memref_slice %arg7[%dma_start3A_104] : memref<262144xf32, #tpu.memory_space<vmem_shared>> -> memref<262144xf32, #tpu.memory_space<vmem_shared>>
    tpu.enqueue_indirect_dma source(%dma_start3A_105 : memref<262144xf32, #tpu.memory_space<vmem_shared>>) target(%arg14 : memref<4096xf32, #tpu.memory_space<vmem>>) offsets(%arg18 : memref<4096xi32, #tpu.memory_space<vmem>>) semaphore(%arg23 : memref<!tpu.dma_semaphore, #tpu.memory_space<semaphore_mem>>)
    %dma_wait3A_106 = arith.constant 0 : i32
    %dma_wait3A_107 = tpu.memref_slice %arg6[%dma_wait3A_106] : memref<262144xf32, #tpu.memory_space<vmem_shared>> -> memref<262144xf32, #tpu.memory_space<vmem_shared>>
    tpu.wait_indirect_dma semaphore(%arg20 : memref<!tpu.dma_semaphore, #tpu.memory_space<semaphore_mem>>) src(%dma_wait3A_107 : memref<262144xf32, #tpu.memory_space<vmem_shared>>) dst(%arg11 : memref<4096xf32, #tpu.memory_space<vmem>>)
    %dma_wait3A_108 = arith.constant 0 : i32
    %dma_wait3A_109 = tpu.memref_slice %arg7[%dma_wait3A_108] : memref<262144xf32, #tpu.memory_space<vmem_shared>> -> memref<262144xf32, #tpu.memory_space<vmem_shared>>
    tpu.wait_indirect_dma semaphore(%arg21 : memref<!tpu.dma_semaphore, #tpu.memory_space<semaphore_mem>>) src(%dma_wait3A_109 : memref<262144xf32, #tpu.memory_space<vmem_shared>>) dst(%arg12 : memref<4096xf32, #tpu.memory_space<vmem>>)
    %parallel_loop3A_110 = arith.constant 0 : i32
    %parallel_loop3A_111 = arith.constant 4096 : i32
    %parallel_loop3A_112 = arith.constant 16 : i32
    scf.for %parallel_loop3A_305 = %parallel_loop3A_110 to %parallel_loop3A_111 step %parallel_loop3A_112  : i32 {
      %parallel_loop3A_306 = arith.constant 8192 : i32
      %parallel_loop3A_307 = arith.addi %parallel_loop3A_306, %parallel_loop3A_305 : i32
      %parallel_loop3A_308 = arith.index_cast %parallel_loop3A_307 : i32 to index
      %parallel_loop3A_309 = tpu.vector_load %arg9[%parallel_loop3A_308] {strides = array<i32>} : memref<16384xf32, #tpu.memory_space<vmem>>, vector<16xf32>,
      %parallel_loop3A_310 = vector.shape_cast %parallel_loop3A_309 : vector<16xf32> to vector<16xf32>
      %parallel_loop3A_311 = arith.index_cast %parallel_loop3A_305 : i32 to index
      %parallel_loop3A_312 = tpu.vector_load %arg11[%parallel_loop3A_311] {strides = array<i32>} : memref<4096xf32, #tpu.memory_space<vmem>>, vector<16xf32>,
      %parallel_loop3A_313 = vector.shape_cast %parallel_loop3A_312 : vector<16xf32> to vector<16xf32>
      %parallel_loop3A_314 = arith.addf %parallel_loop3A_310, %parallel_loop3A_313 : vector<16xf32>
      %parallel_loop3A_315 = arith.index_cast %parallel_loop3A_307 : i32 to index
      %parallel_loop3A_316 = tpu.vector_load %arg9[%parallel_loop3A_315] {strides = array<i32>} : memref<16384xf32, #tpu.memory_space<vmem>>, vector<16xf32>,
      %parallel_loop3A_317 = vector.shape_cast %parallel_loop3A_316 : vector<16xf32> to vector<16xf32>
      %parallel_loop3A_318 = vector.shape_cast %parallel_loop3A_314 : vector<16xf32> to vector<16xf32>
      tpu.vector_store %arg9[%parallel_loop3A_315], %parallel_loop3A_318 {strides = array<i32>} : memref<16384xf32, #tpu.memory_space<vmem>>, vector<16xf32>,
      %parallel_loop3A_319 = arith.index_cast %parallel_loop3A_307 : i32 to index
      %parallel_loop3A_320 = tpu.vector_load %arg10[%parallel_loop3A_319] {strides = array<i32>} : memref<16384xf32, #tpu.memory_space<vmem>>, vector<16xf32>,
      %parallel_loop3A_321 = vector.shape_cast %parallel_loop3A_320 : vector<16xf32> to vector<16xf32>
      %parallel_loop3A_322 = arith.index_cast %parallel_loop3A_305 : i32 to index
      %parallel_loop3A_323 = tpu.vector_load %arg12[%parallel_loop3A_322] {strides = array<i32>} : memref<4096xf32, #tpu.memory_space<vmem>>, vector<16xf32>,
      %parallel_loop3A_324 = vector.shape_cast %parallel_loop3A_323 : vector<16xf32> to vector<16xf32>
      %parallel_loop3A_325 = arith.addf %parallel_loop3A_321, %parallel_loop3A_324 : vector<16xf32>
      %parallel_loop3A_326 = arith.index_cast %parallel_loop3A_307 : i32 to index
      %parallel_loop3A_327 = tpu.vector_load %arg10[%parallel_loop3A_326] {strides = array<i32>} : memref<16384xf32, #tpu.memory_space<vmem>>, vector<16xf32>,
      %parallel_loop3A_328 = vector.shape_cast %parallel_loop3A_327 : vector<16xf32> to vector<16xf32>
      %parallel_loop3A_329 = vector.shape_cast %parallel_loop3A_325 : vector<16xf32> to vector<16xf32>
      tpu.vector_store %arg10[%parallel_loop3A_326], %parallel_loop3A_329 {strides = array<i32>} : memref<16384xf32, #tpu.memory_space<vmem>>, vector<16xf32>,
    } {sc.loop_unroll_factor = 4 : i64, sc.parallel_access}
    %dma_wait3A_113 = arith.constant 0 : i32
    %dma_wait3A_114 = tpu.memref_slice %arg6[%dma_wait3A_113] : memref<262144xf32, #tpu.memory_space<vmem_shared>> -> memref<262144xf32, #tpu.memory_space<vmem_shared>>
    tpu.wait_indirect_dma semaphore(%arg22 : memref<!tpu.dma_semaphore, #tpu.memory_space<semaphore_mem>>) src(%dma_wait3A_114 : memref<262144xf32, #tpu.memory_space<vmem_shared>>) dst(%arg13 : memref<4096xf32, #tpu.memory_space<vmem>>)
    %dma_wait3A_115 = arith.constant 0 : i32
    %dma_wait3A_116 = tpu.memref_slice %arg7[%dma_wait3A_115] : memref<262144xf32, #tpu.memory_space<vmem_shared>> -> memref<262144xf32, #tpu.memory_space<vmem_shared>>
    tpu.wait_indirect_dma semaphore(%arg23 : memref<!tpu.dma_semaphore, #tpu.memory_space<semaphore_mem>>) src(%dma_wait3A_116 : memref<262144xf32, #tpu.memory_space<vmem_shared>>) dst(%arg14 : memref<4096xf32, #tpu.memory_space<vmem>>)
    %parallel_loop3A_117 = arith.constant 0 : i32
    %parallel_loop3A_118 = arith.constant 4096 : i32
    %parallel_loop3A_119 = arith.constant 16 : i32
    scf.for %parallel_loop3A_305 = %parallel_loop3A_117 to %parallel_loop3A_118 step %parallel_loop3A_119  : i32 {
      %parallel_loop3A_306 = arith.constant 12288 : i32
      %parallel_loop3A_307 = arith.addi %parallel_loop3A_306, %parallel_loop3A_305 : i32
      %parallel_loop3A_308 = arith.index_cast %parallel_loop3A_307 : i32 to index
      %parallel_loop3A_309 = tpu.vector_load %arg9[%parallel_loop3A_308] {strides = array<i32>} : memref<16384xf32, #tpu.memory_space<vmem>>, vector<16xf32>,
      %parallel_loop3A_310 = vector.shape_cast %parallel_loop3A_309 : vector<16xf32> to vector<16xf32>
      %parallel_loop3A_311 = arith.index_cast %parallel_loop3A_305 : i32 to index
      %parallel_loop3A_312 = tpu.vector_load %arg13[%parallel_loop3A_311] {strides = array<i32>} : memref<4096xf32, #tpu.memory_space<vmem>>, vector<16xf32>,
      %parallel_loop3A_313 = vector.shape_cast %parallel_loop3A_312 : vector<16xf32> to vector<16xf32>
      %parallel_loop3A_314 = arith.addf %parallel_loop3A_310, %parallel_loop3A_313 : vector<16xf32>
      %parallel_loop3A_315 = arith.index_cast %parallel_loop3A_307 : i32 to index
      %parallel_loop3A_316 = tpu.vector_load %arg9[%parallel_loop3A_315] {strides = array<i32>} : memref<16384xf32, #tpu.memory_space<vmem>>, vector<16xf32>,
      %parallel_loop3A_317 = vector.shape_cast %parallel_loop3A_316 : vector<16xf32> to vector<16xf32>
      %parallel_loop3A_318 = vector.shape_cast %parallel_loop3A_314 : vector<16xf32> to vector<16xf32>
      tpu.vector_store %arg9[%parallel_loop3A_315], %parallel_loop3A_318 {strides = array<i32>} : memref<16384xf32, #tpu.memory_space<vmem>>, vector<16xf32>,
      %parallel_loop3A_319 = arith.index_cast %parallel_loop3A_307 : i32 to index
      %parallel_loop3A_320 = tpu.vector_load %arg10[%parallel_loop3A_319] {strides = array<i32>} : memref<16384xf32, #tpu.memory_space<vmem>>, vector<16xf32>,
      %parallel_loop3A_321 = vector.shape_cast %parallel_loop3A_320 : vector<16xf32> to vector<16xf32>
      %parallel_loop3A_322 = arith.index_cast %parallel_loop3A_305 : i32 to index
      %parallel_loop3A_323 = tpu.vector_load %arg14[%parallel_loop3A_322] {strides = array<i32>} : memref<4096xf32, #tpu.memory_space<vmem>>, vector<16xf32>,
      %parallel_loop3A_324 = vector.shape_cast %parallel_loop3A_323 : vector<16xf32> to vector<16xf32>
      %parallel_loop3A_325 = arith.addf %parallel_loop3A_321, %parallel_loop3A_324 : vector<16xf32>
      %parallel_loop3A_326 = arith.index_cast %parallel_loop3A_307 : i32 to index
      %parallel_loop3A_327 = tpu.vector_load %arg10[%parallel_loop3A_326] {strides = array<i32>} : memref<16384xf32, #tpu.memory_space<vmem>>, vector<16xf32>,
      %parallel_loop3A_328 = vector.shape_cast %parallel_loop3A_327 : vector<16xf32> to vector<16xf32>
      %parallel_loop3A_329 = vector.shape_cast %parallel_loop3A_325 : vector<16xf32> to vector<16xf32>
      tpu.vector_store %arg10[%parallel_loop3A_326], %parallel_loop3A_329 {strides = array<i32>} : memref<16384xf32, #tpu.memory_space<vmem>>, vector<16xf32>,
    } {sc.loop_unroll_factor = 4 : i64, sc.parallel_access}
    %barrier3A_120 = arith.constant 0 : index
    tpu.barrier barrier_id(%barrier3A_120)
    "tpu.region"() ({
      %run_scoped3A_305 = tpu.sem_alloc : memref<!tpu.dma_semaphore, #tpu.memory_space<semaphore_mem>>
      %dma_start3A_306 = tpu.memref_slice %arg6[%mul3A_54] : memref<262144xf32, #tpu.memory_space<vmem_shared>> -> memref<16384xf32, #tpu.memory_space<vmem_shared>>
      %dma_start3A_307 = tpu.memref_slice %arg6[%mul3A_54] : memref<262144xf32, #tpu.memory_space<vmem_shared>> -> memref<16384xf32, #tpu.memory_space<vmem_shared>>
      tpu.enqueue_dma source(%arg9 : memref<16384xf32, #tpu.memory_space<vmem>>) target(%dma_start3A_307 : memref<16384xf32, #tpu.memory_space<vmem_shared>>) target_semaphore(%run_scoped3A_305 : memref<!tpu.dma_semaphore, #tpu.memory_space<semaphore_mem>>)
      %dma_wait3A_308 = tpu.memref_slice %arg6[%mul3A_54] : memref<262144xf32, #tpu.memory_space<vmem_shared>> -> memref<16384xf32, #tpu.memory_space<vmem_shared>>
      %dma_wait3A_309 = tpu.memref_slice %arg6[%mul3A_54] : memref<262144xf32, #tpu.memory_space<vmem_shared>> -> memref<16384xf32, #tpu.memory_space<vmem_shared>>
      tpu.wait_dma2 semaphore(%run_scoped3A_305 : memref<!tpu.dma_semaphore, #tpu.memory_space<semaphore_mem>>) src(%arg9 : memref<16384xf32, #tpu.memory_space<vmem>>) dst(%dma_wait3A_309 : memref<16384xf32, #tpu.memory_space<vmem_shared>>)
      tpu.yield
    }) : () -> ()
    "tpu.region"() ({
      %run_scoped3A_305 = tpu.sem_alloc : memref<!tpu.dma_semaphore, #tpu.memory_space<semaphore_mem>>
      %dma_start3A_306 = tpu.memref_slice %arg7[%mul3A_54] : memref<262144xf32, #tpu.memory_space<vmem_shared>> -> memref<16384xf32, #tpu.memory_space<vmem_shared>>
      %dma_start3A_307 = tpu.memref_slice %arg7[%mul3A_54] : memref<262144xf32, #tpu.memory_space<vmem_shared>> -> memref<16384xf32, #tpu.memory_space<vmem_shared>>
      tpu.enqueue_dma source(%arg10 : memref<16384xf32, #tpu.memory_space<vmem>>) target(%dma_start3A_307 : memref<16384xf32, #tpu.memory_space<vmem_shared>>) target_semaphore(%run_scoped3A_305 : memref<!tpu.dma_semaphore, #tpu.memory_space<semaphore_mem>>)
      %dma_wait3A_308 = tpu.memref_slice %arg7[%mul3A_54] : memref<262144xf32, #tpu.memory_space<vmem_shared>> -> memref<16384xf32, #tpu.memory_space<vmem_shared>>
      %dma_wait3A_309 = tpu.memref_slice %arg7[%mul3A_54] : memref<262144xf32, #tpu.memory_space<vmem_shared>> -> memref<16384xf32, #tpu.memory_space<vmem_shared>>
      tpu.wait_dma2 semaphore(%run_scoped3A_305 : memref<!tpu.dma_semaphore, #tpu.memory_space<semaphore_mem>>) src(%arg10 : memref<16384xf32, #tpu.memory_space<vmem>>) dst(%dma_wait3A_309 : memref<16384xf32, #tpu.memory_space<vmem_shared>>)
      tpu.yield
    }) : () -> ()
    %barrier3A_121 = arith.constant 0 : index
    tpu.barrier barrier_id(%barrier3A_121)
    %parallel_loop3A_122 = arith.constant 0 : i32
    %parallel_loop3A_123 = arith.constant 4096 : i32
    %parallel_loop3A_124 = arith.constant 16 : i32
    scf.for %parallel_loop3A_305 = %parallel_loop3A_122 to %parallel_loop3A_123 step %parallel_loop3A_124  : i32 {
      %parallel_loop3A_306 = arith.constant 0 : i32
      %parallel_loop3A_307 = arith.addi %parallel_loop3A_306, %parallel_loop3A_305 : i32
      %parallel_loop3A_308 = arith.index_cast %parallel_loop3A_307 : i32 to index
      %parallel_loop3A_309 = tpu.vector_load %arg9[%parallel_loop3A_308] {strides = array<i32>} : memref<16384xf32, #tpu.memory_space<vmem>>, vector<16xf32>,
      %parallel_loop3A_310 = vector.shape_cast %parallel_loop3A_309 : vector<16xf32> to vector<16xf32>
      %parallel_loop3A_311 = arith.index_cast %parallel_loop3A_307 : i32 to index
      %parallel_loop3A_312 = tpu.vector_load %arg10[%parallel_loop3A_311] {strides = array<i32>} : memref<16384xf32, #tpu.memory_space<vmem>>, vector<16xf32>,
      %parallel_loop3A_313 = vector.shape_cast %parallel_loop3A_312 : vector<16xf32> to vector<16xf32>
      %parallel_loop3A_314 = arith.constant 255 : i32
      %parallel_loop3A_315 = arith.andi %parallel_loop3A_307, %parallel_loop3A_314 : i32
      %parallel_loop3A_316 = arith.sitofp %parallel_loop3A_315 : i32 to f32
      %parallel_loop3A_317 = vector.broadcast %parallel_loop3A_316 : f32 to vector<16xf32>
      %parallel_loop3A_318 = arith.addf %convert_element_type3A, %parallel_loop3A_317 : vector<16xf32>
      %parallel_loop3A_319 = arith.constant 8 : i32
      %parallel_loop3A_320 = arith.shrsi %parallel_loop3A_307, %parallel_loop3A_319 : i32
      %parallel_loop3A_321 = arith.addi %mul3A_50, %parallel_loop3A_320 : i32
      %parallel_loop3A_322 = arith.sitofp %parallel_loop3A_321 : i32 to f32
      %parallel_loop3A_323 = arith.addf %parallel_loop3A_318, %parallel_loop3A_310 : vector<16xf32>
      %parallel_loop3A_324 = arith.fptosi %parallel_loop3A_323 : vector<16xf32> to vector<16xi32>
      %parallel_loop3A_325 = vector.broadcast %parallel_loop3A_322 : f32 to vector<16xf32>
      %parallel_loop3A_326 = arith.addf %parallel_loop3A_325, %parallel_loop3A_313 : vector<16xf32>
      %parallel_loop3A_327 = arith.fptosi %parallel_loop3A_326 : vector<16xf32> to vector<16xi32>
      %parallel_loop3A_328 = arith.constant 0 : i32
      %parallel_loop3A_329 = vector.broadcast %parallel_loop3A_328 : i32 to vector<16xi32>
      %parallel_loop3A_330 = arith.maxsi %parallel_loop3A_324, %parallel_loop3A_329 : vector<16xi32>
      %parallel_loop3A_331 = arith.constant 255 : i32
      %parallel_loop3A_332 = vector.broadcast %parallel_loop3A_331 : i32 to vector<16xi32>
      %parallel_loop3A_333 = arith.minsi %parallel_loop3A_330, %parallel_loop3A_332 : vector<16xi32>
      %parallel_loop3A_334 = arith.constant 0 : i32
      %parallel_loop3A_335 = vector.broadcast %parallel_loop3A_334 : i32 to vector<16xi32>
      %parallel_loop3A_336 = arith.maxsi %parallel_loop3A_327, %parallel_loop3A_335 : vector<16xi32>
      %parallel_loop3A_337 = arith.constant 255 : i32
      %parallel_loop3A_338 = vector.broadcast %parallel_loop3A_337 : i32 to vector<16xi32>
      %parallel_loop3A_339 = arith.minsi %parallel_loop3A_336, %parallel_loop3A_338 : vector<16xi32>
      %parallel_loop3A_340 = arith.constant 8 : i32
      %parallel_loop3A_341 = vector.broadcast %parallel_loop3A_340 : i32 to vector<16xi32>
      %parallel_loop3A_342 = arith.shli %parallel_loop3A_339, %parallel_loop3A_341 : vector<16xi32>
      %parallel_loop3A_343 = vector.broadcast %mul3A_52 : i32 to vector<16xi32>
      %parallel_loop3A_344 = arith.addi %parallel_loop3A_343, %parallel_loop3A_342 : vector<16xi32>
      %parallel_loop3A_345 = arith.addi %parallel_loop3A_344, %parallel_loop3A_333 : vector<16xi32>
      %parallel_loop3A_346 = arith.index_cast %parallel_loop3A_305 : i32 to index
      %parallel_loop3A_347 = tpu.vector_load %arg15[%parallel_loop3A_346] {strides = array<i32>} : memref<4096xi32, #tpu.memory_space<vmem>>, vector<16xi32>,
      %parallel_loop3A_348 = vector.shape_cast %parallel_loop3A_347 : vector<16xi32> to vector<16xi32>
      %parallel_loop3A_349 = vector.shape_cast %parallel_loop3A_345 : vector<16xi32> to vector<16xi32>
      tpu.vector_store %arg15[%parallel_loop3A_346], %parallel_loop3A_349 {strides = array<i32>} : memref<4096xi32, #tpu.memory_space<vmem>>, vector<16xi32>,
    } {sc.loop_unroll_factor = 4 : i64, sc.parallel_access}
    %dma_start3A_125 = arith.constant 0 : i32
    %dma_start3A_126 = tpu.memref_slice %arg6[%dma_start3A_125] : memref<262144xf32, #tpu.memory_space<vmem_shared>> -> memref<262144xf32, #tpu.memory_space<vmem_shared>>
    tpu.enqueue_indirect_dma source(%dma_start3A_126 : memref<262144xf32, #tpu.memory_space<vmem_shared>>) target(%arg11 : memref<4096xf32, #tpu.memory_space<vmem>>) offsets(%arg15 : memref<4096xi32, #tpu.memory_space<vmem>>) semaphore(%arg20 : memref<!tpu.dma_semaphore, #tpu.memory_space<semaphore_mem>>)
    %dma_start3A_127 = arith.constant 0 : i32
    %dma_start3A_128 = tpu.memref_slice %arg7[%dma_start3A_127] : memref<262144xf32, #tpu.memory_space<vmem_shared>> -> memref<262144xf32, #tpu.memory_space<vmem_shared>>
    tpu.enqueue_indirect_dma source(%dma_start3A_128 : memref<262144xf32, #tpu.memory_space<vmem_shared>>) target(%arg12 : memref<4096xf32, #tpu.memory_space<vmem>>) offsets(%arg15 : memref<4096xi32, #tpu.memory_space<vmem>>) semaphore(%arg21 : memref<!tpu.dma_semaphore, #tpu.memory_space<semaphore_mem>>)
    %parallel_loop3A_129 = arith.constant 0 : i32
    %parallel_loop3A_130 = arith.constant 4096 : i32
    %parallel_loop3A_131 = arith.constant 16 : i32
    scf.for %parallel_loop3A_305 = %parallel_loop3A_129 to %parallel_loop3A_130 step %parallel_loop3A_131  : i32 {
      %parallel_loop3A_306 = arith.constant 4096 : i32
      %parallel_loop3A_307 = arith.addi %parallel_loop3A_306, %parallel_loop3A_305 : i32
      %parallel_loop3A_308 = arith.index_cast %parallel_loop3A_307 : i32 to index
      %parallel_loop3A_309 = tpu.vector_load %arg9[%parallel_loop3A_308] {strides = array<i32>} : memref<16384xf32, #tpu.memory_space<vmem>>, vector<16xf32>,
      %parallel_loop3A_310 = vector.shape_cast %parallel_loop3A_309 : vector<16xf32> to vector<16xf32>
      %parallel_loop3A_311 = arith.index_cast %parallel_loop3A_307 : i32 to index
      %parallel_loop3A_312 = tpu.vector_load %arg10[%parallel_loop3A_311] {strides = array<i32>} : memref<16384xf32, #tpu.memory_space<vmem>>, vector<16xf32>,
      %parallel_loop3A_313 = vector.shape_cast %parallel_loop3A_312 : vector<16xf32> to vector<16xf32>
      %parallel_loop3A_314 = arith.constant 255 : i32
      %parallel_loop3A_315 = arith.andi %parallel_loop3A_307, %parallel_loop3A_314 : i32
      %parallel_loop3A_316 = arith.sitofp %parallel_loop3A_315 : i32 to f32
      %parallel_loop3A_317 = vector.broadcast %parallel_loop3A_316 : f32 to vector<16xf32>
      %parallel_loop3A_318 = arith.addf %convert_element_type3A, %parallel_loop3A_317 : vector<16xf32>
      %parallel_loop3A_319 = arith.constant 8 : i32
      %parallel_loop3A_320 = arith.shrsi %parallel_loop3A_307, %parallel_loop3A_319 : i32
      %parallel_loop3A_321 = arith.addi %mul3A_50, %parallel_loop3A_320 : i32
      %parallel_loop3A_322 = arith.sitofp %parallel_loop3A_321 : i32 to f32
      %parallel_loop3A_323 = arith.addf %parallel_loop3A_318, %parallel_loop3A_310 : vector<16xf32>
      %parallel_loop3A_324 = arith.fptosi %parallel_loop3A_323 : vector<16xf32> to vector<16xi32>
      %parallel_loop3A_325 = vector.broadcast %parallel_loop3A_322 : f32 to vector<16xf32>
      %parallel_loop3A_326 = arith.addf %parallel_loop3A_325, %parallel_loop3A_313 : vector<16xf32>
      %parallel_loop3A_327 = arith.fptosi %parallel_loop3A_326 : vector<16xf32> to vector<16xi32>
      %parallel_loop3A_328 = arith.constant 0 : i32
      %parallel_loop3A_329 = vector.broadcast %parallel_loop3A_328 : i32 to vector<16xi32>
      %parallel_loop3A_330 = arith.maxsi %parallel_loop3A_324, %parallel_loop3A_329 : vector<16xi32>
      %parallel_loop3A_331 = arith.constant 255 : i32
      %parallel_loop3A_332 = vector.broadcast %parallel_loop3A_331 : i32 to vector<16xi32>
      %parallel_loop3A_333 = arith.minsi %parallel_loop3A_330, %parallel_loop3A_332 : vector<16xi32>
      %parallel_loop3A_334 = arith.constant 0 : i32
      %parallel_loop3A_335 = vector.broadcast %parallel_loop3A_334 : i32 to vector<16xi32>
      %parallel_loop3A_336 = arith.maxsi %parallel_loop3A_327, %parallel_loop3A_335 : vector<16xi32>
      %parallel_loop3A_337 = arith.constant 255 : i32
      %parallel_loop3A_338 = vector.broadcast %parallel_loop3A_337 : i32 to vector<16xi32>
      %parallel_loop3A_339 = arith.minsi %parallel_loop3A_336, %parallel_loop3A_338 : vector<16xi32>
      %parallel_loop3A_340 = arith.constant 8 : i32
      %parallel_loop3A_341 = vector.broadcast %parallel_loop3A_340 : i32 to vector<16xi32>
      %parallel_loop3A_342 = arith.shli %parallel_loop3A_339, %parallel_loop3A_341 : vector<16xi32>
      %parallel_loop3A_343 = vector.broadcast %mul3A_52 : i32 to vector<16xi32>
      %parallel_loop3A_344 = arith.addi %parallel_loop3A_343, %parallel_loop3A_342 : vector<16xi32>
      %parallel_loop3A_345 = arith.addi %parallel_loop3A_344, %parallel_loop3A_333 : vector<16xi32>
      %parallel_loop3A_346 = arith.index_cast %parallel_loop3A_305 : i32 to index
      %parallel_loop3A_347 = tpu.vector_load %arg16[%parallel_loop3A_346] {strides = array<i32>} : memref<4096xi32, #tpu.memory_space<vmem>>, vector<16xi32>,
      %parallel_loop3A_348 = vector.shape_cast %parallel_loop3A_347 : vector<16xi32> to vector<16xi32>
      %parallel_loop3A_349 = vector.shape_cast %parallel_loop3A_345 : vector<16xi32> to vector<16xi32>
      tpu.vector_store %arg16[%parallel_loop3A_346], %parallel_loop3A_349 {strides = array<i32>} : memref<4096xi32, #tpu.memory_space<vmem>>, vector<16xi32>,
    } {sc.loop_unroll_factor = 4 : i64, sc.parallel_access}
    %dma_start3A_132 = arith.constant 0 : i32
    %dma_start3A_133 = tpu.memref_slice %arg6[%dma_start3A_132] : memref<262144xf32, #tpu.memory_space<vmem_shared>> -> memref<262144xf32, #tpu.memory_space<vmem_shared>>
    tpu.enqueue_indirect_dma source(%dma_start3A_133 : memref<262144xf32, #tpu.memory_space<vmem_shared>>) target(%arg13 : memref<4096xf32, #tpu.memory_space<vmem>>) offsets(%arg16 : memref<4096xi32, #tpu.memory_space<vmem>>) semaphore(%arg22 : memref<!tpu.dma_semaphore, #tpu.memory_space<semaphore_mem>>)
    %dma_start3A_134 = arith.constant 0 : i32
    %dma_start3A_135 = tpu.memref_slice %arg7[%dma_start3A_134] : memref<262144xf32, #tpu.memory_space<vmem_shared>> -> memref<262144xf32, #tpu.memory_space<vmem_shared>>
    tpu.enqueue_indirect_dma source(%dma_start3A_135 : memref<262144xf32, #tpu.memory_space<vmem_shared>>) target(%arg14 : memref<4096xf32, #tpu.memory_space<vmem>>) offsets(%arg16 : memref<4096xi32, #tpu.memory_space<vmem>>) semaphore(%arg23 : memref<!tpu.dma_semaphore, #tpu.memory_space<semaphore_mem>>)
    %dma_wait3A_136 = arith.constant 0 : i32
    %dma_wait3A_137 = tpu.memref_slice %arg6[%dma_wait3A_136] : memref<262144xf32, #tpu.memory_space<vmem_shared>> -> memref<262144xf32, #tpu.memory_space<vmem_shared>>
    tpu.wait_indirect_dma semaphore(%arg20 : memref<!tpu.dma_semaphore, #tpu.memory_space<semaphore_mem>>) src(%dma_wait3A_137 : memref<262144xf32, #tpu.memory_space<vmem_shared>>) dst(%arg11 : memref<4096xf32, #tpu.memory_space<vmem>>)
    %dma_wait3A_138 = arith.constant 0 : i32
    %dma_wait3A_139 = tpu.memref_slice %arg7[%dma_wait3A_138] : memref<262144xf32, #tpu.memory_space<vmem_shared>> -> memref<262144xf32, #tpu.memory_space<vmem_shared>>
    tpu.wait_indirect_dma semaphore(%arg21 : memref<!tpu.dma_semaphore, #tpu.memory_space<semaphore_mem>>) src(%dma_wait3A_139 : memref<262144xf32, #tpu.memory_space<vmem_shared>>) dst(%arg12 : memref<4096xf32, #tpu.memory_space<vmem>>)
    %parallel_loop3A_140 = arith.constant 0 : i32
    %parallel_loop3A_141 = arith.constant 4096 : i32
    %parallel_loop3A_142 = arith.constant 16 : i32
    scf.for %parallel_loop3A_305 = %parallel_loop3A_140 to %parallel_loop3A_141 step %parallel_loop3A_142  : i32 {
      %parallel_loop3A_306 = arith.constant 0 : i32
      %parallel_loop3A_307 = arith.addi %parallel_loop3A_306, %parallel_loop3A_305 : i32
      %parallel_loop3A_308 = arith.index_cast %parallel_loop3A_307 : i32 to index
      %parallel_loop3A_309 = tpu.vector_load %arg9[%parallel_loop3A_308] {strides = array<i32>} : memref<16384xf32, #tpu.memory_space<vmem>>, vector<16xf32>,
      %parallel_loop3A_310 = vector.shape_cast %parallel_loop3A_309 : vector<16xf32> to vector<16xf32>
      %parallel_loop3A_311 = arith.index_cast %parallel_loop3A_305 : i32 to index
      %parallel_loop3A_312 = tpu.vector_load %arg11[%parallel_loop3A_311] {strides = array<i32>} : memref<4096xf32, #tpu.memory_space<vmem>>, vector<16xf32>,
      %parallel_loop3A_313 = vector.shape_cast %parallel_loop3A_312 : vector<16xf32> to vector<16xf32>
      %parallel_loop3A_314 = arith.addf %parallel_loop3A_310, %parallel_loop3A_313 : vector<16xf32>
      %parallel_loop3A_315 = arith.index_cast %parallel_loop3A_307 : i32 to index
      %parallel_loop3A_316 = tpu.vector_load %arg9[%parallel_loop3A_315] {strides = array<i32>} : memref<16384xf32, #tpu.memory_space<vmem>>, vector<16xf32>,
      %parallel_loop3A_317 = vector.shape_cast %parallel_loop3A_316 : vector<16xf32> to vector<16xf32>
      %parallel_loop3A_318 = vector.shape_cast %parallel_loop3A_314 : vector<16xf32> to vector<16xf32>
      tpu.vector_store %arg9[%parallel_loop3A_315], %parallel_loop3A_318 {strides = array<i32>} : memref<16384xf32, #tpu.memory_space<vmem>>, vector<16xf32>,
      %parallel_loop3A_319 = arith.index_cast %parallel_loop3A_307 : i32 to index
      %parallel_loop3A_320 = tpu.vector_load %arg10[%parallel_loop3A_319] {strides = array<i32>} : memref<16384xf32, #tpu.memory_space<vmem>>, vector<16xf32>,
      %parallel_loop3A_321 = vector.shape_cast %parallel_loop3A_320 : vector<16xf32> to vector<16xf32>
      %parallel_loop3A_322 = arith.index_cast %parallel_loop3A_305 : i32 to index
      %parallel_loop3A_323 = tpu.vector_load %arg12[%parallel_loop3A_322] {strides = array<i32>} : memref<4096xf32, #tpu.memory_space<vmem>>, vector<16xf32>,
      %parallel_loop3A_324 = vector.shape_cast %parallel_loop3A_323 : vector<16xf32> to vector<16xf32>
      %parallel_loop3A_325 = arith.addf %parallel_loop3A_321, %parallel_loop3A_324 : vector<16xf32>
      %parallel_loop3A_326 = arith.index_cast %parallel_loop3A_307 : i32 to index
      %parallel_loop3A_327 = tpu.vector_load %arg10[%parallel_loop3A_326] {strides = array<i32>} : memref<16384xf32, #tpu.memory_space<vmem>>, vector<16xf32>,
      %parallel_loop3A_328 = vector.shape_cast %parallel_loop3A_327 : vector<16xf32> to vector<16xf32>
      %parallel_loop3A_329 = vector.shape_cast %parallel_loop3A_325 : vector<16xf32> to vector<16xf32>
      tpu.vector_store %arg10[%parallel_loop3A_326], %parallel_loop3A_329 {strides = array<i32>} : memref<16384xf32, #tpu.memory_space<vmem>>, vector<16xf32>,
    } {sc.loop_unroll_factor = 4 : i64, sc.parallel_access}
    %parallel_loop3A_143 = arith.constant 0 : i32
    %parallel_loop3A_144 = arith.constant 4096 : i32
    %parallel_loop3A_145 = arith.constant 16 : i32
    scf.for %parallel_loop3A_305 = %parallel_loop3A_143 to %parallel_loop3A_144 step %parallel_loop3A_145  : i32 {
      %parallel_loop3A_306 = arith.constant 8192 : i32
      %parallel_loop3A_307 = arith.addi %parallel_loop3A_306, %parallel_loop3A_305 : i32
      %parallel_loop3A_308 = arith.index_cast %parallel_loop3A_307 : i32 to index
      %parallel_loop3A_309 = tpu.vector_load %arg9[%parallel_loop3A_308] {strides = array<i32>} : memref<16384xf32, #tpu.memory_space<vmem>>, vector<16xf32>,
      %parallel_loop3A_310 = vector.shape_cast %parallel_loop3A_309 : vector<16xf32> to vector<16xf32>
      %parallel_loop3A_311 = arith.index_cast %parallel_loop3A_307 : i32 to index
      %parallel_loop3A_312 = tpu.vector_load %arg10[%parallel_loop3A_311] {strides = array<i32>} : memref<16384xf32, #tpu.memory_space<vmem>>, vector<16xf32>,
      %parallel_loop3A_313 = vector.shape_cast %parallel_loop3A_312 : vector<16xf32> to vector<16xf32>
      %parallel_loop3A_314 = arith.constant 255 : i32
      %parallel_loop3A_315 = arith.andi %parallel_loop3A_307, %parallel_loop3A_314 : i32
      %parallel_loop3A_316 = arith.sitofp %parallel_loop3A_315 : i32 to f32
      %parallel_loop3A_317 = vector.broadcast %parallel_loop3A_316 : f32 to vector<16xf32>
      %parallel_loop3A_318 = arith.addf %convert_element_type3A, %parallel_loop3A_317 : vector<16xf32>
      %parallel_loop3A_319 = arith.constant 8 : i32
      %parallel_loop3A_320 = arith.shrsi %parallel_loop3A_307, %parallel_loop3A_319 : i32
      %parallel_loop3A_321 = arith.addi %mul3A_50, %parallel_loop3A_320 : i32
      %parallel_loop3A_322 = arith.sitofp %parallel_loop3A_321 : i32 to f32
      %parallel_loop3A_323 = arith.addf %parallel_loop3A_318, %parallel_loop3A_310 : vector<16xf32>
      %parallel_loop3A_324 = arith.fptosi %parallel_loop3A_323 : vector<16xf32> to vector<16xi32>
      %parallel_loop3A_325 = vector.broadcast %parallel_loop3A_322 : f32 to vector<16xf32>
      %parallel_loop3A_326 = arith.addf %parallel_loop3A_325, %parallel_loop3A_313 : vector<16xf32>
      %parallel_loop3A_327 = arith.fptosi %parallel_loop3A_326 : vector<16xf32> to vector<16xi32>
      %parallel_loop3A_328 = arith.constant 0 : i32
      %parallel_loop3A_329 = vector.broadcast %parallel_loop3A_328 : i32 to vector<16xi32>
      %parallel_loop3A_330 = arith.maxsi %parallel_loop3A_324, %parallel_loop3A_329 : vector<16xi32>
      %parallel_loop3A_331 = arith.constant 255 : i32
      %parallel_loop3A_332 = vector.broadcast %parallel_loop3A_331 : i32 to vector<16xi32>
      %parallel_loop3A_333 = arith.minsi %parallel_loop3A_330, %parallel_loop3A_332 : vector<16xi32>
      %parallel_loop3A_334 = arith.constant 0 : i32
      %parallel_loop3A_335 = vector.broadcast %parallel_loop3A_334 : i32 to vector<16xi32>
      %parallel_loop3A_336 = arith.maxsi %parallel_loop3A_327, %parallel_loop3A_335 : vector<16xi32>
      %parallel_loop3A_337 = arith.constant 255 : i32
      %parallel_loop3A_338 = vector.broadcast %parallel_loop3A_337 : i32 to vector<16xi32>
      %parallel_loop3A_339 = arith.minsi %parallel_loop3A_336, %parallel_loop3A_338 : vector<16xi32>
      %parallel_loop3A_340 = arith.constant 8 : i32
      %parallel_loop3A_341 = vector.broadcast %parallel_loop3A_340 : i32 to vector<16xi32>
      %parallel_loop3A_342 = arith.shli %parallel_loop3A_339, %parallel_loop3A_341 : vector<16xi32>
      %parallel_loop3A_343 = vector.broadcast %mul3A_52 : i32 to vector<16xi32>
      %parallel_loop3A_344 = arith.addi %parallel_loop3A_343, %parallel_loop3A_342 : vector<16xi32>
      %parallel_loop3A_345 = arith.addi %parallel_loop3A_344, %parallel_loop3A_333 : vector<16xi32>
      %parallel_loop3A_346 = arith.index_cast %parallel_loop3A_305 : i32 to index
      %parallel_loop3A_347 = tpu.vector_load %arg17[%parallel_loop3A_346] {strides = array<i32>} : memref<4096xi32, #tpu.memory_space<vmem>>, vector<16xi32>,
      %parallel_loop3A_348 = vector.shape_cast %parallel_loop3A_347 : vector<16xi32> to vector<16xi32>
      %parallel_loop3A_349 = vector.shape_cast %parallel_loop3A_345 : vector<16xi32> to vector<16xi32>
      tpu.vector_store %arg17[%parallel_loop3A_346], %parallel_loop3A_349 {strides = array<i32>} : memref<4096xi32, #tpu.memory_space<vmem>>, vector<16xi32>,
    } {sc.loop_unroll_factor = 4 : i64, sc.parallel_access}
    %dma_start3A_146 = arith.constant 0 : i32
    %dma_start3A_147 = tpu.memref_slice %arg6[%dma_start3A_146] : memref<262144xf32, #tpu.memory_space<vmem_shared>> -> memref<262144xf32, #tpu.memory_space<vmem_shared>>
    tpu.enqueue_indirect_dma source(%dma_start3A_147 : memref<262144xf32, #tpu.memory_space<vmem_shared>>) target(%arg11 : memref<4096xf32, #tpu.memory_space<vmem>>) offsets(%arg17 : memref<4096xi32, #tpu.memory_space<vmem>>) semaphore(%arg20 : memref<!tpu.dma_semaphore, #tpu.memory_space<semaphore_mem>>)
    %dma_start3A_148 = arith.constant 0 : i32
    %dma_start3A_149 = tpu.memref_slice %arg7[%dma_start3A_148] : memref<262144xf32, #tpu.memory_space<vmem_shared>> -> memref<262144xf32, #tpu.memory_space<vmem_shared>>
    tpu.enqueue_indirect_dma source(%dma_start3A_149 : memref<262144xf32, #tpu.memory_space<vmem_shared>>) target(%arg12 : memref<4096xf32, #tpu.memory_space<vmem>>) offsets(%arg17 : memref<4096xi32, #tpu.memory_space<vmem>>) semaphore(%arg21 : memref<!tpu.dma_semaphore, #tpu.memory_space<semaphore_mem>>)
    %dma_wait3A_150 = arith.constant 0 : i32
    %dma_wait3A_151 = tpu.memref_slice %arg6[%dma_wait3A_150] : memref<262144xf32, #tpu.memory_space<vmem_shared>> -> memref<262144xf32, #tpu.memory_space<vmem_shared>>
    tpu.wait_indirect_dma semaphore(%arg22 : memref<!tpu.dma_semaphore, #tpu.memory_space<semaphore_mem>>) src(%dma_wait3A_151 : memref<262144xf32, #tpu.memory_space<vmem_shared>>) dst(%arg13 : memref<4096xf32, #tpu.memory_space<vmem>>)
    %dma_wait3A_152 = arith.constant 0 : i32
    %dma_wait3A_153 = tpu.memref_slice %arg7[%dma_wait3A_152] : memref<262144xf32, #tpu.memory_space<vmem_shared>> -> memref<262144xf32, #tpu.memory_space<vmem_shared>>
    tpu.wait_indirect_dma semaphore(%arg23 : memref<!tpu.dma_semaphore, #tpu.memory_space<semaphore_mem>>) src(%dma_wait3A_153 : memref<262144xf32, #tpu.memory_space<vmem_shared>>) dst(%arg14 : memref<4096xf32, #tpu.memory_space<vmem>>)
    %parallel_loop3A_154 = arith.constant 0 : i32
    %parallel_loop3A_155 = arith.constant 4096 : i32
    %parallel_loop3A_156 = arith.constant 16 : i32
    scf.for %parallel_loop3A_305 = %parallel_loop3A_154 to %parallel_loop3A_155 step %parallel_loop3A_156  : i32 {
      %parallel_loop3A_306 = arith.constant 4096 : i32
      %parallel_loop3A_307 = arith.addi %parallel_loop3A_306, %parallel_loop3A_305 : i32
      %parallel_loop3A_308 = arith.index_cast %parallel_loop3A_307 : i32 to index
      %parallel_loop3A_309 = tpu.vector_load %arg9[%parallel_loop3A_308] {strides = array<i32>} : memref<16384xf32, #tpu.memory_space<vmem>>, vector<16xf32>,
      %parallel_loop3A_310 = vector.shape_cast %parallel_loop3A_309 : vector<16xf32> to vector<16xf32>
      %parallel_loop3A_311 = arith.index_cast %parallel_loop3A_305 : i32 to index
      %parallel_loop3A_312 = tpu.vector_load %arg13[%parallel_loop3A_311] {strides = array<i32>} : memref<4096xf32, #tpu.memory_space<vmem>>, vector<16xf32>,
      %parallel_loop3A_313 = vector.shape_cast %parallel_loop3A_312 : vector<16xf32> to vector<16xf32>
      %parallel_loop3A_314 = arith.addf %parallel_loop3A_310, %parallel_loop3A_313 : vector<16xf32>
      %parallel_loop3A_315 = arith.index_cast %parallel_loop3A_307 : i32 to index
      %parallel_loop3A_316 = tpu.vector_load %arg9[%parallel_loop3A_315] {strides = array<i32>} : memref<16384xf32, #tpu.memory_space<vmem>>, vector<16xf32>,
      %parallel_loop3A_317 = vector.shape_cast %parallel_loop3A_316 : vector<16xf32> to vector<16xf32>
      %parallel_loop3A_318 = vector.shape_cast %parallel_loop3A_314 : vector<16xf32> to vector<16xf32>
      tpu.vector_store %arg9[%parallel_loop3A_315], %parallel_loop3A_318 {strides = array<i32>} : memref<16384xf32, #tpu.memory_space<vmem>>, vector<16xf32>,
      %parallel_loop3A_319 = arith.index_cast %parallel_loop3A_307 : i32 to index
      %parallel_loop3A_320 = tpu.vector_load %arg10[%parallel_loop3A_319] {strides = array<i32>} : memref<16384xf32, #tpu.memory_space<vmem>>, vector<16xf32>,
      %parallel_loop3A_321 = vector.shape_cast %parallel_loop3A_320 : vector<16xf32> to vector<16xf32>
      %parallel_loop3A_322 = arith.index_cast %parallel_loop3A_305 : i32 to index
      %parallel_loop3A_323 = tpu.vector_load %arg14[%parallel_loop3A_322] {strides = array<i32>} : memref<4096xf32, #tpu.memory_space<vmem>>, vector<16xf32>,
      %parallel_loop3A_324 = vector.shape_cast %parallel_loop3A_323 : vector<16xf32> to vector<16xf32>
      %parallel_loop3A_325 = arith.addf %parallel_loop3A_321, %parallel_loop3A_324 : vector<16xf32>
      %parallel_loop3A_326 = arith.index_cast %parallel_loop3A_307 : i32 to index
      %parallel_loop3A_327 = tpu.vector_load %arg10[%parallel_loop3A_326] {strides = array<i32>} : memref<16384xf32, #tpu.memory_space<vmem>>, vector<16xf32>,
      %parallel_loop3A_328 = vector.shape_cast %parallel_loop3A_327 : vector<16xf32> to vector<16xf32>
      %parallel_loop3A_329 = vector.shape_cast %parallel_loop3A_325 : vector<16xf32> to vector<16xf32>
      tpu.vector_store %arg10[%parallel_loop3A_326], %parallel_loop3A_329 {strides = array<i32>} : memref<16384xf32, #tpu.memory_space<vmem>>, vector<16xf32>,
    } {sc.loop_unroll_factor = 4 : i64, sc.parallel_access}
    %parallel_loop3A_157 = arith.constant 0 : i32
    %parallel_loop3A_158 = arith.constant 4096 : i32
    %parallel_loop3A_159 = arith.constant 16 : i32
    scf.for %parallel_loop3A_305 = %parallel_loop3A_157 to %parallel_loop3A_158 step %parallel_loop3A_159  : i32 {
      %parallel_loop3A_306 = arith.constant 12288 : i32
      %parallel_loop3A_307 = arith.addi %parallel_loop3A_306, %parallel_loop3A_305 : i32
      %parallel_loop3A_308 = arith.index_cast %parallel_loop3A_307 : i32 to index
      %parallel_loop3A_309 = tpu.vector_load %arg9[%parallel_loop3A_308] {strides = array<i32>} : memref<16384xf32, #tpu.memory_space<vmem>>, vector<16xf32>,
      %parallel_loop3A_310 = vector.shape_cast %parallel_loop3A_309 : vector<16xf32> to vector<16xf32>
      %parallel_loop3A_311 = arith.index_cast %parallel_loop3A_307 : i32 to index
      %parallel_loop3A_312 = tpu.vector_load %arg10[%parallel_loop3A_311] {strides = array<i32>} : memref<16384xf32, #tpu.memory_space<vmem>>, vector<16xf32>,
      %parallel_loop3A_313 = vector.shape_cast %parallel_loop3A_312 : vector<16xf32> to vector<16xf32>
      %parallel_loop3A_314 = arith.constant 255 : i32
      %parallel_loop3A_315 = arith.andi %parallel_loop3A_307, %parallel_loop3A_314 : i32
      %parallel_loop3A_316 = arith.sitofp %parallel_loop3A_315 : i32 to f32
      %parallel_loop3A_317 = vector.broadcast %parallel_loop3A_316 : f32 to vector<16xf32>
      %parallel_loop3A_318 = arith.addf %convert_element_type3A, %parallel_loop3A_317 : vector<16xf32>
      %parallel_loop3A_319 = arith.constant 8 : i32
      %parallel_loop3A_320 = arith.shrsi %parallel_loop3A_307, %parallel_loop3A_319 : i32
      %parallel_loop3A_321 = arith.addi %mul3A_50, %parallel_loop3A_320 : i32
      %parallel_loop3A_322 = arith.sitofp %parallel_loop3A_321 : i32 to f32
      %parallel_loop3A_323 = arith.addf %parallel_loop3A_318, %parallel_loop3A_310 : vector<16xf32>
      %parallel_loop3A_324 = arith.fptosi %parallel_loop3A_323 : vector<16xf32> to vector<16xi32>
      %parallel_loop3A_325 = vector.broadcast %parallel_loop3A_322 : f32 to vector<16xf32>
      %parallel_loop3A_326 = arith.addf %parallel_loop3A_325, %parallel_loop3A_313 : vector<16xf32>
      %parallel_loop3A_327 = arith.fptosi %parallel_loop3A_326 : vector<16xf32> to vector<16xi32>
      %parallel_loop3A_328 = arith.constant 0 : i32
      %parallel_loop3A_329 = vector.broadcast %parallel_loop3A_328 : i32 to vector<16xi32>
      %parallel_loop3A_330 = arith.maxsi %parallel_loop3A_324, %parallel_loop3A_329 : vector<16xi32>
      %parallel_loop3A_331 = arith.constant 255 : i32
      %parallel_loop3A_332 = vector.broadcast %parallel_loop3A_331 : i32 to vector<16xi32>
      %parallel_loop3A_333 = arith.minsi %parallel_loop3A_330, %parallel_loop3A_332 : vector<16xi32>
      %parallel_loop3A_334 = arith.constant 0 : i32
      %parallel_loop3A_335 = vector.broadcast %parallel_loop3A_334 : i32 to vector<16xi32>
      %parallel_loop3A_336 = arith.maxsi %parallel_loop3A_327, %parallel_loop3A_335 : vector<16xi32>
      %parallel_loop3A_337 = arith.constant 255 : i32
      %parallel_loop3A_338 = vector.broadcast %parallel_loop3A_337 : i32 to vector<16xi32>
      %parallel_loop3A_339 = arith.minsi %parallel_loop3A_336, %parallel_loop3A_338 : vector<16xi32>
      %parallel_loop3A_340 = arith.constant 8 : i32
      %parallel_loop3A_341 = vector.broadcast %parallel_loop3A_340 : i32 to vector<16xi32>
      %parallel_loop3A_342 = arith.shli %parallel_loop3A_339, %parallel_loop3A_341 : vector<16xi32>
      %parallel_loop3A_343 = vector.broadcast %mul3A_52 : i32 to vector<16xi32>
      %parallel_loop3A_344 = arith.addi %parallel_loop3A_343, %parallel_loop3A_342 : vector<16xi32>
      %parallel_loop3A_345 = arith.addi %parallel_loop3A_344, %parallel_loop3A_333 : vector<16xi32>
      %parallel_loop3A_346 = arith.index_cast %parallel_loop3A_305 : i32 to index
      %parallel_loop3A_347 = tpu.vector_load %arg18[%parallel_loop3A_346] {strides = array<i32>} : memref<4096xi32, #tpu.memory_space<vmem>>, vector<16xi32>,
      %parallel_loop3A_348 = vector.shape_cast %parallel_loop3A_347 : vector<16xi32> to vector<16xi32>
      %parallel_loop3A_349 = vector.shape_cast %parallel_loop3A_345 : vector<16xi32> to vector<16xi32>
      tpu.vector_store %arg18[%parallel_loop3A_346], %parallel_loop3A_349 {strides = array<i32>} : memref<4096xi32, #tpu.memory_space<vmem>>, vector<16xi32>,
    } {sc.loop_unroll_factor = 4 : i64, sc.parallel_access}
    %dma_start3A_160 = arith.constant 0 : i32
    %dma_start3A_161 = tpu.memref_slice %arg6[%dma_start3A_160] : memref<262144xf32, #tpu.memory_space<vmem_shared>> -> memref<262144xf32, #tpu.memory_space<vmem_shared>>
    tpu.enqueue_indirect_dma source(%dma_start3A_161 : memref<262144xf32, #tpu.memory_space<vmem_shared>>) target(%arg13 : memref<4096xf32, #tpu.memory_space<vmem>>) offsets(%arg18 : memref<4096xi32, #tpu.memory_space<vmem>>) semaphore(%arg22 : memref<!tpu.dma_semaphore, #tpu.memory_space<semaphore_mem>>)
    %dma_start3A_162 = arith.constant 0 : i32
    %dma_start3A_163 = tpu.memref_slice %arg7[%dma_start3A_162] : memref<262144xf32, #tpu.memory_space<vmem_shared>> -> memref<262144xf32, #tpu.memory_space<vmem_shared>>
    tpu.enqueue_indirect_dma source(%dma_start3A_163 : memref<262144xf32, #tpu.memory_space<vmem_shared>>) target(%arg14 : memref<4096xf32, #tpu.memory_space<vmem>>) offsets(%arg18 : memref<4096xi32, #tpu.memory_space<vmem>>) semaphore(%arg23 : memref<!tpu.dma_semaphore, #tpu.memory_space<semaphore_mem>>)
    %dma_wait3A_164 = arith.constant 0 : i32
    %dma_wait3A_165 = tpu.memref_slice %arg6[%dma_wait3A_164] : memref<262144xf32, #tpu.memory_space<vmem_shared>> -> memref<262144xf32, #tpu.memory_space<vmem_shared>>
    tpu.wait_indirect_dma semaphore(%arg20 : memref<!tpu.dma_semaphore, #tpu.memory_space<semaphore_mem>>) src(%dma_wait3A_165 : memref<262144xf32, #tpu.memory_space<vmem_shared>>) dst(%arg11 : memref<4096xf32, #tpu.memory_space<vmem>>)
    %dma_wait3A_166 = arith.constant 0 : i32
    %dma_wait3A_167 = tpu.memref_slice %arg7[%dma_wait3A_166] : memref<262144xf32, #tpu.memory_space<vmem_shared>> -> memref<262144xf32, #tpu.memory_space<vmem_shared>>
    tpu.wait_indirect_dma semaphore(%arg21 : memref<!tpu.dma_semaphore, #tpu.memory_space<semaphore_mem>>) src(%dma_wait3A_167 : memref<262144xf32, #tpu.memory_space<vmem_shared>>) dst(%arg12 : memref<4096xf32, #tpu.memory_space<vmem>>)
    %parallel_loop3A_168 = arith.constant 0 : i32
    %parallel_loop3A_169 = arith.constant 4096 : i32
    %parallel_loop3A_170 = arith.constant 16 : i32
    scf.for %parallel_loop3A_305 = %parallel_loop3A_168 to %parallel_loop3A_169 step %parallel_loop3A_170  : i32 {
      %parallel_loop3A_306 = arith.constant 8192 : i32
      %parallel_loop3A_307 = arith.addi %parallel_loop3A_306, %parallel_loop3A_305 : i32
      %parallel_loop3A_308 = arith.index_cast %parallel_loop3A_307 : i32 to index
      %parallel_loop3A_309 = tpu.vector_load %arg9[%parallel_loop3A_308] {strides = array<i32>} : memref<16384xf32, #tpu.memory_space<vmem>>, vector<16xf32>,
      %parallel_loop3A_310 = vector.shape_cast %parallel_loop3A_309 : vector<16xf32> to vector<16xf32>
      %parallel_loop3A_311 = arith.index_cast %parallel_loop3A_305 : i32 to index
      %parallel_loop3A_312 = tpu.vector_load %arg11[%parallel_loop3A_311] {strides = array<i32>} : memref<4096xf32, #tpu.memory_space<vmem>>, vector<16xf32>,
      %parallel_loop3A_313 = vector.shape_cast %parallel_loop3A_312 : vector<16xf32> to vector<16xf32>
      %parallel_loop3A_314 = arith.addf %parallel_loop3A_310, %parallel_loop3A_313 : vector<16xf32>
      %parallel_loop3A_315 = arith.index_cast %parallel_loop3A_307 : i32 to index
      %parallel_loop3A_316 = tpu.vector_load %arg9[%parallel_loop3A_315] {strides = array<i32>} : memref<16384xf32, #tpu.memory_space<vmem>>, vector<16xf32>,
      %parallel_loop3A_317 = vector.shape_cast %parallel_loop3A_316 : vector<16xf32> to vector<16xf32>
      %parallel_loop3A_318 = vector.shape_cast %parallel_loop3A_314 : vector<16xf32> to vector<16xf32>
      tpu.vector_store %arg9[%parallel_loop3A_315], %parallel_loop3A_318 {strides = array<i32>} : memref<16384xf32, #tpu.memory_space<vmem>>, vector<16xf32>,
      %parallel_loop3A_319 = arith.index_cast %parallel_loop3A_307 : i32 to index
      %parallel_loop3A_320 = tpu.vector_load %arg10[%parallel_loop3A_319] {strides = array<i32>} : memref<16384xf32, #tpu.memory_space<vmem>>, vector<16xf32>,
      %parallel_loop3A_321 = vector.shape_cast %parallel_loop3A_320 : vector<16xf32> to vector<16xf32>
      %parallel_loop3A_322 = arith.index_cast %parallel_loop3A_305 : i32 to index
      %parallel_loop3A_323 = tpu.vector_load %arg12[%parallel_loop3A_322] {strides = array<i32>} : memref<4096xf32, #tpu.memory_space<vmem>>, vector<16xf32>,
      %parallel_loop3A_324 = vector.shape_cast %parallel_loop3A_323 : vector<16xf32> to vector<16xf32>
      %parallel_loop3A_325 = arith.addf %parallel_loop3A_321, %parallel_loop3A_324 : vector<16xf32>
      %parallel_loop3A_326 = arith.index_cast %parallel_loop3A_307 : i32 to index
      %parallel_loop3A_327 = tpu.vector_load %arg10[%parallel_loop3A_326] {strides = array<i32>} : memref<16384xf32, #tpu.memory_space<vmem>>, vector<16xf32>,
      %parallel_loop3A_328 = vector.shape_cast %parallel_loop3A_327 : vector<16xf32> to vector<16xf32>
      %parallel_loop3A_329 = vector.shape_cast %parallel_loop3A_325 : vector<16xf32> to vector<16xf32>
      tpu.vector_store %arg10[%parallel_loop3A_326], %parallel_loop3A_329 {strides = array<i32>} : memref<16384xf32, #tpu.memory_space<vmem>>, vector<16xf32>,
    } {sc.loop_unroll_factor = 4 : i64, sc.parallel_access}
    %dma_wait3A_171 = arith.constant 0 : i32
    %dma_wait3A_172 = tpu.memref_slice %arg6[%dma_wait3A_171] : memref<262144xf32, #tpu.memory_space<vmem_shared>> -> memref<262144xf32, #tpu.memory_space<vmem_shared>>
    tpu.wait_indirect_dma semaphore(%arg22 : memref<!tpu.dma_semaphore, #tpu.memory_space<semaphore_mem>>) src(%dma_wait3A_172 : memref<262144xf32, #tpu.memory_space<vmem_shared>>) dst(%arg13 : memref<4096xf32, #tpu.memory_space<vmem>>)
    %dma_wait3A_173 = arith.constant 0 : i32
    %dma_wait3A_174 = tpu.memref_slice %arg7[%dma_wait3A_173] : memref<262144xf32, #tpu.memory_space<vmem_shared>> -> memref<262144xf32, #tpu.memory_space<vmem_shared>>
    tpu.wait_indirect_dma semaphore(%arg23 : memref<!tpu.dma_semaphore, #tpu.memory_space<semaphore_mem>>) src(%dma_wait3A_174 : memref<262144xf32, #tpu.memory_space<vmem_shared>>) dst(%arg14 : memref<4096xf32, #tpu.memory_space<vmem>>)
    %parallel_loop3A_175 = arith.constant 0 : i32
    %parallel_loop3A_176 = arith.constant 4096 : i32
    %parallel_loop3A_177 = arith.constant 16 : i32
    scf.for %parallel_loop3A_305 = %parallel_loop3A_175 to %parallel_loop3A_176 step %parallel_loop3A_177  : i32 {
      %parallel_loop3A_306 = arith.constant 12288 : i32
      %parallel_loop3A_307 = arith.addi %parallel_loop3A_306, %parallel_loop3A_305 : i32
      %parallel_loop3A_308 = arith.index_cast %parallel_loop3A_307 : i32 to index
      %parallel_loop3A_309 = tpu.vector_load %arg9[%parallel_loop3A_308] {strides = array<i32>} : memref<16384xf32, #tpu.memory_space<vmem>>, vector<16xf32>,
      %parallel_loop3A_310 = vector.shape_cast %parallel_loop3A_309 : vector<16xf32> to vector<16xf32>
      %parallel_loop3A_311 = arith.index_cast %parallel_loop3A_305 : i32 to index
      %parallel_loop3A_312 = tpu.vector_load %arg13[%parallel_loop3A_311] {strides = array<i32>} : memref<4096xf32, #tpu.memory_space<vmem>>, vector<16xf32>,
      %parallel_loop3A_313 = vector.shape_cast %parallel_loop3A_312 : vector<16xf32> to vector<16xf32>
      %parallel_loop3A_314 = arith.addf %parallel_loop3A_310, %parallel_loop3A_313 : vector<16xf32>
      %parallel_loop3A_315 = arith.index_cast %parallel_loop3A_307 : i32 to index
      %parallel_loop3A_316 = tpu.vector_load %arg9[%parallel_loop3A_315] {strides = array<i32>} : memref<16384xf32, #tpu.memory_space<vmem>>, vector<16xf32>,
      %parallel_loop3A_317 = vector.shape_cast %parallel_loop3A_316 : vector<16xf32> to vector<16xf32>
      %parallel_loop3A_318 = vector.shape_cast %parallel_loop3A_314 : vector<16xf32> to vector<16xf32>
      tpu.vector_store %arg9[%parallel_loop3A_315], %parallel_loop3A_318 {strides = array<i32>} : memref<16384xf32, #tpu.memory_space<vmem>>, vector<16xf32>,
      %parallel_loop3A_319 = arith.index_cast %parallel_loop3A_307 : i32 to index
      %parallel_loop3A_320 = tpu.vector_load %arg10[%parallel_loop3A_319] {strides = array<i32>} : memref<16384xf32, #tpu.memory_space<vmem>>, vector<16xf32>,
      %parallel_loop3A_321 = vector.shape_cast %parallel_loop3A_320 : vector<16xf32> to vector<16xf32>
      %parallel_loop3A_322 = arith.index_cast %parallel_loop3A_305 : i32 to index
      %parallel_loop3A_323 = tpu.vector_load %arg14[%parallel_loop3A_322] {strides = array<i32>} : memref<4096xf32, #tpu.memory_space<vmem>>, vector<16xf32>,
      %parallel_loop3A_324 = vector.shape_cast %parallel_loop3A_323 : vector<16xf32> to vector<16xf32>
      %parallel_loop3A_325 = arith.addf %parallel_loop3A_321, %parallel_loop3A_324 : vector<16xf32>
      %parallel_loop3A_326 = arith.index_cast %parallel_loop3A_307 : i32 to index
      %parallel_loop3A_327 = tpu.vector_load %arg10[%parallel_loop3A_326] {strides = array<i32>} : memref<16384xf32, #tpu.memory_space<vmem>>, vector<16xf32>,
      %parallel_loop3A_328 = vector.shape_cast %parallel_loop3A_327 : vector<16xf32> to vector<16xf32>
      %parallel_loop3A_329 = vector.shape_cast %parallel_loop3A_325 : vector<16xf32> to vector<16xf32>
      tpu.vector_store %arg10[%parallel_loop3A_326], %parallel_loop3A_329 {strides = array<i32>} : memref<16384xf32, #tpu.memory_space<vmem>>, vector<16xf32>,
    } {sc.loop_unroll_factor = 4 : i64, sc.parallel_access}
    %barrier3A_178 = arith.constant 0 : index
    tpu.barrier barrier_id(%barrier3A_178)
    "tpu.region"() ({
      %run_scoped3A_305 = tpu.sem_alloc : memref<!tpu.dma_semaphore, #tpu.memory_space<semaphore_mem>>
      %dma_start3A_306 = tpu.memref_slice %arg6[%mul3A_54] : memref<262144xf32, #tpu.memory_space<vmem_shared>> -> memref<16384xf32, #tpu.memory_space<vmem_shared>>
      %dma_start3A_307 = tpu.memref_slice %arg6[%mul3A_54] : memref<262144xf32, #tpu.memory_space<vmem_shared>> -> memref<16384xf32, #tpu.memory_space<vmem_shared>>
      tpu.enqueue_dma source(%arg9 : memref<16384xf32, #tpu.memory_space<vmem>>) target(%dma_start3A_307 : memref<16384xf32, #tpu.memory_space<vmem_shared>>) target_semaphore(%run_scoped3A_305 : memref<!tpu.dma_semaphore, #tpu.memory_space<semaphore_mem>>)
      %dma_wait3A_308 = tpu.memref_slice %arg6[%mul3A_54] : memref<262144xf32, #tpu.memory_space<vmem_shared>> -> memref<16384xf32, #tpu.memory_space<vmem_shared>>
      %dma_wait3A_309 = tpu.memref_slice %arg6[%mul3A_54] : memref<262144xf32, #tpu.memory_space<vmem_shared>> -> memref<16384xf32, #tpu.memory_space<vmem_shared>>
      tpu.wait_dma2 semaphore(%run_scoped3A_305 : memref<!tpu.dma_semaphore, #tpu.memory_space<semaphore_mem>>) src(%arg9 : memref<16384xf32, #tpu.memory_space<vmem>>) dst(%dma_wait3A_309 : memref<16384xf32, #tpu.memory_space<vmem_shared>>)
      tpu.yield
    }) : () -> ()
    "tpu.region"() ({
      %run_scoped3A_305 = tpu.sem_alloc : memref<!tpu.dma_semaphore, #tpu.memory_space<semaphore_mem>>
      %dma_start3A_306 = tpu.memref_slice %arg7[%mul3A_54] : memref<262144xf32, #tpu.memory_space<vmem_shared>> -> memref<16384xf32, #tpu.memory_space<vmem_shared>>
      %dma_start3A_307 = tpu.memref_slice %arg7[%mul3A_54] : memref<262144xf32, #tpu.memory_space<vmem_shared>> -> memref<16384xf32, #tpu.memory_space<vmem_shared>>
      tpu.enqueue_dma source(%arg10 : memref<16384xf32, #tpu.memory_space<vmem>>) target(%dma_start3A_307 : memref<16384xf32, #tpu.memory_space<vmem_shared>>) target_semaphore(%run_scoped3A_305 : memref<!tpu.dma_semaphore, #tpu.memory_space<semaphore_mem>>)
      %dma_wait3A_308 = tpu.memref_slice %arg7[%mul3A_54] : memref<262144xf32, #tpu.memory_space<vmem_shared>> -> memref<16384xf32, #tpu.memory_space<vmem_shared>>
      %dma_wait3A_309 = tpu.memref_slice %arg7[%mul3A_54] : memref<262144xf32, #tpu.memory_space<vmem_shared>> -> memref<16384xf32, #tpu.memory_space<vmem_shared>>
      tpu.wait_dma2 semaphore(%run_scoped3A_305 : memref<!tpu.dma_semaphore, #tpu.memory_space<semaphore_mem>>) src(%arg10 : memref<16384xf32, #tpu.memory_space<vmem>>) dst(%dma_wait3A_309 : memref<16384xf32, #tpu.memory_space<vmem_shared>>)
      tpu.yield
    }) : () -> ()
    %barrier3A_179 = arith.constant 0 : index
    tpu.barrier barrier_id(%barrier3A_179)
    %parallel_loop3A_180 = arith.constant 0 : i32
    %parallel_loop3A_181 = arith.constant 4096 : i32
    %parallel_loop3A_182 = arith.constant 16 : i32
    scf.for %parallel_loop3A_305 = %parallel_loop3A_180 to %parallel_loop3A_181 step %parallel_loop3A_182  : i32 {
      %parallel_loop3A_306 = arith.constant 0 : i32
      %parallel_loop3A_307 = arith.addi %parallel_loop3A_306, %parallel_loop3A_305 : i32
      %parallel_loop3A_308 = arith.index_cast %parallel_loop3A_307 : i32 to index
      %parallel_loop3A_309 = tpu.vector_load %arg9[%parallel_loop3A_308] {strides = array<i32>} : memref<16384xf32, #tpu.memory_space<vmem>>, vector<16xf32>,
      %parallel_loop3A_310 = vector.shape_cast %parallel_loop3A_309 : vector<16xf32> to vector<16xf32>
      %parallel_loop3A_311 = arith.index_cast %parallel_loop3A_307 : i32 to index
      %parallel_loop3A_312 = tpu.vector_load %arg10[%parallel_loop3A_311] {strides = array<i32>} : memref<16384xf32, #tpu.memory_space<vmem>>, vector<16xf32>,
      %parallel_loop3A_313 = vector.shape_cast %parallel_loop3A_312 : vector<16xf32> to vector<16xf32>
      %parallel_loop3A_314 = arith.constant 255 : i32
      %parallel_loop3A_315 = arith.andi %parallel_loop3A_307, %parallel_loop3A_314 : i32
      %parallel_loop3A_316 = arith.sitofp %parallel_loop3A_315 : i32 to f32
      %parallel_loop3A_317 = vector.broadcast %parallel_loop3A_316 : f32 to vector<16xf32>
      %parallel_loop3A_318 = arith.addf %convert_element_type3A, %parallel_loop3A_317 : vector<16xf32>
      %parallel_loop3A_319 = arith.constant 8 : i32
      %parallel_loop3A_320 = arith.shrsi %parallel_loop3A_307, %parallel_loop3A_319 : i32
      %parallel_loop3A_321 = arith.addi %mul3A_50, %parallel_loop3A_320 : i32
      %parallel_loop3A_322 = arith.sitofp %parallel_loop3A_321 : i32 to f32
      %parallel_loop3A_323 = arith.addf %parallel_loop3A_318, %parallel_loop3A_310 : vector<16xf32>
      %parallel_loop3A_324 = arith.fptosi %parallel_loop3A_323 : vector<16xf32> to vector<16xi32>
      %parallel_loop3A_325 = vector.broadcast %parallel_loop3A_322 : f32 to vector<16xf32>
      %parallel_loop3A_326 = arith.addf %parallel_loop3A_325, %parallel_loop3A_313 : vector<16xf32>
      %parallel_loop3A_327 = arith.fptosi %parallel_loop3A_326 : vector<16xf32> to vector<16xi32>
      %parallel_loop3A_328 = arith.constant 0 : i32
      %parallel_loop3A_329 = vector.broadcast %parallel_loop3A_328 : i32 to vector<16xi32>
      %parallel_loop3A_330 = arith.maxsi %parallel_loop3A_324, %parallel_loop3A_329 : vector<16xi32>
      %parallel_loop3A_331 = arith.constant 255 : i32
      %parallel_loop3A_332 = vector.broadcast %parallel_loop3A_331 : i32 to vector<16xi32>
      %parallel_loop3A_333 = arith.minsi %parallel_loop3A_330, %parallel_loop3A_332 : vector<16xi32>
      %parallel_loop3A_334 = arith.constant 0 : i32
      %parallel_loop3A_335 = vector.broadcast %parallel_loop3A_334 : i32 to vector<16xi32>
      %parallel_loop3A_336 = arith.maxsi %parallel_loop3A_327, %parallel_loop3A_335 : vector<16xi32>
      %parallel_loop3A_337 = arith.constant 255 : i32
      %parallel_loop3A_338 = vector.broadcast %parallel_loop3A_337 : i32 to vector<16xi32>
      %parallel_loop3A_339 = arith.minsi %parallel_loop3A_336, %parallel_loop3A_338 : vector<16xi32>
      %parallel_loop3A_340 = arith.constant 8 : i32
      %parallel_loop3A_341 = vector.broadcast %parallel_loop3A_340 : i32 to vector<16xi32>
      %parallel_loop3A_342 = arith.shli %parallel_loop3A_339, %parallel_loop3A_341 : vector<16xi32>
      %parallel_loop3A_343 = vector.broadcast %mul3A_52 : i32 to vector<16xi32>
      %parallel_loop3A_344 = arith.addi %parallel_loop3A_343, %parallel_loop3A_342 : vector<16xi32>
      %parallel_loop3A_345 = arith.addi %parallel_loop3A_344, %parallel_loop3A_333 : vector<16xi32>
      %parallel_loop3A_346 = arith.index_cast %parallel_loop3A_305 : i32 to index
      %parallel_loop3A_347 = tpu.vector_load %arg15[%parallel_loop3A_346] {strides = array<i32>} : memref<4096xi32, #tpu.memory_space<vmem>>, vector<16xi32>,
      %parallel_loop3A_348 = vector.shape_cast %parallel_loop3A_347 : vector<16xi32> to vector<16xi32>
      %parallel_loop3A_349 = vector.shape_cast %parallel_loop3A_345 : vector<16xi32> to vector<16xi32>
      tpu.vector_store %arg15[%parallel_loop3A_346], %parallel_loop3A_349 {strides = array<i32>} : memref<4096xi32, #tpu.memory_space<vmem>>, vector<16xi32>,
    } {sc.loop_unroll_factor = 4 : i64, sc.parallel_access}
    %dma_start3A_183 = arith.constant 0 : i32
    %dma_start3A_184 = tpu.memref_slice %arg6[%dma_start3A_183] : memref<262144xf32, #tpu.memory_space<vmem_shared>> -> memref<262144xf32, #tpu.memory_space<vmem_shared>>
    tpu.enqueue_indirect_dma source(%dma_start3A_184 : memref<262144xf32, #tpu.memory_space<vmem_shared>>) target(%arg11 : memref<4096xf32, #tpu.memory_space<vmem>>) offsets(%arg15 : memref<4096xi32, #tpu.memory_space<vmem>>) semaphore(%arg20 : memref<!tpu.dma_semaphore, #tpu.memory_space<semaphore_mem>>)
    %dma_start3A_185 = arith.constant 0 : i32
    %dma_start3A_186 = tpu.memref_slice %arg7[%dma_start3A_185] : memref<262144xf32, #tpu.memory_space<vmem_shared>> -> memref<262144xf32, #tpu.memory_space<vmem_shared>>
    tpu.enqueue_indirect_dma source(%dma_start3A_186 : memref<262144xf32, #tpu.memory_space<vmem_shared>>) target(%arg12 : memref<4096xf32, #tpu.memory_space<vmem>>) offsets(%arg15 : memref<4096xi32, #tpu.memory_space<vmem>>) semaphore(%arg21 : memref<!tpu.dma_semaphore, #tpu.memory_space<semaphore_mem>>)
    %parallel_loop3A_187 = arith.constant 0 : i32
    %parallel_loop3A_188 = arith.constant 4096 : i32
    %parallel_loop3A_189 = arith.constant 16 : i32
    scf.for %parallel_loop3A_305 = %parallel_loop3A_187 to %parallel_loop3A_188 step %parallel_loop3A_189  : i32 {
      %parallel_loop3A_306 = arith.constant 4096 : i32
      %parallel_loop3A_307 = arith.addi %parallel_loop3A_306, %parallel_loop3A_305 : i32
      %parallel_loop3A_308 = arith.index_cast %parallel_loop3A_307 : i32 to index
      %parallel_loop3A_309 = tpu.vector_load %arg9[%parallel_loop3A_308] {strides = array<i32>} : memref<16384xf32, #tpu.memory_space<vmem>>, vector<16xf32>,
      %parallel_loop3A_310 = vector.shape_cast %parallel_loop3A_309 : vector<16xf32> to vector<16xf32>
      %parallel_loop3A_311 = arith.index_cast %parallel_loop3A_307 : i32 to index
      %parallel_loop3A_312 = tpu.vector_load %arg10[%parallel_loop3A_311] {strides = array<i32>} : memref<16384xf32, #tpu.memory_space<vmem>>, vector<16xf32>,
      %parallel_loop3A_313 = vector.shape_cast %parallel_loop3A_312 : vector<16xf32> to vector<16xf32>
      %parallel_loop3A_314 = arith.constant 255 : i32
      %parallel_loop3A_315 = arith.andi %parallel_loop3A_307, %parallel_loop3A_314 : i32
      %parallel_loop3A_316 = arith.sitofp %parallel_loop3A_315 : i32 to f32
      %parallel_loop3A_317 = vector.broadcast %parallel_loop3A_316 : f32 to vector<16xf32>
      %parallel_loop3A_318 = arith.addf %convert_element_type3A, %parallel_loop3A_317 : vector<16xf32>
      %parallel_loop3A_319 = arith.constant 8 : i32
      %parallel_loop3A_320 = arith.shrsi %parallel_loop3A_307, %parallel_loop3A_319 : i32
      %parallel_loop3A_321 = arith.addi %mul3A_50, %parallel_loop3A_320 : i32
      %parallel_loop3A_322 = arith.sitofp %parallel_loop3A_321 : i32 to f32
      %parallel_loop3A_323 = arith.addf %parallel_loop3A_318, %parallel_loop3A_310 : vector<16xf32>
      %parallel_loop3A_324 = arith.fptosi %parallel_loop3A_323 : vector<16xf32> to vector<16xi32>
      %parallel_loop3A_325 = vector.broadcast %parallel_loop3A_322 : f32 to vector<16xf32>
      %parallel_loop3A_326 = arith.addf %parallel_loop3A_325, %parallel_loop3A_313 : vector<16xf32>
      %parallel_loop3A_327 = arith.fptosi %parallel_loop3A_326 : vector<16xf32> to vector<16xi32>
      %parallel_loop3A_328 = arith.constant 0 : i32
      %parallel_loop3A_329 = vector.broadcast %parallel_loop3A_328 : i32 to vector<16xi32>
      %parallel_loop3A_330 = arith.maxsi %parallel_loop3A_324, %parallel_loop3A_329 : vector<16xi32>
      %parallel_loop3A_331 = arith.constant 255 : i32
      %parallel_loop3A_332 = vector.broadcast %parallel_loop3A_331 : i32 to vector<16xi32>
      %parallel_loop3A_333 = arith.minsi %parallel_loop3A_330, %parallel_loop3A_332 : vector<16xi32>
      %parallel_loop3A_334 = arith.constant 0 : i32
      %parallel_loop3A_335 = vector.broadcast %parallel_loop3A_334 : i32 to vector<16xi32>
      %parallel_loop3A_336 = arith.maxsi %parallel_loop3A_327, %parallel_loop3A_335 : vector<16xi32>
      %parallel_loop3A_337 = arith.constant 255 : i32
      %parallel_loop3A_338 = vector.broadcast %parallel_loop3A_337 : i32 to vector<16xi32>
      %parallel_loop3A_339 = arith.minsi %parallel_loop3A_336, %parallel_loop3A_338 : vector<16xi32>
      %parallel_loop3A_340 = arith.constant 8 : i32
      %parallel_loop3A_341 = vector.broadcast %parallel_loop3A_340 : i32 to vector<16xi32>
      %parallel_loop3A_342 = arith.shli %parallel_loop3A_339, %parallel_loop3A_341 : vector<16xi32>
      %parallel_loop3A_343 = vector.broadcast %mul3A_52 : i32 to vector<16xi32>
      %parallel_loop3A_344 = arith.addi %parallel_loop3A_343, %parallel_loop3A_342 : vector<16xi32>
      %parallel_loop3A_345 = arith.addi %parallel_loop3A_344, %parallel_loop3A_333 : vector<16xi32>
      %parallel_loop3A_346 = arith.index_cast %parallel_loop3A_305 : i32 to index
      %parallel_loop3A_347 = tpu.vector_load %arg16[%parallel_loop3A_346] {strides = array<i32>} : memref<4096xi32, #tpu.memory_space<vmem>>, vector<16xi32>,
      %parallel_loop3A_348 = vector.shape_cast %parallel_loop3A_347 : vector<16xi32> to vector<16xi32>
      %parallel_loop3A_349 = vector.shape_cast %parallel_loop3A_345 : vector<16xi32> to vector<16xi32>
      tpu.vector_store %arg16[%parallel_loop3A_346], %parallel_loop3A_349 {strides = array<i32>} : memref<4096xi32, #tpu.memory_space<vmem>>, vector<16xi32>,
    } {sc.loop_unroll_factor = 4 : i64, sc.parallel_access}
    %dma_start3A_190 = arith.constant 0 : i32
    %dma_start3A_191 = tpu.memref_slice %arg6[%dma_start3A_190] : memref<262144xf32, #tpu.memory_space<vmem_shared>> -> memref<262144xf32, #tpu.memory_space<vmem_shared>>
    tpu.enqueue_indirect_dma source(%dma_start3A_191 : memref<262144xf32, #tpu.memory_space<vmem_shared>>) target(%arg13 : memref<4096xf32, #tpu.memory_space<vmem>>) offsets(%arg16 : memref<4096xi32, #tpu.memory_space<vmem>>) semaphore(%arg22 : memref<!tpu.dma_semaphore, #tpu.memory_space<semaphore_mem>>)
    %dma_start3A_192 = arith.constant 0 : i32
    %dma_start3A_193 = tpu.memref_slice %arg7[%dma_start3A_192] : memref<262144xf32, #tpu.memory_space<vmem_shared>> -> memref<262144xf32, #tpu.memory_space<vmem_shared>>
    tpu.enqueue_indirect_dma source(%dma_start3A_193 : memref<262144xf32, #tpu.memory_space<vmem_shared>>) target(%arg14 : memref<4096xf32, #tpu.memory_space<vmem>>) offsets(%arg16 : memref<4096xi32, #tpu.memory_space<vmem>>) semaphore(%arg23 : memref<!tpu.dma_semaphore, #tpu.memory_space<semaphore_mem>>)
    %dma_wait3A_194 = arith.constant 0 : i32
    %dma_wait3A_195 = tpu.memref_slice %arg6[%dma_wait3A_194] : memref<262144xf32, #tpu.memory_space<vmem_shared>> -> memref<262144xf32, #tpu.memory_space<vmem_shared>>
    tpu.wait_indirect_dma semaphore(%arg20 : memref<!tpu.dma_semaphore, #tpu.memory_space<semaphore_mem>>) src(%dma_wait3A_195 : memref<262144xf32, #tpu.memory_space<vmem_shared>>) dst(%arg11 : memref<4096xf32, #tpu.memory_space<vmem>>)
    %dma_wait3A_196 = arith.constant 0 : i32
    %dma_wait3A_197 = tpu.memref_slice %arg7[%dma_wait3A_196] : memref<262144xf32, #tpu.memory_space<vmem_shared>> -> memref<262144xf32, #tpu.memory_space<vmem_shared>>
    tpu.wait_indirect_dma semaphore(%arg21 : memref<!tpu.dma_semaphore, #tpu.memory_space<semaphore_mem>>) src(%dma_wait3A_197 : memref<262144xf32, #tpu.memory_space<vmem_shared>>) dst(%arg12 : memref<4096xf32, #tpu.memory_space<vmem>>)
    %parallel_loop3A_198 = arith.constant 0 : i32
    %parallel_loop3A_199 = arith.constant 4096 : i32
    %parallel_loop3A_200 = arith.constant 16 : i32
    scf.for %parallel_loop3A_305 = %parallel_loop3A_198 to %parallel_loop3A_199 step %parallel_loop3A_200  : i32 {
      %parallel_loop3A_306 = arith.constant 0 : i32
      %parallel_loop3A_307 = arith.addi %parallel_loop3A_306, %parallel_loop3A_305 : i32
      %parallel_loop3A_308 = arith.index_cast %parallel_loop3A_307 : i32 to index
      %parallel_loop3A_309 = tpu.vector_load %arg9[%parallel_loop3A_308] {strides = array<i32>} : memref<16384xf32, #tpu.memory_space<vmem>>, vector<16xf32>,
      %parallel_loop3A_310 = vector.shape_cast %parallel_loop3A_309 : vector<16xf32> to vector<16xf32>
      %parallel_loop3A_311 = arith.index_cast %parallel_loop3A_305 : i32 to index
      %parallel_loop3A_312 = tpu.vector_load %arg11[%parallel_loop3A_311] {strides = array<i32>} : memref<4096xf32, #tpu.memory_space<vmem>>, vector<16xf32>,
      %parallel_loop3A_313 = vector.shape_cast %parallel_loop3A_312 : vector<16xf32> to vector<16xf32>
      %parallel_loop3A_314 = arith.addf %parallel_loop3A_310, %parallel_loop3A_313 : vector<16xf32>
      %parallel_loop3A_315 = arith.index_cast %parallel_loop3A_307 : i32 to index
      %parallel_loop3A_316 = tpu.vector_load %arg9[%parallel_loop3A_315] {strides = array<i32>} : memref<16384xf32, #tpu.memory_space<vmem>>, vector<16xf32>,
      %parallel_loop3A_317 = vector.shape_cast %parallel_loop3A_316 : vector<16xf32> to vector<16xf32>
      %parallel_loop3A_318 = vector.shape_cast %parallel_loop3A_314 : vector<16xf32> to vector<16xf32>
      tpu.vector_store %arg9[%parallel_loop3A_315], %parallel_loop3A_318 {strides = array<i32>} : memref<16384xf32, #tpu.memory_space<vmem>>, vector<16xf32>,
      %parallel_loop3A_319 = arith.index_cast %parallel_loop3A_307 : i32 to index
      %parallel_loop3A_320 = tpu.vector_load %arg10[%parallel_loop3A_319] {strides = array<i32>} : memref<16384xf32, #tpu.memory_space<vmem>>, vector<16xf32>,
      %parallel_loop3A_321 = vector.shape_cast %parallel_loop3A_320 : vector<16xf32> to vector<16xf32>
      %parallel_loop3A_322 = arith.index_cast %parallel_loop3A_305 : i32 to index
      %parallel_loop3A_323 = tpu.vector_load %arg12[%parallel_loop3A_322] {strides = array<i32>} : memref<4096xf32, #tpu.memory_space<vmem>>, vector<16xf32>,
      %parallel_loop3A_324 = vector.shape_cast %parallel_loop3A_323 : vector<16xf32> to vector<16xf32>
      %parallel_loop3A_325 = arith.addf %parallel_loop3A_321, %parallel_loop3A_324 : vector<16xf32>
      %parallel_loop3A_326 = arith.index_cast %parallel_loop3A_307 : i32 to index
      %parallel_loop3A_327 = tpu.vector_load %arg10[%parallel_loop3A_326] {strides = array<i32>} : memref<16384xf32, #tpu.memory_space<vmem>>, vector<16xf32>,
      %parallel_loop3A_328 = vector.shape_cast %parallel_loop3A_327 : vector<16xf32> to vector<16xf32>
      %parallel_loop3A_329 = vector.shape_cast %parallel_loop3A_325 : vector<16xf32> to vector<16xf32>
      tpu.vector_store %arg10[%parallel_loop3A_326], %parallel_loop3A_329 {strides = array<i32>} : memref<16384xf32, #tpu.memory_space<vmem>>, vector<16xf32>,
    } {sc.loop_unroll_factor = 4 : i64, sc.parallel_access}
    %parallel_loop3A_201 = arith.constant 0 : i32
    %parallel_loop3A_202 = arith.constant 4096 : i32
    %parallel_loop3A_203 = arith.constant 16 : i32
    scf.for %parallel_loop3A_305 = %parallel_loop3A_201 to %parallel_loop3A_202 step %parallel_loop3A_203  : i32 {
      %parallel_loop3A_306 = arith.constant 8192 : i32
      %parallel_loop3A_307 = arith.addi %parallel_loop3A_306, %parallel_loop3A_305 : i32
      %parallel_loop3A_308 = arith.index_cast %parallel_loop3A_307 : i32 to index
      %parallel_loop3A_309 = tpu.vector_load %arg9[%parallel_loop3A_308] {strides = array<i32>} : memref<16384xf32, #tpu.memory_space<vmem>>, vector<16xf32>,
      %parallel_loop3A_310 = vector.shape_cast %parallel_loop3A_309 : vector<16xf32> to vector<16xf32>
      %parallel_loop3A_311 = arith.index_cast %parallel_loop3A_307 : i32 to index
      %parallel_loop3A_312 = tpu.vector_load %arg10[%parallel_loop3A_311] {strides = array<i32>} : memref<16384xf32, #tpu.memory_space<vmem>>, vector<16xf32>,
      %parallel_loop3A_313 = vector.shape_cast %parallel_loop3A_312 : vector<16xf32> to vector<16xf32>
      %parallel_loop3A_314 = arith.constant 255 : i32
      %parallel_loop3A_315 = arith.andi %parallel_loop3A_307, %parallel_loop3A_314 : i32
      %parallel_loop3A_316 = arith.sitofp %parallel_loop3A_315 : i32 to f32
      %parallel_loop3A_317 = vector.broadcast %parallel_loop3A_316 : f32 to vector<16xf32>
      %parallel_loop3A_318 = arith.addf %convert_element_type3A, %parallel_loop3A_317 : vector<16xf32>
      %parallel_loop3A_319 = arith.constant 8 : i32
      %parallel_loop3A_320 = arith.shrsi %parallel_loop3A_307, %parallel_loop3A_319 : i32
      %parallel_loop3A_321 = arith.addi %mul3A_50, %parallel_loop3A_320 : i32
      %parallel_loop3A_322 = arith.sitofp %parallel_loop3A_321 : i32 to f32
      %parallel_loop3A_323 = arith.addf %parallel_loop3A_318, %parallel_loop3A_310 : vector<16xf32>
      %parallel_loop3A_324 = arith.fptosi %parallel_loop3A_323 : vector<16xf32> to vector<16xi32>
      %parallel_loop3A_325 = vector.broadcast %parallel_loop3A_322 : f32 to vector<16xf32>
      %parallel_loop3A_326 = arith.addf %parallel_loop3A_325, %parallel_loop3A_313 : vector<16xf32>
      %parallel_loop3A_327 = arith.fptosi %parallel_loop3A_326 : vector<16xf32> to vector<16xi32>
      %parallel_loop3A_328 = arith.constant 0 : i32
      %parallel_loop3A_329 = vector.broadcast %parallel_loop3A_328 : i32 to vector<16xi32>
      %parallel_loop3A_330 = arith.maxsi %parallel_loop3A_324, %parallel_loop3A_329 : vector<16xi32>
      %parallel_loop3A_331 = arith.constant 255 : i32
      %parallel_loop3A_332 = vector.broadcast %parallel_loop3A_331 : i32 to vector<16xi32>
      %parallel_loop3A_333 = arith.minsi %parallel_loop3A_330, %parallel_loop3A_332 : vector<16xi32>
      %parallel_loop3A_334 = arith.constant 0 : i32
      %parallel_loop3A_335 = vector.broadcast %parallel_loop3A_334 : i32 to vector<16xi32>
      %parallel_loop3A_336 = arith.maxsi %parallel_loop3A_327, %parallel_loop3A_335 : vector<16xi32>
      %parallel_loop3A_337 = arith.constant 255 : i32
      %parallel_loop3A_338 = vector.broadcast %parallel_loop3A_337 : i32 to vector<16xi32>
      %parallel_loop3A_339 = arith.minsi %parallel_loop3A_336, %parallel_loop3A_338 : vector<16xi32>
      %parallel_loop3A_340 = arith.constant 8 : i32
      %parallel_loop3A_341 = vector.broadcast %parallel_loop3A_340 : i32 to vector<16xi32>
      %parallel_loop3A_342 = arith.shli %parallel_loop3A_339, %parallel_loop3A_341 : vector<16xi32>
      %parallel_loop3A_343 = vector.broadcast %mul3A_52 : i32 to vector<16xi32>
      %parallel_loop3A_344 = arith.addi %parallel_loop3A_343, %parallel_loop3A_342 : vector<16xi32>
      %parallel_loop3A_345 = arith.addi %parallel_loop3A_344, %parallel_loop3A_333 : vector<16xi32>
      %parallel_loop3A_346 = arith.index_cast %parallel_loop3A_305 : i32 to index
      %parallel_loop3A_347 = tpu.vector_load %arg17[%parallel_loop3A_346] {strides = array<i32>} : memref<4096xi32, #tpu.memory_space<vmem>>, vector<16xi32>,
      %parallel_loop3A_348 = vector.shape_cast %parallel_loop3A_347 : vector<16xi32> to vector<16xi32>
      %parallel_loop3A_349 = vector.shape_cast %parallel_loop3A_345 : vector<16xi32> to vector<16xi32>
      tpu.vector_store %arg17[%parallel_loop3A_346], %parallel_loop3A_349 {strides = array<i32>} : memref<4096xi32, #tpu.memory_space<vmem>>, vector<16xi32>,
    } {sc.loop_unroll_factor = 4 : i64, sc.parallel_access}
    %dma_start3A_204 = arith.constant 0 : i32
    %dma_start3A_205 = tpu.memref_slice %arg6[%dma_start3A_204] : memref<262144xf32, #tpu.memory_space<vmem_shared>> -> memref<262144xf32, #tpu.memory_space<vmem_shared>>
    tpu.enqueue_indirect_dma source(%dma_start3A_205 : memref<262144xf32, #tpu.memory_space<vmem_shared>>) target(%arg11 : memref<4096xf32, #tpu.memory_space<vmem>>) offsets(%arg17 : memref<4096xi32, #tpu.memory_space<vmem>>) semaphore(%arg20 : memref<!tpu.dma_semaphore, #tpu.memory_space<semaphore_mem>>)
    %dma_start3A_206 = arith.constant 0 : i32
    %dma_start3A_207 = tpu.memref_slice %arg7[%dma_start3A_206] : memref<262144xf32, #tpu.memory_space<vmem_shared>> -> memref<262144xf32, #tpu.memory_space<vmem_shared>>
    tpu.enqueue_indirect_dma source(%dma_start3A_207 : memref<262144xf32, #tpu.memory_space<vmem_shared>>) target(%arg12 : memref<4096xf32, #tpu.memory_space<vmem>>) offsets(%arg17 : memref<4096xi32, #tpu.memory_space<vmem>>) semaphore(%arg21 : memref<!tpu.dma_semaphore, #tpu.memory_space<semaphore_mem>>)
    %dma_wait3A_208 = arith.constant 0 : i32
    %dma_wait3A_209 = tpu.memref_slice %arg6[%dma_wait3A_208] : memref<262144xf32, #tpu.memory_space<vmem_shared>> -> memref<262144xf32, #tpu.memory_space<vmem_shared>>
    tpu.wait_indirect_dma semaphore(%arg22 : memref<!tpu.dma_semaphore, #tpu.memory_space<semaphore_mem>>) src(%dma_wait3A_209 : memref<262144xf32, #tpu.memory_space<vmem_shared>>) dst(%arg13 : memref<4096xf32, #tpu.memory_space<vmem>>)
    %dma_wait3A_210 = arith.constant 0 : i32
    %dma_wait3A_211 = tpu.memref_slice %arg7[%dma_wait3A_210] : memref<262144xf32, #tpu.memory_space<vmem_shared>> -> memref<262144xf32, #tpu.memory_space<vmem_shared>>
    tpu.wait_indirect_dma semaphore(%arg23 : memref<!tpu.dma_semaphore, #tpu.memory_space<semaphore_mem>>) src(%dma_wait3A_211 : memref<262144xf32, #tpu.memory_space<vmem_shared>>) dst(%arg14 : memref<4096xf32, #tpu.memory_space<vmem>>)
    %parallel_loop3A_212 = arith.constant 0 : i32
    %parallel_loop3A_213 = arith.constant 4096 : i32
    %parallel_loop3A_214 = arith.constant 16 : i32
    scf.for %parallel_loop3A_305 = %parallel_loop3A_212 to %parallel_loop3A_213 step %parallel_loop3A_214  : i32 {
      %parallel_loop3A_306 = arith.constant 4096 : i32
      %parallel_loop3A_307 = arith.addi %parallel_loop3A_306, %parallel_loop3A_305 : i32
      %parallel_loop3A_308 = arith.index_cast %parallel_loop3A_307 : i32 to index
      %parallel_loop3A_309 = tpu.vector_load %arg9[%parallel_loop3A_308] {strides = array<i32>} : memref<16384xf32, #tpu.memory_space<vmem>>, vector<16xf32>,
      %parallel_loop3A_310 = vector.shape_cast %parallel_loop3A_309 : vector<16xf32> to vector<16xf32>
      %parallel_loop3A_311 = arith.index_cast %parallel_loop3A_305 : i32 to index
      %parallel_loop3A_312 = tpu.vector_load %arg13[%parallel_loop3A_311] {strides = array<i32>} : memref<4096xf32, #tpu.memory_space<vmem>>, vector<16xf32>,
      %parallel_loop3A_313 = vector.shape_cast %parallel_loop3A_312 : vector<16xf32> to vector<16xf32>
      %parallel_loop3A_314 = arith.addf %parallel_loop3A_310, %parallel_loop3A_313 : vector<16xf32>
      %parallel_loop3A_315 = arith.index_cast %parallel_loop3A_307 : i32 to index
      %parallel_loop3A_316 = tpu.vector_load %arg9[%parallel_loop3A_315] {strides = array<i32>} : memref<16384xf32, #tpu.memory_space<vmem>>, vector<16xf32>,
      %parallel_loop3A_317 = vector.shape_cast %parallel_loop3A_316 : vector<16xf32> to vector<16xf32>
      %parallel_loop3A_318 = vector.shape_cast %parallel_loop3A_314 : vector<16xf32> to vector<16xf32>
      tpu.vector_store %arg9[%parallel_loop3A_315], %parallel_loop3A_318 {strides = array<i32>} : memref<16384xf32, #tpu.memory_space<vmem>>, vector<16xf32>,
      %parallel_loop3A_319 = arith.index_cast %parallel_loop3A_307 : i32 to index
      %parallel_loop3A_320 = tpu.vector_load %arg10[%parallel_loop3A_319] {strides = array<i32>} : memref<16384xf32, #tpu.memory_space<vmem>>, vector<16xf32>,
      %parallel_loop3A_321 = vector.shape_cast %parallel_loop3A_320 : vector<16xf32> to vector<16xf32>
      %parallel_loop3A_322 = arith.index_cast %parallel_loop3A_305 : i32 to index
      %parallel_loop3A_323 = tpu.vector_load %arg14[%parallel_loop3A_322] {strides = array<i32>} : memref<4096xf32, #tpu.memory_space<vmem>>, vector<16xf32>,
      %parallel_loop3A_324 = vector.shape_cast %parallel_loop3A_323 : vector<16xf32> to vector<16xf32>
      %parallel_loop3A_325 = arith.addf %parallel_loop3A_321, %parallel_loop3A_324 : vector<16xf32>
      %parallel_loop3A_326 = arith.index_cast %parallel_loop3A_307 : i32 to index
      %parallel_loop3A_327 = tpu.vector_load %arg10[%parallel_loop3A_326] {strides = array<i32>} : memref<16384xf32, #tpu.memory_space<vmem>>, vector<16xf32>,
      %parallel_loop3A_328 = vector.shape_cast %parallel_loop3A_327 : vector<16xf32> to vector<16xf32>
      %parallel_loop3A_329 = vector.shape_cast %parallel_loop3A_325 : vector<16xf32> to vector<16xf32>
      tpu.vector_store %arg10[%parallel_loop3A_326], %parallel_loop3A_329 {strides = array<i32>} : memref<16384xf32, #tpu.memory_space<vmem>>, vector<16xf32>,
    } {sc.loop_unroll_factor = 4 : i64, sc.parallel_access}
    %parallel_loop3A_215 = arith.constant 0 : i32
    %parallel_loop3A_216 = arith.constant 4096 : i32
    %parallel_loop3A_217 = arith.constant 16 : i32
    scf.for %parallel_loop3A_305 = %parallel_loop3A_215 to %parallel_loop3A_216 step %parallel_loop3A_217  : i32 {
      %parallel_loop3A_306 = arith.constant 12288 : i32
      %parallel_loop3A_307 = arith.addi %parallel_loop3A_306, %parallel_loop3A_305 : i32
      %parallel_loop3A_308 = arith.index_cast %parallel_loop3A_307 : i32 to index
      %parallel_loop3A_309 = tpu.vector_load %arg9[%parallel_loop3A_308] {strides = array<i32>} : memref<16384xf32, #tpu.memory_space<vmem>>, vector<16xf32>,
      %parallel_loop3A_310 = vector.shape_cast %parallel_loop3A_309 : vector<16xf32> to vector<16xf32>
      %parallel_loop3A_311 = arith.index_cast %parallel_loop3A_307 : i32 to index
      %parallel_loop3A_312 = tpu.vector_load %arg10[%parallel_loop3A_311] {strides = array<i32>} : memref<16384xf32, #tpu.memory_space<vmem>>, vector<16xf32>,
      %parallel_loop3A_313 = vector.shape_cast %parallel_loop3A_312 : vector<16xf32> to vector<16xf32>
      %parallel_loop3A_314 = arith.constant 255 : i32
      %parallel_loop3A_315 = arith.andi %parallel_loop3A_307, %parallel_loop3A_314 : i32
      %parallel_loop3A_316 = arith.sitofp %parallel_loop3A_315 : i32 to f32
      %parallel_loop3A_317 = vector.broadcast %parallel_loop3A_316 : f32 to vector<16xf32>
      %parallel_loop3A_318 = arith.addf %convert_element_type3A, %parallel_loop3A_317 : vector<16xf32>
      %parallel_loop3A_319 = arith.constant 8 : i32
      %parallel_loop3A_320 = arith.shrsi %parallel_loop3A_307, %parallel_loop3A_319 : i32
      %parallel_loop3A_321 = arith.addi %mul3A_50, %parallel_loop3A_320 : i32
      %parallel_loop3A_322 = arith.sitofp %parallel_loop3A_321 : i32 to f32
      %parallel_loop3A_323 = arith.addf %parallel_loop3A_318, %parallel_loop3A_310 : vector<16xf32>
      %parallel_loop3A_324 = arith.fptosi %parallel_loop3A_323 : vector<16xf32> to vector<16xi32>
      %parallel_loop3A_325 = vector.broadcast %parallel_loop3A_322 : f32 to vector<16xf32>
      %parallel_loop3A_326 = arith.addf %parallel_loop3A_325, %parallel_loop3A_313 : vector<16xf32>
      %parallel_loop3A_327 = arith.fptosi %parallel_loop3A_326 : vector<16xf32> to vector<16xi32>
      %parallel_loop3A_328 = arith.constant 0 : i32
      %parallel_loop3A_329 = vector.broadcast %parallel_loop3A_328 : i32 to vector<16xi32>
      %parallel_loop3A_330 = arith.maxsi %parallel_loop3A_324, %parallel_loop3A_329 : vector<16xi32>
      %parallel_loop3A_331 = arith.constant 255 : i32
      %parallel_loop3A_332 = vector.broadcast %parallel_loop3A_331 : i32 to vector<16xi32>
      %parallel_loop3A_333 = arith.minsi %parallel_loop3A_330, %parallel_loop3A_332 : vector<16xi32>
      %parallel_loop3A_334 = arith.constant 0 : i32
      %parallel_loop3A_335 = vector.broadcast %parallel_loop3A_334 : i32 to vector<16xi32>
      %parallel_loop3A_336 = arith.maxsi %parallel_loop3A_327, %parallel_loop3A_335 : vector<16xi32>
      %parallel_loop3A_337 = arith.constant 255 : i32
      %parallel_loop3A_338 = vector.broadcast %parallel_loop3A_337 : i32 to vector<16xi32>
      %parallel_loop3A_339 = arith.minsi %parallel_loop3A_336, %parallel_loop3A_338 : vector<16xi32>
      %parallel_loop3A_340 = arith.constant 8 : i32
      %parallel_loop3A_341 = vector.broadcast %parallel_loop3A_340 : i32 to vector<16xi32>
      %parallel_loop3A_342 = arith.shli %parallel_loop3A_339, %parallel_loop3A_341 : vector<16xi32>
      %parallel_loop3A_343 = vector.broadcast %mul3A_52 : i32 to vector<16xi32>
      %parallel_loop3A_344 = arith.addi %parallel_loop3A_343, %parallel_loop3A_342 : vector<16xi32>
      %parallel_loop3A_345 = arith.addi %parallel_loop3A_344, %parallel_loop3A_333 : vector<16xi32>
      %parallel_loop3A_346 = arith.index_cast %parallel_loop3A_305 : i32 to index
      %parallel_loop3A_347 = tpu.vector_load %arg18[%parallel_loop3A_346] {strides = array<i32>} : memref<4096xi32, #tpu.memory_space<vmem>>, vector<16xi32>,
      %parallel_loop3A_348 = vector.shape_cast %parallel_loop3A_347 : vector<16xi32> to vector<16xi32>
      %parallel_loop3A_349 = vector.shape_cast %parallel_loop3A_345 : vector<16xi32> to vector<16xi32>
      tpu.vector_store %arg18[%parallel_loop3A_346], %parallel_loop3A_349 {strides = array<i32>} : memref<4096xi32, #tpu.memory_space<vmem>>, vector<16xi32>,
    } {sc.loop_unroll_factor = 4 : i64, sc.parallel_access}
    %dma_start3A_218 = arith.constant 0 : i32
    %dma_start3A_219 = tpu.memref_slice %arg6[%dma_start3A_218] : memref<262144xf32, #tpu.memory_space<vmem_shared>> -> memref<262144xf32, #tpu.memory_space<vmem_shared>>
    tpu.enqueue_indirect_dma source(%dma_start3A_219 : memref<262144xf32, #tpu.memory_space<vmem_shared>>) target(%arg13 : memref<4096xf32, #tpu.memory_space<vmem>>) offsets(%arg18 : memref<4096xi32, #tpu.memory_space<vmem>>) semaphore(%arg22 : memref<!tpu.dma_semaphore, #tpu.memory_space<semaphore_mem>>)
    %dma_start3A_220 = arith.constant 0 : i32
    %dma_start3A_221 = tpu.memref_slice %arg7[%dma_start3A_220] : memref<262144xf32, #tpu.memory_space<vmem_shared>> -> memref<262144xf32, #tpu.memory_space<vmem_shared>>
    tpu.enqueue_indirect_dma source(%dma_start3A_221 : memref<262144xf32, #tpu.memory_space<vmem_shared>>) target(%arg14 : memref<4096xf32, #tpu.memory_space<vmem>>) offsets(%arg18 : memref<4096xi32, #tpu.memory_space<vmem>>) semaphore(%arg23 : memref<!tpu.dma_semaphore, #tpu.memory_space<semaphore_mem>>)
    %dma_wait3A_222 = arith.constant 0 : i32
    %dma_wait3A_223 = tpu.memref_slice %arg6[%dma_wait3A_222] : memref<262144xf32, #tpu.memory_space<vmem_shared>> -> memref<262144xf32, #tpu.memory_space<vmem_shared>>
    tpu.wait_indirect_dma semaphore(%arg20 : memref<!tpu.dma_semaphore, #tpu.memory_space<semaphore_mem>>) src(%dma_wait3A_223 : memref<262144xf32, #tpu.memory_space<vmem_shared>>) dst(%arg11 : memref<4096xf32, #tpu.memory_space<vmem>>)
    %dma_wait3A_224 = arith.constant 0 : i32
    %dma_wait3A_225 = tpu.memref_slice %arg7[%dma_wait3A_224] : memref<262144xf32, #tpu.memory_space<vmem_shared>> -> memref<262144xf32, #tpu.memory_space<vmem_shared>>
    tpu.wait_indirect_dma semaphore(%arg21 : memref<!tpu.dma_semaphore, #tpu.memory_space<semaphore_mem>>) src(%dma_wait3A_225 : memref<262144xf32, #tpu.memory_space<vmem_shared>>) dst(%arg12 : memref<4096xf32, #tpu.memory_space<vmem>>)
    %parallel_loop3A_226 = arith.constant 0 : i32
    %parallel_loop3A_227 = arith.constant 4096 : i32
    %parallel_loop3A_228 = arith.constant 16 : i32
    scf.for %parallel_loop3A_305 = %parallel_loop3A_226 to %parallel_loop3A_227 step %parallel_loop3A_228  : i32 {
      %parallel_loop3A_306 = arith.constant 8192 : i32
      %parallel_loop3A_307 = arith.addi %parallel_loop3A_306, %parallel_loop3A_305 : i32
      %parallel_loop3A_308 = arith.index_cast %parallel_loop3A_307 : i32 to index
      %parallel_loop3A_309 = tpu.vector_load %arg9[%parallel_loop3A_308] {strides = array<i32>} : memref<16384xf32, #tpu.memory_space<vmem>>, vector<16xf32>,
      %parallel_loop3A_310 = vector.shape_cast %parallel_loop3A_309 : vector<16xf32> to vector<16xf32>
      %parallel_loop3A_311 = arith.index_cast %parallel_loop3A_305 : i32 to index
      %parallel_loop3A_312 = tpu.vector_load %arg11[%parallel_loop3A_311] {strides = array<i32>} : memref<4096xf32, #tpu.memory_space<vmem>>, vector<16xf32>,
      %parallel_loop3A_313 = vector.shape_cast %parallel_loop3A_312 : vector<16xf32> to vector<16xf32>
      %parallel_loop3A_314 = arith.addf %parallel_loop3A_310, %parallel_loop3A_313 : vector<16xf32>
      %parallel_loop3A_315 = arith.index_cast %parallel_loop3A_307 : i32 to index
      %parallel_loop3A_316 = tpu.vector_load %arg9[%parallel_loop3A_315] {strides = array<i32>} : memref<16384xf32, #tpu.memory_space<vmem>>, vector<16xf32>,
      %parallel_loop3A_317 = vector.shape_cast %parallel_loop3A_316 : vector<16xf32> to vector<16xf32>
      %parallel_loop3A_318 = vector.shape_cast %parallel_loop3A_314 : vector<16xf32> to vector<16xf32>
      tpu.vector_store %arg9[%parallel_loop3A_315], %parallel_loop3A_318 {strides = array<i32>} : memref<16384xf32, #tpu.memory_space<vmem>>, vector<16xf32>,
      %parallel_loop3A_319 = arith.index_cast %parallel_loop3A_307 : i32 to index
      %parallel_loop3A_320 = tpu.vector_load %arg10[%parallel_loop3A_319] {strides = array<i32>} : memref<16384xf32, #tpu.memory_space<vmem>>, vector<16xf32>,
      %parallel_loop3A_321 = vector.shape_cast %parallel_loop3A_320 : vector<16xf32> to vector<16xf32>
      %parallel_loop3A_322 = arith.index_cast %parallel_loop3A_305 : i32 to index
      %parallel_loop3A_323 = tpu.vector_load %arg12[%parallel_loop3A_322] {strides = array<i32>} : memref<4096xf32, #tpu.memory_space<vmem>>, vector<16xf32>,
      %parallel_loop3A_324 = vector.shape_cast %parallel_loop3A_323 : vector<16xf32> to vector<16xf32>
      %parallel_loop3A_325 = arith.addf %parallel_loop3A_321, %parallel_loop3A_324 : vector<16xf32>
      %parallel_loop3A_326 = arith.index_cast %parallel_loop3A_307 : i32 to index
      %parallel_loop3A_327 = tpu.vector_load %arg10[%parallel_loop3A_326] {strides = array<i32>} : memref<16384xf32, #tpu.memory_space<vmem>>, vector<16xf32>,
      %parallel_loop3A_328 = vector.shape_cast %parallel_loop3A_327 : vector<16xf32> to vector<16xf32>
      %parallel_loop3A_329 = vector.shape_cast %parallel_loop3A_325 : vector<16xf32> to vector<16xf32>
      tpu.vector_store %arg10[%parallel_loop3A_326], %parallel_loop3A_329 {strides = array<i32>} : memref<16384xf32, #tpu.memory_space<vmem>>, vector<16xf32>,
    } {sc.loop_unroll_factor = 4 : i64, sc.parallel_access}
    %dma_wait3A_229 = arith.constant 0 : i32
    %dma_wait3A_230 = tpu.memref_slice %arg6[%dma_wait3A_229] : memref<262144xf32, #tpu.memory_space<vmem_shared>> -> memref<262144xf32, #tpu.memory_space<vmem_shared>>
    tpu.wait_indirect_dma semaphore(%arg22 : memref<!tpu.dma_semaphore, #tpu.memory_space<semaphore_mem>>) src(%dma_wait3A_230 : memref<262144xf32, #tpu.memory_space<vmem_shared>>) dst(%arg13 : memref<4096xf32, #tpu.memory_space<vmem>>)
    %dma_wait3A_231 = arith.constant 0 : i32
    %dma_wait3A_232 = tpu.memref_slice %arg7[%dma_wait3A_231] : memref<262144xf32, #tpu.memory_space<vmem_shared>> -> memref<262144xf32, #tpu.memory_space<vmem_shared>>
    tpu.wait_indirect_dma semaphore(%arg23 : memref<!tpu.dma_semaphore, #tpu.memory_space<semaphore_mem>>) src(%dma_wait3A_232 : memref<262144xf32, #tpu.memory_space<vmem_shared>>) dst(%arg14 : memref<4096xf32, #tpu.memory_space<vmem>>)
    %parallel_loop3A_233 = arith.constant 0 : i32
    %parallel_loop3A_234 = arith.constant 4096 : i32
    %parallel_loop3A_235 = arith.constant 16 : i32
    scf.for %parallel_loop3A_305 = %parallel_loop3A_233 to %parallel_loop3A_234 step %parallel_loop3A_235  : i32 {
      %parallel_loop3A_306 = arith.constant 12288 : i32
      %parallel_loop3A_307 = arith.addi %parallel_loop3A_306, %parallel_loop3A_305 : i32
      %parallel_loop3A_308 = arith.index_cast %parallel_loop3A_307 : i32 to index
      %parallel_loop3A_309 = tpu.vector_load %arg9[%parallel_loop3A_308] {strides = array<i32>} : memref<16384xf32, #tpu.memory_space<vmem>>, vector<16xf32>,
      %parallel_loop3A_310 = vector.shape_cast %parallel_loop3A_309 : vector<16xf32> to vector<16xf32>
      %parallel_loop3A_311 = arith.index_cast %parallel_loop3A_305 : i32 to index
      %parallel_loop3A_312 = tpu.vector_load %arg13[%parallel_loop3A_311] {strides = array<i32>} : memref<4096xf32, #tpu.memory_space<vmem>>, vector<16xf32>,
      %parallel_loop3A_313 = vector.shape_cast %parallel_loop3A_312 : vector<16xf32> to vector<16xf32>
      %parallel_loop3A_314 = arith.addf %parallel_loop3A_310, %parallel_loop3A_313 : vector<16xf32>
      %parallel_loop3A_315 = arith.index_cast %parallel_loop3A_307 : i32 to index
      %parallel_loop3A_316 = tpu.vector_load %arg9[%parallel_loop3A_315] {strides = array<i32>} : memref<16384xf32, #tpu.memory_space<vmem>>, vector<16xf32>,
      %parallel_loop3A_317 = vector.shape_cast %parallel_loop3A_316 : vector<16xf32> to vector<16xf32>
      %parallel_loop3A_318 = vector.shape_cast %parallel_loop3A_314 : vector<16xf32> to vector<16xf32>
      tpu.vector_store %arg9[%parallel_loop3A_315], %parallel_loop3A_318 {strides = array<i32>} : memref<16384xf32, #tpu.memory_space<vmem>>, vector<16xf32>,
      %parallel_loop3A_319 = arith.index_cast %parallel_loop3A_307 : i32 to index
      %parallel_loop3A_320 = tpu.vector_load %arg10[%parallel_loop3A_319] {strides = array<i32>} : memref<16384xf32, #tpu.memory_space<vmem>>, vector<16xf32>,
      %parallel_loop3A_321 = vector.shape_cast %parallel_loop3A_320 : vector<16xf32> to vector<16xf32>
      %parallel_loop3A_322 = arith.index_cast %parallel_loop3A_305 : i32 to index
      %parallel_loop3A_323 = tpu.vector_load %arg14[%parallel_loop3A_322] {strides = array<i32>} : memref<4096xf32, #tpu.memory_space<vmem>>, vector<16xf32>,
      %parallel_loop3A_324 = vector.shape_cast %parallel_loop3A_323 : vector<16xf32> to vector<16xf32>
      %parallel_loop3A_325 = arith.addf %parallel_loop3A_321, %parallel_loop3A_324 : vector<16xf32>
      %parallel_loop3A_326 = arith.index_cast %parallel_loop3A_307 : i32 to index
      %parallel_loop3A_327 = tpu.vector_load %arg10[%parallel_loop3A_326] {strides = array<i32>} : memref<16384xf32, #tpu.memory_space<vmem>>, vector<16xf32>,
      %parallel_loop3A_328 = vector.shape_cast %parallel_loop3A_327 : vector<16xf32> to vector<16xf32>
      %parallel_loop3A_329 = vector.shape_cast %parallel_loop3A_325 : vector<16xf32> to vector<16xf32>
      tpu.vector_store %arg10[%parallel_loop3A_326], %parallel_loop3A_329 {strides = array<i32>} : memref<16384xf32, #tpu.memory_space<vmem>>, vector<16xf32>,
    } {sc.loop_unroll_factor = 4 : i64, sc.parallel_access}
    %barrier3A_236 = arith.constant 0 : index
    tpu.barrier barrier_id(%barrier3A_236)
    "tpu.region"() ({
      %run_scoped3A_305 = tpu.sem_alloc : memref<!tpu.dma_semaphore, #tpu.memory_space<semaphore_mem>>
      %dma_start3A_306 = tpu.memref_slice %arg6[%mul3A_54] : memref<262144xf32, #tpu.memory_space<vmem_shared>> -> memref<16384xf32, #tpu.memory_space<vmem_shared>>
      %dma_start3A_307 = tpu.memref_slice %arg6[%mul3A_54] : memref<262144xf32, #tpu.memory_space<vmem_shared>> -> memref<16384xf32, #tpu.memory_space<vmem_shared>>
      tpu.enqueue_dma source(%arg9 : memref<16384xf32, #tpu.memory_space<vmem>>) target(%dma_start3A_307 : memref<16384xf32, #tpu.memory_space<vmem_shared>>) target_semaphore(%run_scoped3A_305 : memref<!tpu.dma_semaphore, #tpu.memory_space<semaphore_mem>>)
      %dma_wait3A_308 = tpu.memref_slice %arg6[%mul3A_54] : memref<262144xf32, #tpu.memory_space<vmem_shared>> -> memref<16384xf32, #tpu.memory_space<vmem_shared>>
      %dma_wait3A_309 = tpu.memref_slice %arg6[%mul3A_54] : memref<262144xf32, #tpu.memory_space<vmem_shared>> -> memref<16384xf32, #tpu.memory_space<vmem_shared>>
      tpu.wait_dma2 semaphore(%run_scoped3A_305 : memref<!tpu.dma_semaphore, #tpu.memory_space<semaphore_mem>>) src(%arg9 : memref<16384xf32, #tpu.memory_space<vmem>>) dst(%dma_wait3A_309 : memref<16384xf32, #tpu.memory_space<vmem_shared>>)
      tpu.yield
    }) : () -> ()
    "tpu.region"() ({
      %run_scoped3A_305 = tpu.sem_alloc : memref<!tpu.dma_semaphore, #tpu.memory_space<semaphore_mem>>
      %dma_start3A_306 = tpu.memref_slice %arg7[%mul3A_54] : memref<262144xf32, #tpu.memory_space<vmem_shared>> -> memref<16384xf32, #tpu.memory_space<vmem_shared>>
      %dma_start3A_307 = tpu.memref_slice %arg7[%mul3A_54] : memref<262144xf32, #tpu.memory_space<vmem_shared>> -> memref<16384xf32, #tpu.memory_space<vmem_shared>>
      tpu.enqueue_dma source(%arg10 : memref<16384xf32, #tpu.memory_space<vmem>>) target(%dma_start3A_307 : memref<16384xf32, #tpu.memory_space<vmem_shared>>) target_semaphore(%run_scoped3A_305 : memref<!tpu.dma_semaphore, #tpu.memory_space<semaphore_mem>>)
      %dma_wait3A_308 = tpu.memref_slice %arg7[%mul3A_54] : memref<262144xf32, #tpu.memory_space<vmem_shared>> -> memref<16384xf32, #tpu.memory_space<vmem_shared>>
      %dma_wait3A_309 = tpu.memref_slice %arg7[%mul3A_54] : memref<262144xf32, #tpu.memory_space<vmem_shared>> -> memref<16384xf32, #tpu.memory_space<vmem_shared>>
      tpu.wait_dma2 semaphore(%run_scoped3A_305 : memref<!tpu.dma_semaphore, #tpu.memory_space<semaphore_mem>>) src(%arg10 : memref<16384xf32, #tpu.memory_space<vmem>>) dst(%dma_wait3A_309 : memref<16384xf32, #tpu.memory_space<vmem_shared>>)
      tpu.yield
    }) : () -> ()
    %barrier3A_237 = arith.constant 0 : index
    tpu.barrier barrier_id(%barrier3A_237)
    %parallel_loop3A_238 = arith.constant 0 : i32
    %parallel_loop3A_239 = arith.constant 4096 : i32
    %parallel_loop3A_240 = arith.constant 16 : i32
    scf.for %parallel_loop3A_305 = %parallel_loop3A_238 to %parallel_loop3A_239 step %parallel_loop3A_240  : i32 {
      %parallel_loop3A_306 = arith.constant 0 : i32
      %parallel_loop3A_307 = arith.addi %parallel_loop3A_306, %parallel_loop3A_305 : i32
      %parallel_loop3A_308 = arith.index_cast %parallel_loop3A_307 : i32 to index
      %parallel_loop3A_309 = tpu.vector_load %arg9[%parallel_loop3A_308] {strides = array<i32>} : memref<16384xf32, #tpu.memory_space<vmem>>, vector<16xf32>,
      %parallel_loop3A_310 = vector.shape_cast %parallel_loop3A_309 : vector<16xf32> to vector<16xf32>
      %parallel_loop3A_311 = arith.index_cast %parallel_loop3A_307 : i32 to index
      %parallel_loop3A_312 = tpu.vector_load %arg10[%parallel_loop3A_311] {strides = array<i32>} : memref<16384xf32, #tpu.memory_space<vmem>>, vector<16xf32>,
      %parallel_loop3A_313 = vector.shape_cast %parallel_loop3A_312 : vector<16xf32> to vector<16xf32>
      %parallel_loop3A_314 = arith.constant 255 : i32
      %parallel_loop3A_315 = arith.andi %parallel_loop3A_307, %parallel_loop3A_314 : i32
      %parallel_loop3A_316 = arith.sitofp %parallel_loop3A_315 : i32 to f32
      %parallel_loop3A_317 = vector.broadcast %parallel_loop3A_316 : f32 to vector<16xf32>
      %parallel_loop3A_318 = arith.addf %convert_element_type3A, %parallel_loop3A_317 : vector<16xf32>
      %parallel_loop3A_319 = arith.constant 8 : i32
      %parallel_loop3A_320 = arith.shrsi %parallel_loop3A_307, %parallel_loop3A_319 : i32
      %parallel_loop3A_321 = arith.addi %mul3A_50, %parallel_loop3A_320 : i32
      %parallel_loop3A_322 = arith.sitofp %parallel_loop3A_321 : i32 to f32
      %parallel_loop3A_323 = arith.addf %parallel_loop3A_318, %parallel_loop3A_310 : vector<16xf32>
      %parallel_loop3A_324 = arith.fptosi %parallel_loop3A_323 : vector<16xf32> to vector<16xi32>
      %parallel_loop3A_325 = vector.broadcast %parallel_loop3A_322 : f32 to vector<16xf32>
      %parallel_loop3A_326 = arith.addf %parallel_loop3A_325, %parallel_loop3A_313 : vector<16xf32>
      %parallel_loop3A_327 = arith.fptosi %parallel_loop3A_326 : vector<16xf32> to vector<16xi32>
      %parallel_loop3A_328 = arith.constant 0 : i32
      %parallel_loop3A_329 = vector.broadcast %parallel_loop3A_328 : i32 to vector<16xi32>
      %parallel_loop3A_330 = arith.maxsi %parallel_loop3A_324, %parallel_loop3A_329 : vector<16xi32>
      %parallel_loop3A_331 = arith.constant 255 : i32
      %parallel_loop3A_332 = vector.broadcast %parallel_loop3A_331 : i32 to vector<16xi32>
      %parallel_loop3A_333 = arith.minsi %parallel_loop3A_330, %parallel_loop3A_332 : vector<16xi32>
      %parallel_loop3A_334 = arith.constant 0 : i32
      %parallel_loop3A_335 = vector.broadcast %parallel_loop3A_334 : i32 to vector<16xi32>
      %parallel_loop3A_336 = arith.maxsi %parallel_loop3A_327, %parallel_loop3A_335 : vector<16xi32>
      %parallel_loop3A_337 = arith.constant 255 : i32
      %parallel_loop3A_338 = vector.broadcast %parallel_loop3A_337 : i32 to vector<16xi32>
      %parallel_loop3A_339 = arith.minsi %parallel_loop3A_336, %parallel_loop3A_338 : vector<16xi32>
      %parallel_loop3A_340 = arith.constant 8 : i32
      %parallel_loop3A_341 = vector.broadcast %parallel_loop3A_340 : i32 to vector<16xi32>
      %parallel_loop3A_342 = arith.shli %parallel_loop3A_339, %parallel_loop3A_341 : vector<16xi32>
      %parallel_loop3A_343 = vector.broadcast %mul3A_52 : i32 to vector<16xi32>
      %parallel_loop3A_344 = arith.addi %parallel_loop3A_343, %parallel_loop3A_342 : vector<16xi32>
      %parallel_loop3A_345 = arith.addi %parallel_loop3A_344, %parallel_loop3A_333 : vector<16xi32>
      %parallel_loop3A_346 = arith.index_cast %parallel_loop3A_305 : i32 to index
      %parallel_loop3A_347 = tpu.vector_load %arg15[%parallel_loop3A_346] {strides = array<i32>} : memref<4096xi32, #tpu.memory_space<vmem>>, vector<16xi32>,
      %parallel_loop3A_348 = vector.shape_cast %parallel_loop3A_347 : vector<16xi32> to vector<16xi32>
      %parallel_loop3A_349 = vector.shape_cast %parallel_loop3A_345 : vector<16xi32> to vector<16xi32>
      tpu.vector_store %arg15[%parallel_loop3A_346], %parallel_loop3A_349 {strides = array<i32>} : memref<4096xi32, #tpu.memory_space<vmem>>, vector<16xi32>,
    } {sc.loop_unroll_factor = 4 : i64, sc.parallel_access}
    "tpu.region"() ({
      %run_scoped3A_305 = tpu.sem_alloc : memref<!tpu.dma_semaphore, #tpu.memory_space<semaphore_mem>>
      %dma_start3A_306 = arith.constant 0 : i32
      %dma_start3A_307 = tpu.memref_slice %arg8[%dma_start3A_306] : memref<262144xi32, #tpu.memory_space<vmem_shared>> -> memref<262144xi32, #tpu.memory_space<vmem_shared>>
      tpu.enqueue_indirect_dma source(%arg19 : memref<4096xi32, #tpu.memory_space<vmem>>) target(%dma_start3A_307 : memref<262144xi32, #tpu.memory_space<vmem_shared>>) offsets(%arg15 : memref<4096xi32, #tpu.memory_space<vmem>>) semaphore(%run_scoped3A_305 : memref<!tpu.dma_semaphore, #tpu.memory_space<semaphore_mem>>) {add = true}
      %dma_wait3A_308 = arith.constant 0 : i32
      %dma_wait3A_309 = tpu.memref_slice %arg8[%dma_wait3A_308] : memref<262144xi32, #tpu.memory_space<vmem_shared>> -> memref<262144xi32, #tpu.memory_space<vmem_shared>>
      tpu.wait_indirect_dma semaphore(%run_scoped3A_305 : memref<!tpu.dma_semaphore, #tpu.memory_space<semaphore_mem>>) src(%arg19 : memref<4096xi32, #tpu.memory_space<vmem>>) dst(%dma_wait3A_309 : memref<262144xi32, #tpu.memory_space<vmem_shared>>)
      tpu.yield
    }) : () -> ()
    %add3A_241 = arith.constant 0 : i32
    %add3A_242 = arith.addi %mul3A_32, %add3A_241 : i32
    "tpu.region"() ({
      %run_scoped3A_305 = tpu.sem_alloc : memref<!tpu.dma_semaphore, #tpu.memory_space<semaphore_mem>>
      %dma_start3A_306 = tpu.memref_slice %arg5[%add3A, %add3A_242] : memref<8x65536xi32, #tpu.memory_space<hbm>> -> memref<1x4096xi32, #tpu.memory_space<hbm>>
      %dma_start3A_307 = tpu.memref_squeeze %dma_start3A_306 : memref<1x4096xi32, #tpu.memory_space<hbm>> -> memref<4096xi32, #tpu.memory_space<hbm>>
      %dma_start3A_308 = tpu.memref_slice %arg5[%add3A, %add3A_242] : memref<8x65536xi32, #tpu.memory_space<hbm>> -> memref<1x4096xi32, #tpu.memory_space<hbm>>
      %dma_start3A_309 = tpu.memref_squeeze %dma_start3A_308 : memref<1x4096xi32, #tpu.memory_space<hbm>> -> memref<4096xi32, #tpu.memory_space<hbm>>
      tpu.enqueue_dma source(%arg15 : memref<4096xi32, #tpu.memory_space<vmem>>) target(%dma_start3A_309 : memref<4096xi32, #tpu.memory_space<hbm>>) target_semaphore(%run_scoped3A_305 : memref<!tpu.dma_semaphore, #tpu.memory_space<semaphore_mem>>)
      %dma_wait3A_310 = tpu.memref_slice %arg5[%add3A, %add3A_242] : memref<8x65536xi32, #tpu.memory_space<hbm>> -> memref<1x4096xi32, #tpu.memory_space<hbm>>
      %dma_wait3A_311 = tpu.memref_squeeze %dma_wait3A_310 : memref<1x4096xi32, #tpu.memory_space<hbm>> -> memref<4096xi32, #tpu.memory_space<hbm>>
      %dma_wait3A_312 = tpu.memref_slice %arg5[%add3A, %add3A_242] : memref<8x65536xi32, #tpu.memory_space<hbm>> -> memref<1x4096xi32, #tpu.memory_space<hbm>>
      %dma_wait3A_313 = tpu.memref_squeeze %dma_wait3A_312 : memref<1x4096xi32, #tpu.memory_space<hbm>> -> memref<4096xi32, #tpu.memory_space<hbm>>
      tpu.wait_dma2 semaphore(%run_scoped3A_305 : memref<!tpu.dma_semaphore, #tpu.memory_space<semaphore_mem>>) src(%arg15 : memref<4096xi32, #tpu.memory_space<vmem>>) dst(%dma_wait3A_313 : memref<4096xi32, #tpu.memory_space<hbm>>)
      tpu.yield
    }) : () -> ()
    %dma_start3A_243 = arith.constant 0 : i32
    %dma_start3A_244 = tpu.memref_slice %arg6[%dma_start3A_243] : memref<262144xf32, #tpu.memory_space<vmem_shared>> -> memref<262144xf32, #tpu.memory_space<vmem_shared>>
    tpu.enqueue_indirect_dma source(%dma_start3A_244 : memref<262144xf32, #tpu.memory_space<vmem_shared>>) target(%arg11 : memref<4096xf32, #tpu.memory_space<vmem>>) offsets(%arg15 : memref<4096xi32, #tpu.memory_space<vmem>>) semaphore(%arg20 : memref<!tpu.dma_semaphore, #tpu.memory_space<semaphore_mem>>)
    %dma_start3A_245 = arith.constant 0 : i32
    %dma_start3A_246 = tpu.memref_slice %arg7[%dma_start3A_245] : memref<262144xf32, #tpu.memory_space<vmem_shared>> -> memref<262144xf32, #tpu.memory_space<vmem_shared>>
    tpu.enqueue_indirect_dma source(%dma_start3A_246 : memref<262144xf32, #tpu.memory_space<vmem_shared>>) target(%arg12 : memref<4096xf32, #tpu.memory_space<vmem>>) offsets(%arg15 : memref<4096xi32, #tpu.memory_space<vmem>>) semaphore(%arg21 : memref<!tpu.dma_semaphore, #tpu.memory_space<semaphore_mem>>)
    %parallel_loop3A_247 = arith.constant 0 : i32
    %parallel_loop3A_248 = arith.constant 4096 : i32
    %parallel_loop3A_249 = arith.constant 16 : i32
    scf.for %parallel_loop3A_305 = %parallel_loop3A_247 to %parallel_loop3A_248 step %parallel_loop3A_249  : i32 {
      %parallel_loop3A_306 = arith.constant 4096 : i32
      %parallel_loop3A_307 = arith.addi %parallel_loop3A_306, %parallel_loop3A_305 : i32
      %parallel_loop3A_308 = arith.index_cast %parallel_loop3A_307 : i32 to index
      %parallel_loop3A_309 = tpu.vector_load %arg9[%parallel_loop3A_308] {strides = array<i32>} : memref<16384xf32, #tpu.memory_space<vmem>>, vector<16xf32>,
      %parallel_loop3A_310 = vector.shape_cast %parallel_loop3A_309 : vector<16xf32> to vector<16xf32>
      %parallel_loop3A_311 = arith.index_cast %parallel_loop3A_307 : i32 to index
      %parallel_loop3A_312 = tpu.vector_load %arg10[%parallel_loop3A_311] {strides = array<i32>} : memref<16384xf32, #tpu.memory_space<vmem>>, vector<16xf32>,
      %parallel_loop3A_313 = vector.shape_cast %parallel_loop3A_312 : vector<16xf32> to vector<16xf32>
      %parallel_loop3A_314 = arith.constant 255 : i32
      %parallel_loop3A_315 = arith.andi %parallel_loop3A_307, %parallel_loop3A_314 : i32
      %parallel_loop3A_316 = arith.sitofp %parallel_loop3A_315 : i32 to f32
      %parallel_loop3A_317 = vector.broadcast %parallel_loop3A_316 : f32 to vector<16xf32>
      %parallel_loop3A_318 = arith.addf %convert_element_type3A, %parallel_loop3A_317 : vector<16xf32>
      %parallel_loop3A_319 = arith.constant 8 : i32
      %parallel_loop3A_320 = arith.shrsi %parallel_loop3A_307, %parallel_loop3A_319 : i32
      %parallel_loop3A_321 = arith.addi %mul3A_50, %parallel_loop3A_320 : i32
      %parallel_loop3A_322 = arith.sitofp %parallel_loop3A_321 : i32 to f32
      %parallel_loop3A_323 = arith.addf %parallel_loop3A_318, %parallel_loop3A_310 : vector<16xf32>
      %parallel_loop3A_324 = arith.fptosi %parallel_loop3A_323 : vector<16xf32> to vector<16xi32>
      %parallel_loop3A_325 = vector.broadcast %parallel_loop3A_322 : f32 to vector<16xf32>
      %parallel_loop3A_326 = arith.addf %parallel_loop3A_325, %parallel_loop3A_313 : vector<16xf32>
      %parallel_loop3A_327 = arith.fptosi %parallel_loop3A_326 : vector<16xf32> to vector<16xi32>
      %parallel_loop3A_328 = arith.constant 0 : i32
      %parallel_loop3A_329 = vector.broadcast %parallel_loop3A_328 : i32 to vector<16xi32>
      %parallel_loop3A_330 = arith.maxsi %parallel_loop3A_324, %parallel_loop3A_329 : vector<16xi32>
      %parallel_loop3A_331 = arith.constant 255 : i32
      %parallel_loop3A_332 = vector.broadcast %parallel_loop3A_331 : i32 to vector<16xi32>
      %parallel_loop3A_333 = arith.minsi %parallel_loop3A_330, %parallel_loop3A_332 : vector<16xi32>
      %parallel_loop3A_334 = arith.constant 0 : i32
      %parallel_loop3A_335 = vector.broadcast %parallel_loop3A_334 : i32 to vector<16xi32>
      %parallel_loop3A_336 = arith.maxsi %parallel_loop3A_327, %parallel_loop3A_335 : vector<16xi32>
      %parallel_loop3A_337 = arith.constant 255 : i32
      %parallel_loop3A_338 = vector.broadcast %parallel_loop3A_337 : i32 to vector<16xi32>
      %parallel_loop3A_339 = arith.minsi %parallel_loop3A_336, %parallel_loop3A_338 : vector<16xi32>
      %parallel_loop3A_340 = arith.constant 8 : i32
      %parallel_loop3A_341 = vector.broadcast %parallel_loop3A_340 : i32 to vector<16xi32>
      %parallel_loop3A_342 = arith.shli %parallel_loop3A_339, %parallel_loop3A_341 : vector<16xi32>
      %parallel_loop3A_343 = vector.broadcast %mul3A_52 : i32 to vector<16xi32>
      %parallel_loop3A_344 = arith.addi %parallel_loop3A_343, %parallel_loop3A_342 : vector<16xi32>
      %parallel_loop3A_345 = arith.addi %parallel_loop3A_344, %parallel_loop3A_333 : vector<16xi32>
      %parallel_loop3A_346 = arith.index_cast %parallel_loop3A_305 : i32 to index
      %parallel_loop3A_347 = tpu.vector_load %arg16[%parallel_loop3A_346] {strides = array<i32>} : memref<4096xi32, #tpu.memory_space<vmem>>, vector<16xi32>,
      %parallel_loop3A_348 = vector.shape_cast %parallel_loop3A_347 : vector<16xi32> to vector<16xi32>
      %parallel_loop3A_349 = vector.shape_cast %parallel_loop3A_345 : vector<16xi32> to vector<16xi32>
      tpu.vector_store %arg16[%parallel_loop3A_346], %parallel_loop3A_349 {strides = array<i32>} : memref<4096xi32, #tpu.memory_space<vmem>>, vector<16xi32>,
    } {sc.loop_unroll_factor = 4 : i64, sc.parallel_access}
    "tpu.region"() ({
      %run_scoped3A_305 = tpu.sem_alloc : memref<!tpu.dma_semaphore, #tpu.memory_space<semaphore_mem>>
      %dma_start3A_306 = arith.constant 0 : i32
      %dma_start3A_307 = tpu.memref_slice %arg8[%dma_start3A_306] : memref<262144xi32, #tpu.memory_space<vmem_shared>> -> memref<262144xi32, #tpu.memory_space<vmem_shared>>
      tpu.enqueue_indirect_dma source(%arg19 : memref<4096xi32, #tpu.memory_space<vmem>>) target(%dma_start3A_307 : memref<262144xi32, #tpu.memory_space<vmem_shared>>) offsets(%arg16 : memref<4096xi32, #tpu.memory_space<vmem>>) semaphore(%run_scoped3A_305 : memref<!tpu.dma_semaphore, #tpu.memory_space<semaphore_mem>>) {add = true}
      %dma_wait3A_308 = arith.constant 0 : i32
      %dma_wait3A_309 = tpu.memref_slice %arg8[%dma_wait3A_308] : memref<262144xi32, #tpu.memory_space<vmem_shared>> -> memref<262144xi32, #tpu.memory_space<vmem_shared>>
      tpu.wait_indirect_dma semaphore(%run_scoped3A_305 : memref<!tpu.dma_semaphore, #tpu.memory_space<semaphore_mem>>) src(%arg19 : memref<4096xi32, #tpu.memory_space<vmem>>) dst(%dma_wait3A_309 : memref<262144xi32, #tpu.memory_space<vmem_shared>>)
      tpu.yield
    }) : () -> ()
    %add3A_250 = arith.constant 4096 : i32
    %add3A_251 = arith.addi %mul3A_32, %add3A_250 : i32
    "tpu.region"() ({
      %run_scoped3A_305 = tpu.sem_alloc : memref<!tpu.dma_semaphore, #tpu.memory_space<semaphore_mem>>
      %dma_start3A_306 = tpu.memref_slice %arg5[%add3A, %add3A_251] : memref<8x65536xi32, #tpu.memory_space<hbm>> -> memref<1x4096xi32, #tpu.memory_space<hbm>>
      %dma_start3A_307 = tpu.memref_squeeze %dma_start3A_306 : memref<1x4096xi32, #tpu.memory_space<hbm>> -> memref<4096xi32, #tpu.memory_space<hbm>>
      %dma_start3A_308 = tpu.memref_slice %arg5[%add3A, %add3A_251] : memref<8x65536xi32, #tpu.memory_space<hbm>> -> memref<1x4096xi32, #tpu.memory_space<hbm>>
      %dma_start3A_309 = tpu.memref_squeeze %dma_start3A_308 : memref<1x4096xi32, #tpu.memory_space<hbm>> -> memref<4096xi32, #tpu.memory_space<hbm>>
      tpu.enqueue_dma source(%arg16 : memref<4096xi32, #tpu.memory_space<vmem>>) target(%dma_start3A_309 : memref<4096xi32, #tpu.memory_space<hbm>>) target_semaphore(%run_scoped3A_305 : memref<!tpu.dma_semaphore, #tpu.memory_space<semaphore_mem>>)
      %dma_wait3A_310 = tpu.memref_slice %arg5[%add3A, %add3A_251] : memref<8x65536xi32, #tpu.memory_space<hbm>> -> memref<1x4096xi32, #tpu.memory_space<hbm>>
      %dma_wait3A_311 = tpu.memref_squeeze %dma_wait3A_310 : memref<1x4096xi32, #tpu.memory_space<hbm>> -> memref<4096xi32, #tpu.memory_space<hbm>>
      %dma_wait3A_312 = tpu.memref_slice %arg5[%add3A, %add3A_251] : memref<8x65536xi32, #tpu.memory_space<hbm>> -> memref<1x4096xi32, #tpu.memory_space<hbm>>
      %dma_wait3A_313 = tpu.memref_squeeze %dma_wait3A_312 : memref<1x4096xi32, #tpu.memory_space<hbm>> -> memref<4096xi32, #tpu.memory_space<hbm>>
      tpu.wait_dma2 semaphore(%run_scoped3A_305 : memref<!tpu.dma_semaphore, #tpu.memory_space<semaphore_mem>>) src(%arg16 : memref<4096xi32, #tpu.memory_space<vmem>>) dst(%dma_wait3A_313 : memref<4096xi32, #tpu.memory_space<hbm>>)
      tpu.yield
    }) : () -> ()
    %dma_start3A_252 = arith.constant 0 : i32
    %dma_start3A_253 = tpu.memref_slice %arg6[%dma_start3A_252] : memref<262144xf32, #tpu.memory_space<vmem_shared>> -> memref<262144xf32, #tpu.memory_space<vmem_shared>>
    tpu.enqueue_indirect_dma source(%dma_start3A_253 : memref<262144xf32, #tpu.memory_space<vmem_shared>>) target(%arg13 : memref<4096xf32, #tpu.memory_space<vmem>>) offsets(%arg16 : memref<4096xi32, #tpu.memory_space<vmem>>) semaphore(%arg22 : memref<!tpu.dma_semaphore, #tpu.memory_space<semaphore_mem>>)
    %dma_start3A_254 = arith.constant 0 : i32
    %dma_start3A_255 = tpu.memref_slice %arg7[%dma_start3A_254] : memref<262144xf32, #tpu.memory_space<vmem_shared>> -> memref<262144xf32, #tpu.memory_space<vmem_shared>>
    tpu.enqueue_indirect_dma source(%dma_start3A_255 : memref<262144xf32, #tpu.memory_space<vmem_shared>>) target(%arg14 : memref<4096xf32, #tpu.memory_space<vmem>>) offsets(%arg16 : memref<4096xi32, #tpu.memory_space<vmem>>) semaphore(%arg23 : memref<!tpu.dma_semaphore, #tpu.memory_space<semaphore_mem>>)
    %dma_wait3A_256 = arith.constant 0 : i32
    %dma_wait3A_257 = tpu.memref_slice %arg6[%dma_wait3A_256] : memref<262144xf32, #tpu.memory_space<vmem_shared>> -> memref<262144xf32, #tpu.memory_space<vmem_shared>>
    tpu.wait_indirect_dma semaphore(%arg20 : memref<!tpu.dma_semaphore, #tpu.memory_space<semaphore_mem>>) src(%dma_wait3A_257 : memref<262144xf32, #tpu.memory_space<vmem_shared>>) dst(%arg11 : memref<4096xf32, #tpu.memory_space<vmem>>)
    %dma_wait3A_258 = arith.constant 0 : i32
    %dma_wait3A_259 = tpu.memref_slice %arg7[%dma_wait3A_258] : memref<262144xf32, #tpu.memory_space<vmem_shared>> -> memref<262144xf32, #tpu.memory_space<vmem_shared>>
    tpu.wait_indirect_dma semaphore(%arg21 : memref<!tpu.dma_semaphore, #tpu.memory_space<semaphore_mem>>) src(%dma_wait3A_259 : memref<262144xf32, #tpu.memory_space<vmem_shared>>) dst(%arg12 : memref<4096xf32, #tpu.memory_space<vmem>>)
    %parallel_loop3A_260 = arith.constant 0 : i32
    %parallel_loop3A_261 = arith.constant 4096 : i32
    %parallel_loop3A_262 = arith.constant 16 : i32
    scf.for %parallel_loop3A_305 = %parallel_loop3A_260 to %parallel_loop3A_261 step %parallel_loop3A_262  : i32 {
      %parallel_loop3A_306 = arith.constant 0 : i32
      %parallel_loop3A_307 = arith.addi %parallel_loop3A_306, %parallel_loop3A_305 : i32
      %parallel_loop3A_308 = arith.index_cast %parallel_loop3A_307 : i32 to index
      %parallel_loop3A_309 = tpu.vector_load %arg9[%parallel_loop3A_308] {strides = array<i32>} : memref<16384xf32, #tpu.memory_space<vmem>>, vector<16xf32>,
      %parallel_loop3A_310 = vector.shape_cast %parallel_loop3A_309 : vector<16xf32> to vector<16xf32>
      %parallel_loop3A_311 = arith.index_cast %parallel_loop3A_305 : i32 to index
      %parallel_loop3A_312 = tpu.vector_load %arg11[%parallel_loop3A_311] {strides = array<i32>} : memref<4096xf32, #tpu.memory_space<vmem>>, vector<16xf32>,
      %parallel_loop3A_313 = vector.shape_cast %parallel_loop3A_312 : vector<16xf32> to vector<16xf32>
      %parallel_loop3A_314 = arith.addf %parallel_loop3A_310, %parallel_loop3A_313 : vector<16xf32>
      %parallel_loop3A_315 = arith.index_cast %parallel_loop3A_307 : i32 to index
      %parallel_loop3A_316 = tpu.vector_load %arg9[%parallel_loop3A_315] {strides = array<i32>} : memref<16384xf32, #tpu.memory_space<vmem>>, vector<16xf32>,
      %parallel_loop3A_317 = vector.shape_cast %parallel_loop3A_316 : vector<16xf32> to vector<16xf32>
      %parallel_loop3A_318 = vector.shape_cast %parallel_loop3A_314 : vector<16xf32> to vector<16xf32>
      tpu.vector_store %arg9[%parallel_loop3A_315], %parallel_loop3A_318 {strides = array<i32>} : memref<16384xf32, #tpu.memory_space<vmem>>, vector<16xf32>,
      %parallel_loop3A_319 = arith.index_cast %parallel_loop3A_307 : i32 to index
      %parallel_loop3A_320 = tpu.vector_load %arg10[%parallel_loop3A_319] {strides = array<i32>} : memref<16384xf32, #tpu.memory_space<vmem>>, vector<16xf32>,
      %parallel_loop3A_321 = vector.shape_cast %parallel_loop3A_320 : vector<16xf32> to vector<16xf32>
      %parallel_loop3A_322 = arith.index_cast %parallel_loop3A_305 : i32 to index
      %parallel_loop3A_323 = tpu.vector_load %arg12[%parallel_loop3A_322] {strides = array<i32>} : memref<4096xf32, #tpu.memory_space<vmem>>, vector<16xf32>,
      %parallel_loop3A_324 = vector.shape_cast %parallel_loop3A_323 : vector<16xf32> to vector<16xf32>
      %parallel_loop3A_325 = arith.addf %parallel_loop3A_321, %parallel_loop3A_324 : vector<16xf32>
      %parallel_loop3A_326 = arith.index_cast %parallel_loop3A_307 : i32 to index
      %parallel_loop3A_327 = tpu.vector_load %arg10[%parallel_loop3A_326] {strides = array<i32>} : memref<16384xf32, #tpu.memory_space<vmem>>, vector<16xf32>,
      %parallel_loop3A_328 = vector.shape_cast %parallel_loop3A_327 : vector<16xf32> to vector<16xf32>
      %parallel_loop3A_329 = vector.shape_cast %parallel_loop3A_325 : vector<16xf32> to vector<16xf32>
      tpu.vector_store %arg10[%parallel_loop3A_326], %parallel_loop3A_329 {strides = array<i32>} : memref<16384xf32, #tpu.memory_space<vmem>>, vector<16xf32>,
    } {sc.loop_unroll_factor = 4 : i64, sc.parallel_access}
    %parallel_loop3A_263 = arith.constant 0 : i32
    %parallel_loop3A_264 = arith.constant 4096 : i32
    %parallel_loop3A_265 = arith.constant 16 : i32
    scf.for %parallel_loop3A_305 = %parallel_loop3A_263 to %parallel_loop3A_264 step %parallel_loop3A_265  : i32 {
      %parallel_loop3A_306 = arith.constant 8192 : i32
      %parallel_loop3A_307 = arith.addi %parallel_loop3A_306, %parallel_loop3A_305 : i32
      %parallel_loop3A_308 = arith.index_cast %parallel_loop3A_307 : i32 to index
      %parallel_loop3A_309 = tpu.vector_load %arg9[%parallel_loop3A_308] {strides = array<i32>} : memref<16384xf32, #tpu.memory_space<vmem>>, vector<16xf32>,
      %parallel_loop3A_310 = vector.shape_cast %parallel_loop3A_309 : vector<16xf32> to vector<16xf32>
      %parallel_loop3A_311 = arith.index_cast %parallel_loop3A_307 : i32 to index
      %parallel_loop3A_312 = tpu.vector_load %arg10[%parallel_loop3A_311] {strides = array<i32>} : memref<16384xf32, #tpu.memory_space<vmem>>, vector<16xf32>,
      %parallel_loop3A_313 = vector.shape_cast %parallel_loop3A_312 : vector<16xf32> to vector<16xf32>
      %parallel_loop3A_314 = arith.constant 255 : i32
      %parallel_loop3A_315 = arith.andi %parallel_loop3A_307, %parallel_loop3A_314 : i32
      %parallel_loop3A_316 = arith.sitofp %parallel_loop3A_315 : i32 to f32
      %parallel_loop3A_317 = vector.broadcast %parallel_loop3A_316 : f32 to vector<16xf32>
      %parallel_loop3A_318 = arith.addf %convert_element_type3A, %parallel_loop3A_317 : vector<16xf32>
      %parallel_loop3A_319 = arith.constant 8 : i32
      %parallel_loop3A_320 = arith.shrsi %parallel_loop3A_307, %parallel_loop3A_319 : i32
      %parallel_loop3A_321 = arith.addi %mul3A_50, %parallel_loop3A_320 : i32
      %parallel_loop3A_322 = arith.sitofp %parallel_loop3A_321 : i32 to f32
      %parallel_loop3A_323 = arith.addf %parallel_loop3A_318, %parallel_loop3A_310 : vector<16xf32>
      %parallel_loop3A_324 = arith.fptosi %parallel_loop3A_323 : vector<16xf32> to vector<16xi32>
      %parallel_loop3A_325 = vector.broadcast %parallel_loop3A_322 : f32 to vector<16xf32>
      %parallel_loop3A_326 = arith.addf %parallel_loop3A_325, %parallel_loop3A_313 : vector<16xf32>
      %parallel_loop3A_327 = arith.fptosi %parallel_loop3A_326 : vector<16xf32> to vector<16xi32>
      %parallel_loop3A_328 = arith.constant 0 : i32
      %parallel_loop3A_329 = vector.broadcast %parallel_loop3A_328 : i32 to vector<16xi32>
      %parallel_loop3A_330 = arith.maxsi %parallel_loop3A_324, %parallel_loop3A_329 : vector<16xi32>
      %parallel_loop3A_331 = arith.constant 255 : i32
      %parallel_loop3A_332 = vector.broadcast %parallel_loop3A_331 : i32 to vector<16xi32>
      %parallel_loop3A_333 = arith.minsi %parallel_loop3A_330, %parallel_loop3A_332 : vector<16xi32>
      %parallel_loop3A_334 = arith.constant 0 : i32
      %parallel_loop3A_335 = vector.broadcast %parallel_loop3A_334 : i32 to vector<16xi32>
      %parallel_loop3A_336 = arith.maxsi %parallel_loop3A_327, %parallel_loop3A_335 : vector<16xi32>
      %parallel_loop3A_337 = arith.constant 255 : i32
      %parallel_loop3A_338 = vector.broadcast %parallel_loop3A_337 : i32 to vector<16xi32>
      %parallel_loop3A_339 = arith.minsi %parallel_loop3A_336, %parallel_loop3A_338 : vector<16xi32>
      %parallel_loop3A_340 = arith.constant 8 : i32
      %parallel_loop3A_341 = vector.broadcast %parallel_loop3A_340 : i32 to vector<16xi32>
      %parallel_loop3A_342 = arith.shli %parallel_loop3A_339, %parallel_loop3A_341 : vector<16xi32>
      %parallel_loop3A_343 = vector.broadcast %mul3A_52 : i32 to vector<16xi32>
      %parallel_loop3A_344 = arith.addi %parallel_loop3A_343, %parallel_loop3A_342 : vector<16xi32>
      %parallel_loop3A_345 = arith.addi %parallel_loop3A_344, %parallel_loop3A_333 : vector<16xi32>
      %parallel_loop3A_346 = arith.index_cast %parallel_loop3A_305 : i32 to index
      %parallel_loop3A_347 = tpu.vector_load %arg17[%parallel_loop3A_346] {strides = array<i32>} : memref<4096xi32, #tpu.memory_space<vmem>>, vector<16xi32>,
      %parallel_loop3A_348 = vector.shape_cast %parallel_loop3A_347 : vector<16xi32> to vector<16xi32>
      %parallel_loop3A_349 = vector.shape_cast %parallel_loop3A_345 : vector<16xi32> to vector<16xi32>
      tpu.vector_store %arg17[%parallel_loop3A_346], %parallel_loop3A_349 {strides = array<i32>} : memref<4096xi32, #tpu.memory_space<vmem>>, vector<16xi32>,
    } {sc.loop_unroll_factor = 4 : i64, sc.parallel_access}
    "tpu.region"() ({
      %run_scoped3A_305 = tpu.sem_alloc : memref<!tpu.dma_semaphore, #tpu.memory_space<semaphore_mem>>
      %dma_start3A_306 = arith.constant 0 : i32
      %dma_start3A_307 = tpu.memref_slice %arg8[%dma_start3A_306] : memref<262144xi32, #tpu.memory_space<vmem_shared>> -> memref<262144xi32, #tpu.memory_space<vmem_shared>>
      tpu.enqueue_indirect_dma source(%arg19 : memref<4096xi32, #tpu.memory_space<vmem>>) target(%dma_start3A_307 : memref<262144xi32, #tpu.memory_space<vmem_shared>>) offsets(%arg17 : memref<4096xi32, #tpu.memory_space<vmem>>) semaphore(%run_scoped3A_305 : memref<!tpu.dma_semaphore, #tpu.memory_space<semaphore_mem>>) {add = true}
      %dma_wait3A_308 = arith.constant 0 : i32
      %dma_wait3A_309 = tpu.memref_slice %arg8[%dma_wait3A_308] : memref<262144xi32, #tpu.memory_space<vmem_shared>> -> memref<262144xi32, #tpu.memory_space<vmem_shared>>
      tpu.wait_indirect_dma semaphore(%run_scoped3A_305 : memref<!tpu.dma_semaphore, #tpu.memory_space<semaphore_mem>>) src(%arg19 : memref<4096xi32, #tpu.memory_space<vmem>>) dst(%dma_wait3A_309 : memref<262144xi32, #tpu.memory_space<vmem_shared>>)
      tpu.yield
    }) : () -> ()
    %add3A_266 = arith.constant 8192 : i32
    %add3A_267 = arith.addi %mul3A_32, %add3A_266 : i32
    "tpu.region"() ({
      %run_scoped3A_305 = tpu.sem_alloc : memref<!tpu.dma_semaphore, #tpu.memory_space<semaphore_mem>>
      %dma_start3A_306 = tpu.memref_slice %arg5[%add3A, %add3A_267] : memref<8x65536xi32, #tpu.memory_space<hbm>> -> memref<1x4096xi32, #tpu.memory_space<hbm>>
      %dma_start3A_307 = tpu.memref_squeeze %dma_start3A_306 : memref<1x4096xi32, #tpu.memory_space<hbm>> -> memref<4096xi32, #tpu.memory_space<hbm>>
      %dma_start3A_308 = tpu.memref_slice %arg5[%add3A, %add3A_267] : memref<8x65536xi32, #tpu.memory_space<hbm>> -> memref<1x4096xi32, #tpu.memory_space<hbm>>
      %dma_start3A_309 = tpu.memref_squeeze %dma_start3A_308 : memref<1x4096xi32, #tpu.memory_space<hbm>> -> memref<4096xi32, #tpu.memory_space<hbm>>
      tpu.enqueue_dma source(%arg17 : memref<4096xi32, #tpu.memory_space<vmem>>) target(%dma_start3A_309 : memref<4096xi32, #tpu.memory_space<hbm>>) target_semaphore(%run_scoped3A_305 : memref<!tpu.dma_semaphore, #tpu.memory_space<semaphore_mem>>)
      %dma_wait3A_310 = tpu.memref_slice %arg5[%add3A, %add3A_267] : memref<8x65536xi32, #tpu.memory_space<hbm>> -> memref<1x4096xi32, #tpu.memory_space<hbm>>
      %dma_wait3A_311 = tpu.memref_squeeze %dma_wait3A_310 : memref<1x4096xi32, #tpu.memory_space<hbm>> -> memref<4096xi32, #tpu.memory_space<hbm>>
      %dma_wait3A_312 = tpu.memref_slice %arg5[%add3A, %add3A_267] : memref<8x65536xi32, #tpu.memory_space<hbm>> -> memref<1x4096xi32, #tpu.memory_space<hbm>>
      %dma_wait3A_313 = tpu.memref_squeeze %dma_wait3A_312 : memref<1x4096xi32, #tpu.memory_space<hbm>> -> memref<4096xi32, #tpu.memory_space<hbm>>
      tpu.wait_dma2 semaphore(%run_scoped3A_305 : memref<!tpu.dma_semaphore, #tpu.memory_space<semaphore_mem>>) src(%arg17 : memref<4096xi32, #tpu.memory_space<vmem>>) dst(%dma_wait3A_313 : memref<4096xi32, #tpu.memory_space<hbm>>)
      tpu.yield
    }) : () -> ()
    %dma_start3A_268 = arith.constant 0 : i32
    %dma_start3A_269 = tpu.memref_slice %arg6[%dma_start3A_268] : memref<262144xf32, #tpu.memory_space<vmem_shared>> -> memref<262144xf32, #tpu.memory_space<vmem_shared>>
    tpu.enqueue_indirect_dma source(%dma_start3A_269 : memref<262144xf32, #tpu.memory_space<vmem_shared>>) target(%arg11 : memref<4096xf32, #tpu.memory_space<vmem>>) offsets(%arg17 : memref<4096xi32, #tpu.memory_space<vmem>>) semaphore(%arg20 : memref<!tpu.dma_semaphore, #tpu.memory_space<semaphore_mem>>)
    %dma_start3A_270 = arith.constant 0 : i32
    %dma_start3A_271 = tpu.memref_slice %arg7[%dma_start3A_270] : memref<262144xf32, #tpu.memory_space<vmem_shared>> -> memref<262144xf32, #tpu.memory_space<vmem_shared>>
    tpu.enqueue_indirect_dma source(%dma_start3A_271 : memref<262144xf32, #tpu.memory_space<vmem_shared>>) target(%arg12 : memref<4096xf32, #tpu.memory_space<vmem>>) offsets(%arg17 : memref<4096xi32, #tpu.memory_space<vmem>>) semaphore(%arg21 : memref<!tpu.dma_semaphore, #tpu.memory_space<semaphore_mem>>)
    %dma_wait3A_272 = arith.constant 0 : i32
    %dma_wait3A_273 = tpu.memref_slice %arg6[%dma_wait3A_272] : memref<262144xf32, #tpu.memory_space<vmem_shared>> -> memref<262144xf32, #tpu.memory_space<vmem_shared>>
    tpu.wait_indirect_dma semaphore(%arg22 : memref<!tpu.dma_semaphore, #tpu.memory_space<semaphore_mem>>) src(%dma_wait3A_273 : memref<262144xf32, #tpu.memory_space<vmem_shared>>) dst(%arg13 : memref<4096xf32, #tpu.memory_space<vmem>>)
    %dma_wait3A_274 = arith.constant 0 : i32
    %dma_wait3A_275 = tpu.memref_slice %arg7[%dma_wait3A_274] : memref<262144xf32, #tpu.memory_space<vmem_shared>> -> memref<262144xf32, #tpu.memory_space<vmem_shared>>
    tpu.wait_indirect_dma semaphore(%arg23 : memref<!tpu.dma_semaphore, #tpu.memory_space<semaphore_mem>>) src(%dma_wait3A_275 : memref<262144xf32, #tpu.memory_space<vmem_shared>>) dst(%arg14 : memref<4096xf32, #tpu.memory_space<vmem>>)
    %parallel_loop3A_276 = arith.constant 0 : i32
    %parallel_loop3A_277 = arith.constant 4096 : i32
    %parallel_loop3A_278 = arith.constant 16 : i32
    scf.for %parallel_loop3A_305 = %parallel_loop3A_276 to %parallel_loop3A_277 step %parallel_loop3A_278  : i32 {
      %parallel_loop3A_306 = arith.constant 4096 : i32
      %parallel_loop3A_307 = arith.addi %parallel_loop3A_306, %parallel_loop3A_305 : i32
      %parallel_loop3A_308 = arith.index_cast %parallel_loop3A_307 : i32 to index
      %parallel_loop3A_309 = tpu.vector_load %arg9[%parallel_loop3A_308] {strides = array<i32>} : memref<16384xf32, #tpu.memory_space<vmem>>, vector<16xf32>,
      %parallel_loop3A_310 = vector.shape_cast %parallel_loop3A_309 : vector<16xf32> to vector<16xf32>
      %parallel_loop3A_311 = arith.index_cast %parallel_loop3A_305 : i32 to index
      %parallel_loop3A_312 = tpu.vector_load %arg13[%parallel_loop3A_311] {strides = array<i32>} : memref<4096xf32, #tpu.memory_space<vmem>>, vector<16xf32>,
      %parallel_loop3A_313 = vector.shape_cast %parallel_loop3A_312 : vector<16xf32> to vector<16xf32>
      %parallel_loop3A_314 = arith.addf %parallel_loop3A_310, %parallel_loop3A_313 : vector<16xf32>
      %parallel_loop3A_315 = arith.index_cast %parallel_loop3A_307 : i32 to index
      %parallel_loop3A_316 = tpu.vector_load %arg9[%parallel_loop3A_315] {strides = array<i32>} : memref<16384xf32, #tpu.memory_space<vmem>>, vector<16xf32>,
      %parallel_loop3A_317 = vector.shape_cast %parallel_loop3A_316 : vector<16xf32> to vector<16xf32>
      %parallel_loop3A_318 = vector.shape_cast %parallel_loop3A_314 : vector<16xf32> to vector<16xf32>
      tpu.vector_store %arg9[%parallel_loop3A_315], %parallel_loop3A_318 {strides = array<i32>} : memref<16384xf32, #tpu.memory_space<vmem>>, vector<16xf32>,
      %parallel_loop3A_319 = arith.index_cast %parallel_loop3A_307 : i32 to index
      %parallel_loop3A_320 = tpu.vector_load %arg10[%parallel_loop3A_319] {strides = array<i32>} : memref<16384xf32, #tpu.memory_space<vmem>>, vector<16xf32>,
      %parallel_loop3A_321 = vector.shape_cast %parallel_loop3A_320 : vector<16xf32> to vector<16xf32>
      %parallel_loop3A_322 = arith.index_cast %parallel_loop3A_305 : i32 to index
      %parallel_loop3A_323 = tpu.vector_load %arg14[%parallel_loop3A_322] {strides = array<i32>} : memref<4096xf32, #tpu.memory_space<vmem>>, vector<16xf32>,
      %parallel_loop3A_324 = vector.shape_cast %parallel_loop3A_323 : vector<16xf32> to vector<16xf32>
      %parallel_loop3A_325 = arith.addf %parallel_loop3A_321, %parallel_loop3A_324 : vector<16xf32>
      %parallel_loop3A_326 = arith.index_cast %parallel_loop3A_307 : i32 to index
      %parallel_loop3A_327 = tpu.vector_load %arg10[%parallel_loop3A_326] {strides = array<i32>} : memref<16384xf32, #tpu.memory_space<vmem>>, vector<16xf32>,
      %parallel_loop3A_328 = vector.shape_cast %parallel_loop3A_327 : vector<16xf32> to vector<16xf32>
      %parallel_loop3A_329 = vector.shape_cast %parallel_loop3A_325 : vector<16xf32> to vector<16xf32>
      tpu.vector_store %arg10[%parallel_loop3A_326], %parallel_loop3A_329 {strides = array<i32>} : memref<16384xf32, #tpu.memory_space<vmem>>, vector<16xf32>,
    } {sc.loop_unroll_factor = 4 : i64, sc.parallel_access}
    %parallel_loop3A_279 = arith.constant 0 : i32
    %parallel_loop3A_280 = arith.constant 4096 : i32
    %parallel_loop3A_281 = arith.constant 16 : i32
    scf.for %parallel_loop3A_305 = %parallel_loop3A_279 to %parallel_loop3A_280 step %parallel_loop3A_281  : i32 {
      %parallel_loop3A_306 = arith.constant 12288 : i32
      %parallel_loop3A_307 = arith.addi %parallel_loop3A_306, %parallel_loop3A_305 : i32
      %parallel_loop3A_308 = arith.index_cast %parallel_loop3A_307 : i32 to index
      %parallel_loop3A_309 = tpu.vector_load %arg9[%parallel_loop3A_308] {strides = array<i32>} : memref<16384xf32, #tpu.memory_space<vmem>>, vector<16xf32>,
      %parallel_loop3A_310 = vector.shape_cast %parallel_loop3A_309 : vector<16xf32> to vector<16xf32>
      %parallel_loop3A_311 = arith.index_cast %parallel_loop3A_307 : i32 to index
      %parallel_loop3A_312 = tpu.vector_load %arg10[%parallel_loop3A_311] {strides = array<i32>} : memref<16384xf32, #tpu.memory_space<vmem>>, vector<16xf32>,
      %parallel_loop3A_313 = vector.shape_cast %parallel_loop3A_312 : vector<16xf32> to vector<16xf32>
      %parallel_loop3A_314 = arith.constant 255 : i32
      %parallel_loop3A_315 = arith.andi %parallel_loop3A_307, %parallel_loop3A_314 : i32
      %parallel_loop3A_316 = arith.sitofp %parallel_loop3A_315 : i32 to f32
      %parallel_loop3A_317 = vector.broadcast %parallel_loop3A_316 : f32 to vector<16xf32>
      %parallel_loop3A_318 = arith.addf %convert_element_type3A, %parallel_loop3A_317 : vector<16xf32>
      %parallel_loop3A_319 = arith.constant 8 : i32
      %parallel_loop3A_320 = arith.shrsi %parallel_loop3A_307, %parallel_loop3A_319 : i32
      %parallel_loop3A_321 = arith.addi %mul3A_50, %parallel_loop3A_320 : i32
      %parallel_loop3A_322 = arith.sitofp %parallel_loop3A_321 : i32 to f32
      %parallel_loop3A_323 = arith.addf %parallel_loop3A_318, %parallel_loop3A_310 : vector<16xf32>
      %parallel_loop3A_324 = arith.fptosi %parallel_loop3A_323 : vector<16xf32> to vector<16xi32>
      %parallel_loop3A_325 = vector.broadcast %parallel_loop3A_322 : f32 to vector<16xf32>
      %parallel_loop3A_326 = arith.addf %parallel_loop3A_325, %parallel_loop3A_313 : vector<16xf32>
      %parallel_loop3A_327 = arith.fptosi %parallel_loop3A_326 : vector<16xf32> to vector<16xi32>
      %parallel_loop3A_328 = arith.constant 0 : i32
      %parallel_loop3A_329 = vector.broadcast %parallel_loop3A_328 : i32 to vector<16xi32>
      %parallel_loop3A_330 = arith.maxsi %parallel_loop3A_324, %parallel_loop3A_329 : vector<16xi32>
      %parallel_loop3A_331 = arith.constant 255 : i32
      %parallel_loop3A_332 = vector.broadcast %parallel_loop3A_331 : i32 to vector<16xi32>
      %parallel_loop3A_333 = arith.minsi %parallel_loop3A_330, %parallel_loop3A_332 : vector<16xi32>
      %parallel_loop3A_334 = arith.constant 0 : i32
      %parallel_loop3A_335 = vector.broadcast %parallel_loop3A_334 : i32 to vector<16xi32>
      %parallel_loop3A_336 = arith.maxsi %parallel_loop3A_327, %parallel_loop3A_335 : vector<16xi32>
      %parallel_loop3A_337 = arith.constant 255 : i32
      %parallel_loop3A_338 = vector.broadcast %parallel_loop3A_337 : i32 to vector<16xi32>
      %parallel_loop3A_339 = arith.minsi %parallel_loop3A_336, %parallel_loop3A_338 : vector<16xi32>
      %parallel_loop3A_340 = arith.constant 8 : i32
      %parallel_loop3A_341 = vector.broadcast %parallel_loop3A_340 : i32 to vector<16xi32>
      %parallel_loop3A_342 = arith.shli %parallel_loop3A_339, %parallel_loop3A_341 : vector<16xi32>
      %parallel_loop3A_343 = vector.broadcast %mul3A_52 : i32 to vector<16xi32>
      %parallel_loop3A_344 = arith.addi %parallel_loop3A_343, %parallel_loop3A_342 : vector<16xi32>
      %parallel_loop3A_345 = arith.addi %parallel_loop3A_344, %parallel_loop3A_333 : vector<16xi32>
      %parallel_loop3A_346 = arith.index_cast %parallel_loop3A_305 : i32 to index
      %parallel_loop3A_347 = tpu.vector_load %arg18[%parallel_loop3A_346] {strides = array<i32>} : memref<4096xi32, #tpu.memory_space<vmem>>, vector<16xi32>,
      %parallel_loop3A_348 = vector.shape_cast %parallel_loop3A_347 : vector<16xi32> to vector<16xi32>
      %parallel_loop3A_349 = vector.shape_cast %parallel_loop3A_345 : vector<16xi32> to vector<16xi32>
      tpu.vector_store %arg18[%parallel_loop3A_346], %parallel_loop3A_349 {strides = array<i32>} : memref<4096xi32, #tpu.memory_space<vmem>>, vector<16xi32>,
    } {sc.loop_unroll_factor = 4 : i64, sc.parallel_access}
    "tpu.region"() ({
      %run_scoped3A_305 = tpu.sem_alloc : memref<!tpu.dma_semaphore, #tpu.memory_space<semaphore_mem>>
      %dma_start3A_306 = arith.constant 0 : i32
      %dma_start3A_307 = tpu.memref_slice %arg8[%dma_start3A_306] : memref<262144xi32, #tpu.memory_space<vmem_shared>> -> memref<262144xi32, #tpu.memory_space<vmem_shared>>
      tpu.enqueue_indirect_dma source(%arg19 : memref<4096xi32, #tpu.memory_space<vmem>>) target(%dma_start3A_307 : memref<262144xi32, #tpu.memory_space<vmem_shared>>) offsets(%arg18 : memref<4096xi32, #tpu.memory_space<vmem>>) semaphore(%run_scoped3A_305 : memref<!tpu.dma_semaphore, #tpu.memory_space<semaphore_mem>>) {add = true}
      %dma_wait3A_308 = arith.constant 0 : i32
      %dma_wait3A_309 = tpu.memref_slice %arg8[%dma_wait3A_308] : memref<262144xi32, #tpu.memory_space<vmem_shared>> -> memref<262144xi32, #tpu.memory_space<vmem_shared>>
      tpu.wait_indirect_dma semaphore(%run_scoped3A_305 : memref<!tpu.dma_semaphore, #tpu.memory_space<semaphore_mem>>) src(%arg19 : memref<4096xi32, #tpu.memory_space<vmem>>) dst(%dma_wait3A_309 : memref<262144xi32, #tpu.memory_space<vmem_shared>>)
      tpu.yield
    }) : () -> ()
    %add3A_282 = arith.constant 12288 : i32
    %add3A_283 = arith.addi %mul3A_32, %add3A_282 : i32
    "tpu.region"() ({
      %run_scoped3A_305 = tpu.sem_alloc : memref<!tpu.dma_semaphore, #tpu.memory_space<semaphore_mem>>
      %dma_start3A_306 = tpu.memref_slice %arg5[%add3A, %add3A_283] : memref<8x65536xi32, #tpu.memory_space<hbm>> -> memref<1x4096xi32, #tpu.memory_space<hbm>>
      %dma_start3A_307 = tpu.memref_squeeze %dma_start3A_306 : memref<1x4096xi32, #tpu.memory_space<hbm>> -> memref<4096xi32, #tpu.memory_space<hbm>>
      %dma_start3A_308 = tpu.memref_slice %arg5[%add3A, %add3A_283] : memref<8x65536xi32, #tpu.memory_space<hbm>> -> memref<1x4096xi32, #tpu.memory_space<hbm>>
      %dma_start3A_309 = tpu.memref_squeeze %dma_start3A_308 : memref<1x4096xi32, #tpu.memory_space<hbm>> -> memref<4096xi32, #tpu.memory_space<hbm>>
      tpu.enqueue_dma source(%arg18 : memref<4096xi32, #tpu.memory_space<vmem>>) target(%dma_start3A_309 : memref<4096xi32, #tpu.memory_space<hbm>>) target_semaphore(%run_scoped3A_305 : memref<!tpu.dma_semaphore, #tpu.memory_space<semaphore_mem>>)
      %dma_wait3A_310 = tpu.memref_slice %arg5[%add3A, %add3A_283] : memref<8x65536xi32, #tpu.memory_space<hbm>> -> memref<1x4096xi32, #tpu.memory_space<hbm>>
      %dma_wait3A_311 = tpu.memref_squeeze %dma_wait3A_310 : memref<1x4096xi32, #tpu.memory_space<hbm>> -> memref<4096xi32, #tpu.memory_space<hbm>>
      %dma_wait3A_312 = tpu.memref_slice %arg5[%add3A, %add3A_283] : memref<8x65536xi32, #tpu.memory_space<hbm>> -> memref<1x4096xi32, #tpu.memory_space<hbm>>
      %dma_wait3A_313 = tpu.memref_squeeze %dma_wait3A_312 : memref<1x4096xi32, #tpu.memory_space<hbm>> -> memref<4096xi32, #tpu.memory_space<hbm>>
      tpu.wait_dma2 semaphore(%run_scoped3A_305 : memref<!tpu.dma_semaphore, #tpu.memory_space<semaphore_mem>>) src(%arg18 : memref<4096xi32, #tpu.memory_space<vmem>>) dst(%dma_wait3A_313 : memref<4096xi32, #tpu.memory_space<hbm>>)
      tpu.yield
    }) : () -> ()
    %dma_start3A_284 = arith.constant 0 : i32
    %dma_start3A_285 = tpu.memref_slice %arg6[%dma_start3A_284] : memref<262144xf32, #tpu.memory_space<vmem_shared>> -> memref<262144xf32, #tpu.memory_space<vmem_shared>>
    tpu.enqueue_indirect_dma source(%dma_start3A_285 : memref<262144xf32, #tpu.memory_space<vmem_shared>>) target(%arg13 : memref<4096xf32, #tpu.memory_space<vmem>>) offsets(%arg18 : memref<4096xi32, #tpu.memory_space<vmem>>) semaphore(%arg22 : memref<!tpu.dma_semaphore, #tpu.memory_space<semaphore_mem>>)
    %dma_start3A_286 = arith.constant 0 : i32
    %dma_start3A_287 = tpu.memref_slice %arg7[%dma_start3A_286] : memref<262144xf32, #tpu.memory_space<vmem_shared>> -> memref<262144xf32, #tpu.memory_space<vmem_shared>>
    tpu.enqueue_indirect_dma source(%dma_start3A_287 : memref<262144xf32, #tpu.memory_space<vmem_shared>>) target(%arg14 : memref<4096xf32, #tpu.memory_space<vmem>>) offsets(%arg18 : memref<4096xi32, #tpu.memory_space<vmem>>) semaphore(%arg23 : memref<!tpu.dma_semaphore, #tpu.memory_space<semaphore_mem>>)
    %dma_wait3A_288 = arith.constant 0 : i32
    %dma_wait3A_289 = tpu.memref_slice %arg6[%dma_wait3A_288] : memref<262144xf32, #tpu.memory_space<vmem_shared>> -> memref<262144xf32, #tpu.memory_space<vmem_shared>>
    tpu.wait_indirect_dma semaphore(%arg20 : memref<!tpu.dma_semaphore, #tpu.memory_space<semaphore_mem>>) src(%dma_wait3A_289 : memref<262144xf32, #tpu.memory_space<vmem_shared>>) dst(%arg11 : memref<4096xf32, #tpu.memory_space<vmem>>)
    %dma_wait3A_290 = arith.constant 0 : i32
    %dma_wait3A_291 = tpu.memref_slice %arg7[%dma_wait3A_290] : memref<262144xf32, #tpu.memory_space<vmem_shared>> -> memref<262144xf32, #tpu.memory_space<vmem_shared>>
    tpu.wait_indirect_dma semaphore(%arg21 : memref<!tpu.dma_semaphore, #tpu.memory_space<semaphore_mem>>) src(%dma_wait3A_291 : memref<262144xf32, #tpu.memory_space<vmem_shared>>) dst(%arg12 : memref<4096xf32, #tpu.memory_space<vmem>>)
    %parallel_loop3A_292 = arith.constant 0 : i32
    %parallel_loop3A_293 = arith.constant 4096 : i32
    %parallel_loop3A_294 = arith.constant 16 : i32
    scf.for %parallel_loop3A_305 = %parallel_loop3A_292 to %parallel_loop3A_293 step %parallel_loop3A_294  : i32 {
      %parallel_loop3A_306 = arith.constant 8192 : i32
      %parallel_loop3A_307 = arith.addi %parallel_loop3A_306, %parallel_loop3A_305 : i32
      %parallel_loop3A_308 = arith.index_cast %parallel_loop3A_307 : i32 to index
      %parallel_loop3A_309 = tpu.vector_load %arg9[%parallel_loop3A_308] {strides = array<i32>} : memref<16384xf32, #tpu.memory_space<vmem>>, vector<16xf32>,
      %parallel_loop3A_310 = vector.shape_cast %parallel_loop3A_309 : vector<16xf32> to vector<16xf32>
      %parallel_loop3A_311 = arith.index_cast %parallel_loop3A_305 : i32 to index
      %parallel_loop3A_312 = tpu.vector_load %arg11[%parallel_loop3A_311] {strides = array<i32>} : memref<4096xf32, #tpu.memory_space<vmem>>, vector<16xf32>,
      %parallel_loop3A_313 = vector.shape_cast %parallel_loop3A_312 : vector<16xf32> to vector<16xf32>
      %parallel_loop3A_314 = arith.addf %parallel_loop3A_310, %parallel_loop3A_313 : vector<16xf32>
      %parallel_loop3A_315 = arith.index_cast %parallel_loop3A_307 : i32 to index
      %parallel_loop3A_316 = tpu.vector_load %arg9[%parallel_loop3A_315] {strides = array<i32>} : memref<16384xf32, #tpu.memory_space<vmem>>, vector<16xf32>,
      %parallel_loop3A_317 = vector.shape_cast %parallel_loop3A_316 : vector<16xf32> to vector<16xf32>
      %parallel_loop3A_318 = vector.shape_cast %parallel_loop3A_314 : vector<16xf32> to vector<16xf32>
      tpu.vector_store %arg9[%parallel_loop3A_315], %parallel_loop3A_318 {strides = array<i32>} : memref<16384xf32, #tpu.memory_space<vmem>>, vector<16xf32>,
      %parallel_loop3A_319 = arith.index_cast %parallel_loop3A_307 : i32 to index
      %parallel_loop3A_320 = tpu.vector_load %arg10[%parallel_loop3A_319] {strides = array<i32>} : memref<16384xf32, #tpu.memory_space<vmem>>, vector<16xf32>,
      %parallel_loop3A_321 = vector.shape_cast %parallel_loop3A_320 : vector<16xf32> to vector<16xf32>
      %parallel_loop3A_322 = arith.index_cast %parallel_loop3A_305 : i32 to index
      %parallel_loop3A_323 = tpu.vector_load %arg12[%parallel_loop3A_322] {strides = array<i32>} : memref<4096xf32, #tpu.memory_space<vmem>>, vector<16xf32>,
      %parallel_loop3A_324 = vector.shape_cast %parallel_loop3A_323 : vector<16xf32> to vector<16xf32>
      %parallel_loop3A_325 = arith.addf %parallel_loop3A_321, %parallel_loop3A_324 : vector<16xf32>
      %parallel_loop3A_326 = arith.index_cast %parallel_loop3A_307 : i32 to index
      %parallel_loop3A_327 = tpu.vector_load %arg10[%parallel_loop3A_326] {strides = array<i32>} : memref<16384xf32, #tpu.memory_space<vmem>>, vector<16xf32>,
      %parallel_loop3A_328 = vector.shape_cast %parallel_loop3A_327 : vector<16xf32> to vector<16xf32>
      %parallel_loop3A_329 = vector.shape_cast %parallel_loop3A_325 : vector<16xf32> to vector<16xf32>
      tpu.vector_store %arg10[%parallel_loop3A_326], %parallel_loop3A_329 {strides = array<i32>} : memref<16384xf32, #tpu.memory_space<vmem>>, vector<16xf32>,
    } {sc.loop_unroll_factor = 4 : i64, sc.parallel_access}
    %dma_wait3A_295 = arith.constant 0 : i32
    %dma_wait3A_296 = tpu.memref_slice %arg6[%dma_wait3A_295] : memref<262144xf32, #tpu.memory_space<vmem_shared>> -> memref<262144xf32, #tpu.memory_space<vmem_shared>>
    tpu.wait_indirect_dma semaphore(%arg22 : memref<!tpu.dma_semaphore, #tpu.memory_space<semaphore_mem>>) src(%dma_wait3A_296 : memref<262144xf32, #tpu.memory_space<vmem_shared>>) dst(%arg13 : memref<4096xf32, #tpu.memory_space<vmem>>)
    %dma_wait3A_297 = arith.constant 0 : i32
    %dma_wait3A_298 = tpu.memref_slice %arg7[%dma_wait3A_297] : memref<262144xf32, #tpu.memory_space<vmem_shared>> -> memref<262144xf32, #tpu.memory_space<vmem_shared>>
    tpu.wait_indirect_dma semaphore(%arg23 : memref<!tpu.dma_semaphore, #tpu.memory_space<semaphore_mem>>) src(%dma_wait3A_298 : memref<262144xf32, #tpu.memory_space<vmem_shared>>) dst(%arg14 : memref<4096xf32, #tpu.memory_space<vmem>>)
    %parallel_loop3A_299 = arith.constant 0 : i32
    %parallel_loop3A_300 = arith.constant 4096 : i32
    %parallel_loop3A_301 = arith.constant 16 : i32
    scf.for %parallel_loop3A_305 = %parallel_loop3A_299 to %parallel_loop3A_300 step %parallel_loop3A_301  : i32 {
      %parallel_loop3A_306 = arith.constant 12288 : i32
      %parallel_loop3A_307 = arith.addi %parallel_loop3A_306, %parallel_loop3A_305 : i32
      %parallel_loop3A_308 = arith.index_cast %parallel_loop3A_307 : i32 to index
      %parallel_loop3A_309 = tpu.vector_load %arg9[%parallel_loop3A_308] {strides = array<i32>} : memref<16384xf32, #tpu.memory_space<vmem>>, vector<16xf32>,
      %parallel_loop3A_310 = vector.shape_cast %parallel_loop3A_309 : vector<16xf32> to vector<16xf32>
      %parallel_loop3A_311 = arith.index_cast %parallel_loop3A_305 : i32 to index
      %parallel_loop3A_312 = tpu.vector_load %arg13[%parallel_loop3A_311] {strides = array<i32>} : memref<4096xf32, #tpu.memory_space<vmem>>, vector<16xf32>,
      %parallel_loop3A_313 = vector.shape_cast %parallel_loop3A_312 : vector<16xf32> to vector<16xf32>
      %parallel_loop3A_314 = arith.addf %parallel_loop3A_310, %parallel_loop3A_313 : vector<16xf32>
      %parallel_loop3A_315 = arith.index_cast %parallel_loop3A_307 : i32 to index
      %parallel_loop3A_316 = tpu.vector_load %arg9[%parallel_loop3A_315] {strides = array<i32>} : memref<16384xf32, #tpu.memory_space<vmem>>, vector<16xf32>,
      %parallel_loop3A_317 = vector.shape_cast %parallel_loop3A_316 : vector<16xf32> to vector<16xf32>
      %parallel_loop3A_318 = vector.shape_cast %parallel_loop3A_314 : vector<16xf32> to vector<16xf32>
      tpu.vector_store %arg9[%parallel_loop3A_315], %parallel_loop3A_318 {strides = array<i32>} : memref<16384xf32, #tpu.memory_space<vmem>>, vector<16xf32>,
      %parallel_loop3A_319 = arith.index_cast %parallel_loop3A_307 : i32 to index
      %parallel_loop3A_320 = tpu.vector_load %arg10[%parallel_loop3A_319] {strides = array<i32>} : memref<16384xf32, #tpu.memory_space<vmem>>, vector<16xf32>,
      %parallel_loop3A_321 = vector.shape_cast %parallel_loop3A_320 : vector<16xf32> to vector<16xf32>
      %parallel_loop3A_322 = arith.index_cast %parallel_loop3A_305 : i32 to index
      %parallel_loop3A_323 = tpu.vector_load %arg14[%parallel_loop3A_322] {strides = array<i32>} : memref<4096xf32, #tpu.memory_space<vmem>>, vector<16xf32>,
      %parallel_loop3A_324 = vector.shape_cast %parallel_loop3A_323 : vector<16xf32> to vector<16xf32>
      %parallel_loop3A_325 = arith.addf %parallel_loop3A_321, %parallel_loop3A_324 : vector<16xf32>
      %parallel_loop3A_326 = arith.index_cast %parallel_loop3A_307 : i32 to index
      %parallel_loop3A_327 = tpu.vector_load %arg10[%parallel_loop3A_326] {strides = array<i32>} : memref<16384xf32, #tpu.memory_space<vmem>>, vector<16xf32>,
      %parallel_loop3A_328 = vector.shape_cast %parallel_loop3A_327 : vector<16xf32> to vector<16xf32>
      %parallel_loop3A_329 = vector.shape_cast %parallel_loop3A_325 : vector<16xf32> to vector<16xf32>
      tpu.vector_store %arg10[%parallel_loop3A_326], %parallel_loop3A_329 {strides = array<i32>} : memref<16384xf32, #tpu.memory_space<vmem>>, vector<16xf32>,
    } {sc.loop_unroll_factor = 4 : i64, sc.parallel_access}
    %run_scoped3A_302 = arith.constant 0 : i32
    "tpu.region"() ({
      %run_scoped3A_305 = tpu.sem_alloc : memref<!tpu.dma_semaphore, #tpu.memory_space<semaphore_mem>>
      %dma_start3A_306 = tpu.memref_slice %arg3[%add3A, %run_scoped3A_302, %mul3A_32] : memref<8x2x65536xf32, #tpu.memory_space<hbm>> -> memref<1x1x16384xf32, #tpu.memory_space<hbm>>
      %dma_start3A_307 = tpu.memref_squeeze %dma_start3A_306 : memref<1x1x16384xf32, #tpu.memory_space<hbm>> -> memref<16384xf32, #tpu.memory_space<hbm>>
      %dma_start3A_308 = tpu.memref_slice %arg3[%add3A, %run_scoped3A_302, %mul3A_32] : memref<8x2x65536xf32, #tpu.memory_space<hbm>> -> memref<1x1x16384xf32, #tpu.memory_space<hbm>>
      %dma_start3A_309 = tpu.memref_squeeze %dma_start3A_308 : memref<1x1x16384xf32, #tpu.memory_space<hbm>> -> memref<16384xf32, #tpu.memory_space<hbm>>
      tpu.enqueue_dma source(%arg9 : memref<16384xf32, #tpu.memory_space<vmem>>) target(%dma_start3A_309 : memref<16384xf32, #tpu.memory_space<hbm>>) target_semaphore(%run_scoped3A_305 : memref<!tpu.dma_semaphore, #tpu.memory_space<semaphore_mem>>)
      %dma_wait3A_310 = tpu.memref_slice %arg3[%add3A, %run_scoped3A_302, %mul3A_32] : memref<8x2x65536xf32, #tpu.memory_space<hbm>> -> memref<1x1x16384xf32, #tpu.memory_space<hbm>>
      %dma_wait3A_311 = tpu.memref_squeeze %dma_wait3A_310 : memref<1x1x16384xf32, #tpu.memory_space<hbm>> -> memref<16384xf32, #tpu.memory_space<hbm>>
      %dma_wait3A_312 = tpu.memref_slice %arg3[%add3A, %run_scoped3A_302, %mul3A_32] : memref<8x2x65536xf32, #tpu.memory_space<hbm>> -> memref<1x1x16384xf32, #tpu.memory_space<hbm>>
      %dma_wait3A_313 = tpu.memref_squeeze %dma_wait3A_312 : memref<1x1x16384xf32, #tpu.memory_space<hbm>> -> memref<16384xf32, #tpu.memory_space<hbm>>
      tpu.wait_dma2 semaphore(%run_scoped3A_305 : memref<!tpu.dma_semaphore, #tpu.memory_space<semaphore_mem>>) src(%arg9 : memref<16384xf32, #tpu.memory_space<vmem>>) dst(%dma_wait3A_313 : memref<16384xf32, #tpu.memory_space<hbm>>)
      tpu.yield
    }) : () -> ()
    %run_scoped3A_303 = arith.constant 1 : i32
    "tpu.region"() ({
      %run_scoped3A_305 = tpu.sem_alloc : memref<!tpu.dma_semaphore, #tpu.memory_space<semaphore_mem>>
      %dma_start3A_306 = tpu.memref_slice %arg3[%add3A, %run_scoped3A_303, %mul3A_32] : memref<8x2x65536xf32, #tpu.memory_space<hbm>> -> memref<1x1x16384xf32, #tpu.memory_space<hbm>>
      %dma_start3A_307 = tpu.memref_squeeze %dma_start3A_306 : memref<1x1x16384xf32, #tpu.memory_space<hbm>> -> memref<16384xf32, #tpu.memory_space<hbm>>
      %dma_start3A_308 = tpu.memref_slice %arg3[%add3A, %run_scoped3A_303, %mul3A_32] : memref<8x2x65536xf32, #tpu.memory_space<hbm>> -> memref<1x1x16384xf32, #tpu.memory_space<hbm>>
      %dma_start3A_309 = tpu.memref_squeeze %dma_start3A_308 : memref<1x1x16384xf32, #tpu.memory_space<hbm>> -> memref<16384xf32, #tpu.memory_space<hbm>>
      tpu.enqueue_dma source(%arg10 : memref<16384xf32, #tpu.memory_space<vmem>>) target(%dma_start3A_309 : memref<16384xf32, #tpu.memory_space<hbm>>) target_semaphore(%run_scoped3A_305 : memref<!tpu.dma_semaphore, #tpu.memory_space<semaphore_mem>>)
      %dma_wait3A_310 = tpu.memref_slice %arg3[%add3A, %run_scoped3A_303, %mul3A_32] : memref<8x2x65536xf32, #tpu.memory_space<hbm>> -> memref<1x1x16384xf32, #tpu.memory_space<hbm>>
      %dma_wait3A_311 = tpu.memref_squeeze %dma_wait3A_310 : memref<1x1x16384xf32, #tpu.memory_space<hbm>> -> memref<16384xf32, #tpu.memory_space<hbm>>
      %dma_wait3A_312 = tpu.memref_slice %arg3[%add3A, %run_scoped3A_303, %mul3A_32] : memref<8x2x65536xf32, #tpu.memory_space<hbm>> -> memref<1x1x16384xf32, #tpu.memory_space<hbm>>
      %dma_wait3A_313 = tpu.memref_squeeze %dma_wait3A_312 : memref<1x1x16384xf32, #tpu.memory_space<hbm>> -> memref<16384xf32, #tpu.memory_space<hbm>>
      tpu.wait_dma2 semaphore(%run_scoped3A_305 : memref<!tpu.dma_semaphore, #tpu.memory_space<semaphore_mem>>) src(%arg10 : memref<16384xf32, #tpu.memory_space<vmem>>) dst(%dma_wait3A_313 : memref<16384xf32, #tpu.memory_space<hbm>>)
      tpu.yield
    }) : () -> ()
    %barrier3A_304 = arith.constant 0 : index
    tpu.barrier barrier_id(%barrier3A_304)
    "tpu.region"() ({
      %run_scoped3A_305 = tpu.sem_alloc : memref<!tpu.dma_semaphore, #tpu.memory_space<semaphore_mem>>
      %dma_start3A_306 = tpu.memref_slice %arg4[%add3A, %mul3A_32] : memref<8x65536xi32, #tpu.memory_space<hbm>> -> memref<1x16384xi32, #tpu.memory_space<hbm>>
      %dma_start3A_307 = tpu.memref_squeeze %dma_start3A_306 : memref<1x16384xi32, #tpu.memory_space<hbm>> -> memref<16384xi32, #tpu.memory_space<hbm>>
      %dma_start3A_308 = tpu.memref_slice %arg8[%mul3A_54] : memref<262144xi32, #tpu.memory_space<vmem_shared>> -> memref<16384xi32, #tpu.memory_space<vmem_shared>>
      tpu.enqueue_dma source(%dma_start3A_308 : memref<16384xi32, #tpu.memory_space<vmem_shared>>) target(%dma_start3A_307 : memref<16384xi32, #tpu.memory_space<hbm>>) target_semaphore(%run_scoped3A_305 : memref<!tpu.dma_semaphore, #tpu.memory_space<semaphore_mem>>)
      %dma_wait3A_309 = tpu.memref_slice %arg4[%add3A, %mul3A_32] : memref<8x65536xi32, #tpu.memory_space<hbm>> -> memref<1x16384xi32, #tpu.memory_space<hbm>>
      %dma_wait3A_310 = tpu.memref_squeeze %dma_wait3A_309 : memref<1x16384xi32, #tpu.memory_space<hbm>> -> memref<16384xi32, #tpu.memory_space<hbm>>
      %dma_wait3A_311 = tpu.memref_slice %arg8[%mul3A_54] : memref<262144xi32, #tpu.memory_space<vmem_shared>> -> memref<16384xi32, #tpu.memory_space<vmem_shared>>
      tpu.wait_dma2 semaphore(%run_scoped3A_305 : memref<!tpu.dma_semaphore, #tpu.memory_space<semaphore_mem>>) src(%dma_wait3A_311 : memref<16384xi32, #tpu.memory_space<vmem_shared>>) dst(%dma_wait3A_310 : memref<16384xi32, #tpu.memory_space<hbm>>)
      tpu.yield
    }) : () -> ()
    return
  }
}

</mosaic_0001>

<sc_bundles>
// kernel: _sc_iterate.3.cloned.1.call-start
scs
__scs_entry_jumppad:
0x0: {  	(pc) =	sbr.rel $0x88, $3  }
0x1: {  	(tag) =	ssettag $0x0;
	lr =	simm.s32 $0x1  }
0x2: {  	[smem:$0x3FA0] =	sst lr;
	_ =	strace $0xD0000000  }
0x3: {  	_ = 	snop  }
0x4: {  	_ = 	snop  }
0x5: {  	_ = 	snop  }
0x6: {  	_ = 	snop  }
0x7: {  	_ = 	snop  }
__scs_overlays_trampoline_lowered:
0x8: {  	[smem:$0x3FAF] =	sst s0  }
0x9: {  	[smem:$0x3FB0] =	sst s1  }
0xa: {  	[smem:$0x3FB1] =	sst s2  }
0xb: {  	[smem:$0x3FB2] =	sst s3  }
0xc: {  	[smem:$0x3FB3] =	sst s4  }
0xd: {  	[smem:$0x3FB4] =	sst s5  }
0xe: {  	[smem:$0x3FB5] =	sst s6  }
0xf: {  	[smem:$0x3FB6] =	sst s7  }
0x10: {  	[smem:$0x3FB7] =	sst s8  }
0x11: {  	[smem:$0x3FB8] =	sst s9;
	s0 =	simm.s32 @!p0 $0x0  }
0x12: {  	s1 =	sld [smem:$0x3F9E];
	s0 =	simm.s32 @p0 $0x1  }
0x13: {  	[smem:$0x3FB9] =	sst s0;
	s0 =	simm.s32 @!p1 $0x0  }
0x14: {  	s2 =	sld [smem:$0x3F9D];
	s0 =	simm.s32 @p1 $0x1  }
0x15: {  	[smem:$0x3FBA] =	sst s0;
	s0 =	simm.s32 @!p2 $0x0  }
0x16: {  	s3 =	sld [smem:$0x3FDB];
	s0 =	simm.s32 @p2 $0x1  }
0x17: {  	s4 =	simm.s32 $0x1BF5;
	[smem:$0x3FBC] =	sst s0  }
0x18: {  	s0 =	sld [smem:$0x3F9F];
	_ =	swait.ge [sflag:s4], $0x0  }
0x19: {  	s7 =	sld [smem:$0x3FA0]  }
0x1a: {  	s8 =	sadd.s32 $0xFFFFE003, lr  }
0x1b: {  	s9 =	sadd.s32 $0xFFFFFEF7, lr;
	s5 =	simm.s32 $0xFFFFFFFF;
	p2 =	slt.u32 s8, $0xFFFFF086  }
0x1c: {  	p1 =	slt.u32 s9, $0xF7A;
	s5 =	simm.s32 @!p2 $0x0  }
0x1d: {  	s5 =	simm.s32 @p1 $0x1;
	p0 =	seq.s32 s7, s2  }
0x1e: {  	s7 =	smul.u32 @!p0 $0xF7A, s2;
	p2 =	seq.s32 @!p0 s5, $0x0  }
0x1f: {  	s9 =	smul.u32 $0xF7A, s1;
	s8 =	simm.s32 @!p0 $0x1BF5;
	p2 =	por !p2, p0  }
0x20: {  	[sflag:s8] =	ssyncset.s32 @!p0 $0xFFFFF086;
	s6 =	sadd.s32 @!p0 s3, s7;
	s7 =	simm.s32 @!p0 $0x108  }
0x21: {  	s3 =	sadd.s32 s3, s9;
	s6 =	sadd.s32 @!p0 $0x88, s6;
	s7 =	simm.s32 @p2 $0x1082  }
0x22: {  	[simem:s7], [sflag:s8] =	dma.local @!p0 [hbm:s6], $0xF7A  }
0x23: {  	s9 =	sor.u32 $0xD0000000, s2;
	s6 =	simm.s32 $0x108;
	_ =	swait.ge @!p0 [sflag:s8], $0x0  }
0x24: {  	s3 =	sadd.s32 $0x88, s3;
	s6 =	simm.s32 @!p1 $0x1082;
	[sflag:s4] =	ssyncset.s32 $0xFFFFF086  }
0x25: {  	[simem:s6], [sflag:s4] =	dma.local [hbm:s3], $0xF7A  }
0x26: {  	[smem:$0x3FA0] =	sst s1;
	(tag) =	ssettag s2;
	_ =	strace s9  }
0x27: {  	s1 =	sld [smem:$0x3FB0]  }
0x28: {  	s2 =	sld [smem:$0x3FB1]  }
0x29: {  	s4 =	sld [smem:$0x3FB3]  }
0x2a: {  	p0 =	seq.s32 s5, $0x0;
	s5 =	sld [smem:$0x3FB4]  }
0x2b: {  	s6 =	sld [smem:$0x3FB5]  }
0x2c: {  	s7 =	sld [smem:$0x3FB6]  }
0x2d: {  	s3 =	simm.s32 $0x108;
	s8 =	sld [smem:$0x3FB7]  }
0x2e: {  	s3 =	simm.s32 @!p0 $0x1082;
	s9 =	sld [smem:$0x3FB8]  }
0x2f: {  	lr =	sadd.s32 s0, s3;
	s0 =	sld [smem:$0x3FAF]  }
0x30: {  	s3 =	sld [smem:$0x3FB2]  }
0x31: {  	[smem:$0x3FBB] =	sst s10  }
0x32: {  	s10 =	sld [smem:$0x3FB9];
	_ =	sdelay $0x3  }
0x33: {  	p0 =	seq.s32 s10, $0x1;
	s10 =	sld [smem:$0x3FBB];
	_ =	sdelay $0x3  }
0x34: {  	[smem:$0x3FBB] =	sst s10  }
0x35: {  	s10 =	sld [smem:$0x3FBA];
	_ =	sdelay $0x3  }
0x36: {  	p1 =	seq.s32 s10, $0x1;
	s10 =	sld [smem:$0x3FBB];
	_ =	sdelay $0x3  }
0x37: {  	[smem:$0x3FBB] =	sst s10  }
0x38: {  	s10 =	sld [smem:$0x3FBC]  }
0x39: {  	_ = 	snop;
	(pc) =	sbr.ind lr, $3  }
0x3a: {  	_ = 	snop  }
0x3b: {  	_ = 	snop  }
0x3c: {  	p2 =	seq.s32 s10, $0x1;
	s10 =	sld [smem:$0x3FBB]  }
0x3d: {  	_ =	shalt  }
0x3e: {  	_ =	shalt  }
0x3f: {  	_ =	shalt  }
0x40: {  	_ =	shalt  }
0x41: {  	_ =	shalt  }
0x42: {  	_ =	shalt  }
0x43: {  	_ =	shalt  }
0x44: {  	_ =	shalt  }
0x45: {  	_ =	shalt  }
0x46: {  	_ =	shalt  }
0x47: {  	_ =	shalt  }
0x48: {  	_ =	shalt  }
0x49: {  	_ =	shalt  }
0x4a: {  	_ =	shalt  }
0x4b: {  	_ =	shalt  }
0x4c: {  	_ =	shalt  }
0x4d: {  	_ =	shalt  }
0x4e: {  	_ =	shalt  }
0x4f: {  	_ =	shalt  }
0x50: {  	_ =	shalt  }
0x51: {  	_ =	shalt  }
0x52: {  	_ =	shalt  }
0x53: {  	_ =	shalt  }
0x54: {  	_ =	shalt  }
0x55: {  	_ =	shalt  }
0x56: {  	_ =	shalt  }
0x57: {  	_ =	shalt  }
0x58: {  	_ =	shalt  }
0x59: {  	_ =	shalt  }
0x5a: {  	_ =	shalt  }
0x5b: {  	_ =	shalt  }
0x5c: {  	_ =	shalt  }
0x5d: {  	_ =	shalt  }
0x5e: {  	_ =	shalt  }
0x5f: {  	_ =	shalt  }
0x60: {  	_ =	shalt  }
0x61: {  	_ =	shalt  }
0x62: {  	_ =	shalt  }
0x63: {  	_ =	shalt  }
0x64: {  	_ =	shalt  }
0x65: {  	_ =	shalt  }
0x66: {  	_ =	shalt  }
0x67: {  	_ =	shalt  }
0x68: {  	_ =	shalt  }
0x69: {  	_ =	shalt  }
0x6a: {  	_ =	shalt  }
0x6b: {  	_ =	shalt  }
0x6c: {  	_ =	shalt  }
0x6d: {  	_ =	shalt  }
0x6e: {  	_ =	shalt  }
0x6f: {  	_ =	shalt  }
0x70: {  	_ =	shalt  }
0x71: {  	_ =	shalt  }
0x72: {  	_ =	shalt  }
0x73: {  	_ =	shalt  }
0x74: {  	_ =	shalt  }
0x75: {  	_ =	shalt  }
0x76: {  	_ =	shalt  }
0x77: {  	_ =	shalt  }
0x78: {  	_ =	shalt  }
0x79: {  	_ =	shalt  }
0x7a: {  	_ =	shalt  }
0x7b: {  	_ =	shalt  }
0x7c: {  	_ =	shalt  }
0x7d: {  	_ =	shalt  }
0x7e: {  	_ =	shalt  }
0x7f: {  	_ =	shalt  }
0x80: {  	_ =	shalt  }
0x81: {  	_ =	shalt  }
0x82: {  	_ =	shalt  }
0x83: {  	_ =	shalt  }
0x84: {  	_ =	shalt  }
0x85: {  	_ =	shalt  }
0x86: {  	_ =	shalt  }
0x87: {  	_ =	shalt  }
.Lfunc_end0:
.L_simem_size_0:
called_computation_lowered:
.L_overlay_start_0:
0x88: {  	s2 =	sld [smem:$0x3FD9]  }
0x89: {  	s3 =	sld [smem:$0x3FFE];
	_ =	sdelay $0x1  }
0x8a: {  	s1 =	srdreg.scid  }
0x8b: {  	s0 =	sand.u32 $0x1, s1  }
0x8c: {  	s15 =	sshll.u32 s0, $0xA;
	s2 =	sadd.s32 s3, s2  }
0x8d: {  	s2 =	sadd.s32 s2, s15  }
0x8e: {  	[smem:$0x3FC7] =	sst s2  }
0x8f: {  	_ = 	snop  }
0x90: {  	s2 =	sld [smem:$0x3FD0];
	_ =	sdelay $0x2  }
0x91: {  	s4 =	simm.s32 $0xA;
	s5 =	simm.s32 $0x10;
	s16 =	sld [smem:$0x3FC9]  }
0x92: {  	[smem:s5], [sflag:s4] =	dma.local [hbm:s2], $0x1  }
0x93: {  	_ =	swait.eq [sflag:s4], $0x1  }
0x94: {  	s17 =	sld [smem:$0x10];
	[sflag:s4] =	ssyncset.done $0x0  }
0x95: {  	s18 =	sld [smem:$0x11];
	[sflag:s4] =	ssyncadd.s32 $0xFFFFFFFF  }
0x96: {  	s19 =	sld [smem:$0x12];
	(tm) =	ssettm $0x1  }
0x97: {  	s6 =	sld [smem:$0x3FFB];
	_ =	sdelay $0x3  }
0x98: {  	_ =	strace s6  }
0x99: {  	s6 =	sld [smem:$0x3FFC];
	_ =	sdelay $0x3  }
0x9a: {  	_ =	strace s6  }
0x9b: {  	s6 =	sld [smem:$0x3FFD];
	_ =	sdelay $0x3  }
0x9c: {  	_ =	strace s6  }
0x9d: {  	_ =	strace $0x8FFFFFFF  }
0x9e: {  	s20 =	sld [smem:$0x3FDB];
	_ =	sdelay $0x1  }
0x9f: {  	s7 =	simm.s32 $_scs_section_size  }
0xa0: {  	s8 =	simm.s32 $_size__tile_overlayer_lowered;
	s9 =	simm.s32 $_tile_overlayer_lowered  }
0xa1: {  	s23 =	simm.s32 $0x1BFF;
	s22 =	sshll.u32 s9, $0x1;
	s6 =	sadd.s32 s7, s20  }
0xa2: {  	s10 =	simm.s32 $0x0;
	s21 =	sshll.u32 s8, $0x1;
	s8 =	sadd.s32 s22, s6  }
0xa3: {  	[timem:s10], [sflag:s23] =	dma.local [hbm:s8], s21  }
0xa4: {  	_ =	swait.ge [sflag:s23], s21  }
0xa5: {  	s7 =	ssub.s32 $0x0, s21;
	[sflag:s23] =	ssyncset.done $0x0  }
0xa6: {  	[sflag:s23] =	ssyncadd.s32 s7;
	_ =	sdelay $0x1  }
0xa7: {  	s24 =	simm.s32 $0x1B8B  }
0xa8: {  	_ =	swait.ge [sflag:s24], $0x1  }
0xa9: {  	[sflag:s24] =	ssyncset.done $0x0  }
0xaa: {  	s25 =	simm.s32 $0x1B8E;
	[sflag:s24] =	ssyncadd.s32 $0xFFFFFFFF  }
0xab: {  	s26 =	simm.s32 $execute0_lowered;
	[smem:$0x3FD2] =	sst s25  }
0xac: {  	s7 =	sshll.u32 s26, $0x1;
	_ =	strace $0x80000046;
	[dreg:$0x1] =	wrdreg $0xFFFFFFFF  }
0xad: {  	s28 =	simm.s32 $_size_execute0_lowered;
	s6 =	sadd.s32 s6, s7;
	[dreg:$0x0] =	wrdreg $0x0  }
0xae: {  	s7 =	sshll.u32 s28, $0x1;
	[dreg:$0x2] =	wrdreg s6  }
0xaf: {  	[dreg:$0x3] =	wrdreg s7  }
0xb0: {  	[dreg:$0x4] =	wrdreg $0xC0  }
0xb1: {  	_ =	task [dreg:s10], $0x5FFFF  }
0xb2: {  	[dreg:$0x1] =	wrdreg $0xFFFFFFFF  }
0xb3: {  	[dreg:$0x0] =	wrdreg $0x60  }
0xb4: {  	[dreg:$0x2] =	wrdreg s16  }
0xb5: {  	[dreg:$0x3] =	wrdreg s17  }
0xb6: {  	[dreg:$0x4] =	wrdreg s18  }
0xb7: {  	[dreg:$0x5] =	wrdreg s19  }
0xb8: {  	[dreg:$0x6] =	wrdreg $0x0  }
0xb9: {  	[dreg:$0x7] =	wrdreg $0x40000  }
0xba: {  	[dreg:$0x8] =	wrdreg $0x80000  }
0xbb: {  	[dreg:$0x9] =	wrdreg $0x9  }
0xbc: {  	_ =	task.clear_ibuf [dreg:s10], $0xAFFFF;
	_ =	strace $0x90000046  }
0xbd: {  	s29 =	simm.s32 $0x9;
	_ =	strace $0x80000048  }
0xbe: {  	_ =	swait.ge [sflag:s29], $0x1  }
0xbf: {  	[sflag:s29] =	ssyncadd.s32 $0xFFFFFFFF  }
0xc0: {  	_ =	strace $0x90000048  }
0xc1: {  	_ =	sfence  }
0xc2: {  	s30 =	sld [smem:$0x0];
	_ =	sdelay $0x2  }
0xc3: {  	s31 =	sshll.u32 s1, $0xD;
	s1 =	sshrl.u32 s1, $0x2  }
0xc4: {  	s3 =	sand.u32 $0x4000, s31;
	s1 =	sadd.s32 s1, s30  }
0xc5: {  	s0 =	sor.u32 s3, s0;
	s1 =	sshll.u32 s1, $0x11  }
0xc6: {  	s0 =	sor.u32 s1, s0  }
0xc7: {  	s0 =	sadd.s32 $0x8F2B, s0  }
0xc8: {  	[sflag:s0] =	ssyncadd.remote.s32 $0x1  }
0xc9: {  	_ =	sfence.sel $0xFFFF  }
0xca: {  	[dreg:$0x0] =	wrdreg $0xFFFFFFFF;
	(pc) =	sbr.abs _section_cstart, $3  }
0xcb: {  	[dreg:$0x1] =	wrdreg $0xFFFFFFFF  }
0xcc: {  	_ =	task.clear_ibuf [dreg:s10], $0x2FFFF;
	_ =	strace $0x9FFFFFFF  }
0xcd: {  	(tm) =	ssettm $0x7FFFFFFF  }
tec
execute0_lowered:
.L_overlay_start_1:
0x0: {  	(tag) =	ssettag $0x1  }
0x1: {  	s0 =	rddreg [dreg:$0x0]  }
0x2: {  	s3 =	rddreg [dreg:$0x1]  }
0x3: {  	s4 =	rddreg [dreg:$0x2]  }
0x4: {  	s7 =	rddreg [dreg:$0x3]  }
0x5: {  	s1 =	rddreg [dreg:$0x4]  }
0x6: {  	s2 =	rddreg [dreg:$0x5]  }
0x7: {  	s16 =	rddreg [dreg:$0x6];
	s5 =	simm.s32 $0x0  }
0x8: {  	s6 =	srdreg.scid;
	s15 =	stileid.u32;
	s29 =	simm.s32 $0x18000  }
0x9: {  	s30 =	simm.s32 $0x1000;
	s31 =	simm.s32 $0x14000;
	[smem:$0x7FF] =	sst s5  }
0xa: {  	s6 =	sand.u32 $0x1, s6;
	s9 =	sshrl.u32 s15, $0x2;
	s11 =	sand.u32 $0x3, s15  }
0xb: {  	s26 =	sshll.u32 s15, $0xE;
	s15 =	simm.s32 $0x1A000;
	_ =	strace $0x80000047  }
0xc: {  	s8 =	ssub.s32 $0x2, s6;
	s6 =	sshll.u32 s6, $0x2;
	s13 =	sshll.u32 s11, $0xC  }
0xd: {  	s14 =	sshll.u32 s11, $0xE;
	s19 =	sadd.s32 s26, s1;
	s20 =	sadd.s32 s26, s2  }
0xe: {  	s10 =	sshrl.u32 s8, $0x1;
	s12 =	sor.u32 s9, s6;
	[dreg:$0xa] =	wrdreg s19  }
0xf: {  	s6 =	sshll.u32 s11, $0x6;
	s19 =	sadd.s32 s26, s16;
	[dreg:$0xc] =	wrdreg s20  }
0x10: {  	v0 =	vimm.f32 $1.500000000e+01;
	vm0 =	vcmask $0x300;
	s11 =	simm.s32 $0x100;
	s20 =	simm.s32 $0xC000;
	s16 =	simm.s32 $0x3  }
0x11: {  	vm14 =	vcmask $0x704;
	v0 =	vsel vm0, $0x0, v0;
	s8 =	ssub.s32 s8, s10;
	s25 =	sshll.u32 s12, $0xE;
	s18 =	sshll.u32 s12, $0x4  }
0x12: {  	vm15 =	vcmask $0xB08;
	v0 =	vsel vm14, $0x3F800000, v0;
	s21 =	sadd.s32 $0x1000, s19;
	s22 =	sadd.s32 $0x2000, s19;
	[dreg:$0xb] =	wrdreg s19  }
0x13: {  	vm4 =	vcmask $0xF0C;
	v0 =	vsel vm15, $0x40000000, v0;
	s23 =	sadd.s32 $0x3000, s19;
	s12 =	simm.s32 $0x1;
	[dreg:$0xd] =	wrdreg s21  }
0x14: {  	vm5 =	vcmask $0x1310;
	v0 =	vsel vm4, $0x40400000, v0;
	s10 =	sor.u32 s13, s25;
	s13 =	sshll.u32 s9, $0x10;
	[dreg:$0xf] =	wrdreg s22  }
0x15: {  	vm6 =	vcmask $0x1714;
	v0 =	vsel vm5, $0x40800000, v0;
	[dreg:$0x10] =	wrdreg s23;
	s23 =	simm.s32 $0x80;
	s17 =	sadd.s32 s0, s10  }
0x16: {  	vm7 =	vcmask $0x1B18;
	s28 =	sor.u32 $0x10, s10;
	v0 =	vsel vm6, $0x40A00000, v0;
	s26 =	sadd.s32 s3, s10;
	[dreg:$0x8] =	wrdreg s17  }
0x17: {  	vm8 =	vcmask $0x1F1C;
	s21 =	simm.s32 $0x10000;
	s0 =	sadd.s32 s0, s28;
	[dreg:$0x14] =	wrdreg s26;
	v0 =	vsel vm7, $0x40C00000, v0  }
0x18: {  	vm9 =	vcmask $0x2320;
	s3 =	sadd.s32 s3, s28;
	s28 =	smax.u32 s8, $0x1;
	[dreg:$0x9] =	wrdreg s0;
	v0 =	vsel vm8, $0x40E00000, v0  }
0x19: {  	vm10 =	vcmask $0x2724;
	s26 =	simm.s32 $0x5;
	s0 =	sor.u32 s14, s18;
	[dreg:$0x15] =	wrdreg s3;
	v0 =	vsel vm9, $0x41000000, v0  }
0x1a: {  	vm11 =	vcmask $0x2B28;
	s8 =	simm.s32 $0x17000;
	[dreg:$0x17] =	wrdreg s28;
	s7 =	sadd.s32 s7, s0;
	v0 =	vsel vm10, $0x41100000, v0  }
0x1b: {  	vm12 =	vcmask $0x2F2C;
	s17 =	simm.s32 $0x4;
	s0 =	sadd.s32 s4, s0;
	[dreg:$0xe] =	wrdreg s7;
	v0 =	vsel vm11, $0x41200000, v0  }
0x1c: {  	vm13 =	vcmask $0x3330;
	s14 =	simm.s32 $0x2;
	s24 =	sadd.s32 $0x1000, s7;
	[dreg:$0x16] =	wrdreg s0;
	v0 =	vsel vm12, $0x41300000, v0  }
0x1d: {  	vm14 =	vcmask $0x3734;
	s18 =	simm.s32 $0x1B000;
	s25 =	sadd.s32 $0x2000, s7;
	[dreg:$0x11] =	wrdreg s24;
	v1 =	vsel vm13, $0x41400000, v0  }
0x1e: {  	v2 =	vimm.s32 $0x1;
	vm15 =	vcmask $0x3B38;
	s4 =	simm.s32 $0x19000;
	s7 =	sadd.s32 $0x3000, s7;
	[dreg:$0x12] =	wrdreg s25;
	v3 =	vsel vm14, $0x41500000, v1  }
0x1f: {  	s0 =	simm.s32 $0x15000;
	[dreg:$0x13] =	wrdreg s7;
	s7 =	simm.s32 $0x16000;
	v0 =	vmov s13;
	v1 =	vimm.s32 $0x0;
	v3 =	vsel vm15, $0x41600000, v3  }
.LBB2_1:
0x20: {  	s3 =	rddreg [dreg:$0x8]  }
0x21: {  	[tilespmem:s20], [sflag:$0x5] =	stream.strided.gather [hbm4b:s3+s23], $0x4000, s11, s23, $0x38;
	[tilespmem:$0x1D000] =	vst v63  }
0x22: {  	_ =	swait.ge [sflag:s26], $0x4000  }
0x23: {  	[sflag:s26] =	ssyncset.done $0x0  }
0x24: {  	s24 =	rddreg [dreg:$0x9];
	[sflag:s26] =	ssyncadd.s32 $0xFFFFC000  }
0x25: {  	[tilespmem:s21], [sflag:$0x5] =	stream.strided.gather [hbm4b:s24+s23], $0x4000, s11, s23, $0x38;
	[tilespmem:$0x1D000] =	vst v63  }
0x26: {  	_ =	swait.ge [sflag:s26], $0x4000  }
0x27: {  	[sflag:s26] =	ssyncset.done $0x0  }
0x28: {  	s25 =	rddreg [dreg:$0xa];
	[sflag:s26] =	ssyncadd.s32 $0xFFFFC000  }
0x29: {  	[spmem:s25] =	stream.linear.scatter [tilespmem:s20], [sflag:$0x5], $0x4000, $0x38;
	[tilespmem:$0x1D000] =	vst v63  }
0x2a: {  	_ =	swait.ge [sflag:s26], $0x4000  }
0x2b: {  	[sflag:s26] =	ssyncset.done $0x0  }
0x2c: {  	s28 =	rddreg [dreg:$0xc];
	[sflag:s26] =	ssyncadd.s32 $0xFFFFC000  }
0x2d: {  	[spmem:s28] =	stream.linear.scatter [tilespmem:s21], [sflag:$0x5], $0x4000, $0x38;
	[tilespmem:$0x1D000] =	vst v63  }
0x2e: {  	_ =	swait.ge [sflag:s26], $0x4000  }
0x2f: {  	[sflag:s26] =	ssyncset.done $0x0  }
0x30: {  	s10 =	simm.s32 $0x18020;
	[sflag:s26] =	ssyncadd.s32 $0xFFFFC000  }
0x31: {  	[tilespmem:s10+$0xFFFFFFF0] =	vst v1  }
0x32: {  	[tilespmem:s10+$0x0] =	vst v1  }
0x33: {  	[tilespmem:s10+$0x10] =	vst v1  }
0x34: {  	s3 =	simm.s32 $0x1C020;
	[tilespmem:s10+$0xFFFFFFE0] =	vst v1  }
0x35: {  	[tilespmem:s3+$0xFFFFFFF0] =	vst v2  }
0x36: {  	[tilespmem:s3+$0x0] =	vst v2  }
0x37: {  	[tilespmem:s3+$0x10] =	vst v2  }
0x38: {  	s13 =	simm.s32 $0x18060;
	s10 =	simm.s32 $0x0;
	[tilespmem:s3+$0xFFFFFFE0] =	vst v2  }
.LBB2_2:
0x39: {  	[tilespmem:s13+$0xFFFFFFF0] =	vst v1;
	s3 =	sadd.s32 $0x40, s3  }
0x3a: {  	s10 =	sadd.s32 $0x40, s10;
	[tilespmem:s3+$0xFFFFFFF0] =	vst v2  }
0x3b: {  	p0 =	slt.u32 s10, $0xFC0;
	[tilespmem:s13+$0x0] =	vst v1  }
.Ltmp0:
0x3c: {  	[tilespmem:s3+$0x0] =	vst v2;
	(pc) =	sbr.rel @p0 .LBB2_2-.Ltmp0, $4  }
0x3d: {  	[tilespmem:s13+$0x10] =	vst v1  }
0x3e: {  	[tilespmem:s3+$0x10] =	vst v2  }
0x3f: {  	[tilespmem:s13+$0xFFFFFFE0] =	vst v1  }
0x40: {  	s13 =	sadd.s32 $0x40, s13;
	[tilespmem:s3+$0xFFFFFFE0] =	vst v2  }
0x41: {  	[spmem:s19] =	stream.linear.scatter [tilespmem:s29], [sflag:$0x5], $0x1000, $0x38;
	[tilespmem:$0x1D000] =	vst v63  }
0x42: {  	_ =	swait.ge [sflag:s26], $0x1000  }
0x43: {  	[sflag:s26] =	ssyncset.done $0x0  }
0x44: {  	s3 =	rddreg [dreg:$0xd];
	[sflag:s26] =	ssyncadd.s32 $0xFFFFF000  }
0x45: {  	[spmem:s3] =	stream.linear.scatter [tilespmem:s29], [sflag:$0x5], $0x1000, $0x38;
	[tilespmem:$0x1D000] =	vst v63  }
0x46: {  	_ =	swait.ge [sflag:s26], $0x1000  }
0x47: {  	[sflag:s26] =	ssyncset.done $0x0  }
0x48: {  	s9 =	rddreg [dreg:$0xf];
	[sflag:s26] =	ssyncadd.s32 $0xFFFFF000  }
0x49: {  	[spmem:s9] =	stream.linear.scatter [tilespmem:s29], [sflag:$0x5], $0x1000, $0x38;
	[tilespmem:$0x1D000] =	vst v63  }
0x4a: {  	_ =	swait.ge [sflag:s26], $0x1000  }
0x4b: {  	[sflag:s26] =	ssyncset.done $0x0  }
0x4c: {  	s10 =	rddreg [dreg:$0x10];
	[sflag:s26] =	ssyncadd.s32 $0xFFFFF000  }
0x4d: {  	[spmem:s10] =	stream.linear.scatter [tilespmem:s29], [sflag:$0x5], $0x1000, $0x38;
	[tilespmem:$0x1D000] =	vst v63  }
0x4e: {  	_ =	swait.ge [sflag:s26], $0x1000  }
0x4f: {  	[sflag:s26] =	ssyncset.done $0x0  }
0x50: {  	[sflag:s26] =	ssyncadd.s32 $0xFFFFF000  }
0x51: {  	s11 =	simm.s32 $0xC020;
	[bflag:$0x0] =	sbarrier.arrive $0xFFFF  }
0x52: {  	v4 =	vld [tilespmem:s11+$0xFFFFFFE0]  }
0x53: {  	s13 =	simm.s32 $0x0;
	s10 =	simm.s32 $0x10020;
	v5 =	vld [tilespmem:s11+$0x0]  }
0x54: {  	s22 =	sand.u32 $0xC0, s13;
	v6 =	vld [tilespmem:s10+$0xFFFFFFF0]  }
0x55: {  	s21 =	simm.s32 $0x20;
	s19 =	scvt.s32.f32 s22;
	v7 =	vld [tilespmem:s10+$0x0]  }
0x56: {  	s21 =	sand.u32 $0xE0, s21;
	s22 =	simm.s32 $0x0;
	v9 =	vld [tilespmem:s10+$0x10]  }
0x57: {  	s21 =	scvt.s32.f32 s21;
	s24 =	sor.u32 s6, s22;
	v8 =	vadd.f32 s19, v3  }
0x58: {  	s19 =	scvt.s32.f32 s24  }
0x59: {  	s25 =	simm.s32 $0x10;
	v11 =	vadd.f32 s21, v3;
	v4 =	vadd.f32 v4, v8  }
0x5a: {  	s20 =	simm.s32 $0x30;
	s22 =	sand.u32 $0xD0, s25;
	v13 =	vld [tilespmem:s11+$0xFFFFFFF0];
	v6 =	vadd.f32 s19, v6;
	v7 =	vadd.f32 s19, v7  }
0x5b: {  	s20 =	sand.u32 $0xF0, s20;
	s28 =	scvt.s32.f32 s22;
	v8 =	vld [tilespmem:s11+$0x10];
	v5 =	vadd.f32 v5, v11;
	v9 =	vadd.f32 s19, v9;
	v4 =	vtrunc.f32 v4  }
0x5c: {  	s20 =	scvt.s32.f32 s20;
	v12 =	vld [tilespmem:s10+$0xFFFFFFE0];
	v6 =	vtrunc.f32 v6;
	v7 =	vtrunc.f32 v7  }
0x5d: {  	v11 =	vadd.f32 s28, v3;
	v5 =	vtrunc.f32 v5;
	v9 =	vtrunc.f32 v9  }
0x5e: {  	v10 =	vadd.f32 s20, v3;
	v4 =	vcvt.f32.s32 v4;
	v6 =	vcvt.f32.s32 v6  }
0x5f: {  	v11 =	vadd.f32 v13, v11;
	v7 =	vcvt.f32.s32 v7;
	v5 =	vcvt.f32.s32 v5  }
0x60: {  	vm0 =	vgt.s32 v4, $0x0;
	v8 =	vadd.f32 v8, v10;
	v10 =	vcvt.f32.s32 v9  }
0x61: {  	v9 =	vadd.f32 s19, v12;
	vm14 =	vgt.s32 v6, $0x0;
	vm15 =	vgt.s32 v5, $0x0  }
0x62: {  	vm2 =	vgt.s32 v7, $0x0;
	v4 =	vnsel vm0, $0x0, v4;
	v8 =	vtrunc.f32 v8  }
0x63: {  	v6 =	vnsel vm14, $0x0, v6;
	v5 =	vnsel vm15, $0x0, v5;
	v8 =	vcvt.f32.s32 v8  }
0x64: {  	v7 =	vnsel vm2, $0x0, v7;
	v4 =	vmin.u32 v4, $0xFF;
	vm1 =	vgt.s32 v10, $0x0  }
0x65: {  	v9 =	vtrunc.f32 v9;
	v5 =	vmin.u32 v5, $0xFF;
	vm3 =	vgt.s32 v8, $0x0  }
0x66: {  	v63 =	vmin.u32 v7, $0xFF;
	v9 =	vcvt.f32.s32 v9;
	v8 =	vnsel vm3, $0x0, v8  }
0x67: {  	s3 =	simm.s32 $0x18020;
	v10 =	vnsel vm1, $0x0, v10;
	v7 =	vmin.u32 v8, $0xFF;
	v8 =	vtrunc.f32 v11  }
0x68: {  	s21 =	simm.s32 $0xC060;
	s22 =	simm.s32 $0x10060;
	s24 =	simm.s32 $0x18060;
	v11 =	vmin.u32 v6, $0xFF;
	v6 =	vshll.u32 v63, $0x8;
	v8 =	vcvt.f32.s32 v8  }
.LBB2_4:
0x69: {  	s10 =	sadd.s32 $0x50, s13  }
0x6a: {  	v12 =	vld [tilespmem:s21+$0xFFFFFFE0];
	s19 =	sadd.s32 $0x70, s13;
	vm0 =	vgt.s32 v9, $0x0;
	v11 =	vshll.u32 v11, $0x8;
	v10 =	vmin.u32 v10, $0xFF;
	s20 =	smov.u32 s13;
	s13 =	sadd.s32 $0x40, s13  }
0x6b: {  	s25 =	sand.u32 $0xC0, s13;
	s10 =	sand.u32 $0xD0, s10;
	s20 =	sadd.s32 $0x60, s20;
	v13 =	vld [tilespmem:s21+$0x0];
	v9 =	vnsel vm0, $0x0, v9;
	vm0 =	vgt.s32 v8, $0x0;
	v10 =	vshll.u32 v10, $0x8  }
0x6c: {  	s28 =	sshrl.u32 s13, $0x8;
	s19 =	sand.u32 $0xF0, s19;
	s25 =	scvt.s32.f32 s25;
	v14 =	vld [tilespmem:s22+$0xFFFFFFF0];
	v9 =	vmin.u32 v9, $0xFF;
	v8 =	vnsel vm0, $0x0, v8;
	v7 =	vor.u32 v7, v10  }
0x6d: {  	s28 =	sor.u32 s6, s28;
	s20 =	sand.u32 $0xE0, s20;
	s19 =	scvt.s32.f32 s19;
	v10 =	vld [tilespmem:s22+$0x0];
	v9 =	vshll.u32 v9, $0x8;
	v8 =	vmin.u32 v8, $0xFF;
	v7 =	vor.u32 v0, v7  }
0x6e: {  	p0 =	slt.u32 s13, $0xFC0;
	s20 =	scvt.s32.f32 s20;
	v15 =	vadd.f32 s25, v3;
	s25 =	scvt.s32.f32 s28;
	v16 =	vld [tilespmem:s22+$0x10];
	v4 =	vor.u32 v4, v9;
	v8 =	vor.u32 v8, v11;
	[tilespmem:s3+$0x10] =	vst v7  }
0x6f: {  	s10 =	scvt.s32.f32 s10;
	v9 =	vadd.f32 s19, v3;
	v7 =	vld [tilespmem:s22+$0xFFFFFFE0];
	v4 =	vor.u32 v0, v4;
	v8 =	vor.u32 v0, v8  }
0x70: {  	v11 =	vadd.f32 v12, v15;
	v12 =	vld [tilespmem:s21+$0x10];
	[tilespmem:s3+$0xFFFFFFE0] =	vst v4;
	v4 =	vor.u32 v5, v6  }
0x71: {  	v5 =	vadd.f32 s20, v3;
	[tilespmem:s3+$0xFFFFFFF0] =	vst v8;
	v4 =	vor.u32 v0, v4  }
0x72: {  	v8 =	vadd.f32 s25, v14;
	v6 =	vtrunc.f32 v11;
	v10 =	vadd.f32 s25, v10;
	[tilespmem:s3+$0x0] =	vst v4;
	s3 =	smov.u32 s24  }
0x73: {  	v5 =	vadd.f32 v13, v5;
	v4 =	vcvt.f32.s32 v6;
	v6 =	vadd.f32 s25, v16  }
0x74: {  	v11 =	vadd.f32 s10, v3;
	v8 =	vtrunc.f32 v8;
	v10 =	vtrunc.f32 v10  }
0x75: {  	v8 =	vcvt.f32.s32 v8;
	vm0 =	vgt.s32 v4, $0x0;
	v13 =	vld [tilespmem:s21+$0xFFFFFFF0];
	v9 =	vadd.f32 v12, v9  }
0x76: {  	v5 =	vtrunc.f32 v5;
	v6 =	vtrunc.f32 v6;
	v4 =	vnsel vm0, $0x0, v4  }
0x77: {  	v6 =	vcvt.f32.s32 v6;
	v4 =	vmin.u32 v4, $0xFF;
	v9 =	vtrunc.f32 v9  }
0x78: {  	v7 =	vadd.f32 s25, v7;
	v10 =	vcvt.f32.s32 v10;
	vm0 =	vgt.s32 v8, $0x0  }
0x79: {  	v5 =	vcvt.f32.s32 v5;
	v9 =	vcvt.f32.s32 v9;
	vm1 =	vgt.s32 v6, $0x0  }
0x7a: {  	v12 =	vtrunc.f32 v7;
	v11 =	vadd.f32 v13, v11;
	v13 =	vnsel vm0, $0x0, v8  }
.Ltmp1:
0x7b: {  	vm2 =	vgt.s32 v10, $0x0;
	vm0 =	vgt.s32 v5, $0x0;
	vm3 =	vgt.s32 v9, $0x0;
	(pc) =	sbr.rel @p0 .LBB2_4-.Ltmp1, $4  }
0x7c: {  	v7 =	vnsel vm2, $0x0, v10;
	v5 =	vnsel vm0, $0x0, v5;
	v8 =	vnsel vm3, $0x0, v9  }
0x7d: {  	v14 =	vmin.u32 v7, $0xFF;
	v5 =	vmin.u32 v5, $0xFF;
	v7 =	vmin.u32 v8, $0xFF  }
0x7e: {  	v10 =	vnsel vm1, $0x0, v6;
	v9 =	vcvt.f32.s32 v12;
	v8 =	vtrunc.f32 v11  }
0x7f: {  	s22 =	sadd.s32 $0x40, s22;
	s24 =	sadd.s32 $0x40, s24;
	s21 =	sadd.s32 $0x40, s21;
	v6 =	vshll.u32 v14, $0x8;
	v11 =	vmin.u32 v13, $0xFF;
	v8 =	vcvt.f32.s32 v8  }
0x80: {  	vm0 =	vgt.s32 v9, $0x0  }
0x81: {  	v11 =	vshll.u32 v11, $0x8;
	v10 =	vmin.u32 v10, $0xFF;
	v9 =	vnsel vm0, $0x0, v9  }
0x82: {  	vm0 =	vgt.s32 v8, $0x0;
	v10 =	vshll.u32 v10, $0x8;
	v9 =	vmin.u32 v9, $0xFF  }
0x83: {  	v8 =	vnsel vm0, $0x0, v8;
	v7 =	vor.u32 v7, v10;
	v9 =	vshll.u32 v9, $0x8  }
0x84: {  	v8 =	vmin.u32 v8, $0xFF;
	v7 =	vor.u32 v0, v7;
	v4 =	vor.u32 v4, v9  }
0x85: {  	v8 =	vor.u32 v8, v11;
	[tilespmem:s3+$0x10] =	vst v7;
	v4 =	vor.u32 v0, v4  }
0x86: {  	v7 =	vor.u32 v0, v8;
	[tilespmem:s3+$0xFFFFFFE0] =	vst v4;
	v4 =	vor.u32 v5, v6  }
0x87: {  	[tilespmem:s3+$0xFFFFFFF0] =	vst v7;
	v4 =	vor.u32 v0, v4  }
0x88: {  	[tilespmem:s3+$0x0] =	vst v4  }
0x89: {  	[tilespmem:s31], [sflag:$0x1] =	stream.indirect.gather [spmem:s1], $0x1, s29, s30, $0xb8;
	[tilespmem:$0x1D000] =	vst v63  }
0x8a: {  	s13 =	simm.s32 $0x11030  }
0x8b: {  	[tilespmem:s0], [sflag:$0x2] =	stream.indirect.gather [spmem:s2], $0x1, s29, s30, $0xb8;
	[tilespmem:$0x1D000] =	vst v63  }
0x8c: {  	s21 =	simm.s32 $0xD030;
	v4 =	vld [tilespmem:s13+$0x0]  }
0x8d: {  	s22 =	simm.s32 $0x0;
	s9 =	simm.s32 $0x1010;
	s20 =	simm.s32 $0x10;
	v5 =	vld [tilespmem:s21+$0x0]  }
0x8e: {  	s24 =	simm.s32 $0x1030;
	s25 =	simm.s32 $0x10;
	s28 =	simm.s32 $0x10;
	v6 =	vld [tilespmem:s13+$0xFFFFFFD0]  }
0x8f: {  	s10 =	sand.u32 $0xC0, s22;
	s24 =	sand.u32 $0xF0, s24;
	s25 =	sor.u32 s6, s25;
	v7 =	vld [tilespmem:s13+$0xFFFFFFE0]  }
0x90: {  	s20 =	sor.u32 s6, s20;
	s24 =	scvt.s32.f32 s24;
	s10 =	scvt.s32.f32 s10;
	v8 =	vld [tilespmem:s13+$0xFFFFFFF0]  }
0x91: {  	s25 =	scvt.s32.f32 s25;
	s3 =	sand.u32 $0xD0, s9;
	s9 =	simm.s32 $0x10;
	v10 =	vld [tilespmem:s21+$0xFFFFFFD0]  }
0x92: {  	s11 =	scvt.s32.f32 s20;
	v9 =	vadd.f32 s24, v3;
	s24 =	sor.u32 s6, s28;
	s9 =	sor.u32 s6, s9  }
0x93: {  	v11 =	vadd.f32 s10, v3;
	s28 =	scvt.s32.f32 s24;
	s9 =	scvt.s32.f32 s9;
	v4 =	vadd.f32 s25, v4  }
0x94: {  	s19 =	simm.s32 $0x1020;
	v12 =	vld [tilespmem:s21+$0xFFFFFFE0];
	v5 =	vadd.f32 v5, v9;
	v6 =	vadd.f32 s11, v6  }
0x95: {  	s19 =	sand.u32 $0xE0, s19;
	s3 =	scvt.s32.f32 s3;
	v7 =	vadd.f32 s28, v7;
	v8 =	vadd.f32 s9, v8;
	v4 =	vtrunc.f32 v4  }
0x96: {  	s19 =	scvt.s32.f32 s19;
	v9 =	vld [tilespmem:s21+$0xFFFFFFF0];
	v10 =	vadd.f32 v10, v11;
	v5 =	vtrunc.f32 v5;
	v6 =	vtrunc.f32 v6  }
0x97: {  	v13 =	vadd.f32 s3, v3;
	v7 =	vtrunc.f32 v7;
	v8 =	vtrunc.f32 v8  }
0x98: {  	v14 =	vadd.f32 s19, v3;
	v10 =	vtrunc.f32 v10;
	v4 =	vcvt.f32.s32 v4  }
0x99: {  	v11 =	vadd.f32 v12, v13;
	v5 =	vcvt.f32.s32 v5;
	v62 =	vcvt.f32.s32 v6  }
0x9a: {  	v6 =	vcvt.f32.s32 v8;
	v8 =	vcvt.f32.s32 v10;
	vm0 =	vgt.s32 v4, $0x0  }
0x9b: {  	vm1 =	vgt.s32 v5, $0x0;
	v9 =	vadd.f32 v9, v14;
	v4 =	vnsel vm0, $0x0, v4  }
0x9c: {  	vm2 =	vgt.s32 v8, $0x0;
	v5 =	vnsel vm1, $0x0, v5;
	v4 =	vmin.u32 v4, $0xFF  }
0x9d: {  	vm0 =	vgt.s32 v62, $0x0;
	v5 =	vmin.u32 v5, $0xFF;
	v4 =	vshll.u32 v4, $0x8  }
0x9e: {  	v4 =	vor.u32 v5, v4;
	v5 =	vtrunc.f32 v11;
	v11 =	vcvt.f32.s32 v7  }
0x9f: {  	vm1 =	vgt.s32 v6, $0x0;
	v7 =	vnsel vm0, $0x0, v62;
	v5 =	vcvt.f32.s32 v5  }
0xa0: {  	s3 =	simm.s32 $0x19020;
	v63 =	vor.u32 v0, v4;
	v4 =	vtrunc.f32 v9;
	vm3 =	vgt.s32 v11, $0x0  }
0xa1: {  	v4 =	vcvt.f32.s32 v4;
	[tilespmem:s3+$0x10] =	vst v63;
	vm0 =	vgt.s32 v5, $0x0;
	v9 =	vnsel vm3, $0x0, v11  }
.LBB2_6:
0xa2: {  	s9 =	sadd.s32 $0x1040, s22  }
0xa3: {  	s10 =	sadd.s32 $0x1050, s22;
	v8 =	vnsel vm2, $0x0, v8;
	vm2 =	vgt.s32 v4, $0x0;
	v6 =	vnsel vm1, $0x0, v6;
	s19 =	smov.u32 s22;
	s22 =	sadd.s32 $0x40, s22  }
0xa4: {  	v7 =	vmin.u32 v7, $0xFF;
	v5 =	vnsel vm0, $0x0, v5;
	v9 =	vmin.u32 v9, $0xFF;
	s13 =	sadd.s32 $0x40, s13;
	s20 =	sand.u32 $0xC0, s22;
	s24 =	sadd.s32 $0x1060, s19  }
0xa5: {  	s21 =	sadd.s32 $0x40, s21;
	s9 =	sshrl.u32 s9, $0x8;
	s19 =	sadd.s32 $0x1070, s19;
	v8 =	vmin.u32 v8, $0xFF;
	v4 =	vnsel vm2, $0x0, v4;
	v6 =	vmin.u32 v6, $0xFF;
	v10 =	vld [tilespmem:s13+$0x0]  }
0xa6: {  	s25 =	sand.u32 $0xD0, s10;
	v7 =	vshll.u32 v7, $0x8;
	v5 =	vmin.u32 v5, $0xFF;
	v9 =	vshll.u32 v9, $0x8;
	s28 =	sand.u32 $0xF0, s19;
	s19 =	sshrl.u32 s19, $0x8;
	v11 =	vld [tilespmem:s21+$0x0]  }
0xa7: {  	s10 =	sshrl.u32 s10, $0x8;
	v7 =	vor.u32 v8, v7;
	v4 =	vmin.u32 v4, $0xFF;
	v6 =	vshll.u32 v6, $0x8;
	s28 =	scvt.s32.f32 s28;
	s19 =	sor.u32 s6, s19;
	v12 =	vld [tilespmem:s13+$0xFFFFFFD0]  }
0xa8: {  	s20 =	scvt.s32.f32 s20;
	s11 =	sand.u32 $0xE0, s24;
	v5 =	vor.u32 v5, v9;
	v7 =	vor.u32 v0, v7;
	v4 =	vor.u32 v4, v6;
	s19 =	scvt.s32.f32 s19;
	v8 =	vld [tilespmem:s13+$0xFFFFFFE0]  }
0xa9: {  	s9 =	sor.u32 s6, s9;
	s25 =	scvt.s32.f32 s25;
	s24 =	sshrl.u32 s24, $0x8;
	v5 =	vor.u32 v0, v5;
	v4 =	vor.u32 v0, v4;
	v9 =	vadd.f32 s28, v3;
	v6 =	vld [tilespmem:s13+$0xFFFFFFF0];
	[tilespmem:s3+$0xFFFFFFE0] =	vst v7  }
0xaa: {  	s10 =	sor.u32 s6, s10;
	s9 =	scvt.s32.f32 s9;
	s11 =	scvt.s32.f32 s11;
	v13 =	vadd.f32 s20, v3;
	v7 =	vld [tilespmem:s21+$0xFFFFFFD0];
	v10 =	vadd.f32 s19, v10;
	[tilespmem:s3+$0xFFFFFFF0] =	vst v5  }
0xab: {  	p0 =	slt.u32 s22, $0xFC0;
	s10 =	scvt.s32.f32 s10;
	v14 =	vadd.f32 s25, v3;
	s19 =	sor.u32 s6, s24;
	v5 =	vld [tilespmem:s21+$0xFFFFFFE0];
	v9 =	vadd.f32 v11, v9;
	[tilespmem:s3+$0x0] =	vst v4  }
0xac: {  	v4 =	vadd.f32 s9, v12;
	v11 =	vld [tilespmem:s21+$0xFFFFFFF0];
	v12 =	vadd.f32 s11, v3;
	s9 =	scvt.s32.f32 s19;
	v10 =	vtrunc.f32 v10  }
0xad: {  	v8 =	vadd.f32 s10, v8;
	v9 =	vtrunc.f32 v9;
	v10 =	vcvt.f32.s32 v10  }
0xae: {  	v4 =	vtrunc.f32 v4;
	v6 =	vadd.f32 s9, v6;
	v9 =	vcvt.f32.s32 v9  }
0xaf: {  	v7 =	vadd.f32 v7, v13;
	v8 =	vtrunc.f32 v8;
	vm0 =	vgt.s32 v10, $0x0  }
0xb0: {  	v5 =	vadd.f32 v5, v14;
	vm1 =	vgt.s32 v9, $0x0;
	v10 =	vnsel vm0, $0x0, v10  }
0xb1: {  	v11 =	vadd.f32 v11, v12;
	v9 =	vnsel vm1, $0x0, v9;
	v10 =	vmin.u32 v10, $0xFF  }
0xb2: {  	v6 =	vtrunc.f32 v6;
	v9 =	vmin.u32 v9, $0xFF;
	v10 =	vshll.u32 v10, $0x8  }
0xb3: {  	v4 =	vcvt.f32.s32 v4;
	v7 =	vtrunc.f32 v7;
	v9 =	vor.u32 v9, v10  }
.Ltmp2:
0xb4: {  	s3 =	sadd.s32 $0x40, s3;
	v5 =	vtrunc.f32 v5;
	v10 =	vcvt.f32.s32 v8;
	v8 =	vor.u32 v0, v9;
	(pc) =	sbr.rel @p0 .LBB2_6-.Ltmp2, $4  }
0xb5: {  	vm0 =	vgt.s32 v4, $0x0;
	v6 =	vcvt.f32.s32 v6;
	v9 =	vtrunc.f32 v11;
	[tilespmem:s3+$0x10] =	vst v8  }
0xb6: {  	v5 =	vcvt.f32.s32 v5;
	v8 =	vcvt.f32.s32 v7;
	vm3 =	vgt.s32 v10, $0x0  }
0xb7: {  	vm1 =	vgt.s32 v6, $0x0;
	v7 =	vnsel vm0, $0x0, v4;
	v4 =	vcvt.f32.s32 v9  }
0xb8: {  	vm0 =	vgt.s32 v5, $0x0;
	v9 =	vnsel vm3, $0x0, v10;
	vm2 =	vgt.s32 v8, $0x0  }
0xb9: {  	v8 =	vnsel vm2, $0x0, v8;
	vm15 =	vgt.s32 v4, $0x0  }
0xba: {  	v6 =	vnsel vm1, $0x0, v6;
	v7 =	vmin.u32 v7, $0xFF;
	v5 =	vnsel vm0, $0x0, v5  }
0xbb: {  	v9 =	vmin.u32 v9, $0xFF;
	v8 =	vmin.u32 v8, $0xFF;
	v4 =	vnsel vm15, $0x0, v4  }
0xbc: {  	v6 =	vmin.u32 v6, $0xFF;
	v7 =	vshll.u32 v7, $0x8;
	v5 =	vmin.u32 v5, $0xFF  }
0xbd: {  	v9 =	vshll.u32 v9, $0x8;
	v7 =	vor.u32 v8, v7;
	v4 =	vmin.u32 v4, $0xFF  }
0xbe: {  	v6 =	vshll.u32 v6, $0x8;
	v5 =	vor.u32 v5, v9;
	v7 =	vor.u32 v0, v7  }
0xbf: {  	v4 =	vor.u32 v4, v6;
	v5 =	vor.u32 v0, v5;
	[tilespmem:s3+$0xFFFFFFE0] =	vst v7  }
0xc0: {  	v4 =	vor.u32 v0, v4;
	[tilespmem:s3+$0xFFFFFFF0] =	vst v5  }
0xc1: {  	[tilespmem:s3+$0x0] =	vst v4  }
0xc2: {  	[tilespmem:s7], [sflag:$0x3] =	stream.indirect.gather [spmem:s1], $0x1, s4, s30, $0xb8;
	[tilespmem:$0x1D000] =	vst v63  }
0xc3: {  	_ = 	snop  }
0xc4: {  	[tilespmem:s8], [sflag:$0x4] =	stream.indirect.gather [spmem:s2], $0x1, s4, s30, $0xb8;
	[tilespmem:$0x1D000] =	vst v63  }
0xc5: {  	_ =	swait.ge [sflag:s12], $0x1000  }
0xc6: {  	[sflag:s12] =	ssyncset.done $0x0  }
0xc7: {  	[sflag:s12] =	ssyncadd.s32 $0xFFFFF000  }
0xc8: {  	_ =	swait.ge [sflag:s14], $0x1000  }
0xc9: {  	[sflag:s14] =	ssyncset.done $0x0  }
0xca: {  	s9 =	simm.s32 $0xC020;
	[sflag:s14] =	ssyncadd.s32 $0xFFFFF000  }
0xcb: {  	s25 =	simm.s32 $0x14020;
	v4 =	vld [tilespmem:s9+$0x10]  }
0xcc: {  	v5 =	vld [tilespmem:s25+$0x10]  }
0xcd: {  	v6 =	vld [tilespmem:s25+$0xFFFFFFE0]  }
0xce: {  	v7 =	vld [tilespmem:s9+$0xFFFFFFF0]  }
0xcf: {  	v8 =	vld [tilespmem:s25+$0xFFFFFFF0]  }
0xd0: {  	v9 =	vld [tilespmem:s9+$0x0]  }
0xd1: {  	s13 =	simm.s32 $0x14060;
	v10 =	vld [tilespmem:s25+$0x0]  }
0xd2: {  	v11 =	vld [tilespmem:s13+$0x10]  }
0xd3: {  	s28 =	simm.s32 $0xC060;
	v12 =	vld [tilespmem:s13+$0xFFFFFFE0]  }
0xd4: {  	v13 =	vld [tilespmem:s28+$0xFFFFFFF0]  }
0xd5: {  	v14 =	vld [tilespmem:s13+$0xFFFFFFF0]  }
0xd6: {  	v15 =	vld [tilespmem:s28+$0x0];
	v4 =	vadd.f32 v5, v4  }
0xd7: {  	v5 =	vld [tilespmem:s9+$0xFFFFFFE0]  }
0xd8: {  	s3 =	simm.s32 $0x10020;
	v16 =	vld [tilespmem:s13+$0x0];
	[tilespmem:s9+$0x10] =	vst v4;
	v4 =	vadd.f32 v8, v7  }
0xd9: {  	v7 =	vld [tilespmem:s3+$0x10]  }
0xda: {  	s10 =	simm.s32 $0x15020;
	[tilespmem:s9+$0xFFFFFFF0] =	vst v4;
	v4 =	vadd.f32 v10, v9;
	v10 =	vld [tilespmem:s28+$0x10]  }
0xdb: {  	v8 =	vld [tilespmem:s10+$0x10]  }
0xdc: {  	v5 =	vadd.f32 v6, v5;
	v6 =	vld [tilespmem:s3+$0xFFFFFFF0]  }
0xdd: {  	v9 =	vld [tilespmem:s10+$0xFFFFFFF0];
	[tilespmem:s9+$0x0] =	vst v4  }
0xde: {  	[tilespmem:s9+$0xFFFFFFE0] =	vst v5;
	v4 =	vld [tilespmem:s3+$0x0]  }
0xdf: {  	v5 =	vld [tilespmem:s3+$0xFFFFFFE0];
	v10 =	vadd.f32 v11, v10  }
0xe0: {  	v11 =	vld [tilespmem:s28+$0xFFFFFFE0]  }
0xe1: {  	s24 =	simm.s32 $0x10060;
	v7 =	vadd.f32 v8, v7;
	[tilespmem:s28+$0x10] =	vst v10;
	v10 =	vld [tilespmem:s10+$0xFFFFFFE0]  }
0xe2: {  	s22 =	simm.s32 $0x15060;
	v8 =	vadd.f32 v14, v13;
	v61 =	vld [tilespmem:s24+$0x10]  }
0xe3: {  	[tilespmem:s3+$0x10] =	vst v7;
	v6 =	vadd.f32 v9, v6;
	v62 =	vld [tilespmem:s22+$0x10]  }
0xe4: {  	[tilespmem:s28+$0xFFFFFFF0] =	vst v8;
	v9 =	vadd.f32 v16, v15;
	v7 =	vld [tilespmem:s10+$0x0]  }
0xe5: {  	v8 =	vld [tilespmem:s22+$0xFFFFFFF0];
	[tilespmem:s3+$0xFFFFFFF0] =	vst v6;
	v11 =	vadd.f32 v12, v11  }
0xe6: {  	v6 =	vld [tilespmem:s24+$0xFFFFFFF0];
	[tilespmem:s28+$0x0] =	vst v9;
	v63 =	vadd.f32 v10, v5  }
0xe7: {  	s21 =	simm.s32 $0x0;
	v9 =	vld [tilespmem:s24+$0x0];
	[tilespmem:s28+$0xFFFFFFE0] =	vst v11  }
0xe8: {  	s19 =	simm.s32 $0x40;
	s20 =	simm.s32 $0xC0A0;
	s10 =	simm.s32 $0x15060;
	v5 =	vld [tilespmem:s24+$0xFFFFFFE0];
	v10 =	vadd.f32 v62, v61;
	[tilespmem:s3+$0xFFFFFFE0] =	vst v63  }
.LBB2_8:
0xe9: {  	v11 =	vld [tilespmem:s20+$0x10];
	s13 =	sadd.s32 $0x40, s13;
	v12 =	vadd.f32 v7, v4  }
0xea: {  	v7 =	vld [tilespmem:s13+$0x10];
	[tilespmem:s24+$0x10] =	vst v10  }
0xeb: {  	s19 =	sadd.s32 $0x40, s19;
	v10 =	vld [tilespmem:s13+$0xFFFFFFE0];
	v6 =	vadd.f32 v8, v6;
	[tilespmem:s3+$0x0] =	vst v12;
	s3 =	smov.u32 s24  }
0xec: {  	p0 =	slt.u32 s19, $0xFC0;
	v8 =	vld [tilespmem:s20+$0xFFFFFFF0];
	v4 =	vmov v9  }
0xed: {  	v9 =	vld [tilespmem:s13+$0xFFFFFFF0];
	[tilespmem:s24+$0xFFFFFFF0] =	vst v6  }
0xee: {  	v6 =	vld [tilespmem:s20+$0x0]  }
0xef: {  	v12 =	vld [tilespmem:s13+$0x0];
	v7 =	vadd.f32 v7, v11  }
0xf0: {  	v11 =	vld [tilespmem:s20+$0xFFFFFFE0]  }
0xf1: {  	s24 =	sadd.s32 $0x40, s24;
	[tilespmem:s20+$0x10] =	vst v7;
	v13 =	vld [tilespmem:s22+$0xFFFFFFE0]  }
0xf2: {  	s22 =	sadd.s32 $0x40, s22;
	v7 =	vadd.f32 v9, v8;
	v14 =	vld [tilespmem:s24+$0x10]  }
0xf3: {  	v15 =	vld [tilespmem:s22+$0x10]  }
.Ltmp3:
0xf4: {  	[tilespmem:s20+$0xFFFFFFF0] =	vst v7;
	v9 =	vadd.f32 v12, v6;
	v7 =	vld [tilespmem:s10+$0x0];
	s10 =	smov.u32 s22;
	(pc) =	sbr.rel @p0 .LBB2_8-.Ltmp3, $4  }
0xf5: {  	v10 =	vadd.f32 v10, v11;
	v6 =	vld [tilespmem:s24+$0xFFFFFFF0]  }
0xf6: {  	v8 =	vld [tilespmem:s22+$0xFFFFFFF0];
	[tilespmem:s20+$0x0] =	vst v9;
	v11 =	vadd.f32 v13, v5  }
0xf7: {  	[tilespmem:s20+$0xFFFFFFE0] =	vst v10;
	v9 =	vld [tilespmem:s24+$0x0]  }
0xf8: {  	s20 =	sadd.s32 $0x40, s20;
	v5 =	vld [tilespmem:s24+$0xFFFFFFE0];
	v10 =	vadd.f32 v15, v14;
	[tilespmem:s3+$0xFFFFFFE0] =	vst v11  }
0xf9: {  	v11 =	vld [tilespmem:s22+$0xFFFFFFE0]  }
0xfa: {  	v12 =	vld [tilespmem:s10+$0x0];
	_ =	sdelay $0x1  }
0xfb: {  	v4 =	vadd.f32 v7, v4  }
0xfc: {  	[tilespmem:s24+$0x10] =	vst v10;
	v6 =	vadd.f32 v8, v6  }
0xfd: {  	[tilespmem:s3+$0x0] =	vst v4;
	v4 =	vadd.f32 v11, v5  }
0xfe: {  	[tilespmem:s24+$0xFFFFFFF0] =	vst v6;
	v5 =	vadd.f32 v12, v9  }
0xff: {  	[tilespmem:s24+$0xFFFFFFE0] =	vst v4  }
0x100: {  	s13 =	simm.s32 $0x12030;
	[tilespmem:s24+$0x0] =	vst v5  }
0x101: {  	s22 =	simm.s32 $0xE030;
	v4 =	vld [tilespmem:s13+$0x0]  }
0x102: {  	s9 =	sand.u32 $0xC0, s21;
	v5 =	vld [tilespmem:s22+$0x0]  }
0x103: {  	s11 =	simm.s32 $0x20;
	s19 =	simm.s32 $0x2030;
	s20 =	simm.s32 $0x20;
	v6 =	vld [tilespmem:s13+$0xFFFFFFD0]  }
0x104: {  	s19 =	sand.u32 $0xF0, s19;
	s20 =	sor.u32 s6, s20;
	s9 =	scvt.s32.f32 s9;
	v7 =	vld [tilespmem:s13+$0xFFFFFFE0]  }
0x105: {  	s11 =	sor.u32 s6, s11;
	s19 =	scvt.s32.f32 s19;
	s24 =	simm.s32 $0x2010;
	v10 =	vld [tilespmem:s22+$0xFFFFFFD0]  }
0x106: {  	s20 =	scvt.s32.f32 s20;
	s3 =	sand.u32 $0xD0, s24;
	s24 =	simm.s32 $0x20  }
0x107: {  	s25 =	simm.s32 $0x2020;
	s28 =	scvt.s32.f32 s11;
	v9 =	vadd.f32 s19, v3;
	v8 =	vld [tilespmem:s13+$0xFFFFFFF0];
	s19 =	sor.u32 s6, s24  }
0x108: {  	s10 =	sand.u32 $0xE0, s25;
	s25 =	simm.s32 $0x20;
	v11 =	vadd.f32 s9, v3;
	s24 =	scvt.s32.f32 s19;
	v4 =	vadd.f32 s20, v4  }
0x109: {  	s25 =	sor.u32 s6, s25;
	v61 =	vld [tilespmem:s22+$0xFFFFFFE0];
	s3 =	scvt.s32.f32 s3;
	v5 =	vadd.f32 v5, v9;
	v6 =	vadd.f32 s28, v6  }
0x10a: {  	v9 =	vld [tilespmem:s22+$0xFFFFFFF0];
	s28 =	scvt.s32.f32 s25;
	v7 =	vadd.f32 s24, v7;
	v10 =	vadd.f32 v10, v11;
	v4 =	vtrunc.f32 v4  }
0x10b: {  	s10 =	scvt.s32.f32 s10;
	v13 =	vadd.f32 s3, v3;
	v5 =	vtrunc.f32 v5;
	v6 =	vtrunc.f32 v6  }
0x10c: {  	v8 =	vadd.f32 s28, v8;
	v7 =	vtrunc.f32 v7;
	v10 =	vtrunc.f32 v10  }
0x10d: {  	v14 =	vadd.f32 s10, v3;
	v4 =	vcvt.f32.s32 v4;
	v5 =	vcvt.f32.s32 v5  }
0x10e: {  	v11 =	vadd.f32 v61, v13;
	v62 =	vcvt.f32.s32 v6;
	v8 =	vtrunc.f32 v8  }
0x10f: {  	vm0 =	vgt.s32 v4, $0x0;
	vm1 =	vgt.s32 v5, $0x0;
	v9 =	vadd.f32 v9, v14  }
0x110: {  	v6 =	vcvt.f32.s32 v8;
	v8 =	vcvt.f32.s32 v10;
	v4 =	vnsel vm0, $0x0, v4  }
0x111: {  	v5 =	vnsel vm1, $0x0, v5;
	vm0 =	vgt.s32 v62, $0x0;
	v4 =	vmin.u32 v4, $0xFF  }
0x112: {  	v5 =	vmin.u32 v5, $0xFF;
	vm1 =	vgt.s32 v6, $0x0;
	v4 =	vshll.u32 v4, $0x8  }
0x113: {  	v4 =	vor.u32 v5, v4;
	v5 =	vtrunc.f32 v11;
	v11 =	vcvt.f32.s32 v7  }
0x114: {  	vm2 =	vgt.s32 v8, $0x0;
	v7 =	vnsel vm0, $0x0, v62;
	v5 =	vcvt.f32.s32 v5  }
0x115: {  	s3 =	simm.s32 $0x1A020;
	v63 =	vor.u32 v0, v4;
	v4 =	vtrunc.f32 v9;
	vm3 =	vgt.s32 v11, $0x0  }
0x116: {  	v4 =	vcvt.f32.s32 v4;
	[tilespmem:s3+$0x10] =	vst v63;
	vm0 =	vgt.s32 v5, $0x0;
	v9 =	vnsel vm3, $0x0, v11  }
.LBB2_10:
0x117: {  	s9 =	sadd.s32 $0x2040, s21  }
0x118: {  	s10 =	sadd.s32 $0x2050, s21;
	v8 =	vnsel vm2, $0x0, v8;
	vm2 =	vgt.s32 v4, $0x0;
	v6 =	vnsel vm1, $0x0, v6;
	s11 =	smov.u32 s21;
	s21 =	sadd.s32 $0x40, s21  }
0x119: {  	v7 =	vmin.u32 v7, $0xFF;
	v5 =	vnsel vm0, $0x0, v5;
	v9 =	vmin.u32 v9, $0xFF;
	s13 =	sadd.s32 $0x40, s13;
	s19 =	sand.u32 $0xC0, s21;
	s20 =	sadd.s32 $0x2060, s11  }
0x11a: {  	s22 =	sadd.s32 $0x40, s22;
	s9 =	sshrl.u32 s9, $0x8;
	s11 =	sadd.s32 $0x2070, s11;
	v8 =	vmin.u32 v8, $0xFF;
	v4 =	vnsel vm2, $0x0, v4;
	v6 =	vmin.u32 v6, $0xFF;
	v10 =	vld [tilespmem:s13+$0x0]  }
0x11b: {  	s24 =	sand.u32 $0xD0, s10;
	v7 =	vshll.u32 v7, $0x8;
	v5 =	vmin.u32 v5, $0xFF;
	v9 =	vshll.u32 v9, $0x8;
	s25 =	sand.u32 $0xF0, s11;
	s11 =	sshrl.u32 s11, $0x8;
	v11 =	vld [tilespmem:s22+$0x0]  }
0x11c: {  	s10 =	sshrl.u32 s10, $0x8;
	v7 =	vor.u32 v8, v7;
	v4 =	vmin.u32 v4, $0xFF;
	v6 =	vshll.u32 v6, $0x8;
	s25 =	scvt.s32.f32 s25;
	s11 =	sor.u32 s6, s11;
	v12 =	vld [tilespmem:s13+$0xFFFFFFD0]  }
0x11d: {  	s19 =	scvt.s32.f32 s19;
	s28 =	sand.u32 $0xE0, s20;
	v5 =	vor.u32 v5, v9;
	v7 =	vor.u32 v0, v7;
	v4 =	vor.u32 v4, v6;
	s11 =	scvt.s32.f32 s11;
	v8 =	vld [tilespmem:s13+$0xFFFFFFE0]  }
0x11e: {  	s9 =	sor.u32 s6, s9;
	s24 =	scvt.s32.f32 s24;
	s20 =	sshrl.u32 s20, $0x8;
	v5 =	vor.u32 v0, v5;
	v4 =	vor.u32 v0, v4;
	v9 =	vadd.f32 s25, v3;
	v6 =	vld [tilespmem:s13+$0xFFFFFFF0];
	[tilespmem:s3+$0xFFFFFFE0] =	vst v7  }
0x11f: {  	s10 =	sor.u32 s6, s10;
	s9 =	scvt.s32.f32 s9;
	v13 =	vadd.f32 s19, v3;
	s19 =	scvt.s32.f32 s28;
	v7 =	vld [tilespmem:s22+$0xFFFFFFD0];
	v10 =	vadd.f32 s11, v10;
	[tilespmem:s3+$0xFFFFFFF0] =	vst v5  }
0x120: {  	p0 =	slt.u32 s21, $0xFC0;
	s10 =	scvt.s32.f32 s10;
	v14 =	vadd.f32 s24, v3;
	s11 =	sor.u32 s6, s20;
	v5 =	vld [tilespmem:s22+$0xFFFFFFE0];
	v9 =	vadd.f32 v11, v9;
	[tilespmem:s3+$0x0] =	vst v4  }
0x121: {  	v4 =	vadd.f32 s9, v12;
	v11 =	vld [tilespmem:s22+$0xFFFFFFF0];
	v12 =	vadd.f32 s19, v3;
	s9 =	scvt.s32.f32 s11;
	v10 =	vtrunc.f32 v10  }
0x122: {  	v8 =	vadd.f32 s10, v8;
	v9 =	vtrunc.f32 v9;
	v10 =	vcvt.f32.s32 v10  }
0x123: {  	v4 =	vtrunc.f32 v4;
	v6 =	vadd.f32 s9, v6;
	v9 =	vcvt.f32.s32 v9  }
0x124: {  	v7 =	vadd.f32 v7, v13;
	v8 =	vtrunc.f32 v8;
	vm0 =	vgt.s32 v10, $0x0  }
0x125: {  	v5 =	vadd.f32 v5, v14;
	vm1 =	vgt.s32 v9, $0x0;
	v10 =	vnsel vm0, $0x0, v10  }
0x126: {  	v11 =	vadd.f32 v11, v12;
	v9 =	vnsel vm1, $0x0, v9;
	v10 =	vmin.u32 v10, $0xFF  }
0x127: {  	v6 =	vtrunc.f32 v6;
	v9 =	vmin.u32 v9, $0xFF;
	v10 =	vshll.u32 v10, $0x8  }
0x128: {  	v4 =	vcvt.f32.s32 v4;
	v7 =	vtrunc.f32 v7;
	v9 =	vor.u32 v9, v10  }
.Ltmp4:
0x129: {  	s3 =	sadd.s32 $0x40, s3;
	v5 =	vtrunc.f32 v5;
	v10 =	vcvt.f32.s32 v8;
	v8 =	vor.u32 v0, v9;
	(pc) =	sbr.rel @p0 .LBB2_10-.Ltmp4, $4  }
0x12a: {  	vm0 =	vgt.s32 v4, $0x0;
	v6 =	vcvt.f32.s32 v6;
	v9 =	vtrunc.f32 v11;
	[tilespmem:s3+$0x10] =	vst v8  }
0x12b: {  	v5 =	vcvt.f32.s32 v5;
	v8 =	vcvt.f32.s32 v7;
	vm3 =	vgt.s32 v10, $0x0  }
0x12c: {  	vm1 =	vgt.s32 v6, $0x0;
	v7 =	vnsel vm0, $0x0, v4;
	v4 =	vcvt.f32.s32 v9  }
0x12d: {  	vm0 =	vgt.s32 v5, $0x0;
	v9 =	vnsel vm3, $0x0, v10;
	vm2 =	vgt.s32 v8, $0x0  }
0x12e: {  	v8 =	vnsel vm2, $0x0, v8;
	vm15 =	vgt.s32 v4, $0x0  }
0x12f: {  	v6 =	vnsel vm1, $0x0, v6;
	v7 =	vmin.u32 v7, $0xFF;
	v5 =	vnsel vm0, $0x0, v5  }
0x130: {  	v9 =	vmin.u32 v9, $0xFF;
	v8 =	vmin.u32 v8, $0xFF;
	v4 =	vnsel vm15, $0x0, v4  }
0x131: {  	v6 =	vmin.u32 v6, $0xFF;
	v7 =	vshll.u32 v7, $0x8;
	v5 =	vmin.u32 v5, $0xFF  }
0x132: {  	v9 =	vshll.u32 v9, $0x8;
	v7 =	vor.u32 v8, v7;
	v4 =	vmin.u32 v4, $0xFF  }
0x133: {  	v6 =	vshll.u32 v6, $0x8;
	v5 =	vor.u32 v5, v9;
	v7 =	vor.u32 v0, v7  }
0x134: {  	v4 =	vor.u32 v4, v6;
	v5 =	vor.u32 v0, v5;
	[tilespmem:s3+$0xFFFFFFE0] =	vst v7  }
0x135: {  	v4 =	vor.u32 v0, v4;
	[tilespmem:s3+$0xFFFFFFF0] =	vst v5  }
0x136: {  	[tilespmem:s3+$0x0] =	vst v4  }
0x137: {  	[tilespmem:s31], [sflag:$0x1] =	stream.indirect.gather [spmem:s1], $0x1, s15, s30, $0xb8;
	[tilespmem:$0x1D000] =	vst v63  }
0x138: {  	_ = 	snop  }
0x139: {  	[tilespmem:s0], [sflag:$0x2] =	stream.indirect.gather [spmem:s2], $0x1, s15, s30, $0xb8;
	[tilespmem:$0x1D000] =	vst v63  }
0x13a: {  	_ =	swait.ge [sflag:s16], $0x1000  }
0x13b: {  	[sflag:s16] =	ssyncset.done $0x0  }
0x13c: {  	[sflag:s16] =	ssyncadd.s32 $0xFFFFF000  }
0x13d: {  	_ =	swait.ge [sflag:s17], $0x1000  }
0x13e: {  	[sflag:s17] =	ssyncset.done $0x0  }
0x13f: {  	s9 =	simm.s32 $0xD030;
	[sflag:s17] =	ssyncadd.s32 $0xFFFFF000  }
0x140: {  	s25 =	simm.s32 $0x16020;
	v4 =	vld [tilespmem:s9+$0x0]  }
0x141: {  	v5 =	vld [tilespmem:s25+$0x10]  }
0x142: {  	v6 =	vld [tilespmem:s25+$0xFFFFFFE0]  }
0x143: {  	v7 =	vld [tilespmem:s9+$0xFFFFFFE0]  }
0x144: {  	v8 =	vld [tilespmem:s25+$0xFFFFFFF0]  }
0x145: {  	v9 =	vld [tilespmem:s9+$0xFFFFFFF0]  }
0x146: {  	s13 =	simm.s32 $0x16060;
	v10 =	vld [tilespmem:s25+$0x0]  }
0x147: {  	v11 =	vld [tilespmem:s13+$0x10]  }
0x148: {  	s28 =	simm.s32 $0xD070;
	v12 =	vld [tilespmem:s13+$0xFFFFFFE0]  }
0x149: {  	v13 =	vld [tilespmem:s28+$0xFFFFFFE0]  }
0x14a: {  	v14 =	vld [tilespmem:s13+$0xFFFFFFF0]  }
0x14b: {  	v15 =	vld [tilespmem:s28+$0xFFFFFFF0];
	v4 =	vadd.f32 v5, v4  }
0x14c: {  	v5 =	vld [tilespmem:s9+$0xFFFFFFD0]  }
0x14d: {  	s3 =	simm.s32 $0x11030;
	v16 =	vld [tilespmem:s13+$0x0];
	[tilespmem:s9+$0x0] =	vst v4;
	v4 =	vadd.f32 v8, v7  }
0x14e: {  	v7 =	vld [tilespmem:s3+$0x0]  }
0x14f: {  	s10 =	simm.s32 $0x17020;
	[tilespmem:s9+$0xFFFFFFE0] =	vst v4;
	v4 =	vadd.f32 v10, v9;
	v10 =	vld [tilespmem:s28+$0x0]  }
0x150: {  	v8 =	vld [tilespmem:s10+$0x10]  }
0x151: {  	v5 =	vadd.f32 v6, v5;
	v6 =	vld [tilespmem:s3+$0xFFFFFFE0]  }
0x152: {  	v9 =	vld [tilespmem:s10+$0xFFFFFFF0];
	[tilespmem:s9+$0xFFFFFFF0] =	vst v4  }
0x153: {  	[tilespmem:s9+$0xFFFFFFD0] =	vst v5;
	v4 =	vld [tilespmem:s3+$0xFFFFFFF0]  }
0x154: {  	v5 =	vld [tilespmem:s3+$0xFFFFFFD0];
	v10 =	vadd.f32 v11, v10  }
0x155: {  	v11 =	vld [tilespmem:s28+$0xFFFFFFD0]  }
0x156: {  	s24 =	simm.s32 $0x11070;
	v7 =	vadd.f32 v8, v7;
	[tilespmem:s28+$0x0] =	vst v10;
	v10 =	vld [tilespmem:s10+$0xFFFFFFE0]  }
0x157: {  	s22 =	simm.s32 $0x17060;
	v8 =	vadd.f32 v14, v13;
	v61 =	vld [tilespmem:s24+$0x0]  }
0x158: {  	[tilespmem:s3+$0x0] =	vst v7;
	v6 =	vadd.f32 v9, v6;
	v62 =	vld [tilespmem:s22+$0x10]  }
0x159: {  	[tilespmem:s28+$0xFFFFFFE0] =	vst v8;
	v9 =	vadd.f32 v16, v15;
	v7 =	vld [tilespmem:s10+$0x0]  }
0x15a: {  	v8 =	vld [tilespmem:s22+$0xFFFFFFF0];
	[tilespmem:s3+$0xFFFFFFE0] =	vst v6;
	v11 =	vadd.f32 v12, v11  }
0x15b: {  	v6 =	vld [tilespmem:s24+$0xFFFFFFE0];
	[tilespmem:s28+$0xFFFFFFF0] =	vst v9;
	v63 =	vadd.f32 v10, v5  }
0x15c: {  	s21 =	simm.s32 $0x0;
	v9 =	vld [tilespmem:s24+$0xFFFFFFF0];
	[tilespmem:s28+$0xFFFFFFD0] =	vst v11  }
0x15d: {  	s19 =	simm.s32 $0x40;
	s20 =	simm.s32 $0xD0B0;
	s10 =	simm.s32 $0x17060;
	v5 =	vld [tilespmem:s24+$0xFFFFFFD0];
	v10 =	vadd.f32 v62, v61;
	[tilespmem:s3+$0xFFFFFFD0] =	vst v63  }
.LBB2_12:
0x15e: {  	v11 =	vld [tilespmem:s20+$0x0];
	s13 =	sadd.s32 $0x40, s13;
	v12 =	vadd.f32 v7, v4  }
0x15f: {  	v7 =	vld [tilespmem:s13+$0x10];
	[tilespmem:s24+$0x0] =	vst v10  }
0x160: {  	s19 =	sadd.s32 $0x40, s19;
	v10 =	vld [tilespmem:s13+$0xFFFFFFE0];
	v6 =	vadd.f32 v8, v6;
	[tilespmem:s3+$0xFFFFFFF0] =	vst v12;
	s3 =	smov.u32 s24  }
0x161: {  	p0 =	slt.u32 s19, $0xFC0;
	v8 =	vld [tilespmem:s20+$0xFFFFFFE0];
	v4 =	vmov v9  }
0x162: {  	v9 =	vld [tilespmem:s13+$0xFFFFFFF0];
	[tilespmem:s24+$0xFFFFFFE0] =	vst v6  }
0x163: {  	v6 =	vld [tilespmem:s20+$0xFFFFFFF0]  }
0x164: {  	v12 =	vld [tilespmem:s13+$0x0];
	v7 =	vadd.f32 v7, v11  }
0x165: {  	v11 =	vld [tilespmem:s20+$0xFFFFFFD0]  }
0x166: {  	s24 =	sadd.s32 $0x40, s24;
	[tilespmem:s20+$0x0] =	vst v7;
	v13 =	vld [tilespmem:s22+$0xFFFFFFE0]  }
0x167: {  	s22 =	sadd.s32 $0x40, s22;
	v7 =	vadd.f32 v9, v8;
	v14 =	vld [tilespmem:s24+$0x0]  }
0x168: {  	v15 =	vld [tilespmem:s22+$0x10]  }
.Ltmp5:
0x169: {  	[tilespmem:s20+$0xFFFFFFE0] =	vst v7;
	v9 =	vadd.f32 v12, v6;
	v7 =	vld [tilespmem:s10+$0x0];
	s10 =	smov.u32 s22;
	(pc) =	sbr.rel @p0 .LBB2_12-.Ltmp5, $4  }
0x16a: {  	v10 =	vadd.f32 v10, v11;
	v6 =	vld [tilespmem:s24+$0xFFFFFFE0]  }
0x16b: {  	v8 =	vld [tilespmem:s22+$0xFFFFFFF0];
	[tilespmem:s20+$0xFFFFFFF0] =	vst v9;
	v11 =	vadd.f32 v13, v5  }
0x16c: {  	[tilespmem:s20+$0xFFFFFFD0] =	vst v10;
	v9 =	vld [tilespmem:s24+$0xFFFFFFF0]  }
0x16d: {  	s20 =	sadd.s32 $0x40, s20;
	v5 =	vld [tilespmem:s24+$0xFFFFFFD0];
	v10 =	vadd.f32 v15, v14;
	[tilespmem:s3+$0xFFFFFFD0] =	vst v11  }
0x16e: {  	v11 =	vld [tilespmem:s22+$0xFFFFFFE0]  }
0x16f: {  	v12 =	vld [tilespmem:s10+$0x0];
	_ =	sdelay $0x1  }
0x170: {  	v4 =	vadd.f32 v7, v4  }
0x171: {  	[tilespmem:s24+$0x0] =	vst v10;
	v6 =	vadd.f32 v8, v6  }
0x172: {  	[tilespmem:s3+$0xFFFFFFF0] =	vst v4;
	v4 =	vadd.f32 v11, v5  }
0x173: {  	[tilespmem:s24+$0xFFFFFFE0] =	vst v6;
	v5 =	vadd.f32 v12, v9  }
0x174: {  	[tilespmem:s24+$0xFFFFFFD0] =	vst v4  }
0x175: {  	s13 =	simm.s32 $0x13030;
	[tilespmem:s24+$0xFFFFFFF0] =	vst v5  }
0x176: {  	s22 =	simm.s32 $0xF030;
	v4 =	vld [tilespmem:s13+$0x0]  }
0x177: {  	s9 =	sand.u32 $0xC0, s21;
	v5 =	vld [tilespmem:s22+$0x0]  }
0x178: {  	s11 =	simm.s32 $0x30;
	s19 =	simm.s32 $0x3030;
	s20 =	simm.s32 $0x30;
	v6 =	vld [tilespmem:s13+$0xFFFFFFD0]  }
0x179: {  	s19 =	sand.u32 $0xF0, s19;
	s20 =	sor.u32 s6, s20;
	s9 =	scvt.s32.f32 s9;
	v7 =	vld [tilespmem:s13+$0xFFFFFFE0]  }
0x17a: {  	s11 =	sor.u32 s6, s11;
	s19 =	scvt.s32.f32 s19;
	s24 =	simm.s32 $0x3010;
	v10 =	vld [tilespmem:s22+$0xFFFFFFD0]  }
0x17b: {  	s20 =	scvt.s32.f32 s20;
	s3 =	sand.u32 $0xD0, s24;
	s24 =	simm.s32 $0x30  }
0x17c: {  	s25 =	simm.s32 $0x3020;
	s28 =	scvt.s32.f32 s11;
	v9 =	vadd.f32 s19, v3;
	v8 =	vld [tilespmem:s13+$0xFFFFFFF0];
	s19 =	sor.u32 s6, s24  }
0x17d: {  	s10 =	sand.u32 $0xE0, s25;
	s25 =	simm.s32 $0x30;
	v11 =	vadd.f32 s9, v3;
	s24 =	scvt.s32.f32 s19;
	v4 =	vadd.f32 s20, v4  }
0x17e: {  	s25 =	sor.u32 s6, s25;
	v61 =	vld [tilespmem:s22+$0xFFFFFFE0];
	s3 =	scvt.s32.f32 s3;
	v5 =	vadd.f32 v5, v9;
	v6 =	vadd.f32 s28, v6  }
0x17f: {  	v9 =	vld [tilespmem:s22+$0xFFFFFFF0];
	s28 =	scvt.s32.f32 s25;
	v7 =	vadd.f32 s24, v7;
	v10 =	vadd.f32 v10, v11;
	v4 =	vtrunc.f32 v4  }
0x180: {  	s10 =	scvt.s32.f32 s10;
	v13 =	vadd.f32 s3, v3;
	v5 =	vtrunc.f32 v5;
	v6 =	vtrunc.f32 v6  }
0x181: {  	v8 =	vadd.f32 s28, v8;
	v7 =	vtrunc.f32 v7;
	v10 =	vtrunc.f32 v10  }
0x182: {  	v14 =	vadd.f32 s10, v3;
	v4 =	vcvt.f32.s32 v4;
	v5 =	vcvt.f32.s32 v5  }
0x183: {  	v11 =	vadd.f32 v61, v13;
	v62 =	vcvt.f32.s32 v6;
	v8 =	vtrunc.f32 v8  }
0x184: {  	vm0 =	vgt.s32 v4, $0x0;
	vm1 =	vgt.s32 v5, $0x0;
	v9 =	vadd.f32 v9, v14  }
0x185: {  	v6 =	vcvt.f32.s32 v8;
	v8 =	vcvt.f32.s32 v10;
	v4 =	vnsel vm0, $0x0, v4  }
0x186: {  	v5 =	vnsel vm1, $0x0, v5;
	vm0 =	vgt.s32 v62, $0x0;
	v4 =	vmin.u32 v4, $0xFF  }
0x187: {  	v5 =	vmin.u32 v5, $0xFF;
	vm1 =	vgt.s32 v6, $0x0;
	v4 =	vshll.u32 v4, $0x8  }
0x188: {  	v4 =	vor.u32 v5, v4;
	v5 =	vtrunc.f32 v11;
	v11 =	vcvt.f32.s32 v7  }
0x189: {  	vm2 =	vgt.s32 v8, $0x0;
	v7 =	vnsel vm0, $0x0, v62;
	v5 =	vcvt.f32.s32 v5  }
0x18a: {  	s3 =	simm.s32 $0x1B020;
	v63 =	vor.u32 v0, v4;
	v4 =	vtrunc.f32 v9;
	vm3 =	vgt.s32 v11, $0x0  }
0x18b: {  	v4 =	vcvt.f32.s32 v4;
	[tilespmem:s3+$0x10] =	vst v63;
	vm0 =	vgt.s32 v5, $0x0;
	v9 =	vnsel vm3, $0x0, v11  }
.LBB2_14:
0x18c: {  	s9 =	sadd.s32 $0x3040, s21  }
0x18d: {  	s10 =	sadd.s32 $0x3050, s21;
	v8 =	vnsel vm2, $0x0, v8;
	vm2 =	vgt.s32 v4, $0x0;
	v6 =	vnsel vm1, $0x0, v6;
	s11 =	smov.u32 s21;
	s21 =	sadd.s32 $0x40, s21  }
0x18e: {  	v7 =	vmin.u32 v7, $0xFF;
	v5 =	vnsel vm0, $0x0, v5;
	v9 =	vmin.u32 v9, $0xFF;
	s13 =	sadd.s32 $0x40, s13;
	s19 =	sand.u32 $0xC0, s21;
	s20 =	sadd.s32 $0x3060, s11  }
0x18f: {  	s22 =	sadd.s32 $0x40, s22;
	s9 =	sshrl.u32 s9, $0x8;
	s11 =	sadd.s32 $0x3070, s11;
	v8 =	vmin.u32 v8, $0xFF;
	v4 =	vnsel vm2, $0x0, v4;
	v6 =	vmin.u32 v6, $0xFF;
	v10 =	vld [tilespmem:s13+$0x0]  }
0x190: {  	s24 =	sand.u32 $0xD0, s10;
	v7 =	vshll.u32 v7, $0x8;
	v5 =	vmin.u32 v5, $0xFF;
	v9 =	vshll.u32 v9, $0x8;
	s25 =	sand.u32 $0xF0, s11;
	s11 =	sshrl.u32 s11, $0x8;
	v11 =	vld [tilespmem:s22+$0x0]  }
0x191: {  	s10 =	sshrl.u32 s10, $0x8;
	v7 =	vor.u32 v8, v7;
	v4 =	vmin.u32 v4, $0xFF;
	v6 =	vshll.u32 v6, $0x8;
	s25 =	scvt.s32.f32 s25;
	s11 =	sor.u32 s6, s11;
	v12 =	vld [tilespmem:s13+$0xFFFFFFD0]  }
0x192: {  	s19 =	scvt.s32.f32 s19;
	s28 =	sand.u32 $0xE0, s20;
	v5 =	vor.u32 v5, v9;
	v7 =	vor.u32 v0, v7;
	v4 =	vor.u32 v4, v6;
	s11 =	scvt.s32.f32 s11;
	v8 =	vld [tilespmem:s13+$0xFFFFFFE0]  }
0x193: {  	s9 =	sor.u32 s6, s9;
	s24 =	scvt.s32.f32 s24;
	s20 =	sshrl.u32 s20, $0x8;
	v5 =	vor.u32 v0, v5;
	v4 =	vor.u32 v0, v4;
	v9 =	vadd.f32 s25, v3;
	v6 =	vld [tilespmem:s13+$0xFFFFFFF0];
	[tilespmem:s3+$0xFFFFFFE0] =	vst v7  }
0x194: {  	s10 =	sor.u32 s6, s10;
	s9 =	scvt.s32.f32 s9;
	v13 =	vadd.f32 s19, v3;
	s19 =	scvt.s32.f32 s28;
	v7 =	vld [tilespmem:s22+$0xFFFFFFD0];
	v10 =	vadd.f32 s11, v10;
	[tilespmem:s3+$0xFFFFFFF0] =	vst v5  }
0x195: {  	p0 =	slt.u32 s21, $0xFC0;
	s10 =	scvt.s32.f32 s10;
	v14 =	vadd.f32 s24, v3;
	s11 =	sor.u32 s6, s20;
	v5 =	vld [tilespmem:s22+$0xFFFFFFE0];
	v9 =	vadd.f32 v11, v9;
	[tilespmem:s3+$0x0] =	vst v4  }
0x196: {  	v4 =	vadd.f32 s9, v12;
	v11 =	vld [tilespmem:s22+$0xFFFFFFF0];
	v12 =	vadd.f32 s19, v3;
	s9 =	scvt.s32.f32 s11;
	v10 =	vtrunc.f32 v10  }
0x197: {  	v8 =	vadd.f32 s10, v8;
	v9 =	vtrunc.f32 v9;
	v10 =	vcvt.f32.s32 v10  }
0x198: {  	v4 =	vtrunc.f32 v4;
	v6 =	vadd.f32 s9, v6;
	v9 =	vcvt.f32.s32 v9  }
0x199: {  	v7 =	vadd.f32 v7, v13;
	v8 =	vtrunc.f32 v8;
	vm0 =	vgt.s32 v10, $0x0  }
0x19a: {  	v5 =	vadd.f32 v5, v14;
	vm1 =	vgt.s32 v9, $0x0;
	v10 =	vnsel vm0, $0x0, v10  }
0x19b: {  	v11 =	vadd.f32 v11, v12;
	v9 =	vnsel vm1, $0x0, v9;
	v10 =	vmin.u32 v10, $0xFF  }
0x19c: {  	v6 =	vtrunc.f32 v6;
	v9 =	vmin.u32 v9, $0xFF;
	v10 =	vshll.u32 v10, $0x8  }
0x19d: {  	v4 =	vcvt.f32.s32 v4;
	v7 =	vtrunc.f32 v7;
	v9 =	vor.u32 v9, v10  }
.Ltmp6:
0x19e: {  	s3 =	sadd.s32 $0x40, s3;
	v5 =	vtrunc.f32 v5;
	v10 =	vcvt.f32.s32 v8;
	v8 =	vor.u32 v0, v9;
	(pc) =	sbr.rel @p0 .LBB2_14-.Ltmp6, $4  }
0x19f: {  	vm0 =	vgt.s32 v4, $0x0;
	v6 =	vcvt.f32.s32 v6;
	v9 =	vtrunc.f32 v11;
	[tilespmem:s3+$0x10] =	vst v8  }
0x1a0: {  	v5 =	vcvt.f32.s32 v5;
	v8 =	vcvt.f32.s32 v7;
	vm3 =	vgt.s32 v10, $0x0  }
0x1a1: {  	vm1 =	vgt.s32 v6, $0x0;
	v7 =	vnsel vm0, $0x0, v4;
	v4 =	vcvt.f32.s32 v9  }
0x1a2: {  	vm0 =	vgt.s32 v5, $0x0;
	v9 =	vnsel vm3, $0x0, v10;
	vm2 =	vgt.s32 v8, $0x0  }
0x1a3: {  	v8 =	vnsel vm2, $0x0, v8;
	vm15 =	vgt.s32 v4, $0x0  }
0x1a4: {  	v6 =	vnsel vm1, $0x0, v6;
	v7 =	vmin.u32 v7, $0xFF;
	v5 =	vnsel vm0, $0x0, v5  }
0x1a5: {  	v9 =	vmin.u32 v9, $0xFF;
	v8 =	vmin.u32 v8, $0xFF;
	v4 =	vnsel vm15, $0x0, v4  }
0x1a6: {  	v6 =	vmin.u32 v6, $0xFF;
	v7 =	vshll.u32 v7, $0x8;
	v5 =	vmin.u32 v5, $0xFF  }
0x1a7: {  	v9 =	vshll.u32 v9, $0x8;
	v7 =	vor.u32 v8, v7;
	v4 =	vmin.u32 v4, $0xFF  }
0x1a8: {  	v6 =	vshll.u32 v6, $0x8;
	v5 =	vor.u32 v5, v9;
	v7 =	vor.u32 v0, v7  }
0x1a9: {  	v4 =	vor.u32 v4, v6;
	v5 =	vor.u32 v0, v5;
	[tilespmem:s3+$0xFFFFFFE0] =	vst v7  }
0x1aa: {  	v4 =	vor.u32 v0, v4;
	[tilespmem:s3+$0xFFFFFFF0] =	vst v5  }
0x1ab: {  	[tilespmem:s3+$0x0] =	vst v4  }
0x1ac: {  	[tilespmem:s7], [sflag:$0x3] =	stream.indirect.gather [spmem:s1], $0x1, s18, s30, $0xb8;
	[tilespmem:$0x1D000] =	vst v63  }
0x1ad: {  	_ = 	snop  }
0x1ae: {  	[tilespmem:s8], [sflag:$0x4] =	stream.indirect.gather [spmem:s2], $0x1, s18, s30, $0xb8;
	[tilespmem:$0x1D000] =	vst v63  }
0x1af: {  	_ =	swait.ge [sflag:s12], $0x1000  }
0x1b0: {  	[sflag:s12] =	ssyncset.done $0x0  }
0x1b1: {  	[sflag:s12] =	ssyncadd.s32 $0xFFFFF000  }
0x1b2: {  	_ =	swait.ge [sflag:s14], $0x1000  }
0x1b3: {  	[sflag:s14] =	ssyncset.done $0x0  }
0x1b4: {  	s9 =	simm.s32 $0xE030;
	[sflag:s14] =	ssyncadd.s32 $0xFFFFF000  }
0x1b5: {  	s25 =	simm.s32 $0x14020;
	v4 =	vld [tilespmem:s9+$0x0]  }
0x1b6: {  	v5 =	vld [tilespmem:s25+$0x10]  }
0x1b7: {  	v6 =	vld [tilespmem:s25+$0xFFFFFFE0]  }
0x1b8: {  	v7 =	vld [tilespmem:s9+$0xFFFFFFE0]  }
0x1b9: {  	v8 =	vld [tilespmem:s25+$0xFFFFFFF0]  }
0x1ba: {  	v9 =	vld [tilespmem:s9+$0xFFFFFFF0]  }
0x1bb: {  	s13 =	simm.s32 $0x14060;
	v10 =	vld [tilespmem:s25+$0x0]  }
0x1bc: {  	v11 =	vld [tilespmem:s13+$0x10]  }
0x1bd: {  	s28 =	simm.s32 $0xE070;
	v12 =	vld [tilespmem:s13+$0xFFFFFFE0]  }
0x1be: {  	v13 =	vld [tilespmem:s28+$0xFFFFFFE0]  }
0x1bf: {  	v14 =	vld [tilespmem:s13+$0xFFFFFFF0]  }
0x1c0: {  	v15 =	vld [tilespmem:s28+$0xFFFFFFF0];
	v4 =	vadd.f32 v5, v4  }
0x1c1: {  	v5 =	vld [tilespmem:s9+$0xFFFFFFD0]  }
0x1c2: {  	s3 =	simm.s32 $0x12030;
	v16 =	vld [tilespmem:s13+$0x0];
	[tilespmem:s9+$0x0] =	vst v4;
	v4 =	vadd.f32 v8, v7  }
0x1c3: {  	v7 =	vld [tilespmem:s3+$0x0]  }
0x1c4: {  	s10 =	simm.s32 $0x15020;
	[tilespmem:s9+$0xFFFFFFE0] =	vst v4;
	v4 =	vadd.f32 v10, v9;
	v10 =	vld [tilespmem:s28+$0x0]  }
0x1c5: {  	v8 =	vld [tilespmem:s10+$0x10]  }
0x1c6: {  	v5 =	vadd.f32 v6, v5;
	v6 =	vld [tilespmem:s3+$0xFFFFFFE0]  }
0x1c7: {  	v9 =	vld [tilespmem:s10+$0xFFFFFFF0];
	[tilespmem:s9+$0xFFFFFFF0] =	vst v4  }
0x1c8: {  	[tilespmem:s9+$0xFFFFFFD0] =	vst v5;
	v4 =	vld [tilespmem:s3+$0xFFFFFFF0]  }
0x1c9: {  	v5 =	vld [tilespmem:s3+$0xFFFFFFD0];
	v10 =	vadd.f32 v11, v10  }
0x1ca: {  	v11 =	vld [tilespmem:s28+$0xFFFFFFD0]  }
0x1cb: {  	s21 =	simm.s32 $0x12070;
	v7 =	vadd.f32 v8, v7;
	v8 =	vld [tilespmem:s10+$0xFFFFFFE0];
	[tilespmem:s28+$0x0] =	vst v10  }
0x1cc: {  	s22 =	simm.s32 $0x15060;
	v10 =	vadd.f32 v14, v13;
	v61 =	vld [tilespmem:s21+$0x0]  }
0x1cd: {  	[tilespmem:s3+$0x0] =	vst v7;
	v6 =	vadd.f32 v9, v6;
	v62 =	vld [tilespmem:s22+$0x10]  }
0x1ce: {  	v7 =	vld [tilespmem:s10+$0x0];
	[tilespmem:s28+$0xFFFFFFE0] =	vst v10;
	v10 =	vadd.f32 v16, v15  }
0x1cf: {  	[tilespmem:s3+$0xFFFFFFE0] =	vst v6;
	v11 =	vadd.f32 v12, v11;
	v6 =	vld [tilespmem:s21+$0xFFFFFFE0]  }
0x1d0: {  	v63 =	vadd.f32 v8, v5;
	v9 =	vld [tilespmem:s22+$0xFFFFFFF0];
	[tilespmem:s28+$0xFFFFFFF0] =	vst v10  }
0x1d1: {  	[tilespmem:s28+$0xFFFFFFD0] =	vst v11;
	v8 =	vld [tilespmem:s21+$0xFFFFFFF0]  }
0x1d2: {  	s19 =	simm.s32 $0x40;
	s20 =	simm.s32 $0xE0B0;
	s10 =	simm.s32 $0x15060;
	[tilespmem:s3+$0xFFFFFFD0] =	vst v63;
	v5 =	vld [tilespmem:s21+$0xFFFFFFD0];
	v10 =	vadd.f32 v62, v61  }
.LBB2_16:
0x1d3: {  	v11 =	vld [tilespmem:s20+$0x0];
	s13 =	sadd.s32 $0x40, s13;
	v12 =	vadd.f32 v7, v4  }
0x1d4: {  	v7 =	vld [tilespmem:s13+$0x10];
	[tilespmem:s21+$0x0] =	vst v10  }
0x1d5: {  	s19 =	sadd.s32 $0x40, s19;
	v10 =	vld [tilespmem:s13+$0xFFFFFFE0];
	v6 =	vadd.f32 v9, v6;
	[tilespmem:s3+$0xFFFFFFF0] =	vst v12;
	s3 =	smov.u32 s21  }
0x1d6: {  	p0 =	slt.u32 s19, $0xFC0;
	v9 =	vld [tilespmem:s20+$0xFFFFFFE0];
	v4 =	vmov v8  }
0x1d7: {  	v8 =	vld [tilespmem:s13+$0xFFFFFFF0];
	[tilespmem:s21+$0xFFFFFFE0] =	vst v6  }
0x1d8: {  	v6 =	vld [tilespmem:s20+$0xFFFFFFF0]  }
0x1d9: {  	v12 =	vld [tilespmem:s13+$0x0];
	v7 =	vadd.f32 v7, v11  }
0x1da: {  	v11 =	vld [tilespmem:s20+$0xFFFFFFD0]  }
0x1db: {  	s21 =	sadd.s32 $0x40, s21;
	[tilespmem:s20+$0x0] =	vst v7;
	v13 =	vld [tilespmem:s22+$0xFFFFFFE0]  }
0x1dc: {  	s22 =	sadd.s32 $0x40, s22;
	v7 =	vadd.f32 v8, v9;
	v14 =	vld [tilespmem:s21+$0x0]  }
0x1dd: {  	v15 =	vld [tilespmem:s22+$0x10]  }
.Ltmp7:
0x1de: {  	[tilespmem:s20+$0xFFFFFFE0] =	vst v7;
	v8 =	vadd.f32 v12, v6;
	v7 =	vld [tilespmem:s10+$0x0];
	s10 =	smov.u32 s22;
	(pc) =	sbr.rel @p0 .LBB2_16-.Ltmp7, $4  }
0x1df: {  	v10 =	vadd.f32 v10, v11;
	v6 =	vld [tilespmem:s21+$0xFFFFFFE0]  }
0x1e0: {  	v9 =	vld [tilespmem:s22+$0xFFFFFFF0];
	[tilespmem:s20+$0xFFFFFFF0] =	vst v8;
	v11 =	vadd.f32 v13, v5  }
0x1e1: {  	[tilespmem:s20+$0xFFFFFFD0] =	vst v10;
	v8 =	vld [tilespmem:s21+$0xFFFFFFF0]  }
0x1e2: {  	s20 =	sadd.s32 $0x40, s20;
	v5 =	vld [tilespmem:s21+$0xFFFFFFD0];
	v10 =	vadd.f32 v15, v14;
	[tilespmem:s3+$0xFFFFFFD0] =	vst v11  }
0x1e3: {  	v11 =	vld [tilespmem:s22+$0xFFFFFFE0]  }
0x1e4: {  	v12 =	vld [tilespmem:s10+$0x0];
	_ =	sdelay $0x1  }
0x1e5: {  	v4 =	vadd.f32 v7, v4  }
0x1e6: {  	[tilespmem:s21+$0x0] =	vst v10;
	v6 =	vadd.f32 v9, v6  }
0x1e7: {  	[tilespmem:s3+$0xFFFFFFF0] =	vst v4;
	v4 =	vadd.f32 v11, v5  }
0x1e8: {  	[tilespmem:s21+$0xFFFFFFE0] =	vst v6;
	v5 =	vadd.f32 v12, v8  }
0x1e9: {  	[tilespmem:s21+$0xFFFFFFD0] =	vst v4  }
0x1ea: {  	[tilespmem:s21+$0xFFFFFFF0] =	vst v5  }
0x1eb: {  	_ =	swait.ge [sflag:s16], $0x1000  }
0x1ec: {  	[sflag:s16] =	ssyncset.done $0x0  }
0x1ed: {  	[sflag:s16] =	ssyncadd.s32 $0xFFFFF000  }
0x1ee: {  	_ =	swait.ge [sflag:s17], $0x1000  }
0x1ef: {  	[sflag:s17] =	ssyncset.done $0x0  }
0x1f0: {  	s9 =	simm.s32 $0xF030;
	[sflag:s17] =	ssyncadd.s32 $0xFFFFF000  }
0x1f1: {  	s24 =	simm.s32 $0x16020;
	v4 =	vld [tilespmem:s9+$0x0]  }
0x1f2: {  	v5 =	vld [tilespmem:s24+$0x10]  }
0x1f3: {  	v6 =	vld [tilespmem:s24+$0xFFFFFFE0]  }
0x1f4: {  	v7 =	vld [tilespmem:s9+$0xFFFFFFE0]  }
0x1f5: {  	v8 =	vld [tilespmem:s24+$0xFFFFFFF0]  }
0x1f6: {  	v9 =	vld [tilespmem:s9+$0xFFFFFFF0]  }
0x1f7: {  	s13 =	simm.s32 $0x16060;
	v10 =	vld [tilespmem:s24+$0x0]  }
0x1f8: {  	v11 =	vld [tilespmem:s13+$0x10]  }
0x1f9: {  	s28 =	simm.s32 $0xF070;
	v60 =	vld [tilespmem:s13+$0xFFFFFFE0]  }
0x1fa: {  	v13 =	vld [tilespmem:s28+$0xFFFFFFE0]  }
0x1fb: {  	v14 =	vld [tilespmem:s13+$0xFFFFFFF0]  }
0x1fc: {  	v15 =	vld [tilespmem:s28+$0xFFFFFFF0];
	v4 =	vadd.f32 v5, v4  }
0x1fd: {  	v5 =	vld [tilespmem:s9+$0xFFFFFFD0]  }
0x1fe: {  	s3 =	simm.s32 $0x13030;
	v16 =	vld [tilespmem:s13+$0x0];
	[tilespmem:s9+$0x0] =	vst v4;
	v4 =	vadd.f32 v8, v7  }
0x1ff: {  	v7 =	vld [tilespmem:s3+$0x0]  }
0x200: {  	s25 =	simm.s32 $0x17020;
	[tilespmem:s9+$0xFFFFFFE0] =	vst v4;
	v4 =	vadd.f32 v10, v9;
	v10 =	vld [tilespmem:s28+$0x0]  }
0x201: {  	v8 =	vld [tilespmem:s25+$0x10]  }
0x202: {  	v5 =	vadd.f32 v6, v5;
	v6 =	vld [tilespmem:s3+$0xFFFFFFE0]  }
0x203: {  	v9 =	vld [tilespmem:s25+$0xFFFFFFF0];
	[tilespmem:s9+$0xFFFFFFF0] =	vst v4  }
0x204: {  	[tilespmem:s9+$0xFFFFFFD0] =	vst v5;
	v4 =	vld [tilespmem:s3+$0xFFFFFFF0]  }
0x205: {  	v5 =	vld [tilespmem:s3+$0xFFFFFFD0];
	v10 =	vadd.f32 v11, v10  }
0x206: {  	v11 =	vld [tilespmem:s28+$0xFFFFFFD0]  }
0x207: {  	s21 =	simm.s32 $0x13070;
	v7 =	vadd.f32 v8, v7;
	v8 =	vld [tilespmem:s25+$0xFFFFFFE0];
	[tilespmem:s28+$0x0] =	vst v10  }
0x208: {  	s22 =	simm.s32 $0x17060;
	v10 =	vadd.f32 v14, v13;
	v61 =	vld [tilespmem:s21+$0x0]  }
0x209: {  	[tilespmem:s3+$0x0] =	vst v7;
	v6 =	vadd.f32 v9, v6;
	v62 =	vld [tilespmem:s22+$0x10]  }
0x20a: {  	v7 =	vld [tilespmem:s25+$0x0];
	[tilespmem:s28+$0xFFFFFFE0] =	vst v10;
	v10 =	vadd.f32 v16, v15  }
0x20b: {  	[tilespmem:s3+$0xFFFFFFE0] =	vst v6;
	v11 =	vadd.f32 v60, v11;
	v6 =	vld [tilespmem:s21+$0xFFFFFFE0]  }
0x20c: {  	v63 =	vadd.f32 v8, v5;
	v9 =	vld [tilespmem:s22+$0xFFFFFFF0];
	[tilespmem:s28+$0xFFFFFFF0] =	vst v10  }
0x20d: {  	[tilespmem:s28+$0xFFFFFFD0] =	vst v11;
	v8 =	vld [tilespmem:s21+$0xFFFFFFF0]  }
0x20e: {  	s19 =	simm.s32 $0x40;
	s20 =	simm.s32 $0xF0B0;
	s10 =	simm.s32 $0x17060;
	[tilespmem:s3+$0xFFFFFFD0] =	vst v63;
	v5 =	vld [tilespmem:s21+$0xFFFFFFD0];
	v10 =	vadd.f32 v62, v61  }
.LBB2_18:
0x20f: {  	v11 =	vld [tilespmem:s20+$0x0];
	s13 =	sadd.s32 $0x40, s13;
	v12 =	vadd.f32 v7, v4  }
0x210: {  	v7 =	vld [tilespmem:s13+$0x10];
	[tilespmem:s21+$0x0] =	vst v10  }
0x211: {  	s19 =	sadd.s32 $0x40, s19;
	v10 =	vld [tilespmem:s13+$0xFFFFFFE0];
	v6 =	vadd.f32 v9, v6;
	[tilespmem:s3+$0xFFFFFFF0] =	vst v12;
	s3 =	smov.u32 s21  }
0x212: {  	p0 =	slt.u32 s19, $0xFC0;
	v9 =	vld [tilespmem:s20+$0xFFFFFFE0];
	v4 =	vmov v8  }
0x213: {  	v8 =	vld [tilespmem:s13+$0xFFFFFFF0];
	[tilespmem:s21+$0xFFFFFFE0] =	vst v6  }
0x214: {  	v6 =	vld [tilespmem:s20+$0xFFFFFFF0]  }
0x215: {  	v12 =	vld [tilespmem:s13+$0x0];
	v7 =	vadd.f32 v7, v11  }
0x216: {  	v11 =	vld [tilespmem:s20+$0xFFFFFFD0]  }
0x217: {  	s21 =	sadd.s32 $0x40, s21;
	[tilespmem:s20+$0x0] =	vst v7;
	v13 =	vld [tilespmem:s22+$0xFFFFFFE0]  }
0x218: {  	s22 =	sadd.s32 $0x40, s22;
	v7 =	vadd.f32 v8, v9;
	v14 =	vld [tilespmem:s21+$0x0]  }
0x219: {  	v15 =	vld [tilespmem:s22+$0x10]  }
.Ltmp8:
0x21a: {  	[tilespmem:s20+$0xFFFFFFE0] =	vst v7;
	v8 =	vadd.f32 v12, v6;
	v7 =	vld [tilespmem:s10+$0x0];
	s10 =	smov.u32 s22;
	(pc) =	sbr.rel @p0 .LBB2_18-.Ltmp8, $4  }
0x21b: {  	v10 =	vadd.f32 v10, v11;
	v6 =	vld [tilespmem:s21+$0xFFFFFFE0]  }
0x21c: {  	v9 =	vld [tilespmem:s22+$0xFFFFFFF0];
	[tilespmem:s20+$0xFFFFFFF0] =	vst v8;
	v11 =	vadd.f32 v13, v5  }
0x21d: {  	[tilespmem:s20+$0xFFFFFFD0] =	vst v10;
	v8 =	vld [tilespmem:s21+$0xFFFFFFF0]  }
0x21e: {  	s20 =	sadd.s32 $0x40, s20;
	v5 =	vld [tilespmem:s21+$0xFFFFFFD0];
	v10 =	vadd.f32 v15, v14;
	[tilespmem:s3+$0xFFFFFFD0] =	vst v11  }
0x21f: {  	v11 =	vld [tilespmem:s22+$0xFFFFFFE0]  }
0x220: {  	v12 =	vld [tilespmem:s10+$0x0];
	_ =	sdelay $0x1  }
0x221: {  	v4 =	vadd.f32 v7, v4  }
0x222: {  	[tilespmem:s21+$0x0] =	vst v10;
	v6 =	vadd.f32 v9, v6  }
0x223: {  	[tilespmem:s3+$0xFFFFFFF0] =	vst v4;
	v4 =	vadd.f32 v11, v5  }
0x224: {  	[tilespmem:s21+$0xFFFFFFE0] =	vst v6;
	v5 =	vadd.f32 v12, v8  }
0x225: {  	[tilespmem:s21+$0xFFFFFFD0] =	vst v4  }
0x226: {  	[tilespmem:s21+$0xFFFFFFF0] =	vst v5  }
0x227: {  	[bflag:$0x0] =	sbarrier.arrive $0xFFFF  }
0x228: {  	s9 =	simm.s32 $0xC000;
	s13 =	rddreg [dreg:$0xa]  }
0x229: {  	[spmem:s13] =	stream.linear.scatter [tilespmem:s9], [sflag:$0x5], $0x4000, $0x38;
	[tilespmem:$0x1D000] =	vst v63  }
0x22a: {  	_ =	swait.ge [sflag:s26], $0x4000  }
0x22b: {  	[sflag:s26] =	ssyncset.done $0x0  }
0x22c: {  	s20 =	simm.s32 $0x10000;
	s19 =	rddreg [dreg:$0xc];
	[sflag:s26] =	ssyncadd.s32 $0xFFFFC000  }
0x22d: {  	[spmem:s19] =	stream.linear.scatter [tilespmem:s20], [sflag:$0x5], $0x4000, $0x38;
	[tilespmem:$0x1D000] =	vst v63  }
0x22e: {  	_ =	swait.ge [sflag:s26], $0x4000  }
0x22f: {  	[sflag:s26] =	ssyncset.done $0x0  }
0x230: {  	[sflag:s26] =	ssyncadd.s32 $0xFFFFC000  }
0x231: {  	s3 =	simm.s32 $0xC020;
	[bflag:$0x0] =	sbarrier.arrive $0xFFFF  }
0x232: {  	v4 =	vld [tilespmem:s3+$0xFFFFFFE0]  }
0x233: {  	s21 =	simm.s32 $0x10020;
	s13 =	simm.s32 $0x0;
	v5 =	vld [tilespmem:s3+$0x0]  }
0x234: {  	s22 =	sand.u32 $0xC0, s13;
	v6 =	vld [tilespmem:s21+$0xFFFFFFF0]  }
0x235: {  	s10 =	scvt.s32.f32 s22;
	s19 =	simm.s32 $0x20;
	v7 =	vld [tilespmem:s21+$0x0]  }
0x236: {  	s20 =	simm.s32 $0x0;
	s19 =	sand.u32 $0xE0, s19;
	v9 =	vld [tilespmem:s21+$0x10]  }
0x237: {  	v8 =	vadd.f32 s10, v3;
	s24 =	sor.u32 s6, s20;
	s19 =	scvt.s32.f32 s19  }
0x238: {  	s10 =	scvt.s32.f32 s24  }
0x239: {  	s25 =	simm.s32 $0x10;
	v11 =	vadd.f32 s19, v3;
	v4 =	vadd.f32 v4, v8  }
0x23a: {  	s11 =	simm.s32 $0x30;
	s20 =	sand.u32 $0xD0, s25;
	v13 =	vld [tilespmem:s3+$0xFFFFFFF0];
	v6 =	vadd.f32 s10, v6;
	v7 =	vadd.f32 s10, v7  }
0x23b: {  	s11 =	sand.u32 $0xF0, s11;
	s28 =	scvt.s32.f32 s20;
	v8 =	vld [tilespmem:s3+$0x10];
	v5 =	vadd.f32 v5, v11;
	v9 =	vadd.f32 s10, v9;
	v4 =	vtrunc.f32 v4  }
0x23c: {  	s11 =	scvt.s32.f32 s11;
	v62 =	vld [tilespmem:s21+$0xFFFFFFE0];
	v6 =	vtrunc.f32 v6;
	v7 =	vtrunc.f32 v7  }
0x23d: {  	v11 =	vadd.f32 s28, v3;
	v5 =	vtrunc.f32 v5;
	v9 =	vtrunc.f32 v9  }
0x23e: {  	v10 =	vadd.f32 s11, v3;
	v4 =	vcvt.f32.s32 v4;
	v6 =	vcvt.f32.s32 v6  }
0x23f: {  	v11 =	vadd.f32 v13, v11;
	v7 =	vcvt.f32.s32 v7;
	v5 =	vcvt.f32.s32 v5  }
0x240: {  	vm0 =	vgt.s32 v4, $0x0;
	v8 =	vadd.f32 v8, v10;
	v10 =	vcvt.f32.s32 v9  }
0x241: {  	v9 =	vadd.f32 s10, v62;
	vm14 =	vgt.s32 v6, $0x0;
	vm15 =	vgt.s32 v5, $0x0  }
0x242: {  	vm2 =	vgt.s32 v7, $0x0;
	v4 =	vnsel vm0, $0x0, v4;
	v8 =	vtrunc.f32 v8  }
0x243: {  	v6 =	vnsel vm14, $0x0, v6;
	v5 =	vnsel vm15, $0x0, v5;
	v8 =	vcvt.f32.s32 v8  }
0x244: {  	v7 =	vnsel vm2, $0x0, v7;
	v4 =	vmin.u32 v4, $0xFF;
	vm1 =	vgt.s32 v10, $0x0  }
0x245: {  	v9 =	vtrunc.f32 v9;
	v5 =	vmin.u32 v5, $0xFF;
	vm3 =	vgt.s32 v8, $0x0  }
0x246: {  	v63 =	vmin.u32 v7, $0xFF;
	v9 =	vcvt.f32.s32 v9;
	v8 =	vnsel vm3, $0x0, v8  }
0x247: {  	s22 =	simm.s32 $0x10060;
	v10 =	vnsel vm1, $0x0, v10;
	v7 =	vmin.u32 v8, $0xFF;
	v8 =	vtrunc.f32 v11  }
0x248: {  	s24 =	simm.s32 $0x18060;
	s21 =	simm.s32 $0xC060;
	s3 =	simm.s32 $0x18020;
	v11 =	vmin.u32 v6, $0xFF;
	v6 =	vshll.u32 v63, $0x8;
	v8 =	vcvt.f32.s32 v8  }
.LBB2_20:
0x249: {  	s9 =	sadd.s32 $0x50, s13  }
0x24a: {  	v12 =	vld [tilespmem:s21+$0xFFFFFFE0];
	s10 =	sadd.s32 $0x70, s13;
	vm0 =	vgt.s32 v9, $0x0;
	v11 =	vshll.u32 v11, $0x8;
	v10 =	vmin.u32 v10, $0xFF;
	s11 =	smov.u32 s13;
	s13 =	sadd.s32 $0x40, s13  }
0x24b: {  	s19 =	sand.u32 $0xC0, s13;
	s9 =	sand.u32 $0xD0, s9;
	s11 =	sadd.s32 $0x60, s11;
	v13 =	vld [tilespmem:s21+$0x0];
	v9 =	vnsel vm0, $0x0, v9;
	vm0 =	vgt.s32 v8, $0x0;
	v10 =	vshll.u32 v10, $0x8  }
0x24c: {  	s20 =	sshrl.u32 s13, $0x8;
	s10 =	sand.u32 $0xF0, s10;
	s19 =	scvt.s32.f32 s19;
	v14 =	vld [tilespmem:s22+$0xFFFFFFF0];
	v9 =	vmin.u32 v9, $0xFF;
	v8 =	vnsel vm0, $0x0, v8;
	v7 =	vor.u32 v7, v10  }
0x24d: {  	s20 =	sor.u32 s6, s20;
	s11 =	sand.u32 $0xE0, s11;
	s10 =	scvt.s32.f32 s10;
	v10 =	vld [tilespmem:s22+$0x0];
	v9 =	vshll.u32 v9, $0x8;
	v8 =	vmin.u32 v8, $0xFF;
	v7 =	vor.u32 v0, v7  }
0x24e: {  	p0 =	slt.u32 s13, $0xFC0;
	s11 =	scvt.s32.f32 s11;
	v15 =	vadd.f32 s19, v3;
	s19 =	scvt.s32.f32 s20;
	v16 =	vld [tilespmem:s22+$0x10];
	v4 =	vor.u32 v4, v9;
	v8 =	vor.u32 v8, v11;
	[tilespmem:s3+$0x10] =	vst v7  }
0x24f: {  	s9 =	scvt.s32.f32 s9;
	v9 =	vadd.f32 s10, v3;
	v7 =	vld [tilespmem:s22+$0xFFFFFFE0];
	v4 =	vor.u32 v0, v4;
	v8 =	vor.u32 v0, v8  }
0x250: {  	v11 =	vadd.f32 v12, v15;
	v12 =	vld [tilespmem:s21+$0x10];
	[tilespmem:s3+$0xFFFFFFE0] =	vst v4;
	v4 =	vor.u32 v5, v6  }
0x251: {  	v5 =	vadd.f32 s11, v3;
	[tilespmem:s3+$0xFFFFFFF0] =	vst v8;
	v4 =	vor.u32 v0, v4  }
0x252: {  	v8 =	vadd.f32 s19, v14;
	v6 =	vtrunc.f32 v11;
	v10 =	vadd.f32 s19, v10;
	[tilespmem:s3+$0x0] =	vst v4;
	s3 =	smov.u32 s24  }
0x253: {  	v5 =	vadd.f32 v13, v5;
	v4 =	vcvt.f32.s32 v6;
	v6 =	vadd.f32 s19, v16  }
0x254: {  	v11 =	vadd.f32 s9, v3;
	v8 =	vtrunc.f32 v8;
	v10 =	vtrunc.f32 v10  }
0x255: {  	v8 =	vcvt.f32.s32 v8;
	vm0 =	vgt.s32 v4, $0x0;
	v13 =	vld [tilespmem:s21+$0xFFFFFFF0];
	v9 =	vadd.f32 v12, v9  }
0x256: {  	v5 =	vtrunc.f32 v5;
	v6 =	vtrunc.f32 v6;
	v4 =	vnsel vm0, $0x0, v4  }
0x257: {  	v6 =	vcvt.f32.s32 v6;
	v4 =	vmin.u32 v4, $0xFF;
	v9 =	vtrunc.f32 v9  }
0x258: {  	v7 =	vadd.f32 s19, v7;
	v10 =	vcvt.f32.s32 v10;
	vm0 =	vgt.s32 v8, $0x0  }
0x259: {  	v5 =	vcvt.f32.s32 v5;
	v9 =	vcvt.f32.s32 v9;
	vm1 =	vgt.s32 v6, $0x0  }
0x25a: {  	v12 =	vtrunc.f32 v7;
	v11 =	vadd.f32 v13, v11;
	v13 =	vnsel vm0, $0x0, v8  }
.Ltmp9:
0x25b: {  	vm2 =	vgt.s32 v10, $0x0;
	vm0 =	vgt.s32 v5, $0x0;
	vm3 =	vgt.s32 v9, $0x0;
	(pc) =	sbr.rel @p0 .LBB2_20-.Ltmp9, $4  }
0x25c: {  	v7 =	vnsel vm2, $0x0, v10;
	v5 =	vnsel vm0, $0x0, v5;
	v8 =	vnsel vm3, $0x0, v9  }
0x25d: {  	v14 =	vmin.u32 v7, $0xFF;
	v5 =	vmin.u32 v5, $0xFF;
	v7 =	vmin.u32 v8, $0xFF  }
0x25e: {  	v10 =	vnsel vm1, $0x0, v6;
	v9 =	vcvt.f32.s32 v12;
	v8 =	vtrunc.f32 v11  }
0x25f: {  	s22 =	sadd.s32 $0x40, s22;
	s24 =	sadd.s32 $0x40, s24;
	s21 =	sadd.s32 $0x40, s21;
	v6 =	vshll.u32 v14, $0x8;
	v11 =	vmin.u32 v13, $0xFF;
	v8 =	vcvt.f32.s32 v8  }
0x260: {  	vm0 =	vgt.s32 v9, $0x0  }
0x261: {  	v11 =	vshll.u32 v11, $0x8;
	v10 =	vmin.u32 v10, $0xFF;
	v9 =	vnsel vm0, $0x0, v9  }
0x262: {  	vm0 =	vgt.s32 v8, $0x0;
	v10 =	vshll.u32 v10, $0x8;
	v9 =	vmin.u32 v9, $0xFF  }
0x263: {  	v8 =	vnsel vm0, $0x0, v8;
	v7 =	vor.u32 v7, v10;
	v9 =	vshll.u32 v9, $0x8  }
0x264: {  	v8 =	vmin.u32 v8, $0xFF;
	v7 =	vor.u32 v0, v7;
	v4 =	vor.u32 v4, v9  }
0x265: {  	v8 =	vor.u32 v8, v11;
	[tilespmem:s3+$0x10] =	vst v7;
	v4 =	vor.u32 v0, v4  }
0x266: {  	v7 =	vor.u32 v0, v8;
	[tilespmem:s3+$0xFFFFFFE0] =	vst v4;
	v4 =	vor.u32 v5, v6  }
0x267: {  	[tilespmem:s3+$0xFFFFFFF0] =	vst v7;
	v4 =	vor.u32 v0, v4  }
0x268: {  	[tilespmem:s3+$0x0] =	vst v4  }
0x269: {  	[tilespmem:s31], [sflag:$0x1] =	stream.indirect.gather [spmem:s1], $0x1, s29, s30, $0xb8;
	[tilespmem:$0x1D000] =	vst v63  }
0x26a: {  	s22 =	simm.s32 $0x11030  }
0x26b: {  	[tilespmem:s0], [sflag:$0x2] =	stream.indirect.gather [spmem:s2], $0x1, s29, s30, $0xb8;
	[tilespmem:$0x1D000] =	vst v63  }
0x26c: {  	s21 =	simm.s32 $0xD030;
	v4 =	vld [tilespmem:s22+$0x0]  }
0x26d: {  	v5 =	vld [tilespmem:s21+$0x0]  }
0x26e: {  	s13 =	simm.s32 $0x0;
	s11 =	simm.s32 $0x10;
	s19 =	simm.s32 $0x1030;
	v6 =	vld [tilespmem:s22+$0xFFFFFFD0]  }
0x26f: {  	s20 =	simm.s32 $0x10;
	s24 =	simm.s32 $0x10;
	s19 =	sand.u32 $0xF0, s19;
	v7 =	vld [tilespmem:s22+$0xFFFFFFE0]  }
0x270: {  	s9 =	sand.u32 $0xC0, s13;
	s20 =	sor.u32 s6, s20;
	s19 =	scvt.s32.f32 s19;
	v10 =	vld [tilespmem:s21+$0xFFFFFFD0]  }
0x271: {  	s11 =	sor.u32 s6, s11;
	s9 =	scvt.s32.f32 s9;
	s20 =	scvt.s32.f32 s20  }
0x272: {  	s25 =	simm.s32 $0x1010;
	s28 =	scvt.s32.f32 s11;
	v9 =	vadd.f32 s19, v3;
	s19 =	sor.u32 s6, s24;
	v8 =	vld [tilespmem:s22+$0xFFFFFFF0]  }
0x273: {  	v11 =	vadd.f32 s9, v3;
	s24 =	scvt.s32.f32 s19;
	s3 =	sand.u32 $0xD0, s25;
	s25 =	simm.s32 $0x10;
	v4 =	vadd.f32 s20, v4  }
0x274: {  	s10 =	simm.s32 $0x1020;
	s3 =	scvt.s32.f32 s3;
	s25 =	sor.u32 s6, s25;
	v12 =	vld [tilespmem:s21+$0xFFFFFFE0];
	v5 =	vadd.f32 v5, v9;
	v6 =	vadd.f32 s28, v6  }
0x275: {  	s10 =	sand.u32 $0xE0, s10;
	v9 =	vld [tilespmem:s21+$0xFFFFFFF0];
	s28 =	scvt.s32.f32 s25;
	v7 =	vadd.f32 s24, v7;
	v10 =	vadd.f32 v10, v11;
	v4 =	vtrunc.f32 v4  }
0x276: {  	s10 =	scvt.s32.f32 s10;
	v13 =	vadd.f32 s3, v3;
	v5 =	vtrunc.f32 v5;
	v6 =	vtrunc.f32 v6  }
0x277: {  	v8 =	vadd.f32 s28, v8;
	v7 =	vtrunc.f32 v7;
	v10 =	vtrunc.f32 v10  }
0x278: {  	v14 =	vadd.f32 s10, v3;
	v4 =	vcvt.f32.s32 v4;
	v5 =	vcvt.f32.s32 v5  }
0x279: {  	v11 =	vadd.f32 v12, v13;
	v62 =	vcvt.f32.s32 v6;
	v8 =	vtrunc.f32 v8  }
0x27a: {  	vm0 =	vgt.s32 v4, $0x0;
	vm1 =	vgt.s32 v5, $0x0;
	v9 =	vadd.f32 v9, v14  }
0x27b: {  	v6 =	vcvt.f32.s32 v8;
	v8 =	vcvt.f32.s32 v10;
	v4 =	vnsel vm0, $0x0, v4  }
0x27c: {  	v5 =	vnsel vm1, $0x0, v5;
	vm0 =	vgt.s32 v62, $0x0;
	v4 =	vmin.u32 v4, $0xFF  }
0x27d: {  	v5 =	vmin.u32 v5, $0xFF;
	vm1 =	vgt.s32 v6, $0x0;
	v4 =	vshll.u32 v4, $0x8  }
0x27e: {  	v4 =	vor.u32 v5, v4;
	v5 =	vtrunc.f32 v11;
	v11 =	vcvt.f32.s32 v7  }
0x27f: {  	vm2 =	vgt.s32 v8, $0x0;
	v7 =	vnsel vm0, $0x0, v62;
	v5 =	vcvt.f32.s32 v5  }
0x280: {  	s3 =	simm.s32 $0x19020;
	v63 =	vor.u32 v0, v4;
	v4 =	vtrunc.f32 v9;
	vm3 =	vgt.s32 v11, $0x0  }
0x281: {  	v4 =	vcvt.f32.s32 v4;
	[tilespmem:s3+$0x10] =	vst v63;
	vm0 =	vgt.s32 v5, $0x0;
	v9 =	vnsel vm3, $0x0, v11  }
.LBB2_22:
0x282: {  	s9 =	sadd.s32 $0x1040, s13  }
0x283: {  	s10 =	sadd.s32 $0x1050, s13;
	v8 =	vnsel vm2, $0x0, v8;
	vm2 =	vgt.s32 v4, $0x0;
	v6 =	vnsel vm1, $0x0, v6;
	s11 =	smov.u32 s13;
	s13 =	sadd.s32 $0x40, s13  }
0x284: {  	v7 =	vmin.u32 v7, $0xFF;
	v5 =	vnsel vm0, $0x0, v5;
	v9 =	vmin.u32 v9, $0xFF;
	s22 =	sadd.s32 $0x40, s22;
	s19 =	sand.u32 $0xC0, s13;
	s20 =	sadd.s32 $0x1060, s11  }
0x285: {  	s21 =	sadd.s32 $0x40, s21;
	s9 =	sshrl.u32 s9, $0x8;
	s11 =	sadd.s32 $0x1070, s11;
	v8 =	vmin.u32 v8, $0xFF;
	v4 =	vnsel vm2, $0x0, v4;
	v6 =	vmin.u32 v6, $0xFF;
	v10 =	vld [tilespmem:s22+$0x0]  }
0x286: {  	s24 =	sand.u32 $0xD0, s10;
	v7 =	vshll.u32 v7, $0x8;
	v5 =	vmin.u32 v5, $0xFF;
	v9 =	vshll.u32 v9, $0x8;
	s25 =	sand.u32 $0xF0, s11;
	s11 =	sshrl.u32 s11, $0x8;
	v11 =	vld [tilespmem:s21+$0x0]  }
0x287: {  	s10 =	sshrl.u32 s10, $0x8;
	v7 =	vor.u32 v8, v7;
	v4 =	vmin.u32 v4, $0xFF;
	v6 =	vshll.u32 v6, $0x8;
	s25 =	scvt.s32.f32 s25;
	s11 =	sor.u32 s6, s11;
	v12 =	vld [tilespmem:s22+$0xFFFFFFD0]  }
0x288: {  	s19 =	scvt.s32.f32 s19;
	s28 =	sand.u32 $0xE0, s20;
	v5 =	vor.u32 v5, v9;
	v7 =	vor.u32 v0, v7;
	v4 =	vor.u32 v4, v6;
	s11 =	scvt.s32.f32 s11;
	v8 =	vld [tilespmem:s22+$0xFFFFFFE0]  }
0x289: {  	s9 =	sor.u32 s6, s9;
	s24 =	scvt.s32.f32 s24;
	s20 =	sshrl.u32 s20, $0x8;
	v5 =	vor.u32 v0, v5;
	v4 =	vor.u32 v0, v4;
	v9 =	vadd.f32 s25, v3;
	v6 =	vld [tilespmem:s22+$0xFFFFFFF0];
	[tilespmem:s3+$0xFFFFFFE0] =	vst v7  }
0x28a: {  	s10 =	sor.u32 s6, s10;
	s9 =	scvt.s32.f32 s9;
	v13 =	vadd.f32 s19, v3;
	s19 =	scvt.s32.f32 s28;
	v7 =	vld [tilespmem:s21+$0xFFFFFFD0];
	v10 =	vadd.f32 s11, v10;
	[tilespmem:s3+$0xFFFFFFF0] =	vst v5  }
0x28b: {  	p0 =	slt.u32 s13, $0xFC0;
	s10 =	scvt.s32.f32 s10;
	v14 =	vadd.f32 s24, v3;
	s11 =	sor.u32 s6, s20;
	v5 =	vld [tilespmem:s21+$0xFFFFFFE0];
	v9 =	vadd.f32 v11, v9;
	[tilespmem:s3+$0x0] =	vst v4  }
0x28c: {  	v4 =	vadd.f32 s9, v12;
	v11 =	vld [tilespmem:s21+$0xFFFFFFF0];
	v12 =	vadd.f32 s19, v3;
	s9 =	scvt.s32.f32 s11;
	v10 =	vtrunc.f32 v10  }
0x28d: {  	v8 =	vadd.f32 s10, v8;
	v9 =	vtrunc.f32 v9;
	v10 =	vcvt.f32.s32 v10  }
0x28e: {  	v4 =	vtrunc.f32 v4;
	v6 =	vadd.f32 s9, v6;
	v9 =	vcvt.f32.s32 v9  }
0x28f: {  	v7 =	vadd.f32 v7, v13;
	v8 =	vtrunc.f32 v8;
	vm0 =	vgt.s32 v10, $0x0  }
0x290: {  	v5 =	vadd.f32 v5, v14;
	vm1 =	vgt.s32 v9, $0x0;
	v10 =	vnsel vm0, $0x0, v10  }
0x291: {  	v11 =	vadd.f32 v11, v12;
	v9 =	vnsel vm1, $0x0, v9;
	v10 =	vmin.u32 v10, $0xFF  }
0x292: {  	v6 =	vtrunc.f32 v6;
	v9 =	vmin.u32 v9, $0xFF;
	v10 =	vshll.u32 v10, $0x8  }
0x293: {  	v4 =	vcvt.f32.s32 v4;
	v7 =	vtrunc.f32 v7;
	v9 =	vor.u32 v9, v10  }
.Ltmp10:
0x294: {  	s3 =	sadd.s32 $0x40, s3;
	v5 =	vtrunc.f32 v5;
	v10 =	vcvt.f32.s32 v8;
	v8 =	vor.u32 v0, v9;
	(pc) =	sbr.rel @p0 .LBB2_22-.Ltmp10, $4  }
0x295: {  	vm0 =	vgt.s32 v4, $0x0;
	v6 =	vcvt.f32.s32 v6;
	v9 =	vtrunc.f32 v11;
	[tilespmem:s3+$0x10] =	vst v8  }
0x296: {  	v5 =	vcvt.f32.s32 v5;
	v8 =	vcvt.f32.s32 v7;
	vm3 =	vgt.s32 v10, $0x0  }
0x297: {  	vm1 =	vgt.s32 v6, $0x0;
	v7 =	vnsel vm0, $0x0, v4;
	v4 =	vcvt.f32.s32 v9  }
0x298: {  	vm0 =	vgt.s32 v5, $0x0;
	v9 =	vnsel vm3, $0x0, v10;
	vm2 =	vgt.s32 v8, $0x0  }
0x299: {  	v8 =	vnsel vm2, $0x0, v8;
	vm15 =	vgt.s32 v4, $0x0  }
0x29a: {  	v6 =	vnsel vm1, $0x0, v6;
	v7 =	vmin.u32 v7, $0xFF;
	v5 =	vnsel vm0, $0x0, v5  }
0x29b: {  	v9 =	vmin.u32 v9, $0xFF;
	v8 =	vmin.u32 v8, $0xFF;
	v4 =	vnsel vm15, $0x0, v4  }
0x29c: {  	v6 =	vmin.u32 v6, $0xFF;
	v7 =	vshll.u32 v7, $0x8;
	v5 =	vmin.u32 v5, $0xFF  }
0x29d: {  	v9 =	vshll.u32 v9, $0x8;
	v7 =	vor.u32 v8, v7;
	v4 =	vmin.u32 v4, $0xFF  }
0x29e: {  	v6 =	vshll.u32 v6, $0x8;
	v5 =	vor.u32 v5, v9;
	v7 =	vor.u32 v0, v7  }
0x29f: {  	v4 =	vor.u32 v4, v6;
	v5 =	vor.u32 v0, v5;
	[tilespmem:s3+$0xFFFFFFE0] =	vst v7  }
0x2a0: {  	v4 =	vor.u32 v0, v4;
	[tilespmem:s3+$0xFFFFFFF0] =	vst v5  }
0x2a1: {  	[tilespmem:s3+$0x0] =	vst v4  }
0x2a2: {  	[tilespmem:s7], [sflag:$0x3] =	stream.indirect.gather [spmem:s1], $0x1, s4, s30, $0xb8;
	[tilespmem:$0x1D000] =	vst v63  }
0x2a3: {  	_ = 	snop  }
0x2a4: {  	[tilespmem:s8], [sflag:$0x4] =	stream.indirect.gather [spmem:s2], $0x1, s4, s30, $0xb8;
	[tilespmem:$0x1D000] =	vst v63  }
0x2a5: {  	_ =	swait.ge [sflag:s12], $0x1000  }
0x2a6: {  	[sflag:s12] =	ssyncset.done $0x0  }
0x2a7: {  	[sflag:s12] =	ssyncadd.s32 $0xFFFFF000  }
0x2a8: {  	_ =	swait.ge [sflag:s14], $0x1000  }
0x2a9: {  	[sflag:s14] =	ssyncset.done $0x0  }
0x2aa: {  	s9 =	simm.s32 $0xC020;
	[sflag:s14] =	ssyncadd.s32 $0xFFFFF000  }
0x2ab: {  	s25 =	simm.s32 $0x14020;
	v4 =	vld [tilespmem:s9+$0x10]  }
0x2ac: {  	v5 =	vld [tilespmem:s25+$0x10]  }
0x2ad: {  	v6 =	vld [tilespmem:s25+$0xFFFFFFE0]  }
0x2ae: {  	v7 =	vld [tilespmem:s9+$0xFFFFFFF0]  }
0x2af: {  	v8 =	vld [tilespmem:s25+$0xFFFFFFF0]  }
0x2b0: {  	v9 =	vld [tilespmem:s9+$0x0]  }
0x2b1: {  	s13 =	simm.s32 $0x14060;
	v10 =	vld [tilespmem:s25+$0x0]  }
0x2b2: {  	v11 =	vld [tilespmem:s13+$0x10]  }
0x2b3: {  	s28 =	simm.s32 $0xC060;
	v12 =	vld [tilespmem:s13+$0xFFFFFFE0]  }
0x2b4: {  	v13 =	vld [tilespmem:s28+$0xFFFFFFF0]  }
0x2b5: {  	v14 =	vld [tilespmem:s13+$0xFFFFFFF0]  }
0x2b6: {  	v15 =	vld [tilespmem:s28+$0x0];
	v4 =	vadd.f32 v5, v4  }
0x2b7: {  	v5 =	vld [tilespmem:s9+$0xFFFFFFE0]  }
0x2b8: {  	s3 =	simm.s32 $0x10020;
	v16 =	vld [tilespmem:s13+$0x0];
	[tilespmem:s9+$0x10] =	vst v4;
	v4 =	vadd.f32 v8, v7  }
0x2b9: {  	v7 =	vld [tilespmem:s3+$0x10]  }
0x2ba: {  	s10 =	simm.s32 $0x15020;
	[tilespmem:s9+$0xFFFFFFF0] =	vst v4;
	v4 =	vadd.f32 v10, v9;
	v10 =	vld [tilespmem:s28+$0x10]  }
0x2bb: {  	v8 =	vld [tilespmem:s10+$0x10]  }
0x2bc: {  	v5 =	vadd.f32 v6, v5;
	v6 =	vld [tilespmem:s3+$0xFFFFFFF0]  }
0x2bd: {  	v9 =	vld [tilespmem:s10+$0xFFFFFFF0];
	[tilespmem:s9+$0x0] =	vst v4  }
0x2be: {  	[tilespmem:s9+$0xFFFFFFE0] =	vst v5;
	v4 =	vld [tilespmem:s3+$0x0]  }
0x2bf: {  	v5 =	vld [tilespmem:s3+$0xFFFFFFE0];
	v10 =	vadd.f32 v11, v10  }
0x2c0: {  	v11 =	vld [tilespmem:s28+$0xFFFFFFE0]  }
0x2c1: {  	s24 =	simm.s32 $0x10060;
	v7 =	vadd.f32 v8, v7;
	[tilespmem:s28+$0x10] =	vst v10;
	v10 =	vld [tilespmem:s10+$0xFFFFFFE0]  }
0x2c2: {  	s22 =	simm.s32 $0x15060;
	v8 =	vadd.f32 v14, v13;
	v61 =	vld [tilespmem:s24+$0x10]  }
0x2c3: {  	[tilespmem:s3+$0x10] =	vst v7;
	v6 =	vadd.f32 v9, v6;
	v62 =	vld [tilespmem:s22+$0x10]  }
0x2c4: {  	[tilespmem:s28+$0xFFFFFFF0] =	vst v8;
	v9 =	vadd.f32 v16, v15;
	v7 =	vld [tilespmem:s10+$0x0]  }
0x2c5: {  	v8 =	vld [tilespmem:s22+$0xFFFFFFF0];
	[tilespmem:s3+$0xFFFFFFF0] =	vst v6;
	v11 =	vadd.f32 v12, v11  }
0x2c6: {  	v6 =	vld [tilespmem:s24+$0xFFFFFFF0];
	[tilespmem:s28+$0x0] =	vst v9;
	v63 =	vadd.f32 v10, v5  }
0x2c7: {  	s21 =	simm.s32 $0x0;
	v9 =	vld [tilespmem:s24+$0x0];
	[tilespmem:s28+$0xFFFFFFE0] =	vst v11  }
0x2c8: {  	s19 =	simm.s32 $0x40;
	s20 =	simm.s32 $0xC0A0;
	s10 =	simm.s32 $0x15060;
	v5 =	vld [tilespmem:s24+$0xFFFFFFE0];
	v10 =	vadd.f32 v62, v61;
	[tilespmem:s3+$0xFFFFFFE0] =	vst v63  }
.LBB2_24:
0x2c9: {  	v11 =	vld [tilespmem:s20+$0x10];
	s13 =	sadd.s32 $0x40, s13;
	v12 =	vadd.f32 v7, v4  }
0x2ca: {  	v7 =	vld [tilespmem:s13+$0x10];
	[tilespmem:s24+$0x10] =	vst v10  }
0x2cb: {  	s19 =	sadd.s32 $0x40, s19;
	v10 =	vld [tilespmem:s13+$0xFFFFFFE0];
	v6 =	vadd.f32 v8, v6;
	[tilespmem:s3+$0x0] =	vst v12;
	s3 =	smov.u32 s24  }
0x2cc: {  	p0 =	slt.u32 s19, $0xFC0;
	v8 =	vld [tilespmem:s20+$0xFFFFFFF0];
	v4 =	vmov v9  }
0x2cd: {  	v9 =	vld [tilespmem:s13+$0xFFFFFFF0];
	[tilespmem:s24+$0xFFFFFFF0] =	vst v6  }
0x2ce: {  	v6 =	vld [tilespmem:s20+$0x0]  }
0x2cf: {  	v12 =	vld [tilespmem:s13+$0x0];
	v7 =	vadd.f32 v7, v11  }
0x2d0: {  	v11 =	vld [tilespmem:s20+$0xFFFFFFE0]  }
0x2d1: {  	s24 =	sadd.s32 $0x40, s24;
	[tilespmem:s20+$0x10] =	vst v7;
	v13 =	vld [tilespmem:s22+$0xFFFFFFE0]  }
0x2d2: {  	s22 =	sadd.s32 $0x40, s22;
	v7 =	vadd.f32 v9, v8;
	v14 =	vld [tilespmem:s24+$0x10]  }
0x2d3: {  	v15 =	vld [tilespmem:s22+$0x10]  }
.Ltmp11:
0x2d4: {  	[tilespmem:s20+$0xFFFFFFF0] =	vst v7;
	v9 =	vadd.f32 v12, v6;
	v7 =	vld [tilespmem:s10+$0x0];
	s10 =	smov.u32 s22;
	(pc) =	sbr.rel @p0 .LBB2_24-.Ltmp11, $4  }
0x2d5: {  	v10 =	vadd.f32 v10, v11;
	v6 =	vld [tilespmem:s24+$0xFFFFFFF0]  }
0x2d6: {  	v8 =	vld [tilespmem:s22+$0xFFFFFFF0];
	[tilespmem:s20+$0x0] =	vst v9;
	v11 =	vadd.f32 v13, v5  }
0x2d7: {  	[tilespmem:s20+$0xFFFFFFE0] =	vst v10;
	v9 =	vld [tilespmem:s24+$0x0]  }
0x2d8: {  	s20 =	sadd.s32 $0x40, s20;
	v5 =	vld [tilespmem:s24+$0xFFFFFFE0];
	v10 =	vadd.f32 v15, v14;
	[tilespmem:s3+$0xFFFFFFE0] =	vst v11  }
0x2d9: {  	v11 =	vld [tilespmem:s22+$0xFFFFFFE0]  }
0x2da: {  	v12 =	vld [tilespmem:s10+$0x0];
	_ =	sdelay $0x1  }
0x2db: {  	v4 =	vadd.f32 v7, v4  }
0x2dc: {  	[tilespmem:s24+$0x10] =	vst v10;
	v6 =	vadd.f32 v8, v6  }
0x2dd: {  	[tilespmem:s3+$0x0] =	vst v4;
	v4 =	vadd.f32 v11, v5  }
0x2de: {  	[tilespmem:s24+$0xFFFFFFF0] =	vst v6;
	v5 =	vadd.f32 v12, v9  }
0x2df: {  	[tilespmem:s24+$0xFFFFFFE0] =	vst v4  }
0x2e0: {  	s13 =	simm.s32 $0x12030;
	[tilespmem:s24+$0x0] =	vst v5  }
0x2e1: {  	s22 =	simm.s32 $0xE030;
	v4 =	vld [tilespmem:s13+$0x0]  }
0x2e2: {  	s9 =	sand.u32 $0xC0, s21;
	v5 =	vld [tilespmem:s22+$0x0]  }
0x2e3: {  	s11 =	simm.s32 $0x20;
	s19 =	simm.s32 $0x2030;
	s20 =	simm.s32 $0x20;
	v6 =	vld [tilespmem:s13+$0xFFFFFFD0]  }
0x2e4: {  	s19 =	sand.u32 $0xF0, s19;
	s20 =	sor.u32 s6, s20;
	s9 =	scvt.s32.f32 s9;
	v7 =	vld [tilespmem:s13+$0xFFFFFFE0]  }
0x2e5: {  	s11 =	sor.u32 s6, s11;
	s19 =	scvt.s32.f32 s19;
	s24 =	simm.s32 $0x2010;
	v10 =	vld [tilespmem:s22+$0xFFFFFFD0]  }
0x2e6: {  	s20 =	scvt.s32.f32 s20;
	s3 =	sand.u32 $0xD0, s24;
	s24 =	simm.s32 $0x20  }
0x2e7: {  	s25 =	simm.s32 $0x2020;
	s28 =	scvt.s32.f32 s11;
	v9 =	vadd.f32 s19, v3;
	v8 =	vld [tilespmem:s13+$0xFFFFFFF0];
	s19 =	sor.u32 s6, s24  }
0x2e8: {  	s10 =	sand.u32 $0xE0, s25;
	s25 =	simm.s32 $0x20;
	v11 =	vadd.f32 s9, v3;
	s24 =	scvt.s32.f32 s19;
	v4 =	vadd.f32 s20, v4  }
0x2e9: {  	s25 =	sor.u32 s6, s25;
	v61 =	vld [tilespmem:s22+$0xFFFFFFE0];
	s3 =	scvt.s32.f32 s3;
	v5 =	vadd.f32 v5, v9;
	v6 =	vadd.f32 s28, v6  }
0x2ea: {  	v9 =	vld [tilespmem:s22+$0xFFFFFFF0];
	s28 =	scvt.s32.f32 s25;
	v7 =	vadd.f32 s24, v7;
	v10 =	vadd.f32 v10, v11;
	v4 =	vtrunc.f32 v4  }
0x2eb: {  	s10 =	scvt.s32.f32 s10;
	v13 =	vadd.f32 s3, v3;
	v5 =	vtrunc.f32 v5;
	v6 =	vtrunc.f32 v6  }
0x2ec: {  	v8 =	vadd.f32 s28, v8;
	v7 =	vtrunc.f32 v7;
	v10 =	vtrunc.f32 v10  }
0x2ed: {  	v14 =	vadd.f32 s10, v3;
	v4 =	vcvt.f32.s32 v4;
	v5 =	vcvt.f32.s32 v5  }
0x2ee: {  	v11 =	vadd.f32 v61, v13;
	v62 =	vcvt.f32.s32 v6;
	v8 =	vtrunc.f32 v8  }
0x2ef: {  	vm0 =	vgt.s32 v4, $0x0;
	vm1 =	vgt.s32 v5, $0x0;
	v9 =	vadd.f32 v9, v14  }
0x2f0: {  	v6 =	vcvt.f32.s32 v8;
	v8 =	vcvt.f32.s32 v10;
	v4 =	vnsel vm0, $0x0, v4  }
0x2f1: {  	v5 =	vnsel vm1, $0x0, v5;
	vm0 =	vgt.s32 v62, $0x0;
	v4 =	vmin.u32 v4, $0xFF  }
0x2f2: {  	v5 =	vmin.u32 v5, $0xFF;
	vm1 =	vgt.s32 v6, $0x0;
	v4 =	vshll.u32 v4, $0x8  }
0x2f3: {  	v4 =	vor.u32 v5, v4;
	v5 =	vtrunc.f32 v11;
	v11 =	vcvt.f32.s32 v7  }
0x2f4: {  	vm2 =	vgt.s32 v8, $0x0;
	v7 =	vnsel vm0, $0x0, v62;
	v5 =	vcvt.f32.s32 v5  }
0x2f5: {  	s3 =	simm.s32 $0x1A020;
	v63 =	vor.u32 v0, v4;
	v4 =	vtrunc.f32 v9;
	vm3 =	vgt.s32 v11, $0x0  }
0x2f6: {  	v4 =	vcvt.f32.s32 v4;
	[tilespmem:s3+$0x10] =	vst v63;
	vm0 =	vgt.s32 v5, $0x0;
	v9 =	vnsel vm3, $0x0, v11  }
.LBB2_26:
0x2f7: {  	s9 =	sadd.s32 $0x2040, s21  }
0x2f8: {  	s10 =	sadd.s32 $0x2050, s21;
	v8 =	vnsel vm2, $0x0, v8;
	vm2 =	vgt.s32 v4, $0x0;
	v6 =	vnsel vm1, $0x0, v6;
	s11 =	smov.u32 s21;
	s21 =	sadd.s32 $0x40, s21  }
0x2f9: {  	v7 =	vmin.u32 v7, $0xFF;
	v5 =	vnsel vm0, $0x0, v5;
	v9 =	vmin.u32 v9, $0xFF;
	s13 =	sadd.s32 $0x40, s13;
	s19 =	sand.u32 $0xC0, s21;
	s20 =	sadd.s32 $0x2060, s11  }
0x2fa: {  	s22 =	sadd.s32 $0x40, s22;
	s9 =	sshrl.u32 s9, $0x8;
	s11 =	sadd.s32 $0x2070, s11;
	v8 =	vmin.u32 v8, $0xFF;
	v4 =	vnsel vm2, $0x0, v4;
	v6 =	vmin.u32 v6, $0xFF;
	v10 =	vld [tilespmem:s13+$0x0]  }
0x2fb: {  	s24 =	sand.u32 $0xD0, s10;
	v7 =	vshll.u32 v7, $0x8;
	v5 =	vmin.u32 v5, $0xFF;
	v9 =	vshll.u32 v9, $0x8;
	s25 =	sand.u32 $0xF0, s11;
	s11 =	sshrl.u32 s11, $0x8;
	v11 =	vld [tilespmem:s22+$0x0]  }
0x2fc: {  	s10 =	sshrl.u32 s10, $0x8;
	v7 =	vor.u32 v8, v7;
	v4 =	vmin.u32 v4, $0xFF;
	v6 =	vshll.u32 v6, $0x8;
	s25 =	scvt.s32.f32 s25;
	s11 =	sor.u32 s6, s11;
	v12 =	vld [tilespmem:s13+$0xFFFFFFD0]  }
0x2fd: {  	s19 =	scvt.s32.f32 s19;
	s28 =	sand.u32 $0xE0, s20;
	v5 =	vor.u32 v5, v9;
	v7 =	vor.u32 v0, v7;
	v4 =	vor.u32 v4, v6;
	s11 =	scvt.s32.f32 s11;
	v8 =	vld [tilespmem:s13+$0xFFFFFFE0]  }
0x2fe: {  	s9 =	sor.u32 s6, s9;
	s24 =	scvt.s32.f32 s24;
	s20 =	sshrl.u32 s20, $0x8;
	v5 =	vor.u32 v0, v5;
	v4 =	vor.u32 v0, v4;
	v9 =	vadd.f32 s25, v3;
	v6 =	vld [tilespmem:s13+$0xFFFFFFF0];
	[tilespmem:s3+$0xFFFFFFE0] =	vst v7  }
0x2ff: {  	s10 =	sor.u32 s6, s10;
	s9 =	scvt.s32.f32 s9;
	v13 =	vadd.f32 s19, v3;
	s19 =	scvt.s32.f32 s28;
	v7 =	vld [tilespmem:s22+$0xFFFFFFD0];
	v10 =	vadd.f32 s11, v10;
	[tilespmem:s3+$0xFFFFFFF0] =	vst v5  }
0x300: {  	p0 =	slt.u32 s21, $0xFC0;
	s10 =	scvt.s32.f32 s10;
	v14 =	vadd.f32 s24, v3;
	s11 =	sor.u32 s6, s20;
	v5 =	vld [tilespmem:s22+$0xFFFFFFE0];
	v9 =	vadd.f32 v11, v9;
	[tilespmem:s3+$0x0] =	vst v4  }
0x301: {  	v4 =	vadd.f32 s9, v12;
	v11 =	vld [tilespmem:s22+$0xFFFFFFF0];
	v12 =	vadd.f32 s19, v3;
	s9 =	scvt.s32.f32 s11;
	v10 =	vtrunc.f32 v10  }
0x302: {  	v8 =	vadd.f32 s10, v8;
	v9 =	vtrunc.f32 v9;
	v10 =	vcvt.f32.s32 v10  }
0x303: {  	v4 =	vtrunc.f32 v4;
	v6 =	vadd.f32 s9, v6;
	v9 =	vcvt.f32.s32 v9  }
0x304: {  	v7 =	vadd.f32 v7, v13;
	v8 =	vtrunc.f32 v8;
	vm0 =	vgt.s32 v10, $0x0  }
0x305: {  	v5 =	vadd.f32 v5, v14;
	vm1 =	vgt.s32 v9, $0x0;
	v10 =	vnsel vm0, $0x0, v10  }
0x306: {  	v11 =	vadd.f32 v11, v12;
	v9 =	vnsel vm1, $0x0, v9;
	v10 =	vmin.u32 v10, $0xFF  }
0x307: {  	v6 =	vtrunc.f32 v6;
	v9 =	vmin.u32 v9, $0xFF;
	v10 =	vshll.u32 v10, $0x8  }
0x308: {  	v4 =	vcvt.f32.s32 v4;
	v7 =	vtrunc.f32 v7;
	v9 =	vor.u32 v9, v10  }
.Ltmp12:
0x309: {  	s3 =	sadd.s32 $0x40, s3;
	v5 =	vtrunc.f32 v5;
	v10 =	vcvt.f32.s32 v8;
	v8 =	vor.u32 v0, v9;
	(pc) =	sbr.rel @p0 .LBB2_26-.Ltmp12, $4  }
0x30a: {  	vm0 =	vgt.s32 v4, $0x0;
	v6 =	vcvt.f32.s32 v6;
	v9 =	vtrunc.f32 v11;
	[tilespmem:s3+$0x10] =	vst v8  }
0x30b: {  	v5 =	vcvt.f32.s32 v5;
	v8 =	vcvt.f32.s32 v7;
	vm3 =	vgt.s32 v10, $0x0  }
0x30c: {  	vm1 =	vgt.s32 v6, $0x0;
	v7 =	vnsel vm0, $0x0, v4;
	v4 =	vcvt.f32.s32 v9  }
0x30d: {  	vm0 =	vgt.s32 v5, $0x0;
	v9 =	vnsel vm3, $0x0, v10;
	vm2 =	vgt.s32 v8, $0x0  }
0x30e: {  	v8 =	vnsel vm2, $0x0, v8;
	vm15 =	vgt.s32 v4, $0x0  }
0x30f: {  	v6 =	vnsel vm1, $0x0, v6;
	v7 =	vmin.u32 v7, $0xFF;
	v5 =	vnsel vm0, $0x0, v5  }
0x310: {  	v9 =	vmin.u32 v9, $0xFF;
	v8 =	vmin.u32 v8, $0xFF;
	v4 =	vnsel vm15, $0x0, v4  }
0x311: {  	v6 =	vmin.u32 v6, $0xFF;
	v7 =	vshll.u32 v7, $0x8;
	v5 =	vmin.u32 v5, $0xFF  }
0x312: {  	v9 =	vshll.u32 v9, $0x8;
	v7 =	vor.u32 v8, v7;
	v4 =	vmin.u32 v4, $0xFF  }
0x313: {  	v6 =	vshll.u32 v6, $0x8;
	v5 =	vor.u32 v5, v9;
	v7 =	vor.u32 v0, v7  }
0x314: {  	v4 =	vor.u32 v4, v6;
	v5 =	vor.u32 v0, v5;
	[tilespmem:s3+$0xFFFFFFE0] =	vst v7  }
0x315: {  	v4 =	vor.u32 v0, v4;
	[tilespmem:s3+$0xFFFFFFF0] =	vst v5  }
0x316: {  	[tilespmem:s3+$0x0] =	vst v4  }
0x317: {  	[tilespmem:s31], [sflag:$0x1] =	stream.indirect.gather [spmem:s1], $0x1, s15, s30, $0xb8;
	[tilespmem:$0x1D000] =	vst v63  }
0x318: {  	_ = 	snop  }
0x319: {  	[tilespmem:s0], [sflag:$0x2] =	stream.indirect.gather [spmem:s2], $0x1, s15, s30, $0xb8;
	[tilespmem:$0x1D000] =	vst v63  }
0x31a: {  	_ =	swait.ge [sflag:s16], $0x1000  }
0x31b: {  	[sflag:s16] =	ssyncset.done $0x0  }
0x31c: {  	[sflag:s16] =	ssyncadd.s32 $0xFFFFF000  }
0x31d: {  	_ =	swait.ge [sflag:s17], $0x1000  }
0x31e: {  	[sflag:s17] =	ssyncset.done $0x0  }
0x31f: {  	s9 =	simm.s32 $0xD030;
	[sflag:s17] =	ssyncadd.s32 $0xFFFFF000  }
0x320: {  	s25 =	simm.s32 $0x16020;
	v4 =	vld [tilespmem:s9+$0x0]  }
0x321: {  	v5 =	vld [tilespmem:s25+$0x10]  }
0x322: {  	v6 =	vld [tilespmem:s25+$0xFFFFFFE0]  }
0x323: {  	v7 =	vld [tilespmem:s9+$0xFFFFFFE0]  }
0x324: {  	v8 =	vld [tilespmem:s25+$0xFFFFFFF0]  }
0x325: {  	v9 =	vld [tilespmem:s9+$0xFFFFFFF0]  }
0x326: {  	s13 =	simm.s32 $0x16060;
	v10 =	vld [tilespmem:s25+$0x0]  }
0x327: {  	v11 =	vld [tilespmem:s13+$0x10]  }
0x328: {  	s28 =	simm.s32 $0xD070;
	v12 =	vld [tilespmem:s13+$0xFFFFFFE0]  }
0x329: {  	v13 =	vld [tilespmem:s28+$0xFFFFFFE0]  }
0x32a: {  	v14 =	vld [tilespmem:s13+$0xFFFFFFF0]  }
0x32b: {  	v15 =	vld [tilespmem:s28+$0xFFFFFFF0];
	v4 =	vadd.f32 v5, v4  }
0x32c: {  	v5 =	vld [tilespmem:s9+$0xFFFFFFD0]  }
0x32d: {  	s3 =	simm.s32 $0x11030;
	v16 =	vld [tilespmem:s13+$0x0];
	[tilespmem:s9+$0x0] =	vst v4;
	v4 =	vadd.f32 v8, v7  }
0x32e: {  	v7 =	vld [tilespmem:s3+$0x0]  }
0x32f: {  	s10 =	simm.s32 $0x17020;
	[tilespmem:s9+$0xFFFFFFE0] =	vst v4;
	v4 =	vadd.f32 v10, v9;
	v10 =	vld [tilespmem:s28+$0x0]  }
0x330: {  	v8 =	vld [tilespmem:s10+$0x10]  }
0x331: {  	v5 =	vadd.f32 v6, v5;
	v6 =	vld [tilespmem:s3+$0xFFFFFFE0]  }
0x332: {  	v9 =	vld [tilespmem:s10+$0xFFFFFFF0];
	[tilespmem:s9+$0xFFFFFFF0] =	vst v4  }
0x333: {  	[tilespmem:s9+$0xFFFFFFD0] =	vst v5;
	v4 =	vld [tilespmem:s3+$0xFFFFFFF0]  }
0x334: {  	v5 =	vld [tilespmem:s3+$0xFFFFFFD0];
	v10 =	vadd.f32 v11, v10  }
0x335: {  	v11 =	vld [tilespmem:s28+$0xFFFFFFD0]  }
0x336: {  	s24 =	simm.s32 $0x11070;
	v7 =	vadd.f32 v8, v7;
	[tilespmem:s28+$0x0] =	vst v10;
	v10 =	vld [tilespmem:s10+$0xFFFFFFE0]  }
0x337: {  	s22 =	simm.s32 $0x17060;
	v8 =	vadd.f32 v14, v13;
	v61 =	vld [tilespmem:s24+$0x0]  }
0x338: {  	[tilespmem:s3+$0x0] =	vst v7;
	v6 =	vadd.f32 v9, v6;
	v62 =	vld [tilespmem:s22+$0x10]  }
0x339: {  	[tilespmem:s28+$0xFFFFFFE0] =	vst v8;
	v9 =	vadd.f32 v16, v15;
	v7 =	vld [tilespmem:s10+$0x0]  }
0x33a: {  	v8 =	vld [tilespmem:s22+$0xFFFFFFF0];
	[tilespmem:s3+$0xFFFFFFE0] =	vst v6;
	v11 =	vadd.f32 v12, v11  }
0x33b: {  	v6 =	vld [tilespmem:s24+$0xFFFFFFE0];
	[tilespmem:s28+$0xFFFFFFF0] =	vst v9;
	v63 =	vadd.f32 v10, v5  }
0x33c: {  	s21 =	simm.s32 $0x0;
	v9 =	vld [tilespmem:s24+$0xFFFFFFF0];
	[tilespmem:s28+$0xFFFFFFD0] =	vst v11  }
0x33d: {  	s19 =	simm.s32 $0x40;
	s20 =	simm.s32 $0xD0B0;
	s10 =	simm.s32 $0x17060;
	v5 =	vld [tilespmem:s24+$0xFFFFFFD0];
	v10 =	vadd.f32 v62, v61;
	[tilespmem:s3+$0xFFFFFFD0] =	vst v63  }
.LBB2_28:
0x33e: {  	v11 =	vld [tilespmem:s20+$0x0];
	s13 =	sadd.s32 $0x40, s13;
	v12 =	vadd.f32 v7, v4  }
0x33f: {  	v7 =	vld [tilespmem:s13+$0x10];
	[tilespmem:s24+$0x0] =	vst v10  }
0x340: {  	s19 =	sadd.s32 $0x40, s19;
	v10 =	vld [tilespmem:s13+$0xFFFFFFE0];
	v6 =	vadd.f32 v8, v6;
	[tilespmem:s3+$0xFFFFFFF0] =	vst v12;
	s3 =	smov.u32 s24  }
0x341: {  	p0 =	slt.u32 s19, $0xFC0;
	v8 =	vld [tilespmem:s20+$0xFFFFFFE0];
	v4 =	vmov v9  }
0x342: {  	v9 =	vld [tilespmem:s13+$0xFFFFFFF0];
	[tilespmem:s24+$0xFFFFFFE0] =	vst v6  }
0x343: {  	v6 =	vld [tilespmem:s20+$0xFFFFFFF0]  }
0x344: {  	v12 =	vld [tilespmem:s13+$0x0];
	v7 =	vadd.f32 v7, v11  }
0x345: {  	v11 =	vld [tilespmem:s20+$0xFFFFFFD0]  }
0x346: {  	s24 =	sadd.s32 $0x40, s24;
	[tilespmem:s20+$0x0] =	vst v7;
	v13 =	vld [tilespmem:s22+$0xFFFFFFE0]  }
0x347: {  	s22 =	sadd.s32 $0x40, s22;
	v7 =	vadd.f32 v9, v8;
	v14 =	vld [tilespmem:s24+$0x0]  }
0x348: {  	v15 =	vld [tilespmem:s22+$0x10]  }
.Ltmp13:
0x349: {  	[tilespmem:s20+$0xFFFFFFE0] =	vst v7;
	v9 =	vadd.f32 v12, v6;
	v7 =	vld [tilespmem:s10+$0x0];
	s10 =	smov.u32 s22;
	(pc) =	sbr.rel @p0 .LBB2_28-.Ltmp13, $4  }
0x34a: {  	v10 =	vadd.f32 v10, v11;
	v6 =	vld [tilespmem:s24+$0xFFFFFFE0]  }
0x34b: {  	v8 =	vld [tilespmem:s22+$0xFFFFFFF0];
	[tilespmem:s20+$0xFFFFFFF0] =	vst v9;
	v11 =	vadd.f32 v13, v5  }
0x34c: {  	[tilespmem:s20+$0xFFFFFFD0] =	vst v10;
	v9 =	vld [tilespmem:s24+$0xFFFFFFF0]  }
0x34d: {  	s20 =	sadd.s32 $0x40, s20;
	v5 =	vld [tilespmem:s24+$0xFFFFFFD0];
	v10 =	vadd.f32 v15, v14;
	[tilespmem:s3+$0xFFFFFFD0] =	vst v11  }
0x34e: {  	v11 =	vld [tilespmem:s22+$0xFFFFFFE0]  }
0x34f: {  	v12 =	vld [tilespmem:s10+$0x0];
	_ =	sdelay $0x1  }
0x350: {  	v4 =	vadd.f32 v7, v4  }
0x351: {  	[tilespmem:s24+$0x0] =	vst v10;
	v6 =	vadd.f32 v8, v6  }
0x352: {  	[tilespmem:s3+$0xFFFFFFF0] =	vst v4;
	v4 =	vadd.f32 v11, v5  }
0x353: {  	[tilespmem:s24+$0xFFFFFFE0] =	vst v6;
	v5 =	vadd.f32 v12, v9  }
0x354: {  	[tilespmem:s24+$0xFFFFFFD0] =	vst v4  }
0x355: {  	s13 =	simm.s32 $0x13030;
	[tilespmem:s24+$0xFFFFFFF0] =	vst v5  }
0x356: {  	s22 =	simm.s32 $0xF030;
	v4 =	vld [tilespmem:s13+$0x0]  }
0x357: {  	s9 =	sand.u32 $0xC0, s21;
	v5 =	vld [tilespmem:s22+$0x0]  }
0x358: {  	s11 =	simm.s32 $0x30;
	s19 =	simm.s32 $0x3030;
	s20 =	simm.s32 $0x30;
	v6 =	vld [tilespmem:s13+$0xFFFFFFD0]  }
0x359: {  	s19 =	sand.u32 $0xF0, s19;
	s20 =	sor.u32 s6, s20;
	s9 =	scvt.s32.f32 s9;
	v7 =	vld [tilespmem:s13+$0xFFFFFFE0]  }
0x35a: {  	s11 =	sor.u32 s6, s11;
	s19 =	scvt.s32.f32 s19;
	s24 =	simm.s32 $0x3010;
	v10 =	vld [tilespmem:s22+$0xFFFFFFD0]  }
0x35b: {  	s20 =	scvt.s32.f32 s20;
	s3 =	sand.u32 $0xD0, s24;
	s24 =	simm.s32 $0x30  }
0x35c: {  	s25 =	simm.s32 $0x3020;
	s28 =	scvt.s32.f32 s11;
	v9 =	vadd.f32 s19, v3;
	v8 =	vld [tilespmem:s13+$0xFFFFFFF0];
	s19 =	sor.u32 s6, s24  }
0x35d: {  	s10 =	sand.u32 $0xE0, s25;
	s25 =	simm.s32 $0x30;
	v11 =	vadd.f32 s9, v3;
	s24 =	scvt.s32.f32 s19;
	v4 =	vadd.f32 s20, v4  }
0x35e: {  	s25 =	sor.u32 s6, s25;
	v61 =	vld [tilespmem:s22+$0xFFFFFFE0];
	s3 =	scvt.s32.f32 s3;
	v5 =	vadd.f32 v5, v9;
	v6 =	vadd.f32 s28, v6  }
0x35f: {  	v9 =	vld [tilespmem:s22+$0xFFFFFFF0];
	s28 =	scvt.s32.f32 s25;
	v7 =	vadd.f32 s24, v7;
	v10 =	vadd.f32 v10, v11;
	v4 =	vtrunc.f32 v4  }
0x360: {  	s10 =	scvt.s32.f32 s10;
	v13 =	vadd.f32 s3, v3;
	v5 =	vtrunc.f32 v5;
	v6 =	vtrunc.f32 v6  }
0x361: {  	v8 =	vadd.f32 s28, v8;
	v7 =	vtrunc.f32 v7;
	v10 =	vtrunc.f32 v10  }
0x362: {  	v14 =	vadd.f32 s10, v3;
	v4 =	vcvt.f32.s32 v4;
	v5 =	vcvt.f32.s32 v5  }
0x363: {  	v11 =	vadd.f32 v61, v13;
	v62 =	vcvt.f32.s32 v6;
	v8 =	vtrunc.f32 v8  }
0x364: {  	vm0 =	vgt.s32 v4, $0x0;
	vm1 =	vgt.s32 v5, $0x0;
	v9 =	vadd.f32 v9, v14  }
0x365: {  	v6 =	vcvt.f32.s32 v8;
	v8 =	vcvt.f32.s32 v10;
	v4 =	vnsel vm0, $0x0, v4  }
0x366: {  	v5 =	vnsel vm1, $0x0, v5;
	vm0 =	vgt.s32 v62, $0x0;
	v4 =	vmin.u32 v4, $0xFF  }
0x367: {  	v5 =	vmin.u32 v5, $0xFF;
	vm1 =	vgt.s32 v6, $0x0;
	v4 =	vshll.u32 v4, $0x8  }
0x368: {  	v4 =	vor.u32 v5, v4;
	v5 =	vtrunc.f32 v11;
	v11 =	vcvt.f32.s32 v7  }
0x369: {  	vm2 =	vgt.s32 v8, $0x0;
	v7 =	vnsel vm0, $0x0, v62;
	v5 =	vcvt.f32.s32 v5  }
0x36a: {  	s3 =	simm.s32 $0x1B020;
	v63 =	vor.u32 v0, v4;
	v4 =	vtrunc.f32 v9;
	vm3 =	vgt.s32 v11, $0x0  }
0x36b: {  	v4 =	vcvt.f32.s32 v4;
	[tilespmem:s3+$0x10] =	vst v63;
	vm0 =	vgt.s32 v5, $0x0;
	v9 =	vnsel vm3, $0x0, v11  }
.LBB2_30:
0x36c: {  	s9 =	sadd.s32 $0x3040, s21  }
0x36d: {  	s10 =	sadd.s32 $0x3050, s21;
	v8 =	vnsel vm2, $0x0, v8;
	vm2 =	vgt.s32 v4, $0x0;
	v6 =	vnsel vm1, $0x0, v6;
	s11 =	smov.u32 s21;
	s21 =	sadd.s32 $0x40, s21  }
0x36e: {  	v7 =	vmin.u32 v7, $0xFF;
	v5 =	vnsel vm0, $0x0, v5;
	v9 =	vmin.u32 v9, $0xFF;
	s13 =	sadd.s32 $0x40, s13;
	s19 =	sand.u32 $0xC0, s21;
	s20 =	sadd.s32 $0x3060, s11  }
0x36f: {  	s22 =	sadd.s32 $0x40, s22;
	s9 =	sshrl.u32 s9, $0x8;
	s11 =	sadd.s32 $0x3070, s11;
	v8 =	vmin.u32 v8, $0xFF;
	v4 =	vnsel vm2, $0x0, v4;
	v6 =	vmin.u32 v6, $0xFF;
	v10 =	vld [tilespmem:s13+$0x0]  }
0x370: {  	s24 =	sand.u32 $0xD0, s10;
	v7 =	vshll.u32 v7, $0x8;
	v5 =	vmin.u32 v5, $0xFF;
	v9 =	vshll.u32 v9, $0x8;
	s25 =	sand.u32 $0xF0, s11;
	s11 =	sshrl.u32 s11, $0x8;
	v11 =	vld [tilespmem:s22+$0x0]  }
0x371: {  	s10 =	sshrl.u32 s10, $0x8;
	v7 =	vor.u32 v8, v7;
	v4 =	vmin.u32 v4, $0xFF;
	v6 =	vshll.u32 v6, $0x8;
	s25 =	scvt.s32.f32 s25;
	s11 =	sor.u32 s6, s11;
	v12 =	vld [tilespmem:s13+$0xFFFFFFD0]  }
0x372: {  	s19 =	scvt.s32.f32 s19;
	s28 =	sand.u32 $0xE0, s20;
	v5 =	vor.u32 v5, v9;
	v7 =	vor.u32 v0, v7;
	v4 =	vor.u32 v4, v6;
	s11 =	scvt.s32.f32 s11;
	v8 =	vld [tilespmem:s13+$0xFFFFFFE0]  }
0x373: {  	s9 =	sor.u32 s6, s9;
	s24 =	scvt.s32.f32 s24;
	s20 =	sshrl.u32 s20, $0x8;
	v5 =	vor.u32 v0, v5;
	v4 =	vor.u32 v0, v4;
	v9 =	vadd.f32 s25, v3;
	v6 =	vld [tilespmem:s13+$0xFFFFFFF0];
	[tilespmem:s3+$0xFFFFFFE0] =	vst v7  }
0x374: {  	s10 =	sor.u32 s6, s10;
	s9 =	scvt.s32.f32 s9;
	v13 =	vadd.f32 s19, v3;
	s19 =	scvt.s32.f32 s28;
	v7 =	vld [tilespmem:s22+$0xFFFFFFD0];
	v10 =	vadd.f32 s11, v10;
	[tilespmem:s3+$0xFFFFFFF0] =	vst v5  }
0x375: {  	p0 =	slt.u32 s21, $0xFC0;
	s10 =	scvt.s32.f32 s10;
	v14 =	vadd.f32 s24, v3;
	s11 =	sor.u32 s6, s20;
	v5 =	vld [tilespmem:s22+$0xFFFFFFE0];
	v9 =	vadd.f32 v11, v9;
	[tilespmem:s3+$0x0] =	vst v4  }
0x376: {  	v4 =	vadd.f32 s9, v12;
	v11 =	vld [tilespmem:s22+$0xFFFFFFF0];
	v12 =	vadd.f32 s19, v3;
	s9 =	scvt.s32.f32 s11;
	v10 =	vtrunc.f32 v10  }
0x377: {  	v8 =	vadd.f32 s10, v8;
	v9 =	vtrunc.f32 v9;
	v10 =	vcvt.f32.s32 v10  }
0x378: {  	v4 =	vtrunc.f32 v4;
	v6 =	vadd.f32 s9, v6;
	v9 =	vcvt.f32.s32 v9  }
0x379: {  	v7 =	vadd.f32 v7, v13;
	v8 =	vtrunc.f32 v8;
	vm0 =	vgt.s32 v10, $0x0  }
0x37a: {  	v5 =	vadd.f32 v5, v14;
	vm1 =	vgt.s32 v9, $0x0;
	v10 =	vnsel vm0, $0x0, v10  }
0x37b: {  	v11 =	vadd.f32 v11, v12;
	v9 =	vnsel vm1, $0x0, v9;
	v10 =	vmin.u32 v10, $0xFF  }
0x37c: {  	v6 =	vtrunc.f32 v6;
	v9 =	vmin.u32 v9, $0xFF;
	v10 =	vshll.u32 v10, $0x8  }
0x37d: {  	v4 =	vcvt.f32.s32 v4;
	v7 =	vtrunc.f32 v7;
	v9 =	vor.u32 v9, v10  }
.Ltmp14:
0x37e: {  	s3 =	sadd.s32 $0x40, s3;
	v5 =	vtrunc.f32 v5;
	v10 =	vcvt.f32.s32 v8;
	v8 =	vor.u32 v0, v9;
	(pc) =	sbr.rel @p0 .LBB2_30-.Ltmp14, $4  }
0x37f: {  	vm0 =	vgt.s32 v4, $0x0;
	v6 =	vcvt.f32.s32 v6;
	v9 =	vtrunc.f32 v11;
	[tilespmem:s3+$0x10] =	vst v8  }
0x380: {  	v5 =	vcvt.f32.s32 v5;
	v8 =	vcvt.f32.s32 v7;
	vm3 =	vgt.s32 v10, $0x0  }
0x381: {  	vm1 =	vgt.s32 v6, $0x0;
	v7 =	vnsel vm0, $0x0, v4;
	v4 =	vcvt.f32.s32 v9  }
0x382: {  	vm0 =	vgt.s32 v5, $0x0;
	v9 =	vnsel vm3, $0x0, v10;
	vm2 =	vgt.s32 v8, $0x0  }
0x383: {  	v8 =	vnsel vm2, $0x0, v8;
	vm15 =	vgt.s32 v4, $0x0  }
0x384: {  	v6 =	vnsel vm1, $0x0, v6;
	v7 =	vmin.u32 v7, $0xFF;
	v5 =	vnsel vm0, $0x0, v5  }
0x385: {  	v9 =	vmin.u32 v9, $0xFF;
	v8 =	vmin.u32 v8, $0xFF;
	v4 =	vnsel vm15, $0x0, v4  }
0x386: {  	v6 =	vmin.u32 v6, $0xFF;
	v7 =	vshll.u32 v7, $0x8;
	v5 =	vmin.u32 v5, $0xFF  }
0x387: {  	v9 =	vshll.u32 v9, $0x8;
	v7 =	vor.u32 v8, v7;
	v4 =	vmin.u32 v4, $0xFF  }
0x388: {  	v6 =	vshll.u32 v6, $0x8;
	v5 =	vor.u32 v5, v9;
	v7 =	vor.u32 v0, v7  }
0x389: {  	v4 =	vor.u32 v4, v6;
	v5 =	vor.u32 v0, v5;
	[tilespmem:s3+$0xFFFFFFE0] =	vst v7  }
0x38a: {  	v4 =	vor.u32 v0, v4;
	[tilespmem:s3+$0xFFFFFFF0] =	vst v5  }
0x38b: {  	[tilespmem:s3+$0x0] =	vst v4  }
0x38c: {  	[tilespmem:s7], [sflag:$0x3] =	stream.indirect.gather [spmem:s1], $0x1, s18, s30, $0xb8;
	[tilespmem:$0x1D000] =	vst v63  }
0x38d: {  	_ = 	snop  }
0x38e: {  	[tilespmem:s8], [sflag:$0x4] =	stream.indirect.gather [spmem:s2], $0x1, s18, s30, $0xb8;
	[tilespmem:$0x1D000] =	vst v63  }
0x38f: {  	_ =	swait.ge [sflag:s12], $0x1000  }
0x390: {  	[sflag:s12] =	ssyncset.done $0x0  }
0x391: {  	[sflag:s12] =	ssyncadd.s32 $0xFFFFF000  }
0x392: {  	_ =	swait.ge [sflag:s14], $0x1000  }
0x393: {  	[sflag:s14] =	ssyncset.done $0x0  }
0x394: {  	s9 =	simm.s32 $0xE030;
	[sflag:s14] =	ssyncadd.s32 $0xFFFFF000  }
0x395: {  	s25 =	simm.s32 $0x14020;
	v4 =	vld [tilespmem:s9+$0x0]  }
0x396: {  	v5 =	vld [tilespmem:s25+$0x10]  }
0x397: {  	v6 =	vld [tilespmem:s25+$0xFFFFFFE0]  }
0x398: {  	v7 =	vld [tilespmem:s9+$0xFFFFFFE0]  }
0x399: {  	v8 =	vld [tilespmem:s25+$0xFFFFFFF0]  }
0x39a: {  	v9 =	vld [tilespmem:s9+$0xFFFFFFF0]  }
0x39b: {  	s13 =	simm.s32 $0x14060;
	v10 =	vld [tilespmem:s25+$0x0]  }
0x39c: {  	v11 =	vld [tilespmem:s13+$0x10]  }
0x39d: {  	s28 =	simm.s32 $0xE070;
	v12 =	vld [tilespmem:s13+$0xFFFFFFE0]  }
0x39e: {  	v13 =	vld [tilespmem:s28+$0xFFFFFFE0]  }
0x39f: {  	v14 =	vld [tilespmem:s13+$0xFFFFFFF0]  }
0x3a0: {  	v15 =	vld [tilespmem:s28+$0xFFFFFFF0];
	v4 =	vadd.f32 v5, v4  }
0x3a1: {  	v5 =	vld [tilespmem:s9+$0xFFFFFFD0]  }
0x3a2: {  	s3 =	simm.s32 $0x12030;
	v16 =	vld [tilespmem:s13+$0x0];
	[tilespmem:s9+$0x0] =	vst v4;
	v4 =	vadd.f32 v8, v7  }
0x3a3: {  	v7 =	vld [tilespmem:s3+$0x0]  }
0x3a4: {  	s10 =	simm.s32 $0x15020;
	[tilespmem:s9+$0xFFFFFFE0] =	vst v4;
	v4 =	vadd.f32 v10, v9;
	v10 =	vld [tilespmem:s28+$0x0]  }
0x3a5: {  	v8 =	vld [tilespmem:s10+$0x10]  }
0x3a6: {  	v5 =	vadd.f32 v6, v5;
	v6 =	vld [tilespmem:s3+$0xFFFFFFE0]  }
0x3a7: {  	v9 =	vld [tilespmem:s10+$0xFFFFFFF0];
	[tilespmem:s9+$0xFFFFFFF0] =	vst v4  }
0x3a8: {  	[tilespmem:s9+$0xFFFFFFD0] =	vst v5;
	v4 =	vld [tilespmem:s3+$0xFFFFFFF0]  }
0x3a9: {  	v5 =	vld [tilespmem:s3+$0xFFFFFFD0];
	v10 =	vadd.f32 v11, v10  }
0x3aa: {  	v11 =	vld [tilespmem:s28+$0xFFFFFFD0]  }
0x3ab: {  	s21 =	simm.s32 $0x12070;
	v7 =	vadd.f32 v8, v7;
	v8 =	vld [tilespmem:s10+$0xFFFFFFE0];
	[tilespmem:s28+$0x0] =	vst v10  }
0x3ac: {  	s22 =	simm.s32 $0x15060;
	v10 =	vadd.f32 v14, v13;
	v61 =	vld [tilespmem:s21+$0x0]  }
0x3ad: {  	[tilespmem:s3+$0x0] =	vst v7;
	v6 =	vadd.f32 v9, v6;
	v62 =	vld [tilespmem:s22+$0x10]  }
0x3ae: {  	v7 =	vld [tilespmem:s10+$0x0];
	[tilespmem:s28+$0xFFFFFFE0] =	vst v10;
	v10 =	vadd.f32 v16, v15  }
0x3af: {  	[tilespmem:s3+$0xFFFFFFE0] =	vst v6;
	v11 =	vadd.f32 v12, v11;
	v6 =	vld [tilespmem:s21+$0xFFFFFFE0]  }
0x3b0: {  	v63 =	vadd.f32 v8, v5;
	v9 =	vld [tilespmem:s22+$0xFFFFFFF0];
	[tilespmem:s28+$0xFFFFFFF0] =	vst v10  }
0x3b1: {  	[tilespmem:s28+$0xFFFFFFD0] =	vst v11;
	v8 =	vld [tilespmem:s21+$0xFFFFFFF0]  }
0x3b2: {  	s19 =	simm.s32 $0x40;
	s20 =	simm.s32 $0xE0B0;
	s10 =	simm.s32 $0x15060;
	[tilespmem:s3+$0xFFFFFFD0] =	vst v63;
	v5 =	vld [tilespmem:s21+$0xFFFFFFD0];
	v10 =	vadd.f32 v62, v61  }
.LBB2_32:
0x3b3: {  	v11 =	vld [tilespmem:s20+$0x0];
	s13 =	sadd.s32 $0x40, s13;
	v12 =	vadd.f32 v7, v4  }
0x3b4: {  	v7 =	vld [tilespmem:s13+$0x10];
	[tilespmem:s21+$0x0] =	vst v10  }
0x3b5: {  	s19 =	sadd.s32 $0x40, s19;
	v10 =	vld [tilespmem:s13+$0xFFFFFFE0];
	v6 =	vadd.f32 v9, v6;
	[tilespmem:s3+$0xFFFFFFF0] =	vst v12;
	s3 =	smov.u32 s21  }
0x3b6: {  	p0 =	slt.u32 s19, $0xFC0;
	v9 =	vld [tilespmem:s20+$0xFFFFFFE0];
	v4 =	vmov v8  }
0x3b7: {  	v8 =	vld [tilespmem:s13+$0xFFFFFFF0];
	[tilespmem:s21+$0xFFFFFFE0] =	vst v6  }
0x3b8: {  	v6 =	vld [tilespmem:s20+$0xFFFFFFF0]  }
0x3b9: {  	v12 =	vld [tilespmem:s13+$0x0];
	v7 =	vadd.f32 v7, v11  }
0x3ba: {  	v11 =	vld [tilespmem:s20+$0xFFFFFFD0]  }
0x3bb: {  	s21 =	sadd.s32 $0x40, s21;
	[tilespmem:s20+$0x0] =	vst v7;
	v13 =	vld [tilespmem:s22+$0xFFFFFFE0]  }
0x3bc: {  	s22 =	sadd.s32 $0x40, s22;
	v7 =	vadd.f32 v8, v9;
	v14 =	vld [tilespmem:s21+$0x0]  }
0x3bd: {  	v15 =	vld [tilespmem:s22+$0x10]  }
.Ltmp15:
0x3be: {  	[tilespmem:s20+$0xFFFFFFE0] =	vst v7;
	v8 =	vadd.f32 v12, v6;
	v7 =	vld [tilespmem:s10+$0x0];
	s10 =	smov.u32 s22;
	(pc) =	sbr.rel @p0 .LBB2_32-.Ltmp15, $4  }
0x3bf: {  	v10 =	vadd.f32 v10, v11;
	v6 =	vld [tilespmem:s21+$0xFFFFFFE0]  }
0x3c0: {  	v9 =	vld [tilespmem:s22+$0xFFFFFFF0];
	[tilespmem:s20+$0xFFFFFFF0] =	vst v8;
	v11 =	vadd.f32 v13, v5  }
0x3c1: {  	[tilespmem:s20+$0xFFFFFFD0] =	vst v10;
	v8 =	vld [tilespmem:s21+$0xFFFFFFF0]  }
0x3c2: {  	s20 =	sadd.s32 $0x40, s20;
	v5 =	vld [tilespmem:s21+$0xFFFFFFD0];
	v10 =	vadd.f32 v15, v14;
	[tilespmem:s3+$0xFFFFFFD0] =	vst v11  }
0x3c3: {  	v11 =	vld [tilespmem:s22+$0xFFFFFFE0]  }
0x3c4: {  	v12 =	vld [tilespmem:s10+$0x0];
	_ =	sdelay $0x1  }
0x3c5: {  	v4 =	vadd.f32 v7, v4  }
0x3c6: {  	[tilespmem:s21+$0x0] =	vst v10;
	v6 =	vadd.f32 v9, v6  }
0x3c7: {  	[tilespmem:s3+$0xFFFFFFF0] =	vst v4;
	v4 =	vadd.f32 v11, v5  }
0x3c8: {  	[tilespmem:s21+$0xFFFFFFE0] =	vst v6;
	v5 =	vadd.f32 v12, v8  }
0x3c9: {  	[tilespmem:s21+$0xFFFFFFD0] =	vst v4  }
0x3ca: {  	[tilespmem:s21+$0xFFFFFFF0] =	vst v5  }
0x3cb: {  	_ =	swait.ge [sflag:s16], $0x1000  }
0x3cc: {  	[sflag:s16] =	ssyncset.done $0x0  }
0x3cd: {  	[sflag:s16] =	ssyncadd.s32 $0xFFFFF000  }
0x3ce: {  	_ =	swait.ge [sflag:s17], $0x1000  }
0x3cf: {  	[sflag:s17] =	ssyncset.done $0x0  }
0x3d0: {  	s9 =	simm.s32 $0xF030;
	[sflag:s17] =	ssyncadd.s32 $0xFFFFF000  }
0x3d1: {  	s24 =	simm.s32 $0x16020;
	v4 =	vld [tilespmem:s9+$0x0]  }
0x3d2: {  	v5 =	vld [tilespmem:s24+$0x10]  }
0x3d3: {  	v6 =	vld [tilespmem:s24+$0xFFFFFFE0]  }
0x3d4: {  	v7 =	vld [tilespmem:s9+$0xFFFFFFE0]  }
0x3d5: {  	v8 =	vld [tilespmem:s24+$0xFFFFFFF0]  }
0x3d6: {  	v9 =	vld [tilespmem:s9+$0xFFFFFFF0]  }
0x3d7: {  	s13 =	simm.s32 $0x16060;
	v10 =	vld [tilespmem:s24+$0x0]  }
0x3d8: {  	v11 =	vld [tilespmem:s13+$0x10]  }
0x3d9: {  	s28 =	simm.s32 $0xF070;
	v60 =	vld [tilespmem:s13+$0xFFFFFFE0]  }
0x3da: {  	v13 =	vld [tilespmem:s28+$0xFFFFFFE0]  }
0x3db: {  	v14 =	vld [tilespmem:s13+$0xFFFFFFF0]  }
0x3dc: {  	v15 =	vld [tilespmem:s28+$0xFFFFFFF0];
	v4 =	vadd.f32 v5, v4  }
0x3dd: {  	v5 =	vld [tilespmem:s9+$0xFFFFFFD0]  }
0x3de: {  	s3 =	simm.s32 $0x13030;
	v16 =	vld [tilespmem:s13+$0x0];
	[tilespmem:s9+$0x0] =	vst v4;
	v4 =	vadd.f32 v8, v7  }
0x3df: {  	v7 =	vld [tilespmem:s3+$0x0]  }
0x3e0: {  	s25 =	simm.s32 $0x17020;
	[tilespmem:s9+$0xFFFFFFE0] =	vst v4;
	v4 =	vadd.f32 v10, v9;
	v10 =	vld [tilespmem:s28+$0x0]  }
0x3e1: {  	v8 =	vld [tilespmem:s25+$0x10]  }
0x3e2: {  	v5 =	vadd.f32 v6, v5;
	v6 =	vld [tilespmem:s3+$0xFFFFFFE0]  }
0x3e3: {  	v9 =	vld [tilespmem:s25+$0xFFFFFFF0];
	[tilespmem:s9+$0xFFFFFFF0] =	vst v4  }
0x3e4: {  	[tilespmem:s9+$0xFFFFFFD0] =	vst v5;
	v4 =	vld [tilespmem:s3+$0xFFFFFFF0]  }
0x3e5: {  	v5 =	vld [tilespmem:s3+$0xFFFFFFD0];
	v10 =	vadd.f32 v11, v10  }
0x3e6: {  	v11 =	vld [tilespmem:s28+$0xFFFFFFD0]  }
0x3e7: {  	s21 =	simm.s32 $0x13070;
	v7 =	vadd.f32 v8, v7;
	v8 =	vld [tilespmem:s25+$0xFFFFFFE0];
	[tilespmem:s28+$0x0] =	vst v10  }
0x3e8: {  	s22 =	simm.s32 $0x17060;
	v10 =	vadd.f32 v14, v13;
	v61 =	vld [tilespmem:s21+$0x0]  }
0x3e9: {  	[tilespmem:s3+$0x0] =	vst v7;
	v6 =	vadd.f32 v9, v6;
	v62 =	vld [tilespmem:s22+$0x10]  }
0x3ea: {  	v7 =	vld [tilespmem:s25+$0x0];
	[tilespmem:s28+$0xFFFFFFE0] =	vst v10;
	v10 =	vadd.f32 v16, v15  }
0x3eb: {  	[tilespmem:s3+$0xFFFFFFE0] =	vst v6;
	v11 =	vadd.f32 v60, v11;
	v6 =	vld [tilespmem:s21+$0xFFFFFFE0]  }
0x3ec: {  	v63 =	vadd.f32 v8, v5;
	v9 =	vld [tilespmem:s22+$0xFFFFFFF0];
	[tilespmem:s28+$0xFFFFFFF0] =	vst v10  }
0x3ed: {  	[tilespmem:s28+$0xFFFFFFD0] =	vst v11;
	v8 =	vld [tilespmem:s21+$0xFFFFFFF0]  }
0x3ee: {  	s19 =	simm.s32 $0x40;
	s20 =	simm.s32 $0xF0B0;
	s10 =	simm.s32 $0x17060;
	[tilespmem:s3+$0xFFFFFFD0] =	vst v63;
	v5 =	vld [tilespmem:s21+$0xFFFFFFD0];
	v10 =	vadd.f32 v62, v61  }
.LBB2_34:
0x3ef: {  	v11 =	vld [tilespmem:s20+$0x0];
	s13 =	sadd.s32 $0x40, s13;
	v12 =	vadd.f32 v7, v4  }
0x3f0: {  	v7 =	vld [tilespmem:s13+$0x10];
	[tilespmem:s21+$0x0] =	vst v10  }
0x3f1: {  	s19 =	sadd.s32 $0x40, s19;
	v10 =	vld [tilespmem:s13+$0xFFFFFFE0];
	v6 =	vadd.f32 v9, v6;
	[tilespmem:s3+$0xFFFFFFF0] =	vst v12;
	s3 =	smov.u32 s21  }
0x3f2: {  	p0 =	slt.u32 s19, $0xFC0;
	v9 =	vld [tilespmem:s20+$0xFFFFFFE0];
	v4 =	vmov v8  }
0x3f3: {  	v8 =	vld [tilespmem:s13+$0xFFFFFFF0];
	[tilespmem:s21+$0xFFFFFFE0] =	vst v6  }
0x3f4: {  	v6 =	vld [tilespmem:s20+$0xFFFFFFF0]  }
0x3f5: {  	v12 =	vld [tilespmem:s13+$0x0];
	v7 =	vadd.f32 v7, v11  }
0x3f6: {  	v11 =	vld [tilespmem:s20+$0xFFFFFFD0]  }
0x3f7: {  	s21 =	sadd.s32 $0x40, s21;
	[tilespmem:s20+$0x0] =	vst v7;
	v13 =	vld [tilespmem:s22+$0xFFFFFFE0]  }
0x3f8: {  	s22 =	sadd.s32 $0x40, s22;
	v7 =	vadd.f32 v8, v9;
	v14 =	vld [tilespmem:s21+$0x0]  }
0x3f9: {  	v15 =	vld [tilespmem:s22+$0x10]  }
.Ltmp16:
0x3fa: {  	[tilespmem:s20+$0xFFFFFFE0] =	vst v7;
	v8 =	vadd.f32 v12, v6;
	v7 =	vld [tilespmem:s10+$0x0];
	s10 =	smov.u32 s22;
	(pc) =	sbr.rel @p0 .LBB2_34-.Ltmp16, $4  }
0x3fb: {  	v10 =	vadd.f32 v10, v11;
	v6 =	vld [tilespmem:s21+$0xFFFFFFE0]  }
0x3fc: {  	v9 =	vld [tilespmem:s22+$0xFFFFFFF0];
	[tilespmem:s20+$0xFFFFFFF0] =	vst v8;
	v11 =	vadd.f32 v13, v5  }
0x3fd: {  	[tilespmem:s20+$0xFFFFFFD0] =	vst v10;
	v8 =	vld [tilespmem:s21+$0xFFFFFFF0]  }
0x3fe: {  	s20 =	sadd.s32 $0x40, s20;
	v5 =	vld [tilespmem:s21+$0xFFFFFFD0];
	v10 =	vadd.f32 v15, v14;
	[tilespmem:s3+$0xFFFFFFD0] =	vst v11  }
0x3ff: {  	v11 =	vld [tilespmem:s22+$0xFFFFFFE0]  }
0x400: {  	v12 =	vld [tilespmem:s10+$0x0];
	_ =	sdelay $0x1  }
0x401: {  	v4 =	vadd.f32 v7, v4  }
0x402: {  	[tilespmem:s21+$0x0] =	vst v10;
	v6 =	vadd.f32 v9, v6  }
0x403: {  	[tilespmem:s3+$0xFFFFFFF0] =	vst v4;
	v4 =	vadd.f32 v11, v5  }
0x404: {  	[tilespmem:s21+$0xFFFFFFE0] =	vst v6;
	v5 =	vadd.f32 v12, v8  }
0x405: {  	[tilespmem:s21+$0xFFFFFFD0] =	vst v4  }
0x406: {  	[tilespmem:s21+$0xFFFFFFF0] =	vst v5  }
0x407: {  	[bflag:$0x0] =	sbarrier.arrive $0xFFFF  }
0x408: {  	s9 =	simm.s32 $0xC000;
	s13 =	rddreg [dreg:$0xa]  }
0x409: {  	[spmem:s13] =	stream.linear.scatter [tilespmem:s9], [sflag:$0x5], $0x4000, $0x38;
	[tilespmem:$0x1D000] =	vst v63  }
0x40a: {  	_ =	swait.ge [sflag:s26], $0x4000  }
0x40b: {  	[sflag:s26] =	ssyncset.done $0x0  }
0x40c: {  	s20 =	simm.s32 $0x10000;
	s19 =	rddreg [dreg:$0xc];
	[sflag:s26] =	ssyncadd.s32 $0xFFFFC000  }
0x40d: {  	[spmem:s19] =	stream.linear.scatter [tilespmem:s20], [sflag:$0x5], $0x4000, $0x38;
	[tilespmem:$0x1D000] =	vst v63  }
0x40e: {  	_ =	swait.ge [sflag:s26], $0x4000  }
0x40f: {  	[sflag:s26] =	ssyncset.done $0x0  }
0x410: {  	[sflag:s26] =	ssyncadd.s32 $0xFFFFC000  }
0x411: {  	s3 =	simm.s32 $0xC020;
	[bflag:$0x0] =	sbarrier.arrive $0xFFFF  }
0x412: {  	v4 =	vld [tilespmem:s3+$0xFFFFFFE0]  }
0x413: {  	s21 =	simm.s32 $0x10020;
	s13 =	simm.s32 $0x0;
	v5 =	vld [tilespmem:s3+$0x0]  }
0x414: {  	s22 =	sand.u32 $0xC0, s13;
	v6 =	vld [tilespmem:s21+$0xFFFFFFF0]  }
0x415: {  	s10 =	scvt.s32.f32 s22;
	s19 =	simm.s32 $0x20;
	v7 =	vld [tilespmem:s21+$0x0]  }
0x416: {  	s20 =	simm.s32 $0x0;
	s19 =	sand.u32 $0xE0, s19;
	v9 =	vld [tilespmem:s21+$0x10]  }
0x417: {  	v8 =	vadd.f32 s10, v3;
	s24 =	sor.u32 s6, s20;
	s19 =	scvt.s32.f32 s19  }
0x418: {  	s10 =	scvt.s32.f32 s24  }
0x419: {  	s25 =	simm.s32 $0x10;
	v11 =	vadd.f32 s19, v3;
	v4 =	vadd.f32 v4, v8  }
0x41a: {  	s11 =	simm.s32 $0x30;
	s20 =	sand.u32 $0xD0, s25;
	v13 =	vld [tilespmem:s3+$0xFFFFFFF0];
	v6 =	vadd.f32 s10, v6;
	v7 =	vadd.f32 s10, v7  }
0x41b: {  	s11 =	sand.u32 $0xF0, s11;
	s28 =	scvt.s32.f32 s20;
	v8 =	vld [tilespmem:s3+$0x10];
	v5 =	vadd.f32 v5, v11;
	v9 =	vadd.f32 s10, v9;
	v4 =	vtrunc.f32 v4  }
0x41c: {  	s11 =	scvt.s32.f32 s11;
	v62 =	vld [tilespmem:s21+$0xFFFFFFE0];
	v6 =	vtrunc.f32 v6;
	v7 =	vtrunc.f32 v7  }
0x41d: {  	v11 =	vadd.f32 s28, v3;
	v5 =	vtrunc.f32 v5;
	v9 =	vtrunc.f32 v9  }
0x41e: {  	v10 =	vadd.f32 s11, v3;
	v4 =	vcvt.f32.s32 v4;
	v6 =	vcvt.f32.s32 v6  }
0x41f: {  	v11 =	vadd.f32 v13, v11;
	v7 =	vcvt.f32.s32 v7;
	v5 =	vcvt.f32.s32 v5  }
0x420: {  	vm0 =	vgt.s32 v4, $0x0;
	v8 =	vadd.f32 v8, v10;
	v10 =	vcvt.f32.s32 v9  }
0x421: {  	v9 =	vadd.f32 s10, v62;
	vm14 =	vgt.s32 v6, $0x0;
	vm15 =	vgt.s32 v5, $0x0  }
0x422: {  	vm2 =	vgt.s32 v7, $0x0;
	v4 =	vnsel vm0, $0x0, v4;
	v8 =	vtrunc.f32 v8  }
0x423: {  	v6 =	vnsel vm14, $0x0, v6;
	v5 =	vnsel vm15, $0x0, v5;
	v8 =	vcvt.f32.s32 v8  }
0x424: {  	v7 =	vnsel vm2, $0x0, v7;
	v4 =	vmin.u32 v4, $0xFF;
	vm1 =	vgt.s32 v10, $0x0  }
0x425: {  	v9 =	vtrunc.f32 v9;
	v5 =	vmin.u32 v5, $0xFF;
	vm3 =	vgt.s32 v8, $0x0  }
0x426: {  	v63 =	vmin.u32 v7, $0xFF;
	v9 =	vcvt.f32.s32 v9;
	v8 =	vnsel vm3, $0x0, v8  }
0x427: {  	s22 =	simm.s32 $0x10060;
	v10 =	vnsel vm1, $0x0, v10;
	v7 =	vmin.u32 v8, $0xFF;
	v8 =	vtrunc.f32 v11  }
0x428: {  	s24 =	simm.s32 $0x18060;
	s21 =	simm.s32 $0xC060;
	s3 =	simm.s32 $0x18020;
	v11 =	vmin.u32 v6, $0xFF;
	v6 =	vshll.u32 v63, $0x8;
	v8 =	vcvt.f32.s32 v8  }
.LBB2_36:
0x429: {  	s9 =	sadd.s32 $0x50, s13  }
0x42a: {  	v12 =	vld [tilespmem:s21+$0xFFFFFFE0];
	s10 =	sadd.s32 $0x70, s13;
	vm0 =	vgt.s32 v9, $0x0;
	v11 =	vshll.u32 v11, $0x8;
	v10 =	vmin.u32 v10, $0xFF;
	s11 =	smov.u32 s13;
	s13 =	sadd.s32 $0x40, s13  }
0x42b: {  	s19 =	sand.u32 $0xC0, s13;
	s9 =	sand.u32 $0xD0, s9;
	s11 =	sadd.s32 $0x60, s11;
	v13 =	vld [tilespmem:s21+$0x0];
	v9 =	vnsel vm0, $0x0, v9;
	vm0 =	vgt.s32 v8, $0x0;
	v10 =	vshll.u32 v10, $0x8  }
0x42c: {  	s20 =	sshrl.u32 s13, $0x8;
	s10 =	sand.u32 $0xF0, s10;
	s19 =	scvt.s32.f32 s19;
	v14 =	vld [tilespmem:s22+$0xFFFFFFF0];
	v9 =	vmin.u32 v9, $0xFF;
	v8 =	vnsel vm0, $0x0, v8;
	v7 =	vor.u32 v7, v10  }
0x42d: {  	s20 =	sor.u32 s6, s20;
	s11 =	sand.u32 $0xE0, s11;
	s10 =	scvt.s32.f32 s10;
	v10 =	vld [tilespmem:s22+$0x0];
	v9 =	vshll.u32 v9, $0x8;
	v8 =	vmin.u32 v8, $0xFF;
	v7 =	vor.u32 v0, v7  }
0x42e: {  	p0 =	slt.u32 s13, $0xFC0;
	s11 =	scvt.s32.f32 s11;
	v15 =	vadd.f32 s19, v3;
	s19 =	scvt.s32.f32 s20;
	v16 =	vld [tilespmem:s22+$0x10];
	v4 =	vor.u32 v4, v9;
	v8 =	vor.u32 v8, v11;
	[tilespmem:s3+$0x10] =	vst v7  }
0x42f: {  	s9 =	scvt.s32.f32 s9;
	v9 =	vadd.f32 s10, v3;
	v7 =	vld [tilespmem:s22+$0xFFFFFFE0];
	v4 =	vor.u32 v0, v4;
	v8 =	vor.u32 v0, v8  }
0x430: {  	v11 =	vadd.f32 v12, v15;
	v12 =	vld [tilespmem:s21+$0x10];
	[tilespmem:s3+$0xFFFFFFE0] =	vst v4;
	v4 =	vor.u32 v5, v6  }
0x431: {  	v5 =	vadd.f32 s11, v3;
	[tilespmem:s3+$0xFFFFFFF0] =	vst v8;
	v4 =	vor.u32 v0, v4  }
0x432: {  	v8 =	vadd.f32 s19, v14;
	v6 =	vtrunc.f32 v11;
	v10 =	vadd.f32 s19, v10;
	[tilespmem:s3+$0x0] =	vst v4;
	s3 =	smov.u32 s24  }
0x433: {  	v5 =	vadd.f32 v13, v5;
	v4 =	vcvt.f32.s32 v6;
	v6 =	vadd.f32 s19, v16  }
0x434: {  	v11 =	vadd.f32 s9, v3;
	v8 =	vtrunc.f32 v8;
	v10 =	vtrunc.f32 v10  }
0x435: {  	v8 =	vcvt.f32.s32 v8;
	vm0 =	vgt.s32 v4, $0x0;
	v13 =	vld [tilespmem:s21+$0xFFFFFFF0];
	v9 =	vadd.f32 v12, v9  }
0x436: {  	v5 =	vtrunc.f32 v5;
	v6 =	vtrunc.f32 v6;
	v4 =	vnsel vm0, $0x0, v4  }
0x437: {  	v6 =	vcvt.f32.s32 v6;
	v4 =	vmin.u32 v4, $0xFF;
	v9 =	vtrunc.f32 v9  }
0x438: {  	v7 =	vadd.f32 s19, v7;
	v10 =	vcvt.f32.s32 v10;
	vm0 =	vgt.s32 v8, $0x0  }
0x439: {  	v5 =	vcvt.f32.s32 v5;
	v9 =	vcvt.f32.s32 v9;
	vm1 =	vgt.s32 v6, $0x0  }
0x43a: {  	v12 =	vtrunc.f32 v7;
	v11 =	vadd.f32 v13, v11;
	v13 =	vnsel vm0, $0x0, v8  }
.Ltmp17:
0x43b: {  	vm2 =	vgt.s32 v10, $0x0;
	vm0 =	vgt.s32 v5, $0x0;
	vm3 =	vgt.s32 v9, $0x0;
	(pc) =	sbr.rel @p0 .LBB2_36-.Ltmp17, $4  }
0x43c: {  	v7 =	vnsel vm2, $0x0, v10;
	v5 =	vnsel vm0, $0x0, v5;
	v8 =	vnsel vm3, $0x0, v9  }
0x43d: {  	v14 =	vmin.u32 v7, $0xFF;
	v5 =	vmin.u32 v5, $0xFF;
	v7 =	vmin.u32 v8, $0xFF  }
0x43e: {  	v10 =	vnsel vm1, $0x0, v6;
	v9 =	vcvt.f32.s32 v12;
	v8 =	vtrunc.f32 v11  }
0x43f: {  	s22 =	sadd.s32 $0x40, s22;
	s24 =	sadd.s32 $0x40, s24;
	s21 =	sadd.s32 $0x40, s21;
	v6 =	vshll.u32 v14, $0x8;
	v11 =	vmin.u32 v13, $0xFF;
	v8 =	vcvt.f32.s32 v8  }
0x440: {  	vm0 =	vgt.s32 v9, $0x0  }
0x441: {  	v11 =	vshll.u32 v11, $0x8;
	v10 =	vmin.u32 v10, $0xFF;
	v9 =	vnsel vm0, $0x0, v9  }
0x442: {  	vm0 =	vgt.s32 v8, $0x0;
	v10 =	vshll.u32 v10, $0x8;
	v9 =	vmin.u32 v9, $0xFF  }
0x443: {  	v8 =	vnsel vm0, $0x0, v8;
	v7 =	vor.u32 v7, v10;
	v9 =	vshll.u32 v9, $0x8  }
0x444: {  	v8 =	vmin.u32 v8, $0xFF;
	v7 =	vor.u32 v0, v7;
	v4 =	vor.u32 v4, v9  }
0x445: {  	v8 =	vor.u32 v8, v11;
	[tilespmem:s3+$0x10] =	vst v7;
	v4 =	vor.u32 v0, v4  }
0x446: {  	v7 =	vor.u32 v0, v8;
	[tilespmem:s3+$0xFFFFFFE0] =	vst v4;
	v4 =	vor.u32 v5, v6  }
0x447: {  	[tilespmem:s3+$0xFFFFFFF0] =	vst v7;
	v4 =	vor.u32 v0, v4  }
0x448: {  	[tilespmem:s3+$0x0] =	vst v4  }
0x449: {  	[tilespmem:s31], [sflag:$0x1] =	stream.indirect.gather [spmem:s1], $0x1, s29, s30, $0xb8;
	[tilespmem:$0x1D000] =	vst v63  }
0x44a: {  	s22 =	simm.s32 $0x11030  }
0x44b: {  	[tilespmem:s0], [sflag:$0x2] =	stream.indirect.gather [spmem:s2], $0x1, s29, s30, $0xb8;
	[tilespmem:$0x1D000] =	vst v63  }
0x44c: {  	s21 =	simm.s32 $0xD030;
	v4 =	vld [tilespmem:s22+$0x0]  }
0x44d: {  	v5 =	vld [tilespmem:s21+$0x0]  }
0x44e: {  	s13 =	simm.s32 $0x0;
	s11 =	simm.s32 $0x10;
	s19 =	simm.s32 $0x1030;
	v6 =	vld [tilespmem:s22+$0xFFFFFFD0]  }
0x44f: {  	s20 =	simm.s32 $0x10;
	s24 =	simm.s32 $0x10;
	s19 =	sand.u32 $0xF0, s19;
	v7 =	vld [tilespmem:s22+$0xFFFFFFE0]  }
0x450: {  	s9 =	sand.u32 $0xC0, s13;
	s20 =	sor.u32 s6, s20;
	s19 =	scvt.s32.f32 s19;
	v10 =	vld [tilespmem:s21+$0xFFFFFFD0]  }
0x451: {  	s11 =	sor.u32 s6, s11;
	s9 =	scvt.s32.f32 s9;
	s20 =	scvt.s32.f32 s20  }
0x452: {  	s25 =	simm.s32 $0x1010;
	s28 =	scvt.s32.f32 s11;
	v9 =	vadd.f32 s19, v3;
	s19 =	sor.u32 s6, s24;
	v8 =	vld [tilespmem:s22+$0xFFFFFFF0]  }
0x453: {  	v11 =	vadd.f32 s9, v3;
	s24 =	scvt.s32.f32 s19;
	s3 =	sand.u32 $0xD0, s25;
	s25 =	simm.s32 $0x10;
	v4 =	vadd.f32 s20, v4  }
0x454: {  	s10 =	simm.s32 $0x1020;
	s3 =	scvt.s32.f32 s3;
	s25 =	sor.u32 s6, s25;
	v12 =	vld [tilespmem:s21+$0xFFFFFFE0];
	v5 =	vadd.f32 v5, v9;
	v6 =	vadd.f32 s28, v6  }
0x455: {  	s10 =	sand.u32 $0xE0, s10;
	v9 =	vld [tilespmem:s21+$0xFFFFFFF0];
	s28 =	scvt.s32.f32 s25;
	v7 =	vadd.f32 s24, v7;
	v10 =	vadd.f32 v10, v11;
	v4 =	vtrunc.f32 v4  }
0x456: {  	s10 =	scvt.s32.f32 s10;
	v13 =	vadd.f32 s3, v3;
	v5 =	vtrunc.f32 v5;
	v6 =	vtrunc.f32 v6  }
0x457: {  	v8 =	vadd.f32 s28, v8;
	v7 =	vtrunc.f32 v7;
	v10 =	vtrunc.f32 v10  }
0x458: {  	v14 =	vadd.f32 s10, v3;
	v4 =	vcvt.f32.s32 v4;
	v5 =	vcvt.f32.s32 v5  }
0x459: {  	v11 =	vadd.f32 v12, v13;
	v62 =	vcvt.f32.s32 v6;
	v8 =	vtrunc.f32 v8  }
0x45a: {  	vm0 =	vgt.s32 v4, $0x0;
	vm1 =	vgt.s32 v5, $0x0;
	v9 =	vadd.f32 v9, v14  }
0x45b: {  	v6 =	vcvt.f32.s32 v8;
	v8 =	vcvt.f32.s32 v10;
	v4 =	vnsel vm0, $0x0, v4  }
0x45c: {  	v5 =	vnsel vm1, $0x0, v5;
	vm0 =	vgt.s32 v62, $0x0;
	v4 =	vmin.u32 v4, $0xFF  }
0x45d: {  	v5 =	vmin.u32 v5, $0xFF;
	vm1 =	vgt.s32 v6, $0x0;
	v4 =	vshll.u32 v4, $0x8  }
0x45e: {  	v4 =	vor.u32 v5, v4;
	v5 =	vtrunc.f32 v11;
	v11 =	vcvt.f32.s32 v7  }
0x45f: {  	vm2 =	vgt.s32 v8, $0x0;
	v7 =	vnsel vm0, $0x0, v62;
	v5 =	vcvt.f32.s32 v5  }
0x460: {  	s3 =	simm.s32 $0x19020;
	v63 =	vor.u32 v0, v4;
	v4 =	vtrunc.f32 v9;
	vm3 =	vgt.s32 v11, $0x0  }
0x461: {  	v4 =	vcvt.f32.s32 v4;
	[tilespmem:s3+$0x10] =	vst v63;
	vm0 =	vgt.s32 v5, $0x0;
	v9 =	vnsel vm3, $0x0, v11  }
.LBB2_38:
0x462: {  	s9 =	sadd.s32 $0x1040, s13  }
0x463: {  	s10 =	sadd.s32 $0x1050, s13;
	v8 =	vnsel vm2, $0x0, v8;
	vm2 =	vgt.s32 v4, $0x0;
	v6 =	vnsel vm1, $0x0, v6;
	s11 =	smov.u32 s13;
	s13 =	sadd.s32 $0x40, s13  }
0x464: {  	v7 =	vmin.u32 v7, $0xFF;
	v5 =	vnsel vm0, $0x0, v5;
	v9 =	vmin.u32 v9, $0xFF;
	s22 =	sadd.s32 $0x40, s22;
	s19 =	sand.u32 $0xC0, s13;
	s20 =	sadd.s32 $0x1060, s11  }
0x465: {  	s21 =	sadd.s32 $0x40, s21;
	s9 =	sshrl.u32 s9, $0x8;
	s11 =	sadd.s32 $0x1070, s11;
	v8 =	vmin.u32 v8, $0xFF;
	v4 =	vnsel vm2, $0x0, v4;
	v6 =	vmin.u32 v6, $0xFF;
	v10 =	vld [tilespmem:s22+$0x0]  }
0x466: {  	s24 =	sand.u32 $0xD0, s10;
	v7 =	vshll.u32 v7, $0x8;
	v5 =	vmin.u32 v5, $0xFF;
	v9 =	vshll.u32 v9, $0x8;
	s25 =	sand.u32 $0xF0, s11;
	s11 =	sshrl.u32 s11, $0x8;
	v11 =	vld [tilespmem:s21+$0x0]  }
0x467: {  	s10 =	sshrl.u32 s10, $0x8;
	v7 =	vor.u32 v8, v7;
	v4 =	vmin.u32 v4, $0xFF;
	v6 =	vshll.u32 v6, $0x8;
	s25 =	scvt.s32.f32 s25;
	s11 =	sor.u32 s6, s11;
	v12 =	vld [tilespmem:s22+$0xFFFFFFD0]  }
0x468: {  	s19 =	scvt.s32.f32 s19;
	s28 =	sand.u32 $0xE0, s20;
	v5 =	vor.u32 v5, v9;
	v7 =	vor.u32 v0, v7;
	v4 =	vor.u32 v4, v6;
	s11 =	scvt.s32.f32 s11;
	v8 =	vld [tilespmem:s22+$0xFFFFFFE0]  }
0x469: {  	s9 =	sor.u32 s6, s9;
	s24 =	scvt.s32.f32 s24;
	s20 =	sshrl.u32 s20, $0x8;
	v5 =	vor.u32 v0, v5;
	v4 =	vor.u32 v0, v4;
	v9 =	vadd.f32 s25, v3;
	v6 =	vld [tilespmem:s22+$0xFFFFFFF0];
	[tilespmem:s3+$0xFFFFFFE0] =	vst v7  }
0x46a: {  	s10 =	sor.u32 s6, s10;
	s9 =	scvt.s32.f32 s9;
	v13 =	vadd.f32 s19, v3;
	s19 =	scvt.s32.f32 s28;
	v7 =	vld [tilespmem:s21+$0xFFFFFFD0];
	v10 =	vadd.f32 s11, v10;
	[tilespmem:s3+$0xFFFFFFF0] =	vst v5  }
0x46b: {  	p0 =	slt.u32 s13, $0xFC0;
	s10 =	scvt.s32.f32 s10;
	v14 =	vadd.f32 s24, v3;
	s11 =	sor.u32 s6, s20;
	v5 =	vld [tilespmem:s21+$0xFFFFFFE0];
	v9 =	vadd.f32 v11, v9;
	[tilespmem:s3+$0x0] =	vst v4  }
0x46c: {  	v4 =	vadd.f32 s9, v12;
	v11 =	vld [tilespmem:s21+$0xFFFFFFF0];
	v12 =	vadd.f32 s19, v3;
	s9 =	scvt.s32.f32 s11;
	v10 =	vtrunc.f32 v10  }
0x46d: {  	v8 =	vadd.f32 s10, v8;
	v9 =	vtrunc.f32 v9;
	v10 =	vcvt.f32.s32 v10  }
0x46e: {  	v4 =	vtrunc.f32 v4;
	v6 =	vadd.f32 s9, v6;
	v9 =	vcvt.f32.s32 v9  }
0x46f: {  	v7 =	vadd.f32 v7, v13;
	v8 =	vtrunc.f32 v8;
	vm0 =	vgt.s32 v10, $0x0  }
0x470: {  	v5 =	vadd.f32 v5, v14;
	vm1 =	vgt.s32 v9, $0x0;
	v10 =	vnsel vm0, $0x0, v10  }
0x471: {  	v11 =	vadd.f32 v11, v12;
	v9 =	vnsel vm1, $0x0, v9;
	v10 =	vmin.u32 v10, $0xFF  }
0x472: {  	v6 =	vtrunc.f32 v6;
	v9 =	vmin.u32 v9, $0xFF;
	v10 =	vshll.u32 v10, $0x8  }
0x473: {  	v4 =	vcvt.f32.s32 v4;
	v7 =	vtrunc.f32 v7;
	v9 =	vor.u32 v9, v10  }
.Ltmp18:
0x474: {  	s3 =	sadd.s32 $0x40, s3;
	v5 =	vtrunc.f32 v5;
	v10 =	vcvt.f32.s32 v8;
	v8 =	vor.u32 v0, v9;
	(pc) =	sbr.rel @p0 .LBB2_38-.Ltmp18, $4  }
0x475: {  	vm0 =	vgt.s32 v4, $0x0;
	v6 =	vcvt.f32.s32 v6;
	v9 =	vtrunc.f32 v11;
	[tilespmem:s3+$0x10] =	vst v8  }
0x476: {  	v5 =	vcvt.f32.s32 v5;
	v8 =	vcvt.f32.s32 v7;
	vm3 =	vgt.s32 v10, $0x0  }
0x477: {  	vm1 =	vgt.s32 v6, $0x0;
	v7 =	vnsel vm0, $0x0, v4;
	v4 =	vcvt.f32.s32 v9  }
0x478: {  	vm0 =	vgt.s32 v5, $0x0;
	v9 =	vnsel vm3, $0x0, v10;
	vm2 =	vgt.s32 v8, $0x0  }
0x479: {  	v8 =	vnsel vm2, $0x0, v8;
	vm15 =	vgt.s32 v4, $0x0  }
0x47a: {  	v6 =	vnsel vm1, $0x0, v6;
	v7 =	vmin.u32 v7, $0xFF;
	v5 =	vnsel vm0, $0x0, v5  }
0x47b: {  	v9 =	vmin.u32 v9, $0xFF;
	v8 =	vmin.u32 v8, $0xFF;
	v4 =	vnsel vm15, $0x0, v4  }
0x47c: {  	v6 =	vmin.u32 v6, $0xFF;
	v7 =	vshll.u32 v7, $0x8;
	v5 =	vmin.u32 v5, $0xFF  }
0x47d: {  	v9 =	vshll.u32 v9, $0x8;
	v7 =	vor.u32 v8, v7;
	v4 =	vmin.u32 v4, $0xFF  }
0x47e: {  	v6 =	vshll.u32 v6, $0x8;
	v5 =	vor.u32 v5, v9;
	v7 =	vor.u32 v0, v7  }
0x47f: {  	v4 =	vor.u32 v4, v6;
	v5 =	vor.u32 v0, v5;
	[tilespmem:s3+$0xFFFFFFE0] =	vst v7  }
0x480: {  	v4 =	vor.u32 v0, v4;
	[tilespmem:s3+$0xFFFFFFF0] =	vst v5  }
0x481: {  	[tilespmem:s3+$0x0] =	vst v4  }
0x482: {  	[tilespmem:s7], [sflag:$0x3] =	stream.indirect.gather [spmem:s1], $0x1, s4, s30, $0xb8;
	[tilespmem:$0x1D000] =	vst v63  }
0x483: {  	_ = 	snop  }
0x484: {  	[tilespmem:s8], [sflag:$0x4] =	stream.indirect.gather [spmem:s2], $0x1, s4, s30, $0xb8;
	[tilespmem:$0x1D000] =	vst v63  }
0x485: {  	_ =	swait.ge [sflag:s12], $0x1000  }
0x486: {  	[sflag:s12] =	ssyncset.done $0x0  }
0x487: {  	[sflag:s12] =	ssyncadd.s32 $0xFFFFF000  }
0x488: {  	_ =	swait.ge [sflag:s14], $0x1000  }
0x489: {  	[sflag:s14] =	ssyncset.done $0x0  }
0x48a: {  	s9 =	simm.s32 $0xC020;
	[sflag:s14] =	ssyncadd.s32 $0xFFFFF000  }
0x48b: {  	s25 =	simm.s32 $0x14020;
	v4 =	vld [tilespmem:s9+$0x10]  }
0x48c: {  	v5 =	vld [tilespmem:s25+$0x10]  }
0x48d: {  	v6 =	vld [tilespmem:s25+$0xFFFFFFE0]  }
0x48e: {  	v7 =	vld [tilespmem:s9+$0xFFFFFFF0]  }
0x48f: {  	v8 =	vld [tilespmem:s25+$0xFFFFFFF0]  }
0x490: {  	v9 =	vld [tilespmem:s9+$0x0]  }
0x491: {  	s13 =	simm.s32 $0x14060;
	v10 =	vld [tilespmem:s25+$0x0]  }
0x492: {  	v11 =	vld [tilespmem:s13+$0x10]  }
0x493: {  	s28 =	simm.s32 $0xC060;
	v12 =	vld [tilespmem:s13+$0xFFFFFFE0]  }
0x494: {  	v13 =	vld [tilespmem:s28+$0xFFFFFFF0]  }
0x495: {  	v14 =	vld [tilespmem:s13+$0xFFFFFFF0]  }
0x496: {  	v15 =	vld [tilespmem:s28+$0x0];
	v4 =	vadd.f32 v5, v4  }
0x497: {  	v5 =	vld [tilespmem:s9+$0xFFFFFFE0]  }
0x498: {  	s3 =	simm.s32 $0x10020;
	v16 =	vld [tilespmem:s13+$0x0];
	[tilespmem:s9+$0x10] =	vst v4;
	v4 =	vadd.f32 v8, v7  }
0x499: {  	v7 =	vld [tilespmem:s3+$0x10]  }
0x49a: {  	s10 =	simm.s32 $0x15020;
	[tilespmem:s9+$0xFFFFFFF0] =	vst v4;
	v4 =	vadd.f32 v10, v9;
	v10 =	vld [tilespmem:s28+$0x10]  }
0x49b: {  	v8 =	vld [tilespmem:s10+$0x10]  }
0x49c: {  	v5 =	vadd.f32 v6, v5;
	v6 =	vld [tilespmem:s3+$0xFFFFFFF0]  }
0x49d: {  	v9 =	vld [tilespmem:s10+$0xFFFFFFF0];
	[tilespmem:s9+$0x0] =	vst v4  }
0x49e: {  	[tilespmem:s9+$0xFFFFFFE0] =	vst v5;
	v4 =	vld [tilespmem:s3+$0x0]  }
0x49f: {  	v5 =	vld [tilespmem:s3+$0xFFFFFFE0];
	v10 =	vadd.f32 v11, v10  }
0x4a0: {  	v11 =	vld [tilespmem:s28+$0xFFFFFFE0]  }
0x4a1: {  	s24 =	simm.s32 $0x10060;
	v7 =	vadd.f32 v8, v7;
	[tilespmem:s28+$0x10] =	vst v10;
	v10 =	vld [tilespmem:s10+$0xFFFFFFE0]  }
0x4a2: {  	s22 =	simm.s32 $0x15060;
	v8 =	vadd.f32 v14, v13;
	v61 =	vld [tilespmem:s24+$0x10]  }
0x4a3: {  	[tilespmem:s3+$0x10] =	vst v7;
	v6 =	vadd.f32 v9, v6;
	v62 =	vld [tilespmem:s22+$0x10]  }
0x4a4: {  	[tilespmem:s28+$0xFFFFFFF0] =	vst v8;
	v9 =	vadd.f32 v16, v15;
	v7 =	vld [tilespmem:s10+$0x0]  }
0x4a5: {  	v8 =	vld [tilespmem:s22+$0xFFFFFFF0];
	[tilespmem:s3+$0xFFFFFFF0] =	vst v6;
	v11 =	vadd.f32 v12, v11  }
0x4a6: {  	v6 =	vld [tilespmem:s24+$0xFFFFFFF0];
	[tilespmem:s28+$0x0] =	vst v9;
	v63 =	vadd.f32 v10, v5  }
0x4a7: {  	s21 =	simm.s32 $0x0;
	v9 =	vld [tilespmem:s24+$0x0];
	[tilespmem:s28+$0xFFFFFFE0] =	vst v11  }
0x4a8: {  	s19 =	simm.s32 $0x40;
	s20 =	simm.s32 $0xC0A0;
	s10 =	simm.s32 $0x15060;
	v5 =	vld [tilespmem:s24+$0xFFFFFFE0];
	v10 =	vadd.f32 v62, v61;
	[tilespmem:s3+$0xFFFFFFE0] =	vst v63  }
.LBB2_40:
0x4a9: {  	v11 =	vld [tilespmem:s20+$0x10];
	s13 =	sadd.s32 $0x40, s13;
	v12 =	vadd.f32 v7, v4  }
0x4aa: {  	v7 =	vld [tilespmem:s13+$0x10];
	[tilespmem:s24+$0x10] =	vst v10  }
0x4ab: {  	s19 =	sadd.s32 $0x40, s19;
	v10 =	vld [tilespmem:s13+$0xFFFFFFE0];
	v6 =	vadd.f32 v8, v6;
	[tilespmem:s3+$0x0] =	vst v12;
	s3 =	smov.u32 s24  }
0x4ac: {  	p0 =	slt.u32 s19, $0xFC0;
	v8 =	vld [tilespmem:s20+$0xFFFFFFF0];
	v4 =	vmov v9  }
0x4ad: {  	v9 =	vld [tilespmem:s13+$0xFFFFFFF0];
	[tilespmem:s24+$0xFFFFFFF0] =	vst v6  }
0x4ae: {  	v6 =	vld [tilespmem:s20+$0x0]  }
0x4af: {  	v12 =	vld [tilespmem:s13+$0x0];
	v7 =	vadd.f32 v7, v11  }
0x4b0: {  	v11 =	vld [tilespmem:s20+$0xFFFFFFE0]  }
0x4b1: {  	s24 =	sadd.s32 $0x40, s24;
	[tilespmem:s20+$0x10] =	vst v7;
	v13 =	vld [tilespmem:s22+$0xFFFFFFE0]  }
0x4b2: {  	s22 =	sadd.s32 $0x40, s22;
	v7 =	vadd.f32 v9, v8;
	v14 =	vld [tilespmem:s24+$0x10]  }
0x4b3: {  	v15 =	vld [tilespmem:s22+$0x10]  }
.Ltmp19:
0x4b4: {  	[tilespmem:s20+$0xFFFFFFF0] =	vst v7;
	v9 =	vadd.f32 v12, v6;
	v7 =	vld [tilespmem:s10+$0x0];
	s10 =	smov.u32 s22;
	(pc) =	sbr.rel @p0 .LBB2_40-.Ltmp19, $4  }
0x4b5: {  	v10 =	vadd.f32 v10, v11;
	v6 =	vld [tilespmem:s24+$0xFFFFFFF0]  }
0x4b6: {  	v8 =	vld [tilespmem:s22+$0xFFFFFFF0];
	[tilespmem:s20+$0x0] =	vst v9;
	v11 =	vadd.f32 v13, v5  }
0x4b7: {  	[tilespmem:s20+$0xFFFFFFE0] =	vst v10;
	v9 =	vld [tilespmem:s24+$0x0]  }
0x4b8: {  	s20 =	sadd.s32 $0x40, s20;
	v5 =	vld [tilespmem:s24+$0xFFFFFFE0];
	v10 =	vadd.f32 v15, v14;
	[tilespmem:s3+$0xFFFFFFE0] =	vst v11  }
0x4b9: {  	v11 =	vld [tilespmem:s22+$0xFFFFFFE0]  }
0x4ba: {  	v12 =	vld [tilespmem:s10+$0x0];
	_ =	sdelay $0x1  }
0x4bb: {  	v4 =	vadd.f32 v7, v4  }
0x4bc: {  	[tilespmem:s24+$0x10] =	vst v10;
	v6 =	vadd.f32 v8, v6  }
0x4bd: {  	[tilespmem:s3+$0x0] =	vst v4;
	v4 =	vadd.f32 v11, v5  }
0x4be: {  	[tilespmem:s24+$0xFFFFFFF0] =	vst v6;
	v5 =	vadd.f32 v12, v9  }
0x4bf: {  	[tilespmem:s24+$0xFFFFFFE0] =	vst v4  }
0x4c0: {  	s13 =	simm.s32 $0x12030;
	[tilespmem:s24+$0x0] =	vst v5  }
0x4c1: {  	s22 =	simm.s32 $0xE030;
	v4 =	vld [tilespmem:s13+$0x0]  }
0x4c2: {  	s9 =	sand.u32 $0xC0, s21;
	v5 =	vld [tilespmem:s22+$0x0]  }
0x4c3: {  	s11 =	simm.s32 $0x20;
	s19 =	simm.s32 $0x2030;
	s20 =	simm.s32 $0x20;
	v6 =	vld [tilespmem:s13+$0xFFFFFFD0]  }
0x4c4: {  	s19 =	sand.u32 $0xF0, s19;
	s20 =	sor.u32 s6, s20;
	s9 =	scvt.s32.f32 s9;
	v7 =	vld [tilespmem:s13+$0xFFFFFFE0]  }
0x4c5: {  	s11 =	sor.u32 s6, s11;
	s19 =	scvt.s32.f32 s19;
	s24 =	simm.s32 $0x2010;
	v10 =	vld [tilespmem:s22+$0xFFFFFFD0]  }
0x4c6: {  	s20 =	scvt.s32.f32 s20;
	s3 =	sand.u32 $0xD0, s24;
	s24 =	simm.s32 $0x20  }
0x4c7: {  	s25 =	simm.s32 $0x2020;
	s28 =	scvt.s32.f32 s11;
	v9 =	vadd.f32 s19, v3;
	v8 =	vld [tilespmem:s13+$0xFFFFFFF0];
	s19 =	sor.u32 s6, s24  }
0x4c8: {  	s10 =	sand.u32 $0xE0, s25;
	s25 =	simm.s32 $0x20;
	v11 =	vadd.f32 s9, v3;
	s24 =	scvt.s32.f32 s19;
	v4 =	vadd.f32 s20, v4  }
0x4c9: {  	s25 =	sor.u32 s6, s25;
	v61 =	vld [tilespmem:s22+$0xFFFFFFE0];
	s3 =	scvt.s32.f32 s3;
	v5 =	vadd.f32 v5, v9;
	v6 =	vadd.f32 s28, v6  }
0x4ca: {  	v9 =	vld [tilespmem:s22+$0xFFFFFFF0];
	s28 =	scvt.s32.f32 s25;
	v7 =	vadd.f32 s24, v7;
	v10 =	vadd.f32 v10, v11;
	v4 =	vtrunc.f32 v4  }
0x4cb: {  	s10 =	scvt.s32.f32 s10;
	v13 =	vadd.f32 s3, v3;
	v5 =	vtrunc.f32 v5;
	v6 =	vtrunc.f32 v6  }
0x4cc: {  	v8 =	vadd.f32 s28, v8;
	v7 =	vtrunc.f32 v7;
	v10 =	vtrunc.f32 v10  }
0x4cd: {  	v14 =	vadd.f32 s10, v3;
	v4 =	vcvt.f32.s32 v4;
	v5 =	vcvt.f32.s32 v5  }
0x4ce: {  	v11 =	vadd.f32 v61, v13;
	v62 =	vcvt.f32.s32 v6;
	v8 =	vtrunc.f32 v8  }
0x4cf: {  	vm0 =	vgt.s32 v4, $0x0;
	vm1 =	vgt.s32 v5, $0x0;
	v9 =	vadd.f32 v9, v14  }
0x4d0: {  	v6 =	vcvt.f32.s32 v8;
	v8 =	vcvt.f32.s32 v10;
	v4 =	vnsel vm0, $0x0, v4  }
0x4d1: {  	v5 =	vnsel vm1, $0x0, v5;
	vm0 =	vgt.s32 v62, $0x0;
	v4 =	vmin.u32 v4, $0xFF  }
0x4d2: {  	v5 =	vmin.u32 v5, $0xFF;
	vm1 =	vgt.s32 v6, $0x0;
	v4 =	vshll.u32 v4, $0x8  }
0x4d3: {  	v4 =	vor.u32 v5, v4;
	v5 =	vtrunc.f32 v11;
	v11 =	vcvt.f32.s32 v7  }
0x4d4: {  	vm2 =	vgt.s32 v8, $0x0;
	v7 =	vnsel vm0, $0x0, v62;
	v5 =	vcvt.f32.s32 v5  }
0x4d5: {  	s3 =	simm.s32 $0x1A020;
	v63 =	vor.u32 v0, v4;
	v4 =	vtrunc.f32 v9;
	vm3 =	vgt.s32 v11, $0x0  }
0x4d6: {  	v4 =	vcvt.f32.s32 v4;
	[tilespmem:s3+$0x10] =	vst v63;
	vm0 =	vgt.s32 v5, $0x0;
	v9 =	vnsel vm3, $0x0, v11  }
.LBB2_42:
0x4d7: {  	s9 =	sadd.s32 $0x2040, s21  }
0x4d8: {  	s10 =	sadd.s32 $0x2050, s21;
	v8 =	vnsel vm2, $0x0, v8;
	vm2 =	vgt.s32 v4, $0x0;
	v6 =	vnsel vm1, $0x0, v6;
	s11 =	smov.u32 s21;
	s21 =	sadd.s32 $0x40, s21  }
0x4d9: {  	v7 =	vmin.u32 v7, $0xFF;
	v5 =	vnsel vm0, $0x0, v5;
	v9 =	vmin.u32 v9, $0xFF;
	s13 =	sadd.s32 $0x40, s13;
	s19 =	sand.u32 $0xC0, s21;
	s20 =	sadd.s32 $0x2060, s11  }
0x4da: {  	s22 =	sadd.s32 $0x40, s22;
	s9 =	sshrl.u32 s9, $0x8;
	s11 =	sadd.s32 $0x2070, s11;
	v8 =	vmin.u32 v8, $0xFF;
	v4 =	vnsel vm2, $0x0, v4;
	v6 =	vmin.u32 v6, $0xFF;
	v10 =	vld [tilespmem:s13+$0x0]  }
0x4db: {  	s24 =	sand.u32 $0xD0, s10;
	v7 =	vshll.u32 v7, $0x8;
	v5 =	vmin.u32 v5, $0xFF;
	v9 =	vshll.u32 v9, $0x8;
	s25 =	sand.u32 $0xF0, s11;
	s11 =	sshrl.u32 s11, $0x8;
	v11 =	vld [tilespmem:s22+$0x0]  }
0x4dc: {  	s10 =	sshrl.u32 s10, $0x8;
	v7 =	vor.u32 v8, v7;
	v4 =	vmin.u32 v4, $0xFF;
	v6 =	vshll.u32 v6, $0x8;
	s25 =	scvt.s32.f32 s25;
	s11 =	sor.u32 s6, s11;
	v12 =	vld [tilespmem:s13+$0xFFFFFFD0]  }
0x4dd: {  	s19 =	scvt.s32.f32 s19;
	s28 =	sand.u32 $0xE0, s20;
	v5 =	vor.u32 v5, v9;
	v7 =	vor.u32 v0, v7;
	v4 =	vor.u32 v4, v6;
	s11 =	scvt.s32.f32 s11;
	v8 =	vld [tilespmem:s13+$0xFFFFFFE0]  }
0x4de: {  	s9 =	sor.u32 s6, s9;
	s24 =	scvt.s32.f32 s24;
	s20 =	sshrl.u32 s20, $0x8;
	v5 =	vor.u32 v0, v5;
	v4 =	vor.u32 v0, v4;
	v9 =	vadd.f32 s25, v3;
	v6 =	vld [tilespmem:s13+$0xFFFFFFF0];
	[tilespmem:s3+$0xFFFFFFE0] =	vst v7  }
0x4df: {  	s10 =	sor.u32 s6, s10;
	s9 =	scvt.s32.f32 s9;
	v13 =	vadd.f32 s19, v3;
	s19 =	scvt.s32.f32 s28;
	v7 =	vld [tilespmem:s22+$0xFFFFFFD0];
	v10 =	vadd.f32 s11, v10;
	[tilespmem:s3+$0xFFFFFFF0] =	vst v5  }
0x4e0: {  	p0 =	slt.u32 s21, $0xFC0;
	s10 =	scvt.s32.f32 s10;
	v14 =	vadd.f32 s24, v3;
	s11 =	sor.u32 s6, s20;
	v5 =	vld [tilespmem:s22+$0xFFFFFFE0];
	v9 =	vadd.f32 v11, v9;
	[tilespmem:s3+$0x0] =	vst v4  }
0x4e1: {  	v4 =	vadd.f32 s9, v12;
	v11 =	vld [tilespmem:s22+$0xFFFFFFF0];
	v12 =	vadd.f32 s19, v3;
	s9 =	scvt.s32.f32 s11;
	v10 =	vtrunc.f32 v10  }
0x4e2: {  	v8 =	vadd.f32 s10, v8;
	v9 =	vtrunc.f32 v9;
	v10 =	vcvt.f32.s32 v10  }
0x4e3: {  	v4 =	vtrunc.f32 v4;
	v6 =	vadd.f32 s9, v6;
	v9 =	vcvt.f32.s32 v9  }
0x4e4: {  	v7 =	vadd.f32 v7, v13;
	v8 =	vtrunc.f32 v8;
	vm0 =	vgt.s32 v10, $0x0  }
0x4e5: {  	v5 =	vadd.f32 v5, v14;
	vm1 =	vgt.s32 v9, $0x0;
	v10 =	vnsel vm0, $0x0, v10  }
0x4e6: {  	v11 =	vadd.f32 v11, v12;
	v9 =	vnsel vm1, $0x0, v9;
	v10 =	vmin.u32 v10, $0xFF  }
0x4e7: {  	v6 =	vtrunc.f32 v6;
	v9 =	vmin.u32 v9, $0xFF;
	v10 =	vshll.u32 v10, $0x8  }
0x4e8: {  	v4 =	vcvt.f32.s32 v4;
	v7 =	vtrunc.f32 v7;
	v9 =	vor.u32 v9, v10  }
.Ltmp20:
0x4e9: {  	s3 =	sadd.s32 $0x40, s3;
	v5 =	vtrunc.f32 v5;
	v10 =	vcvt.f32.s32 v8;
	v8 =	vor.u32 v0, v9;
	(pc) =	sbr.rel @p0 .LBB2_42-.Ltmp20, $4  }
0x4ea: {  	vm0 =	vgt.s32 v4, $0x0;
	v6 =	vcvt.f32.s32 v6;
	v9 =	vtrunc.f32 v11;
	[tilespmem:s3+$0x10] =	vst v8  }
0x4eb: {  	v5 =	vcvt.f32.s32 v5;
	v8 =	vcvt.f32.s32 v7;
	vm3 =	vgt.s32 v10, $0x0  }
0x4ec: {  	vm1 =	vgt.s32 v6, $0x0;
	v7 =	vnsel vm0, $0x0, v4;
	v4 =	vcvt.f32.s32 v9  }
0x4ed: {  	vm0 =	vgt.s32 v5, $0x0;
	v9 =	vnsel vm3, $0x0, v10;
	vm2 =	vgt.s32 v8, $0x0  }
0x4ee: {  	v8 =	vnsel vm2, $0x0, v8;
	vm15 =	vgt.s32 v4, $0x0  }
0x4ef: {  	v6 =	vnsel vm1, $0x0, v6;
	v7 =	vmin.u32 v7, $0xFF;
	v5 =	vnsel vm0, $0x0, v5  }
0x4f0: {  	v9 =	vmin.u32 v9, $0xFF;
	v8 =	vmin.u32 v8, $0xFF;
	v4 =	vnsel vm15, $0x0, v4  }
0x4f1: {  	v6 =	vmin.u32 v6, $0xFF;
	v7 =	vshll.u32 v7, $0x8;
	v5 =	vmin.u32 v5, $0xFF  }
0x4f2: {  	v9 =	vshll.u32 v9, $0x8;
	v7 =	vor.u32 v8, v7;
	v4 =	vmin.u32 v4, $0xFF  }
0x4f3: {  	v6 =	vshll.u32 v6, $0x8;
	v5 =	vor.u32 v5, v9;
	v7 =	vor.u32 v0, v7  }
0x4f4: {  	v4 =	vor.u32 v4, v6;
	v5 =	vor.u32 v0, v5;
	[tilespmem:s3+$0xFFFFFFE0] =	vst v7  }
0x4f5: {  	v4 =	vor.u32 v0, v4;
	[tilespmem:s3+$0xFFFFFFF0] =	vst v5  }
0x4f6: {  	[tilespmem:s3+$0x0] =	vst v4  }
0x4f7: {  	[tilespmem:s31], [sflag:$0x1] =	stream.indirect.gather [spmem:s1], $0x1, s15, s30, $0xb8;
	[tilespmem:$0x1D000] =	vst v63  }
0x4f8: {  	_ = 	snop  }
0x4f9: {  	[tilespmem:s0], [sflag:$0x2] =	stream.indirect.gather [spmem:s2], $0x1, s15, s30, $0xb8;
	[tilespmem:$0x1D000] =	vst v63  }
0x4fa: {  	_ =	swait.ge [sflag:s16], $0x1000  }
0x4fb: {  	[sflag:s16] =	ssyncset.done $0x0  }
0x4fc: {  	[sflag:s16] =	ssyncadd.s32 $0xFFFFF000  }
0x4fd: {  	_ =	swait.ge [sflag:s17], $0x1000  }
0x4fe: {  	[sflag:s17] =	ssyncset.done $0x0  }
0x4ff: {  	s9 =	simm.s32 $0xD030;
	[sflag:s17] =	ssyncadd.s32 $0xFFFFF000  }
0x500: {  	s25 =	simm.s32 $0x16020;
	v4 =	vld [tilespmem:s9+$0x0]  }
0x501: {  	v5 =	vld [tilespmem:s25+$0x10]  }
0x502: {  	v6 =	vld [tilespmem:s25+$0xFFFFFFE0]  }
0x503: {  	v7 =	vld [tilespmem:s9+$0xFFFFFFE0]  }
0x504: {  	v8 =	vld [tilespmem:s25+$0xFFFFFFF0]  }
0x505: {  	v9 =	vld [tilespmem:s9+$0xFFFFFFF0]  }
0x506: {  	s13 =	simm.s32 $0x16060;
	v10 =	vld [tilespmem:s25+$0x0]  }
0x507: {  	v11 =	vld [tilespmem:s13+$0x10]  }
0x508: {  	s28 =	simm.s32 $0xD070;
	v12 =	vld [tilespmem:s13+$0xFFFFFFE0]  }
0x509: {  	v13 =	vld [tilespmem:s28+$0xFFFFFFE0]  }
0x50a: {  	v14 =	vld [tilespmem:s13+$0xFFFFFFF0]  }
0x50b: {  	v15 =	vld [tilespmem:s28+$0xFFFFFFF0];
	v4 =	vadd.f32 v5, v4  }
0x50c: {  	v5 =	vld [tilespmem:s9+$0xFFFFFFD0]  }
0x50d: {  	s3 =	simm.s32 $0x11030;
	v16 =	vld [tilespmem:s13+$0x0];
	[tilespmem:s9+$0x0] =	vst v4;
	v4 =	vadd.f32 v8, v7  }
0x50e: {  	v7 =	vld [tilespmem:s3+$0x0]  }
0x50f: {  	s10 =	simm.s32 $0x17020;
	[tilespmem:s9+$0xFFFFFFE0] =	vst v4;
	v4 =	vadd.f32 v10, v9;
	v10 =	vld [tilespmem:s28+$0x0]  }
0x510: {  	v8 =	vld [tilespmem:s10+$0x10]  }
0x511: {  	v5 =	vadd.f32 v6, v5;
	v6 =	vld [tilespmem:s3+$0xFFFFFFE0]  }
0x512: {  	v9 =	vld [tilespmem:s10+$0xFFFFFFF0];
	[tilespmem:s9+$0xFFFFFFF0] =	vst v4  }
0x513: {  	[tilespmem:s9+$0xFFFFFFD0] =	vst v5;
	v4 =	vld [tilespmem:s3+$0xFFFFFFF0]  }
0x514: {  	v5 =	vld [tilespmem:s3+$0xFFFFFFD0];
	v10 =	vadd.f32 v11, v10  }
0x515: {  	v11 =	vld [tilespmem:s28+$0xFFFFFFD0]  }
0x516: {  	s24 =	simm.s32 $0x11070;
	v7 =	vadd.f32 v8, v7;
	[tilespmem:s28+$0x0] =	vst v10;
	v10 =	vld [tilespmem:s10+$0xFFFFFFE0]  }
0x517: {  	s22 =	simm.s32 $0x17060;
	v8 =	vadd.f32 v14, v13;
	v61 =	vld [tilespmem:s24+$0x0]  }
0x518: {  	[tilespmem:s3+$0x0] =	vst v7;
	v6 =	vadd.f32 v9, v6;
	v62 =	vld [tilespmem:s22+$0x10]  }
0x519: {  	[tilespmem:s28+$0xFFFFFFE0] =	vst v8;
	v9 =	vadd.f32 v16, v15;
	v7 =	vld [tilespmem:s10+$0x0]  }
0x51a: {  	v8 =	vld [tilespmem:s22+$0xFFFFFFF0];
	[tilespmem:s3+$0xFFFFFFE0] =	vst v6;
	v11 =	vadd.f32 v12, v11  }
0x51b: {  	v6 =	vld [tilespmem:s24+$0xFFFFFFE0];
	[tilespmem:s28+$0xFFFFFFF0] =	vst v9;
	v63 =	vadd.f32 v10, v5  }
0x51c: {  	s21 =	simm.s32 $0x0;
	v9 =	vld [tilespmem:s24+$0xFFFFFFF0];
	[tilespmem:s28+$0xFFFFFFD0] =	vst v11  }
0x51d: {  	s19 =	simm.s32 $0x40;
	s20 =	simm.s32 $0xD0B0;
	s10 =	simm.s32 $0x17060;
	v5 =	vld [tilespmem:s24+$0xFFFFFFD0];
	v10 =	vadd.f32 v62, v61;
	[tilespmem:s3+$0xFFFFFFD0] =	vst v63  }
.LBB2_44:
0x51e: {  	v11 =	vld [tilespmem:s20+$0x0];
	s13 =	sadd.s32 $0x40, s13;
	v12 =	vadd.f32 v7, v4  }
0x51f: {  	v7 =	vld [tilespmem:s13+$0x10];
	[tilespmem:s24+$0x0] =	vst v10  }
0x520: {  	s19 =	sadd.s32 $0x40, s19;
	v10 =	vld [tilespmem:s13+$0xFFFFFFE0];
	v6 =	vadd.f32 v8, v6;
	[tilespmem:s3+$0xFFFFFFF0] =	vst v12;
	s3 =	smov.u32 s24  }
0x521: {  	p0 =	slt.u32 s19, $0xFC0;
	v8 =	vld [tilespmem:s20+$0xFFFFFFE0];
	v4 =	vmov v9  }
0x522: {  	v9 =	vld [tilespmem:s13+$0xFFFFFFF0];
	[tilespmem:s24+$0xFFFFFFE0] =	vst v6  }
0x523: {  	v6 =	vld [tilespmem:s20+$0xFFFFFFF0]  }
0x524: {  	v12 =	vld [tilespmem:s13+$0x0];
	v7 =	vadd.f32 v7, v11  }
0x525: {  	v11 =	vld [tilespmem:s20+$0xFFFFFFD0]  }
0x526: {  	s24 =	sadd.s32 $0x40, s24;
	[tilespmem:s20+$0x0] =	vst v7;
	v13 =	vld [tilespmem:s22+$0xFFFFFFE0]  }
0x527: {  	s22 =	sadd.s32 $0x40, s22;
	v7 =	vadd.f32 v9, v8;
	v14 =	vld [tilespmem:s24+$0x0]  }
0x528: {  	v15 =	vld [tilespmem:s22+$0x10]  }
.Ltmp21:
0x529: {  	[tilespmem:s20+$0xFFFFFFE0] =	vst v7;
	v9 =	vadd.f32 v12, v6;
	v7 =	vld [tilespmem:s10+$0x0];
	s10 =	smov.u32 s22;
	(pc) =	sbr.rel @p0 .LBB2_44-.Ltmp21, $4  }
0x52a: {  	v10 =	vadd.f32 v10, v11;
	v6 =	vld [tilespmem:s24+$0xFFFFFFE0]  }
0x52b: {  	v8 =	vld [tilespmem:s22+$0xFFFFFFF0];
	[tilespmem:s20+$0xFFFFFFF0] =	vst v9;
	v11 =	vadd.f32 v13, v5  }
0x52c: {  	[tilespmem:s20+$0xFFFFFFD0] =	vst v10;
	v9 =	vld [tilespmem:s24+$0xFFFFFFF0]  }
0x52d: {  	s20 =	sadd.s32 $0x40, s20;
	v5 =	vld [tilespmem:s24+$0xFFFFFFD0];
	v10 =	vadd.f32 v15, v14;
	[tilespmem:s3+$0xFFFFFFD0] =	vst v11  }
0x52e: {  	v11 =	vld [tilespmem:s22+$0xFFFFFFE0]  }
0x52f: {  	v12 =	vld [tilespmem:s10+$0x0];
	_ =	sdelay $0x1  }
0x530: {  	v4 =	vadd.f32 v7, v4  }
0x531: {  	[tilespmem:s24+$0x0] =	vst v10;
	v6 =	vadd.f32 v8, v6  }
0x532: {  	[tilespmem:s3+$0xFFFFFFF0] =	vst v4;
	v4 =	vadd.f32 v11, v5  }
0x533: {  	[tilespmem:s24+$0xFFFFFFE0] =	vst v6;
	v5 =	vadd.f32 v12, v9  }
0x534: {  	[tilespmem:s24+$0xFFFFFFD0] =	vst v4  }
0x535: {  	s13 =	simm.s32 $0x13030;
	[tilespmem:s24+$0xFFFFFFF0] =	vst v5  }
0x536: {  	s22 =	simm.s32 $0xF030;
	v4 =	vld [tilespmem:s13+$0x0]  }
0x537: {  	s9 =	sand.u32 $0xC0, s21;
	v5 =	vld [tilespmem:s22+$0x0]  }
0x538: {  	s11 =	simm.s32 $0x30;
	s19 =	simm.s32 $0x3030;
	s20 =	simm.s32 $0x30;
	v6 =	vld [tilespmem:s13+$0xFFFFFFD0]  }
0x539: {  	s19 =	sand.u32 $0xF0, s19;
	s20 =	sor.u32 s6, s20;
	s9 =	scvt.s32.f32 s9;
	v7 =	vld [tilespmem:s13+$0xFFFFFFE0]  }
0x53a: {  	s11 =	sor.u32 s6, s11;
	s19 =	scvt.s32.f32 s19;
	s24 =	simm.s32 $0x3010;
	v10 =	vld [tilespmem:s22+$0xFFFFFFD0]  }
0x53b: {  	s20 =	scvt.s32.f32 s20;
	s3 =	sand.u32 $0xD0, s24;
	s24 =	simm.s32 $0x30  }
0x53c: {  	s25 =	simm.s32 $0x3020;
	s28 =	scvt.s32.f32 s11;
	v9 =	vadd.f32 s19, v3;
	v8 =	vld [tilespmem:s13+$0xFFFFFFF0];
	s19 =	sor.u32 s6, s24  }
0x53d: {  	s10 =	sand.u32 $0xE0, s25;
	s25 =	simm.s32 $0x30;
	v11 =	vadd.f32 s9, v3;
	s24 =	scvt.s32.f32 s19;
	v4 =	vadd.f32 s20, v4  }
0x53e: {  	s25 =	sor.u32 s6, s25;
	v61 =	vld [tilespmem:s22+$0xFFFFFFE0];
	s3 =	scvt.s32.f32 s3;
	v5 =	vadd.f32 v5, v9;
	v6 =	vadd.f32 s28, v6  }
0x53f: {  	v9 =	vld [tilespmem:s22+$0xFFFFFFF0];
	s28 =	scvt.s32.f32 s25;
	v7 =	vadd.f32 s24, v7;
	v10 =	vadd.f32 v10, v11;
	v4 =	vtrunc.f32 v4  }
0x540: {  	s10 =	scvt.s32.f32 s10;
	v13 =	vadd.f32 s3, v3;
	v5 =	vtrunc.f32 v5;
	v6 =	vtrunc.f32 v6  }
0x541: {  	v8 =	vadd.f32 s28, v8;
	v7 =	vtrunc.f32 v7;
	v10 =	vtrunc.f32 v10  }
0x542: {  	v14 =	vadd.f32 s10, v3;
	v4 =	vcvt.f32.s32 v4;
	v5 =	vcvt.f32.s32 v5  }
0x543: {  	v11 =	vadd.f32 v61, v13;
	v62 =	vcvt.f32.s32 v6;
	v8 =	vtrunc.f32 v8  }
0x544: {  	vm0 =	vgt.s32 v4, $0x0;
	vm1 =	vgt.s32 v5, $0x0;
	v9 =	vadd.f32 v9, v14  }
0x545: {  	v6 =	vcvt.f32.s32 v8;
	v8 =	vcvt.f32.s32 v10;
	v4 =	vnsel vm0, $0x0, v4  }
0x546: {  	v5 =	vnsel vm1, $0x0, v5;
	vm0 =	vgt.s32 v62, $0x0;
	v4 =	vmin.u32 v4, $0xFF  }
0x547: {  	v5 =	vmin.u32 v5, $0xFF;
	vm1 =	vgt.s32 v6, $0x0;
	v4 =	vshll.u32 v4, $0x8  }
0x548: {  	v4 =	vor.u32 v5, v4;
	v5 =	vtrunc.f32 v11;
	v11 =	vcvt.f32.s32 v7  }
0x549: {  	vm2 =	vgt.s32 v8, $0x0;
	v7 =	vnsel vm0, $0x0, v62;
	v5 =	vcvt.f32.s32 v5  }
0x54a: {  	s3 =	simm.s32 $0x1B020;
	v63 =	vor.u32 v0, v4;
	v4 =	vtrunc.f32 v9;
	vm3 =	vgt.s32 v11, $0x0  }
0x54b: {  	v4 =	vcvt.f32.s32 v4;
	[tilespmem:s3+$0x10] =	vst v63;
	vm0 =	vgt.s32 v5, $0x0;
	v9 =	vnsel vm3, $0x0, v11  }
.LBB2_46:
0x54c: {  	s9 =	sadd.s32 $0x3040, s21  }
0x54d: {  	s10 =	sadd.s32 $0x3050, s21;
	v8 =	vnsel vm2, $0x0, v8;
	vm2 =	vgt.s32 v4, $0x0;
	v6 =	vnsel vm1, $0x0, v6;
	s11 =	smov.u32 s21;
	s21 =	sadd.s32 $0x40, s21  }
0x54e: {  	v7 =	vmin.u32 v7, $0xFF;
	v5 =	vnsel vm0, $0x0, v5;
	v9 =	vmin.u32 v9, $0xFF;
	s13 =	sadd.s32 $0x40, s13;
	s19 =	sand.u32 $0xC0, s21;
	s20 =	sadd.s32 $0x3060, s11  }
0x54f: {  	s22 =	sadd.s32 $0x40, s22;
	s9 =	sshrl.u32 s9, $0x8;
	s11 =	sadd.s32 $0x3070, s11;
	v8 =	vmin.u32 v8, $0xFF;
	v4 =	vnsel vm2, $0x0, v4;
	v6 =	vmin.u32 v6, $0xFF;
	v10 =	vld [tilespmem:s13+$0x0]  }
0x550: {  	s24 =	sand.u32 $0xD0, s10;
	v7 =	vshll.u32 v7, $0x8;
	v5 =	vmin.u32 v5, $0xFF;
	v9 =	vshll.u32 v9, $0x8;
	s25 =	sand.u32 $0xF0, s11;
	s11 =	sshrl.u32 s11, $0x8;
	v11 =	vld [tilespmem:s22+$0x0]  }
0x551: {  	s10 =	sshrl.u32 s10, $0x8;
	v7 =	vor.u32 v8, v7;
	v4 =	vmin.u32 v4, $0xFF;
	v6 =	vshll.u32 v6, $0x8;
	s25 =	scvt.s32.f32 s25;
	s11 =	sor.u32 s6, s11;
	v12 =	vld [tilespmem:s13+$0xFFFFFFD0]  }
0x552: {  	s19 =	scvt.s32.f32 s19;
	s28 =	sand.u32 $0xE0, s20;
	v5 =	vor.u32 v5, v9;
	v7 =	vor.u32 v0, v7;
	v4 =	vor.u32 v4, v6;
	s11 =	scvt.s32.f32 s11;
	v8 =	vld [tilespmem:s13+$0xFFFFFFE0]  }
0x553: {  	s9 =	sor.u32 s6, s9;
	s24 =	scvt.s32.f32 s24;
	s20 =	sshrl.u32 s20, $0x8;
	v5 =	vor.u32 v0, v5;
	v4 =	vor.u32 v0, v4;
	v9 =	vadd.f32 s25, v3;
	v6 =	vld [tilespmem:s13+$0xFFFFFFF0];
	[tilespmem:s3+$0xFFFFFFE0] =	vst v7  }
0x554: {  	s10 =	sor.u32 s6, s10;
	s9 =	scvt.s32.f32 s9;
	v13 =	vadd.f32 s19, v3;
	s19 =	scvt.s32.f32 s28;
	v7 =	vld [tilespmem:s22+$0xFFFFFFD0];
	v10 =	vadd.f32 s11, v10;
	[tilespmem:s3+$0xFFFFFFF0] =	vst v5  }
0x555: {  	p0 =	slt.u32 s21, $0xFC0;
	s10 =	scvt.s32.f32 s10;
	v14 =	vadd.f32 s24, v3;
	s11 =	sor.u32 s6, s20;
	v5 =	vld [tilespmem:s22+$0xFFFFFFE0];
	v9 =	vadd.f32 v11, v9;
	[tilespmem:s3+$0x0] =	vst v4  }
0x556: {  	v4 =	vadd.f32 s9, v12;
	v11 =	vld [tilespmem:s22+$0xFFFFFFF0];
	v12 =	vadd.f32 s19, v3;
	s9 =	scvt.s32.f32 s11;
	v10 =	vtrunc.f32 v10  }
0x557: {  	v8 =	vadd.f32 s10, v8;
	v9 =	vtrunc.f32 v9;
	v10 =	vcvt.f32.s32 v10  }
0x558: {  	v4 =	vtrunc.f32 v4;
	v6 =	vadd.f32 s9, v6;
	v9 =	vcvt.f32.s32 v9  }
0x559: {  	v7 =	vadd.f32 v7, v13;
	v8 =	vtrunc.f32 v8;
	vm0 =	vgt.s32 v10, $0x0  }
0x55a: {  	v5 =	vadd.f32 v5, v14;
	vm1 =	vgt.s32 v9, $0x0;
	v10 =	vnsel vm0, $0x0, v10  }
0x55b: {  	v11 =	vadd.f32 v11, v12;
	v9 =	vnsel vm1, $0x0, v9;
	v10 =	vmin.u32 v10, $0xFF  }
0x55c: {  	v6 =	vtrunc.f32 v6;
	v9 =	vmin.u32 v9, $0xFF;
	v10 =	vshll.u32 v10, $0x8  }
0x55d: {  	v4 =	vcvt.f32.s32 v4;
	v7 =	vtrunc.f32 v7;
	v9 =	vor.u32 v9, v10  }
.Ltmp22:
0x55e: {  	s3 =	sadd.s32 $0x40, s3;
	v5 =	vtrunc.f32 v5;
	v10 =	vcvt.f32.s32 v8;
	v8 =	vor.u32 v0, v9;
	(pc) =	sbr.rel @p0 .LBB2_46-.Ltmp22, $4  }
0x55f: {  	vm0 =	vgt.s32 v4, $0x0;
	v6 =	vcvt.f32.s32 v6;
	v9 =	vtrunc.f32 v11;
	[tilespmem:s3+$0x10] =	vst v8  }
0x560: {  	v5 =	vcvt.f32.s32 v5;
	v8 =	vcvt.f32.s32 v7;
	vm3 =	vgt.s32 v10, $0x0  }
0x561: {  	vm1 =	vgt.s32 v6, $0x0;
	v7 =	vnsel vm0, $0x0, v4;
	v4 =	vcvt.f32.s32 v9  }
0x562: {  	vm0 =	vgt.s32 v5, $0x0;
	v9 =	vnsel vm3, $0x0, v10;
	vm2 =	vgt.s32 v8, $0x0  }
0x563: {  	v8 =	vnsel vm2, $0x0, v8;
	vm15 =	vgt.s32 v4, $0x0  }
0x564: {  	v6 =	vnsel vm1, $0x0, v6;
	v7 =	vmin.u32 v7, $0xFF;
	v5 =	vnsel vm0, $0x0, v5  }
0x565: {  	v9 =	vmin.u32 v9, $0xFF;
	v8 =	vmin.u32 v8, $0xFF;
	v4 =	vnsel vm15, $0x0, v4  }
0x566: {  	v6 =	vmin.u32 v6, $0xFF;
	v7 =	vshll.u32 v7, $0x8;
	v5 =	vmin.u32 v5, $0xFF  }
0x567: {  	v9 =	vshll.u32 v9, $0x8;
	v7 =	vor.u32 v8, v7;
	v4 =	vmin.u32 v4, $0xFF  }
0x568: {  	v6 =	vshll.u32 v6, $0x8;
	v5 =	vor.u32 v5, v9;
	v7 =	vor.u32 v0, v7  }
0x569: {  	v4 =	vor.u32 v4, v6;
	v5 =	vor.u32 v0, v5;
	[tilespmem:s3+$0xFFFFFFE0] =	vst v7  }
0x56a: {  	v4 =	vor.u32 v0, v4;
	[tilespmem:s3+$0xFFFFFFF0] =	vst v5  }
0x56b: {  	[tilespmem:s3+$0x0] =	vst v4  }
0x56c: {  	[tilespmem:s7], [sflag:$0x3] =	stream.indirect.gather [spmem:s1], $0x1, s18, s30, $0xb8;
	[tilespmem:$0x1D000] =	vst v63  }
0x56d: {  	_ = 	snop  }
0x56e: {  	[tilespmem:s8], [sflag:$0x4] =	stream.indirect.gather [spmem:s2], $0x1, s18, s30, $0xb8;
	[tilespmem:$0x1D000] =	vst v63  }
0x56f: {  	_ =	swait.ge [sflag:s12], $0x1000  }
0x570: {  	[sflag:s12] =	ssyncset.done $0x0  }
0x571: {  	[sflag:s12] =	ssyncadd.s32 $0xFFFFF000  }
0x572: {  	_ =	swait.ge [sflag:s14], $0x1000  }
0x573: {  	[sflag:s14] =	ssyncset.done $0x0  }
0x574: {  	s9 =	simm.s32 $0xE030;
	[sflag:s14] =	ssyncadd.s32 $0xFFFFF000  }
0x575: {  	s25 =	simm.s32 $0x14020;
	v4 =	vld [tilespmem:s9+$0x0]  }
0x576: {  	v5 =	vld [tilespmem:s25+$0x10]  }
0x577: {  	v6 =	vld [tilespmem:s25+$0xFFFFFFE0]  }
0x578: {  	v7 =	vld [tilespmem:s9+$0xFFFFFFE0]  }
0x579: {  	v8 =	vld [tilespmem:s25+$0xFFFFFFF0]  }
0x57a: {  	v9 =	vld [tilespmem:s9+$0xFFFFFFF0]  }
0x57b: {  	s13 =	simm.s32 $0x14060;
	v10 =	vld [tilespmem:s25+$0x0]  }
0x57c: {  	v11 =	vld [tilespmem:s13+$0x10]  }
0x57d: {  	s28 =	simm.s32 $0xE070;
	v12 =	vld [tilespmem:s13+$0xFFFFFFE0]  }
0x57e: {  	v13 =	vld [tilespmem:s28+$0xFFFFFFE0]  }
0x57f: {  	v14 =	vld [tilespmem:s13+$0xFFFFFFF0]  }
0x580: {  	v15 =	vld [tilespmem:s28+$0xFFFFFFF0];
	v4 =	vadd.f32 v5, v4  }
0x581: {  	v5 =	vld [tilespmem:s9+$0xFFFFFFD0]  }
0x582: {  	s3 =	simm.s32 $0x12030;
	v16 =	vld [tilespmem:s13+$0x0];
	[tilespmem:s9+$0x0] =	vst v4;
	v4 =	vadd.f32 v8, v7  }
0x583: {  	v7 =	vld [tilespmem:s3+$0x0]  }
0x584: {  	s10 =	simm.s32 $0x15020;
	[tilespmem:s9+$0xFFFFFFE0] =	vst v4;
	v4 =	vadd.f32 v10, v9;
	v10 =	vld [tilespmem:s28+$0x0]  }
0x585: {  	v8 =	vld [tilespmem:s10+$0x10]  }
0x586: {  	v5 =	vadd.f32 v6, v5;
	v6 =	vld [tilespmem:s3+$0xFFFFFFE0]  }
0x587: {  	v9 =	vld [tilespmem:s10+$0xFFFFFFF0];
	[tilespmem:s9+$0xFFFFFFF0] =	vst v4  }
0x588: {  	[tilespmem:s9+$0xFFFFFFD0] =	vst v5;
	v4 =	vld [tilespmem:s3+$0xFFFFFFF0]  }
0x589: {  	v5 =	vld [tilespmem:s3+$0xFFFFFFD0];
	v10 =	vadd.f32 v11, v10  }
0x58a: {  	v11 =	vld [tilespmem:s28+$0xFFFFFFD0]  }
0x58b: {  	s21 =	simm.s32 $0x12070;
	v7 =	vadd.f32 v8, v7;
	v8 =	vld [tilespmem:s10+$0xFFFFFFE0];
	[tilespmem:s28+$0x0] =	vst v10  }
0x58c: {  	s22 =	simm.s32 $0x15060;
	v10 =	vadd.f32 v14, v13;
	v61 =	vld [tilespmem:s21+$0x0]  }
0x58d: {  	[tilespmem:s3+$0x0] =	vst v7;
	v6 =	vadd.f32 v9, v6;
	v62 =	vld [tilespmem:s22+$0x10]  }
0x58e: {  	v7 =	vld [tilespmem:s10+$0x0];
	[tilespmem:s28+$0xFFFFFFE0] =	vst v10;
	v10 =	vadd.f32 v16, v15  }
0x58f: {  	[tilespmem:s3+$0xFFFFFFE0] =	vst v6;
	v11 =	vadd.f32 v12, v11;
	v6 =	vld [tilespmem:s21+$0xFFFFFFE0]  }
0x590: {  	v63 =	vadd.f32 v8, v5;
	v9 =	vld [tilespmem:s22+$0xFFFFFFF0];
	[tilespmem:s28+$0xFFFFFFF0] =	vst v10  }
0x591: {  	[tilespmem:s28+$0xFFFFFFD0] =	vst v11;
	v8 =	vld [tilespmem:s21+$0xFFFFFFF0]  }
0x592: {  	s19 =	simm.s32 $0x40;
	s20 =	simm.s32 $0xE0B0;
	s10 =	simm.s32 $0x15060;
	[tilespmem:s3+$0xFFFFFFD0] =	vst v63;
	v5 =	vld [tilespmem:s21+$0xFFFFFFD0];
	v10 =	vadd.f32 v62, v61  }
.LBB2_48:
0x593: {  	v11 =	vld [tilespmem:s20+$0x0];
	s13 =	sadd.s32 $0x40, s13;
	v12 =	vadd.f32 v7, v4  }
0x594: {  	v7 =	vld [tilespmem:s13+$0x10];
	[tilespmem:s21+$0x0] =	vst v10  }
0x595: {  	s19 =	sadd.s32 $0x40, s19;
	v10 =	vld [tilespmem:s13+$0xFFFFFFE0];
	v6 =	vadd.f32 v9, v6;
	[tilespmem:s3+$0xFFFFFFF0] =	vst v12;
	s3 =	smov.u32 s21  }
0x596: {  	p0 =	slt.u32 s19, $0xFC0;
	v9 =	vld [tilespmem:s20+$0xFFFFFFE0];
	v4 =	vmov v8  }
0x597: {  	v8 =	vld [tilespmem:s13+$0xFFFFFFF0];
	[tilespmem:s21+$0xFFFFFFE0] =	vst v6  }
0x598: {  	v6 =	vld [tilespmem:s20+$0xFFFFFFF0]  }
0x599: {  	v12 =	vld [tilespmem:s13+$0x0];
	v7 =	vadd.f32 v7, v11  }
0x59a: {  	v11 =	vld [tilespmem:s20+$0xFFFFFFD0]  }
0x59b: {  	s21 =	sadd.s32 $0x40, s21;
	[tilespmem:s20+$0x0] =	vst v7;
	v13 =	vld [tilespmem:s22+$0xFFFFFFE0]  }
0x59c: {  	s22 =	sadd.s32 $0x40, s22;
	v7 =	vadd.f32 v8, v9;
	v14 =	vld [tilespmem:s21+$0x0]  }
0x59d: {  	v15 =	vld [tilespmem:s22+$0x10]  }
.Ltmp23:
0x59e: {  	[tilespmem:s20+$0xFFFFFFE0] =	vst v7;
	v8 =	vadd.f32 v12, v6;
	v7 =	vld [tilespmem:s10+$0x0];
	s10 =	smov.u32 s22;
	(pc) =	sbr.rel @p0 .LBB2_48-.Ltmp23, $4  }
0x59f: {  	v10 =	vadd.f32 v10, v11;
	v6 =	vld [tilespmem:s21+$0xFFFFFFE0]  }
0x5a0: {  	v9 =	vld [tilespmem:s22+$0xFFFFFFF0];
	[tilespmem:s20+$0xFFFFFFF0] =	vst v8;
	v11 =	vadd.f32 v13, v5  }
0x5a1: {  	[tilespmem:s20+$0xFFFFFFD0] =	vst v10;
	v8 =	vld [tilespmem:s21+$0xFFFFFFF0]  }
0x5a2: {  	s20 =	sadd.s32 $0x40, s20;
	v5 =	vld [tilespmem:s21+$0xFFFFFFD0];
	v10 =	vadd.f32 v15, v14;
	[tilespmem:s3+$0xFFFFFFD0] =	vst v11  }
0x5a3: {  	v11 =	vld [tilespmem:s22+$0xFFFFFFE0]  }
0x5a4: {  	v12 =	vld [tilespmem:s10+$0x0];
	_ =	sdelay $0x1  }
0x5a5: {  	v4 =	vadd.f32 v7, v4  }
0x5a6: {  	[tilespmem:s21+$0x0] =	vst v10;
	v6 =	vadd.f32 v9, v6  }
0x5a7: {  	[tilespmem:s3+$0xFFFFFFF0] =	vst v4;
	v4 =	vadd.f32 v11, v5  }
0x5a8: {  	[tilespmem:s21+$0xFFFFFFE0] =	vst v6;
	v5 =	vadd.f32 v12, v8  }
0x5a9: {  	[tilespmem:s21+$0xFFFFFFD0] =	vst v4  }
0x5aa: {  	[tilespmem:s21+$0xFFFFFFF0] =	vst v5  }
0x5ab: {  	_ =	swait.ge [sflag:s16], $0x1000  }
0x5ac: {  	[sflag:s16] =	ssyncset.done $0x0  }
0x5ad: {  	[sflag:s16] =	ssyncadd.s32 $0xFFFFF000  }
0x5ae: {  	_ =	swait.ge [sflag:s17], $0x1000  }
0x5af: {  	[sflag:s17] =	ssyncset.done $0x0  }
0x5b0: {  	s9 =	simm.s32 $0xF030;
	[sflag:s17] =	ssyncadd.s32 $0xFFFFF000  }
0x5b1: {  	s24 =	simm.s32 $0x16020;
	v4 =	vld [tilespmem:s9+$0x0]  }
0x5b2: {  	v5 =	vld [tilespmem:s24+$0x10]  }
0x5b3: {  	v6 =	vld [tilespmem:s24+$0xFFFFFFE0]  }
0x5b4: {  	v7 =	vld [tilespmem:s9+$0xFFFFFFE0]  }
0x5b5: {  	v8 =	vld [tilespmem:s24+$0xFFFFFFF0]  }
0x5b6: {  	v9 =	vld [tilespmem:s9+$0xFFFFFFF0]  }
0x5b7: {  	s13 =	simm.s32 $0x16060;
	v10 =	vld [tilespmem:s24+$0x0]  }
0x5b8: {  	v11 =	vld [tilespmem:s13+$0x10]  }
0x5b9: {  	s28 =	simm.s32 $0xF070;
	v60 =	vld [tilespmem:s13+$0xFFFFFFE0]  }
0x5ba: {  	v13 =	vld [tilespmem:s28+$0xFFFFFFE0]  }
0x5bb: {  	v14 =	vld [tilespmem:s13+$0xFFFFFFF0]  }
0x5bc: {  	v15 =	vld [tilespmem:s28+$0xFFFFFFF0];
	v4 =	vadd.f32 v5, v4  }
0x5bd: {  	v5 =	vld [tilespmem:s9+$0xFFFFFFD0]  }
0x5be: {  	s3 =	simm.s32 $0x13030;
	v16 =	vld [tilespmem:s13+$0x0];
	[tilespmem:s9+$0x0] =	vst v4;
	v4 =	vadd.f32 v8, v7  }
0x5bf: {  	v7 =	vld [tilespmem:s3+$0x0]  }
0x5c0: {  	s25 =	simm.s32 $0x17020;
	[tilespmem:s9+$0xFFFFFFE0] =	vst v4;
	v4 =	vadd.f32 v10, v9;
	v10 =	vld [tilespmem:s28+$0x0]  }
0x5c1: {  	v8 =	vld [tilespmem:s25+$0x10]  }
0x5c2: {  	v5 =	vadd.f32 v6, v5;
	v6 =	vld [tilespmem:s3+$0xFFFFFFE0]  }
0x5c3: {  	v9 =	vld [tilespmem:s25+$0xFFFFFFF0];
	[tilespmem:s9+$0xFFFFFFF0] =	vst v4  }
0x5c4: {  	[tilespmem:s9+$0xFFFFFFD0] =	vst v5;
	v4 =	vld [tilespmem:s3+$0xFFFFFFF0]  }
0x5c5: {  	v5 =	vld [tilespmem:s3+$0xFFFFFFD0];
	v10 =	vadd.f32 v11, v10  }
0x5c6: {  	v11 =	vld [tilespmem:s28+$0xFFFFFFD0]  }
0x5c7: {  	s21 =	simm.s32 $0x13070;
	v7 =	vadd.f32 v8, v7;
	v8 =	vld [tilespmem:s25+$0xFFFFFFE0];
	[tilespmem:s28+$0x0] =	vst v10  }
0x5c8: {  	s22 =	simm.s32 $0x17060;
	v10 =	vadd.f32 v14, v13;
	v61 =	vld [tilespmem:s21+$0x0]  }
0x5c9: {  	[tilespmem:s3+$0x0] =	vst v7;
	v6 =	vadd.f32 v9, v6;
	v62 =	vld [tilespmem:s22+$0x10]  }
0x5ca: {  	v7 =	vld [tilespmem:s25+$0x0];
	[tilespmem:s28+$0xFFFFFFE0] =	vst v10;
	v10 =	vadd.f32 v16, v15  }
0x5cb: {  	[tilespmem:s3+$0xFFFFFFE0] =	vst v6;
	v11 =	vadd.f32 v60, v11;
	v6 =	vld [tilespmem:s21+$0xFFFFFFE0]  }
0x5cc: {  	v63 =	vadd.f32 v8, v5;
	v9 =	vld [tilespmem:s22+$0xFFFFFFF0];
	[tilespmem:s28+$0xFFFFFFF0] =	vst v10  }
0x5cd: {  	[tilespmem:s28+$0xFFFFFFD0] =	vst v11;
	v8 =	vld [tilespmem:s21+$0xFFFFFFF0]  }
0x5ce: {  	s19 =	simm.s32 $0x40;
	s20 =	simm.s32 $0xF0B0;
	s10 =	simm.s32 $0x17060;
	[tilespmem:s3+$0xFFFFFFD0] =	vst v63;
	v5 =	vld [tilespmem:s21+$0xFFFFFFD0];
	v10 =	vadd.f32 v62, v61  }
.LBB2_50:
0x5cf: {  	v11 =	vld [tilespmem:s20+$0x0];
	s13 =	sadd.s32 $0x40, s13;
	v12 =	vadd.f32 v7, v4  }
0x5d0: {  	v7 =	vld [tilespmem:s13+$0x10];
	[tilespmem:s21+$0x0] =	vst v10  }
0x5d1: {  	s19 =	sadd.s32 $0x40, s19;
	v10 =	vld [tilespmem:s13+$0xFFFFFFE0];
	v6 =	vadd.f32 v9, v6;
	[tilespmem:s3+$0xFFFFFFF0] =	vst v12;
	s3 =	smov.u32 s21  }
0x5d2: {  	p0 =	slt.u32 s19, $0xFC0;
	v9 =	vld [tilespmem:s20+$0xFFFFFFE0];
	v4 =	vmov v8  }
0x5d3: {  	v8 =	vld [tilespmem:s13+$0xFFFFFFF0];
	[tilespmem:s21+$0xFFFFFFE0] =	vst v6  }
0x5d4: {  	v6 =	vld [tilespmem:s20+$0xFFFFFFF0]  }
0x5d5: {  	v12 =	vld [tilespmem:s13+$0x0];
	v7 =	vadd.f32 v7, v11  }
0x5d6: {  	v11 =	vld [tilespmem:s20+$0xFFFFFFD0]  }
0x5d7: {  	s21 =	sadd.s32 $0x40, s21;
	[tilespmem:s20+$0x0] =	vst v7;
	v13 =	vld [tilespmem:s22+$0xFFFFFFE0]  }
0x5d8: {  	s22 =	sadd.s32 $0x40, s22;
	v7 =	vadd.f32 v8, v9;
	v14 =	vld [tilespmem:s21+$0x0]  }
0x5d9: {  	v15 =	vld [tilespmem:s22+$0x10]  }
.Ltmp24:
0x5da: {  	[tilespmem:s20+$0xFFFFFFE0] =	vst v7;
	v8 =	vadd.f32 v12, v6;
	v7 =	vld [tilespmem:s10+$0x0];
	s10 =	smov.u32 s22;
	(pc) =	sbr.rel @p0 .LBB2_50-.Ltmp24, $4  }
0x5db: {  	v10 =	vadd.f32 v10, v11;
	v6 =	vld [tilespmem:s21+$0xFFFFFFE0]  }
0x5dc: {  	v9 =	vld [tilespmem:s22+$0xFFFFFFF0];
	[tilespmem:s20+$0xFFFFFFF0] =	vst v8;
	v11 =	vadd.f32 v13, v5  }
0x5dd: {  	[tilespmem:s20+$0xFFFFFFD0] =	vst v10;
	v8 =	vld [tilespmem:s21+$0xFFFFFFF0]  }
0x5de: {  	s20 =	sadd.s32 $0x40, s20;
	v5 =	vld [tilespmem:s21+$0xFFFFFFD0];
	v10 =	vadd.f32 v15, v14;
	[tilespmem:s3+$0xFFFFFFD0] =	vst v11  }
0x5df: {  	v11 =	vld [tilespmem:s22+$0xFFFFFFE0]  }
0x5e0: {  	v12 =	vld [tilespmem:s10+$0x0];
	_ =	sdelay $0x1  }
0x5e1: {  	v4 =	vadd.f32 v7, v4  }
0x5e2: {  	[tilespmem:s21+$0x0] =	vst v10;
	v6 =	vadd.f32 v9, v6  }
0x5e3: {  	[tilespmem:s3+$0xFFFFFFF0] =	vst v4;
	v4 =	vadd.f32 v11, v5  }
0x5e4: {  	[tilespmem:s21+$0xFFFFFFE0] =	vst v6;
	v5 =	vadd.f32 v12, v8  }
0x5e5: {  	[tilespmem:s21+$0xFFFFFFD0] =	vst v4  }
0x5e6: {  	[tilespmem:s21+$0xFFFFFFF0] =	vst v5  }
0x5e7: {  	[bflag:$0x0] =	sbarrier.arrive $0xFFFF  }
0x5e8: {  	s9 =	simm.s32 $0xC000;
	s13 =	rddreg [dreg:$0xa]  }
0x5e9: {  	[spmem:s13] =	stream.linear.scatter [tilespmem:s9], [sflag:$0x5], $0x4000, $0x38;
	[tilespmem:$0x1D000] =	vst v63  }
0x5ea: {  	_ =	swait.ge [sflag:s26], $0x4000  }
0x5eb: {  	[sflag:s26] =	ssyncset.done $0x0  }
0x5ec: {  	s20 =	simm.s32 $0x10000;
	s19 =	rddreg [dreg:$0xc];
	[sflag:s26] =	ssyncadd.s32 $0xFFFFC000  }
0x5ed: {  	[spmem:s19] =	stream.linear.scatter [tilespmem:s20], [sflag:$0x5], $0x4000, $0x38;
	[tilespmem:$0x1D000] =	vst v63  }
0x5ee: {  	_ =	swait.ge [sflag:s26], $0x4000  }
0x5ef: {  	[sflag:s26] =	ssyncset.done $0x0  }
0x5f0: {  	[sflag:s26] =	ssyncadd.s32 $0xFFFFC000  }
0x5f1: {  	s3 =	simm.s32 $0xC020;
	[bflag:$0x0] =	sbarrier.arrive $0xFFFF  }
0x5f2: {  	v4 =	vld [tilespmem:s3+$0xFFFFFFE0]  }
0x5f3: {  	s21 =	simm.s32 $0x10020;
	s13 =	simm.s32 $0x0;
	v5 =	vld [tilespmem:s3+$0x0]  }
0x5f4: {  	s22 =	sand.u32 $0xC0, s13;
	v6 =	vld [tilespmem:s21+$0xFFFFFFF0]  }
0x5f5: {  	s10 =	scvt.s32.f32 s22;
	s19 =	simm.s32 $0x20;
	v7 =	vld [tilespmem:s21+$0x0]  }
0x5f6: {  	s20 =	simm.s32 $0x0;
	s19 =	sand.u32 $0xE0, s19;
	v9 =	vld [tilespmem:s21+$0x10]  }
0x5f7: {  	v8 =	vadd.f32 s10, v3;
	s24 =	sor.u32 s6, s20;
	s19 =	scvt.s32.f32 s19  }
0x5f8: {  	s10 =	scvt.s32.f32 s24  }
0x5f9: {  	s25 =	simm.s32 $0x10;
	v11 =	vadd.f32 s19, v3;
	v4 =	vadd.f32 v4, v8  }
0x5fa: {  	s11 =	simm.s32 $0x30;
	s20 =	sand.u32 $0xD0, s25;
	v13 =	vld [tilespmem:s3+$0xFFFFFFF0];
	v6 =	vadd.f32 s10, v6;
	v7 =	vadd.f32 s10, v7  }
0x5fb: {  	s11 =	sand.u32 $0xF0, s11;
	s28 =	scvt.s32.f32 s20;
	v8 =	vld [tilespmem:s3+$0x10];
	v5 =	vadd.f32 v5, v11;
	v9 =	vadd.f32 s10, v9;
	v4 =	vtrunc.f32 v4  }
0x5fc: {  	s11 =	scvt.s32.f32 s11;
	v62 =	vld [tilespmem:s21+$0xFFFFFFE0];
	v6 =	vtrunc.f32 v6;
	v7 =	vtrunc.f32 v7  }
0x5fd: {  	v11 =	vadd.f32 s28, v3;
	v5 =	vtrunc.f32 v5;
	v9 =	vtrunc.f32 v9  }
0x5fe: {  	v10 =	vadd.f32 s11, v3;
	v4 =	vcvt.f32.s32 v4;
	v6 =	vcvt.f32.s32 v6  }
0x5ff: {  	v11 =	vadd.f32 v13, v11;
	v7 =	vcvt.f32.s32 v7;
	v5 =	vcvt.f32.s32 v5  }
0x600: {  	vm0 =	vgt.s32 v4, $0x0;
	v8 =	vadd.f32 v8, v10;
	v10 =	vcvt.f32.s32 v9  }
0x601: {  	v9 =	vadd.f32 s10, v62;
	vm14 =	vgt.s32 v6, $0x0;
	vm15 =	vgt.s32 v5, $0x0  }
0x602: {  	vm2 =	vgt.s32 v7, $0x0;
	v4 =	vnsel vm0, $0x0, v4;
	v8 =	vtrunc.f32 v8  }
0x603: {  	v6 =	vnsel vm14, $0x0, v6;
	v5 =	vnsel vm15, $0x0, v5;
	v8 =	vcvt.f32.s32 v8  }
0x604: {  	v7 =	vnsel vm2, $0x0, v7;
	v4 =	vmin.u32 v4, $0xFF;
	vm1 =	vgt.s32 v10, $0x0  }
0x605: {  	v9 =	vtrunc.f32 v9;
	v5 =	vmin.u32 v5, $0xFF;
	vm3 =	vgt.s32 v8, $0x0  }
0x606: {  	v63 =	vmin.u32 v7, $0xFF;
	v9 =	vcvt.f32.s32 v9;
	v8 =	vnsel vm3, $0x0, v8  }
0x607: {  	s22 =	simm.s32 $0x10060;
	v10 =	vnsel vm1, $0x0, v10;
	v7 =	vmin.u32 v8, $0xFF;
	v8 =	vtrunc.f32 v11  }
0x608: {  	s24 =	simm.s32 $0x18060;
	s21 =	simm.s32 $0xC060;
	s3 =	simm.s32 $0x18020;
	v11 =	vmin.u32 v6, $0xFF;
	v6 =	vshll.u32 v63, $0x8;
	v8 =	vcvt.f32.s32 v8  }
.LBB2_52:
0x609: {  	s9 =	sadd.s32 $0x50, s13  }
0x60a: {  	v12 =	vld [tilespmem:s21+$0xFFFFFFE0];
	s10 =	sadd.s32 $0x70, s13;
	vm0 =	vgt.s32 v9, $0x0;
	v11 =	vshll.u32 v11, $0x8;
	v10 =	vmin.u32 v10, $0xFF;
	s11 =	smov.u32 s13;
	s13 =	sadd.s32 $0x40, s13  }
0x60b: {  	s19 =	sand.u32 $0xC0, s13;
	s9 =	sand.u32 $0xD0, s9;
	s11 =	sadd.s32 $0x60, s11;
	v13 =	vld [tilespmem:s21+$0x0];
	v9 =	vnsel vm0, $0x0, v9;
	vm0 =	vgt.s32 v8, $0x0;
	v10 =	vshll.u32 v10, $0x8  }
0x60c: {  	s20 =	sshrl.u32 s13, $0x8;
	s10 =	sand.u32 $0xF0, s10;
	s19 =	scvt.s32.f32 s19;
	v14 =	vld [tilespmem:s22+$0xFFFFFFF0];
	v9 =	vmin.u32 v9, $0xFF;
	v8 =	vnsel vm0, $0x0, v8;
	v7 =	vor.u32 v7, v10  }
0x60d: {  	s20 =	sor.u32 s6, s20;
	s11 =	sand.u32 $0xE0, s11;
	s10 =	scvt.s32.f32 s10;
	v10 =	vld [tilespmem:s22+$0x0];
	v9 =	vshll.u32 v9, $0x8;
	v8 =	vmin.u32 v8, $0xFF;
	v7 =	vor.u32 v0, v7  }
0x60e: {  	p0 =	slt.u32 s13, $0xFC0;
	s11 =	scvt.s32.f32 s11;
	v15 =	vadd.f32 s19, v3;
	s19 =	scvt.s32.f32 s20;
	v16 =	vld [tilespmem:s22+$0x10];
	v4 =	vor.u32 v4, v9;
	v8 =	vor.u32 v8, v11;
	[tilespmem:s3+$0x10] =	vst v7  }
0x60f: {  	s9 =	scvt.s32.f32 s9;
	v9 =	vadd.f32 s10, v3;
	v7 =	vld [tilespmem:s22+$0xFFFFFFE0];
	v4 =	vor.u32 v0, v4;
	v8 =	vor.u32 v0, v8  }
0x610: {  	v11 =	vadd.f32 v12, v15;
	v12 =	vld [tilespmem:s21+$0x10];
	[tilespmem:s3+$0xFFFFFFE0] =	vst v4;
	v4 =	vor.u32 v5, v6  }
0x611: {  	v5 =	vadd.f32 s11, v3;
	[tilespmem:s3+$0xFFFFFFF0] =	vst v8;
	v4 =	vor.u32 v0, v4  }
0x612: {  	v8 =	vadd.f32 s19, v14;
	v6 =	vtrunc.f32 v11;
	v10 =	vadd.f32 s19, v10;
	[tilespmem:s3+$0x0] =	vst v4;
	s3 =	smov.u32 s24  }
0x613: {  	v5 =	vadd.f32 v13, v5;
	v4 =	vcvt.f32.s32 v6;
	v6 =	vadd.f32 s19, v16  }
0x614: {  	v11 =	vadd.f32 s9, v3;
	v8 =	vtrunc.f32 v8;
	v10 =	vtrunc.f32 v10  }
0x615: {  	v8 =	vcvt.f32.s32 v8;
	vm0 =	vgt.s32 v4, $0x0;
	v13 =	vld [tilespmem:s21+$0xFFFFFFF0];
	v9 =	vadd.f32 v12, v9  }
0x616: {  	v5 =	vtrunc.f32 v5;
	v6 =	vtrunc.f32 v6;
	v4 =	vnsel vm0, $0x0, v4  }
0x617: {  	v6 =	vcvt.f32.s32 v6;
	v4 =	vmin.u32 v4, $0xFF;
	v9 =	vtrunc.f32 v9  }
0x618: {  	v7 =	vadd.f32 s19, v7;
	v10 =	vcvt.f32.s32 v10;
	vm0 =	vgt.s32 v8, $0x0  }
0x619: {  	v5 =	vcvt.f32.s32 v5;
	v9 =	vcvt.f32.s32 v9;
	vm1 =	vgt.s32 v6, $0x0  }
0x61a: {  	v12 =	vtrunc.f32 v7;
	v11 =	vadd.f32 v13, v11;
	v13 =	vnsel vm0, $0x0, v8  }
.Ltmp25:
0x61b: {  	vm2 =	vgt.s32 v10, $0x0;
	vm0 =	vgt.s32 v5, $0x0;
	vm3 =	vgt.s32 v9, $0x0;
	(pc) =	sbr.rel @p0 .LBB2_52-.Ltmp25, $4  }
0x61c: {  	v7 =	vnsel vm2, $0x0, v10;
	v5 =	vnsel vm0, $0x0, v5;
	v8 =	vnsel vm3, $0x0, v9  }
0x61d: {  	v14 =	vmin.u32 v7, $0xFF;
	v5 =	vmin.u32 v5, $0xFF;
	v7 =	vmin.u32 v8, $0xFF  }
0x61e: {  	v10 =	vnsel vm1, $0x0, v6;
	v9 =	vcvt.f32.s32 v12;
	v8 =	vtrunc.f32 v11  }
0x61f: {  	s22 =	sadd.s32 $0x40, s22;
	s24 =	sadd.s32 $0x40, s24;
	s21 =	sadd.s32 $0x40, s21;
	v6 =	vshll.u32 v14, $0x8;
	v11 =	vmin.u32 v13, $0xFF;
	v8 =	vcvt.f32.s32 v8  }
0x620: {  	vm0 =	vgt.s32 v9, $0x0  }
0x621: {  	v11 =	vshll.u32 v11, $0x8;
	v10 =	vmin.u32 v10, $0xFF;
	v9 =	vnsel vm0, $0x0, v9  }
0x622: {  	vm0 =	vgt.s32 v8, $0x0;
	v10 =	vshll.u32 v10, $0x8;
	v9 =	vmin.u32 v9, $0xFF  }
0x623: {  	v8 =	vnsel vm0, $0x0, v8;
	v7 =	vor.u32 v7, v10;
	v9 =	vshll.u32 v9, $0x8  }
0x624: {  	v8 =	vmin.u32 v8, $0xFF;
	v7 =	vor.u32 v0, v7;
	v4 =	vor.u32 v4, v9  }
0x625: {  	v8 =	vor.u32 v8, v11;
	[tilespmem:s3+$0x10] =	vst v7;
	v4 =	vor.u32 v0, v4  }
0x626: {  	v7 =	vor.u32 v0, v8;
	[tilespmem:s3+$0xFFFFFFE0] =	vst v4;
	v4 =	vor.u32 v5, v6  }
0x627: {  	[tilespmem:s3+$0xFFFFFFF0] =	vst v7;
	v4 =	vor.u32 v0, v4  }
0x628: {  	s20 =	rddreg [dreg:$0x6];
	s9 =	simm.s32 $0x1C000;
	[tilespmem:s3+$0x0] =	vst v4  }
0x629: {  	[spmem:s20] =	stream.indirect.scatter.add.s32 [tilespmem:s9], [sflag:$0x5], $0x1, s29, s30, $0xb8;
	[tilespmem:$0x1D000] =	vst v63  }
0x62a: {  	_ =	swait.ge [sflag:s26], $0x1000  }
0x62b: {  	[sflag:s26] =	ssyncset.done $0x0  }
0x62c: {  	s22 =	simm.s32 $0x400;
	s21 =	rddreg [dreg:$0xe];
	[sflag:s26] =	ssyncadd.s32 $0xFFFFF000  }
0x62d: {  	[hbm4b:s21+s23] =	stream.strided.scatter [tilespmem:s29], [sflag:$0x5], $0x1000, s22, s23, $0x38;
	[tilespmem:$0x1D000] =	vst v63  }
0x62e: {  	_ =	swait.ge [sflag:s26], $0x1000  }
0x62f: {  	[sflag:s26] =	ssyncset.done $0x0  }
0x630: {  	[sflag:s26] =	ssyncadd.s32 $0xFFFFF000  }
0x631: {  	[tilespmem:s31], [sflag:$0x1] =	stream.indirect.gather [spmem:s1], $0x1, s29, s30, $0xb8;
	[tilespmem:$0x1D000] =	vst v63  }
0x632: {  	s22 =	simm.s32 $0x11030  }
0x633: {  	[tilespmem:s0], [sflag:$0x2] =	stream.indirect.gather [spmem:s2], $0x1, s29, s30, $0xb8;
	[tilespmem:$0x1D000] =	vst v63  }
0x634: {  	s21 =	simm.s32 $0xD030;
	v4 =	vld [tilespmem:s22+$0x0]  }
0x635: {  	s13 =	simm.s32 $0x0;
	s24 =	simm.s32 $0x1010;
	v5 =	vld [tilespmem:s21+$0x0]  }
0x636: {  	s11 =	simm.s32 $0x10;
	s19 =	simm.s32 $0x1030;
	s25 =	sand.u32 $0xC0, s13;
	v6 =	vld [tilespmem:s22+$0xFFFFFFD0]  }
0x637: {  	s19 =	sand.u32 $0xF0, s19;
	s11 =	sor.u32 s6, s11;
	s20 =	simm.s32 $0x10;
	v7 =	vld [tilespmem:s22+$0xFFFFFFE0]  }
0x638: {  	s19 =	scvt.s32.f32 s19;
	s3 =	sand.u32 $0xD0, s24;
	s20 =	sor.u32 s6, s20;
	v10 =	vld [tilespmem:s21+$0xFFFFFFD0]  }
0x639: {  	s24 =	simm.s32 $0x10;
	s9 =	scvt.s32.f32 s25;
	s20 =	scvt.s32.f32 s20  }
0x63a: {  	s28 =	scvt.s32.f32 s11;
	v9 =	vadd.f32 s19, v3;
	s19 =	sor.u32 s6, s24;
	v8 =	vld [tilespmem:s22+$0xFFFFFFF0]  }
0x63b: {  	s25 =	simm.s32 $0x10;
	s24 =	scvt.s32.f32 s19;
	v11 =	vadd.f32 s9, v3;
	v4 =	vadd.f32 s20, v4  }
0x63c: {  	s10 =	simm.s32 $0x1020;
	s3 =	scvt.s32.f32 s3;
	s25 =	sor.u32 s6, s25;
	v12 =	vld [tilespmem:s21+$0xFFFFFFE0];
	v5 =	vadd.f32 v5, v9;
	v6 =	vadd.f32 s28, v6  }
0x63d: {  	s10 =	sand.u32 $0xE0, s10;
	v9 =	vld [tilespmem:s21+$0xFFFFFFF0];
	s28 =	scvt.s32.f32 s25;
	v7 =	vadd.f32 s24, v7;
	v10 =	vadd.f32 v10, v11;
	v4 =	vtrunc.f32 v4  }
0x63e: {  	s10 =	scvt.s32.f32 s10;
	v13 =	vadd.f32 s3, v3;
	v5 =	vtrunc.f32 v5;
	v6 =	vtrunc.f32 v6  }
0x63f: {  	v8 =	vadd.f32 s28, v8;
	v7 =	vtrunc.f32 v7;
	v10 =	vtrunc.f32 v10  }
0x640: {  	v14 =	vadd.f32 s10, v3;
	v4 =	vcvt.f32.s32 v4;
	v5 =	vcvt.f32.s32 v5  }
0x641: {  	v11 =	vadd.f32 v12, v13;
	v62 =	vcvt.f32.s32 v6;
	v8 =	vtrunc.f32 v8  }
0x642: {  	vm0 =	vgt.s32 v4, $0x0;
	vm1 =	vgt.s32 v5, $0x0;
	v9 =	vadd.f32 v9, v14  }
0x643: {  	v6 =	vcvt.f32.s32 v8;
	v8 =	vcvt.f32.s32 v10;
	v4 =	vnsel vm0, $0x0, v4  }
0x644: {  	v5 =	vnsel vm1, $0x0, v5;
	vm0 =	vgt.s32 v62, $0x0;
	v4 =	vmin.u32 v4, $0xFF  }
0x645: {  	v5 =	vmin.u32 v5, $0xFF;
	vm1 =	vgt.s32 v6, $0x0;
	v4 =	vshll.u32 v4, $0x8  }
0x646: {  	v4 =	vor.u32 v5, v4;
	v5 =	vtrunc.f32 v11;
	v11 =	vcvt.f32.s32 v7  }
0x647: {  	vm2 =	vgt.s32 v8, $0x0;
	v7 =	vnsel vm0, $0x0, v62;
	v5 =	vcvt.f32.s32 v5  }
0x648: {  	s3 =	simm.s32 $0x19020;
	v63 =	vor.u32 v0, v4;
	v4 =	vtrunc.f32 v9;
	vm3 =	vgt.s32 v11, $0x0  }
0x649: {  	v4 =	vcvt.f32.s32 v4;
	[tilespmem:s3+$0x10] =	vst v63;
	vm0 =	vgt.s32 v5, $0x0;
	v9 =	vnsel vm3, $0x0, v11  }
.LBB2_54:
0x64a: {  	s9 =	sadd.s32 $0x1040, s13  }
0x64b: {  	s10 =	sadd.s32 $0x1050, s13;
	v8 =	vnsel vm2, $0x0, v8;
	vm2 =	vgt.s32 v4, $0x0;
	v6 =	vnsel vm1, $0x0, v6;
	s11 =	smov.u32 s13;
	s13 =	sadd.s32 $0x40, s13  }
0x64c: {  	v7 =	vmin.u32 v7, $0xFF;
	v5 =	vnsel vm0, $0x0, v5;
	v9 =	vmin.u32 v9, $0xFF;
	s22 =	sadd.s32 $0x40, s22;
	s19 =	sand.u32 $0xC0, s13;
	s20 =	sadd.s32 $0x1060, s11  }
0x64d: {  	s21 =	sadd.s32 $0x40, s21;
	s9 =	sshrl.u32 s9, $0x8;
	s11 =	sadd.s32 $0x1070, s11;
	v8 =	vmin.u32 v8, $0xFF;
	v4 =	vnsel vm2, $0x0, v4;
	v6 =	vmin.u32 v6, $0xFF;
	v10 =	vld [tilespmem:s22+$0x0]  }
0x64e: {  	s24 =	sand.u32 $0xD0, s10;
	v7 =	vshll.u32 v7, $0x8;
	v5 =	vmin.u32 v5, $0xFF;
	v9 =	vshll.u32 v9, $0x8;
	s25 =	sand.u32 $0xF0, s11;
	s11 =	sshrl.u32 s11, $0x8;
	v11 =	vld [tilespmem:s21+$0x0]  }
0x64f: {  	s10 =	sshrl.u32 s10, $0x8;
	v7 =	vor.u32 v8, v7;
	v4 =	vmin.u32 v4, $0xFF;
	v6 =	vshll.u32 v6, $0x8;
	s25 =	scvt.s32.f32 s25;
	s11 =	sor.u32 s6, s11;
	v12 =	vld [tilespmem:s22+$0xFFFFFFD0]  }
0x650: {  	s19 =	scvt.s32.f32 s19;
	s28 =	sand.u32 $0xE0, s20;
	v5 =	vor.u32 v5, v9;
	v7 =	vor.u32 v0, v7;
	v4 =	vor.u32 v4, v6;
	s11 =	scvt.s32.f32 s11;
	v8 =	vld [tilespmem:s22+$0xFFFFFFE0]  }
0x651: {  	s9 =	sor.u32 s6, s9;
	s24 =	scvt.s32.f32 s24;
	s20 =	sshrl.u32 s20, $0x8;
	v5 =	vor.u32 v0, v5;
	v4 =	vor.u32 v0, v4;
	v9 =	vadd.f32 s25, v3;
	v6 =	vld [tilespmem:s22+$0xFFFFFFF0];
	[tilespmem:s3+$0xFFFFFFE0] =	vst v7  }
0x652: {  	s10 =	sor.u32 s6, s10;
	s9 =	scvt.s32.f32 s9;
	v13 =	vadd.f32 s19, v3;
	s19 =	scvt.s32.f32 s28;
	v7 =	vld [tilespmem:s21+$0xFFFFFFD0];
	v10 =	vadd.f32 s11, v10;
	[tilespmem:s3+$0xFFFFFFF0] =	vst v5  }
0x653: {  	p0 =	slt.u32 s13, $0xFC0;
	s10 =	scvt.s32.f32 s10;
	v14 =	vadd.f32 s24, v3;
	s11 =	sor.u32 s6, s20;
	v5 =	vld [tilespmem:s21+$0xFFFFFFE0];
	v9 =	vadd.f32 v11, v9;
	[tilespmem:s3+$0x0] =	vst v4  }
0x654: {  	v4 =	vadd.f32 s9, v12;
	v11 =	vld [tilespmem:s21+$0xFFFFFFF0];
	v12 =	vadd.f32 s19, v3;
	s9 =	scvt.s32.f32 s11;
	v10 =	vtrunc.f32 v10  }
0x655: {  	v8 =	vadd.f32 s10, v8;
	v9 =	vtrunc.f32 v9;
	v10 =	vcvt.f32.s32 v10  }
0x656: {  	v4 =	vtrunc.f32 v4;
	v6 =	vadd.f32 s9, v6;
	v9 =	vcvt.f32.s32 v9  }
0x657: {  	v7 =	vadd.f32 v7, v13;
	v8 =	vtrunc.f32 v8;
	vm0 =	vgt.s32 v10, $0x0  }
0x658: {  	v5 =	vadd.f32 v5, v14;
	vm1 =	vgt.s32 v9, $0x0;
	v10 =	vnsel vm0, $0x0, v10  }
0x659: {  	v11 =	vadd.f32 v11, v12;
	v9 =	vnsel vm1, $0x0, v9;
	v10 =	vmin.u32 v10, $0xFF  }
0x65a: {  	v6 =	vtrunc.f32 v6;
	v9 =	vmin.u32 v9, $0xFF;
	v10 =	vshll.u32 v10, $0x8  }
0x65b: {  	v4 =	vcvt.f32.s32 v4;
	v7 =	vtrunc.f32 v7;
	v9 =	vor.u32 v9, v10  }
.Ltmp26:
0x65c: {  	s3 =	sadd.s32 $0x40, s3;
	v5 =	vtrunc.f32 v5;
	v10 =	vcvt.f32.s32 v8;
	v8 =	vor.u32 v0, v9;
	(pc) =	sbr.rel @p0 .LBB2_54-.Ltmp26, $4  }
0x65d: {  	vm0 =	vgt.s32 v4, $0x0;
	v6 =	vcvt.f32.s32 v6;
	v9 =	vtrunc.f32 v11;
	[tilespmem:s3+$0x10] =	vst v8  }
0x65e: {  	v5 =	vcvt.f32.s32 v5;
	v8 =	vcvt.f32.s32 v7;
	vm3 =	vgt.s32 v10, $0x0  }
0x65f: {  	vm1 =	vgt.s32 v6, $0x0;
	v7 =	vnsel vm0, $0x0, v4;
	v4 =	vcvt.f32.s32 v9  }
0x660: {  	vm0 =	vgt.s32 v5, $0x0;
	v9 =	vnsel vm3, $0x0, v10;
	vm2 =	vgt.s32 v8, $0x0  }
0x661: {  	v8 =	vnsel vm2, $0x0, v8;
	vm15 =	vgt.s32 v4, $0x0  }
0x662: {  	v6 =	vnsel vm1, $0x0, v6;
	v7 =	vmin.u32 v7, $0xFF;
	v5 =	vnsel vm0, $0x0, v5  }
0x663: {  	v9 =	vmin.u32 v9, $0xFF;
	v8 =	vmin.u32 v8, $0xFF;
	v4 =	vnsel vm15, $0x0, v4  }
0x664: {  	v6 =	vmin.u32 v6, $0xFF;
	v7 =	vshll.u32 v7, $0x8;
	v5 =	vmin.u32 v5, $0xFF  }
0x665: {  	v9 =	vshll.u32 v9, $0x8;
	v7 =	vor.u32 v8, v7;
	v4 =	vmin.u32 v4, $0xFF  }
0x666: {  	v6 =	vshll.u32 v6, $0x8;
	v5 =	vor.u32 v5, v9;
	v7 =	vor.u32 v0, v7  }
0x667: {  	v4 =	vor.u32 v4, v6;
	v5 =	vor.u32 v0, v5;
	[tilespmem:s3+$0xFFFFFFE0] =	vst v7  }
0x668: {  	v4 =	vor.u32 v0, v4;
	[tilespmem:s3+$0xFFFFFFF0] =	vst v5  }
0x669: {  	s20 =	rddreg [dreg:$0x6];
	s9 =	simm.s32 $0x1C000;
	[tilespmem:s3+$0x0] =	vst v4  }
0x66a: {  	[spmem:s20] =	stream.indirect.scatter.add.s32 [tilespmem:s9], [sflag:$0x5], $0x1, s4, s30, $0xb8;
	[tilespmem:$0x1D000] =	vst v63  }
0x66b: {  	_ =	swait.ge [sflag:s26], $0x1000  }
0x66c: {  	[sflag:s26] =	ssyncset.done $0x0  }
0x66d: {  	s22 =	simm.s32 $0x400;
	s21 =	rddreg [dreg:$0x11];
	[sflag:s26] =	ssyncadd.s32 $0xFFFFF000  }
0x66e: {  	[hbm4b:s21+s23] =	stream.strided.scatter [tilespmem:s4], [sflag:$0x5], $0x1000, s22, s23, $0x38;
	[tilespmem:$0x1D000] =	vst v63  }
0x66f: {  	_ =	swait.ge [sflag:s26], $0x1000  }
0x670: {  	[sflag:s26] =	ssyncset.done $0x0  }
0x671: {  	[sflag:s26] =	ssyncadd.s32 $0xFFFFF000  }
0x672: {  	[tilespmem:s7], [sflag:$0x3] =	stream.indirect.gather [spmem:s1], $0x1, s4, s30, $0xb8;
	[tilespmem:$0x1D000] =	vst v63  }
0x673: {  	_ = 	snop  }
0x674: {  	[tilespmem:s8], [sflag:$0x4] =	stream.indirect.gather [spmem:s2], $0x1, s4, s30, $0xb8;
	[tilespmem:$0x1D000] =	vst v63  }
0x675: {  	_ =	swait.ge [sflag:s12], $0x1000  }
0x676: {  	[sflag:s12] =	ssyncset.done $0x0  }
0x677: {  	[sflag:s12] =	ssyncadd.s32 $0xFFFFF000  }
0x678: {  	_ =	swait.ge [sflag:s14], $0x1000  }
0x679: {  	[sflag:s14] =	ssyncset.done $0x0  }
0x67a: {  	s24 =	simm.s32 $0xC020;
	[sflag:s14] =	ssyncadd.s32 $0xFFFFF000  }
0x67b: {  	s25 =	simm.s32 $0x14020;
	v4 =	vld [tilespmem:s24+$0x10]  }
0x67c: {  	v5 =	vld [tilespmem:s25+$0x10]  }
0x67d: {  	v6 =	vld [tilespmem:s25+$0xFFFFFFE0]  }
0x67e: {  	v7 =	vld [tilespmem:s24+$0xFFFFFFF0]  }
0x67f: {  	v8 =	vld [tilespmem:s25+$0xFFFFFFF0]  }
0x680: {  	v9 =	vld [tilespmem:s24+$0x0]  }
0x681: {  	s13 =	simm.s32 $0x14060;
	v10 =	vld [tilespmem:s25+$0x0]  }
0x682: {  	v11 =	vld [tilespmem:s13+$0x10]  }
0x683: {  	s28 =	simm.s32 $0xC060;
	v12 =	vld [tilespmem:s13+$0xFFFFFFE0]  }
0x684: {  	v13 =	vld [tilespmem:s28+$0xFFFFFFF0]  }
0x685: {  	v14 =	vld [tilespmem:s13+$0xFFFFFFF0]  }
0x686: {  	v15 =	vld [tilespmem:s28+$0x0];
	v4 =	vadd.f32 v5, v4  }
0x687: {  	v5 =	vld [tilespmem:s24+$0xFFFFFFE0]  }
0x688: {  	s3 =	simm.s32 $0x10020;
	v16 =	vld [tilespmem:s13+$0x0];
	[tilespmem:s24+$0x10] =	vst v4;
	v4 =	vadd.f32 v8, v7  }
0x689: {  	v7 =	vld [tilespmem:s3+$0x10]  }
0x68a: {  	s10 =	simm.s32 $0x15020;
	[tilespmem:s24+$0xFFFFFFF0] =	vst v4;
	v4 =	vadd.f32 v10, v9;
	v10 =	vld [tilespmem:s28+$0x10]  }
0x68b: {  	v8 =	vld [tilespmem:s10+$0x10]  }
0x68c: {  	v5 =	vadd.f32 v6, v5;
	v6 =	vld [tilespmem:s3+$0xFFFFFFF0]  }
0x68d: {  	v9 =	vld [tilespmem:s10+$0xFFFFFFF0];
	[tilespmem:s24+$0x0] =	vst v4  }
0x68e: {  	[tilespmem:s24+$0xFFFFFFE0] =	vst v5;
	v4 =	vld [tilespmem:s3+$0x0]  }
0x68f: {  	v5 =	vld [tilespmem:s3+$0xFFFFFFE0];
	v10 =	vadd.f32 v11, v10  }
0x690: {  	v11 =	vld [tilespmem:s28+$0xFFFFFFE0]  }
0x691: {  	s24 =	simm.s32 $0x10060;
	v7 =	vadd.f32 v8, v7;
	[tilespmem:s28+$0x10] =	vst v10;
	v10 =	vld [tilespmem:s10+$0xFFFFFFE0]  }
0x692: {  	s22 =	simm.s32 $0x15060;
	v8 =	vadd.f32 v14, v13;
	v61 =	vld [tilespmem:s24+$0x10]  }
0x693: {  	[tilespmem:s3+$0x10] =	vst v7;
	v6 =	vadd.f32 v9, v6;
	v62 =	vld [tilespmem:s22+$0x10]  }
0x694: {  	[tilespmem:s28+$0xFFFFFFF0] =	vst v8;
	v9 =	vadd.f32 v16, v15;
	v7 =	vld [tilespmem:s10+$0x0]  }
0x695: {  	v8 =	vld [tilespmem:s22+$0xFFFFFFF0];
	[tilespmem:s3+$0xFFFFFFF0] =	vst v6;
	v11 =	vadd.f32 v12, v11  }
0x696: {  	v6 =	vld [tilespmem:s24+$0xFFFFFFF0];
	[tilespmem:s28+$0x0] =	vst v9;
	v63 =	vadd.f32 v10, v5  }
0x697: {  	s19 =	simm.s32 $0x40;
	v9 =	vld [tilespmem:s24+$0x0];
	[tilespmem:s28+$0xFFFFFFE0] =	vst v11  }
0x698: {  	s20 =	simm.s32 $0xC0A0;
	s21 =	simm.s32 $0x0;
	s10 =	simm.s32 $0x15060;
	v5 =	vld [tilespmem:s24+$0xFFFFFFE0];
	v10 =	vadd.f32 v62, v61;
	[tilespmem:s3+$0xFFFFFFE0] =	vst v63  }
.LBB2_56:
0x699: {  	v11 =	vld [tilespmem:s20+$0x10];
	s13 =	sadd.s32 $0x40, s13;
	v12 =	vadd.f32 v7, v4  }
0x69a: {  	v7 =	vld [tilespmem:s13+$0x10];
	[tilespmem:s24+$0x10] =	vst v10  }
0x69b: {  	s19 =	sadd.s32 $0x40, s19;
	v10 =	vld [tilespmem:s13+$0xFFFFFFE0];
	v6 =	vadd.f32 v8, v6;
	[tilespmem:s3+$0x0] =	vst v12;
	s3 =	smov.u32 s24  }
0x69c: {  	p0 =	slt.u32 s19, $0xFC0;
	v8 =	vld [tilespmem:s20+$0xFFFFFFF0];
	v4 =	vmov v9  }
0x69d: {  	v9 =	vld [tilespmem:s13+$0xFFFFFFF0];
	[tilespmem:s24+$0xFFFFFFF0] =	vst v6  }
0x69e: {  	v6 =	vld [tilespmem:s20+$0x0]  }
0x69f: {  	v12 =	vld [tilespmem:s13+$0x0];
	v7 =	vadd.f32 v7, v11  }
0x6a0: {  	v11 =	vld [tilespmem:s20+$0xFFFFFFE0]  }
0x6a1: {  	s24 =	sadd.s32 $0x40, s24;
	[tilespmem:s20+$0x10] =	vst v7;
	v13 =	vld [tilespmem:s22+$0xFFFFFFE0]  }
0x6a2: {  	s22 =	sadd.s32 $0x40, s22;
	v7 =	vadd.f32 v9, v8;
	v14 =	vld [tilespmem:s24+$0x10]  }
0x6a3: {  	v15 =	vld [tilespmem:s22+$0x10]  }
.Ltmp27:
0x6a4: {  	[tilespmem:s20+$0xFFFFFFF0] =	vst v7;
	v9 =	vadd.f32 v12, v6;
	v7 =	vld [tilespmem:s10+$0x0];
	s10 =	smov.u32 s22;
	(pc) =	sbr.rel @p0 .LBB2_56-.Ltmp27, $4  }
0x6a5: {  	v10 =	vadd.f32 v10, v11;
	v6 =	vld [tilespmem:s24+$0xFFFFFFF0]  }
0x6a6: {  	v8 =	vld [tilespmem:s22+$0xFFFFFFF0];
	[tilespmem:s20+$0x0] =	vst v9;
	v11 =	vadd.f32 v13, v5  }
0x6a7: {  	[tilespmem:s20+$0xFFFFFFE0] =	vst v10;
	v9 =	vld [tilespmem:s24+$0x0]  }
0x6a8: {  	s20 =	sadd.s32 $0x40, s20;
	v5 =	vld [tilespmem:s24+$0xFFFFFFE0];
	v10 =	vadd.f32 v15, v14;
	[tilespmem:s3+$0xFFFFFFE0] =	vst v11  }
0x6a9: {  	v11 =	vld [tilespmem:s22+$0xFFFFFFE0]  }
0x6aa: {  	v12 =	vld [tilespmem:s10+$0x0];
	_ =	sdelay $0x1  }
0x6ab: {  	v4 =	vadd.f32 v7, v4  }
0x6ac: {  	[tilespmem:s24+$0x10] =	vst v10;
	v6 =	vadd.f32 v8, v6  }
0x6ad: {  	[tilespmem:s3+$0x0] =	vst v4;
	v4 =	vadd.f32 v11, v5  }
0x6ae: {  	[tilespmem:s24+$0xFFFFFFF0] =	vst v6;
	v5 =	vadd.f32 v12, v9  }
0x6af: {  	[tilespmem:s24+$0xFFFFFFE0] =	vst v4  }
0x6b0: {  	s13 =	simm.s32 $0x12030;
	[tilespmem:s24+$0x0] =	vst v5  }
0x6b1: {  	s22 =	simm.s32 $0xE030;
	v4 =	vld [tilespmem:s13+$0x0]  }
0x6b2: {  	s9 =	sand.u32 $0xC0, s21;
	v5 =	vld [tilespmem:s22+$0x0]  }
0x6b3: {  	s11 =	simm.s32 $0x20;
	s19 =	simm.s32 $0x2030;
	s20 =	simm.s32 $0x20;
	v6 =	vld [tilespmem:s13+$0xFFFFFFD0]  }
0x6b4: {  	s19 =	sand.u32 $0xF0, s19;
	s20 =	sor.u32 s6, s20;
	s9 =	scvt.s32.f32 s9;
	v7 =	vld [tilespmem:s13+$0xFFFFFFE0]  }
0x6b5: {  	s11 =	sor.u32 s6, s11;
	s19 =	scvt.s32.f32 s19;
	s24 =	simm.s32 $0x2010;
	v10 =	vld [tilespmem:s22+$0xFFFFFFD0]  }
0x6b6: {  	s20 =	scvt.s32.f32 s20;
	s3 =	sand.u32 $0xD0, s24;
	s24 =	simm.s32 $0x20  }
0x6b7: {  	s25 =	simm.s32 $0x2020;
	s28 =	scvt.s32.f32 s11;
	v9 =	vadd.f32 s19, v3;
	v8 =	vld [tilespmem:s13+$0xFFFFFFF0];
	s19 =	sor.u32 s6, s24  }
0x6b8: {  	s10 =	sand.u32 $0xE0, s25;
	s25 =	simm.s32 $0x20;
	v11 =	vadd.f32 s9, v3;
	s24 =	scvt.s32.f32 s19;
	v4 =	vadd.f32 s20, v4  }
0x6b9: {  	s25 =	sor.u32 s6, s25;
	v61 =	vld [tilespmem:s22+$0xFFFFFFE0];
	s3 =	scvt.s32.f32 s3;
	v5 =	vadd.f32 v5, v9;
	v6 =	vadd.f32 s28, v6  }
0x6ba: {  	v9 =	vld [tilespmem:s22+$0xFFFFFFF0];
	s28 =	scvt.s32.f32 s25;
	v7 =	vadd.f32 s24, v7;
	v10 =	vadd.f32 v10, v11;
	v4 =	vtrunc.f32 v4  }
0x6bb: {  	s10 =	scvt.s32.f32 s10;
	v13 =	vadd.f32 s3, v3;
	v5 =	vtrunc.f32 v5;
	v6 =	vtrunc.f32 v6  }
0x6bc: {  	v8 =	vadd.f32 s28, v8;
	v7 =	vtrunc.f32 v7;
	v10 =	vtrunc.f32 v10  }
0x6bd: {  	v14 =	vadd.f32 s10, v3;
	v4 =	vcvt.f32.s32 v4;
	v5 =	vcvt.f32.s32 v5  }
0x6be: {  	v11 =	vadd.f32 v61, v13;
	v62 =	vcvt.f32.s32 v6;
	v8 =	vtrunc.f32 v8  }
0x6bf: {  	vm0 =	vgt.s32 v4, $0x0;
	vm1 =	vgt.s32 v5, $0x0;
	v9 =	vadd.f32 v9, v14  }
0x6c0: {  	v6 =	vcvt.f32.s32 v8;
	v8 =	vcvt.f32.s32 v10;
	v4 =	vnsel vm0, $0x0, v4  }
0x6c1: {  	v5 =	vnsel vm1, $0x0, v5;
	vm0 =	vgt.s32 v62, $0x0;
	v4 =	vmin.u32 v4, $0xFF  }
0x6c2: {  	v5 =	vmin.u32 v5, $0xFF;
	vm1 =	vgt.s32 v6, $0x0;
	v4 =	vshll.u32 v4, $0x8  }
0x6c3: {  	v4 =	vor.u32 v5, v4;
	v5 =	vtrunc.f32 v11;
	v11 =	vcvt.f32.s32 v7  }
0x6c4: {  	vm2 =	vgt.s32 v8, $0x0;
	v7 =	vnsel vm0, $0x0, v62;
	v5 =	vcvt.f32.s32 v5  }
0x6c5: {  	s3 =	simm.s32 $0x1A020;
	v63 =	vor.u32 v0, v4;
	v4 =	vtrunc.f32 v9;
	vm3 =	vgt.s32 v11, $0x0  }
0x6c6: {  	v4 =	vcvt.f32.s32 v4;
	[tilespmem:s3+$0x10] =	vst v63;
	vm0 =	vgt.s32 v5, $0x0;
	v9 =	vnsel vm3, $0x0, v11  }
.LBB2_58:
0x6c7: {  	s9 =	sadd.s32 $0x2040, s21  }
0x6c8: {  	s10 =	sadd.s32 $0x2050, s21;
	v8 =	vnsel vm2, $0x0, v8;
	vm2 =	vgt.s32 v4, $0x0;
	v6 =	vnsel vm1, $0x0, v6;
	s11 =	smov.u32 s21;
	s21 =	sadd.s32 $0x40, s21  }
0x6c9: {  	v7 =	vmin.u32 v7, $0xFF;
	v5 =	vnsel vm0, $0x0, v5;
	v9 =	vmin.u32 v9, $0xFF;
	s13 =	sadd.s32 $0x40, s13;
	s19 =	sand.u32 $0xC0, s21;
	s20 =	sadd.s32 $0x2060, s11  }
0x6ca: {  	s22 =	sadd.s32 $0x40, s22;
	s9 =	sshrl.u32 s9, $0x8;
	s11 =	sadd.s32 $0x2070, s11;
	v8 =	vmin.u32 v8, $0xFF;
	v4 =	vnsel vm2, $0x0, v4;
	v6 =	vmin.u32 v6, $0xFF;
	v10 =	vld [tilespmem:s13+$0x0]  }
0x6cb: {  	s24 =	sand.u32 $0xD0, s10;
	v7 =	vshll.u32 v7, $0x8;
	v5 =	vmin.u32 v5, $0xFF;
	v9 =	vshll.u32 v9, $0x8;
	s25 =	sand.u32 $0xF0, s11;
	s11 =	sshrl.u32 s11, $0x8;
	v11 =	vld [tilespmem:s22+$0x0]  }
0x6cc: {  	s10 =	sshrl.u32 s10, $0x8;
	v7 =	vor.u32 v8, v7;
	v4 =	vmin.u32 v4, $0xFF;
	v6 =	vshll.u32 v6, $0x8;
	s25 =	scvt.s32.f32 s25;
	s11 =	sor.u32 s6, s11;
	v12 =	vld [tilespmem:s13+$0xFFFFFFD0]  }
0x6cd: {  	s19 =	scvt.s32.f32 s19;
	s28 =	sand.u32 $0xE0, s20;
	v5 =	vor.u32 v5, v9;
	v7 =	vor.u32 v0, v7;
	v4 =	vor.u32 v4, v6;
	s11 =	scvt.s32.f32 s11;
	v8 =	vld [tilespmem:s13+$0xFFFFFFE0]  }
0x6ce: {  	s9 =	sor.u32 s6, s9;
	s24 =	scvt.s32.f32 s24;
	s20 =	sshrl.u32 s20, $0x8;
	v5 =	vor.u32 v0, v5;
	v4 =	vor.u32 v0, v4;
	v9 =	vadd.f32 s25, v3;
	v6 =	vld [tilespmem:s13+$0xFFFFFFF0];
	[tilespmem:s3+$0xFFFFFFE0] =	vst v7  }
0x6cf: {  	s10 =	sor.u32 s6, s10;
	s9 =	scvt.s32.f32 s9;
	v13 =	vadd.f32 s19, v3;
	s19 =	scvt.s32.f32 s28;
	v7 =	vld [tilespmem:s22+$0xFFFFFFD0];
	v10 =	vadd.f32 s11, v10;
	[tilespmem:s3+$0xFFFFFFF0] =	vst v5  }
0x6d0: {  	p0 =	slt.u32 s21, $0xFC0;
	s10 =	scvt.s32.f32 s10;
	v14 =	vadd.f32 s24, v3;
	s11 =	sor.u32 s6, s20;
	v5 =	vld [tilespmem:s22+$0xFFFFFFE0];
	v9 =	vadd.f32 v11, v9;
	[tilespmem:s3+$0x0] =	vst v4  }
0x6d1: {  	v4 =	vadd.f32 s9, v12;
	v11 =	vld [tilespmem:s22+$0xFFFFFFF0];
	v12 =	vadd.f32 s19, v3;
	s9 =	scvt.s32.f32 s11;
	v10 =	vtrunc.f32 v10  }
0x6d2: {  	v8 =	vadd.f32 s10, v8;
	v9 =	vtrunc.f32 v9;
	v10 =	vcvt.f32.s32 v10  }
0x6d3: {  	v4 =	vtrunc.f32 v4;
	v6 =	vadd.f32 s9, v6;
	v9 =	vcvt.f32.s32 v9  }
0x6d4: {  	v7 =	vadd.f32 v7, v13;
	v8 =	vtrunc.f32 v8;
	vm0 =	vgt.s32 v10, $0x0  }
0x6d5: {  	v5 =	vadd.f32 v5, v14;
	vm1 =	vgt.s32 v9, $0x0;
	v10 =	vnsel vm0, $0x0, v10  }
0x6d6: {  	v11 =	vadd.f32 v11, v12;
	v9 =	vnsel vm1, $0x0, v9;
	v10 =	vmin.u32 v10, $0xFF  }
0x6d7: {  	v6 =	vtrunc.f32 v6;
	v9 =	vmin.u32 v9, $0xFF;
	v10 =	vshll.u32 v10, $0x8  }
0x6d8: {  	v4 =	vcvt.f32.s32 v4;
	v7 =	vtrunc.f32 v7;
	v9 =	vor.u32 v9, v10  }
.Ltmp28:
0x6d9: {  	s3 =	sadd.s32 $0x40, s3;
	v5 =	vtrunc.f32 v5;
	v10 =	vcvt.f32.s32 v8;
	v8 =	vor.u32 v0, v9;
	(pc) =	sbr.rel @p0 .LBB2_58-.Ltmp28, $4  }
0x6da: {  	vm0 =	vgt.s32 v4, $0x0;
	v6 =	vcvt.f32.s32 v6;
	v9 =	vtrunc.f32 v11;
	[tilespmem:s3+$0x10] =	vst v8  }
0x6db: {  	v5 =	vcvt.f32.s32 v5;
	v8 =	vcvt.f32.s32 v7;
	vm3 =	vgt.s32 v10, $0x0  }
0x6dc: {  	vm1 =	vgt.s32 v6, $0x0;
	v7 =	vnsel vm0, $0x0, v4;
	v4 =	vcvt.f32.s32 v9  }
0x6dd: {  	vm0 =	vgt.s32 v5, $0x0;
	v9 =	vnsel vm3, $0x0, v10;
	vm2 =	vgt.s32 v8, $0x0  }
0x6de: {  	v8 =	vnsel vm2, $0x0, v8;
	vm15 =	vgt.s32 v4, $0x0  }
0x6df: {  	v6 =	vnsel vm1, $0x0, v6;
	v7 =	vmin.u32 v7, $0xFF;
	v5 =	vnsel vm0, $0x0, v5  }
0x6e0: {  	v9 =	vmin.u32 v9, $0xFF;
	v8 =	vmin.u32 v8, $0xFF;
	v4 =	vnsel vm15, $0x0, v4  }
0x6e1: {  	v6 =	vmin.u32 v6, $0xFF;
	v7 =	vshll.u32 v7, $0x8;
	v5 =	vmin.u32 v5, $0xFF  }
0x6e2: {  	v9 =	vshll.u32 v9, $0x8;
	v7 =	vor.u32 v8, v7;
	v4 =	vmin.u32 v4, $0xFF  }
0x6e3: {  	v6 =	vshll.u32 v6, $0x8;
	v5 =	vor.u32 v5, v9;
	v7 =	vor.u32 v0, v7  }
0x6e4: {  	v4 =	vor.u32 v4, v6;
	v5 =	vor.u32 v0, v5;
	[tilespmem:s3+$0xFFFFFFE0] =	vst v7  }
0x6e5: {  	v4 =	vor.u32 v0, v4;
	[tilespmem:s3+$0xFFFFFFF0] =	vst v5  }
0x6e6: {  	s20 =	rddreg [dreg:$0x6];
	s9 =	simm.s32 $0x1C000;
	[tilespmem:s3+$0x0] =	vst v4  }
0x6e7: {  	[spmem:s20] =	stream.indirect.scatter.add.s32 [tilespmem:s9], [sflag:$0x5], $0x1, s15, s30, $0xb8;
	[tilespmem:$0x1D000] =	vst v63  }
0x6e8: {  	_ =	swait.ge [sflag:s26], $0x1000  }
0x6e9: {  	[sflag:s26] =	ssyncset.done $0x0  }
0x6ea: {  	s22 =	simm.s32 $0x400;
	s21 =	rddreg [dreg:$0x12];
	[sflag:s26] =	ssyncadd.s32 $0xFFFFF000  }
0x6eb: {  	[hbm4b:s21+s23] =	stream.strided.scatter [tilespmem:s15], [sflag:$0x5], $0x1000, s22, s23, $0x38;
	[tilespmem:$0x1D000] =	vst v63  }
0x6ec: {  	_ =	swait.ge [sflag:s26], $0x1000  }
0x6ed: {  	[sflag:s26] =	ssyncset.done $0x0  }
0x6ee: {  	[sflag:s26] =	ssyncadd.s32 $0xFFFFF000  }
0x6ef: {  	[tilespmem:s31], [sflag:$0x1] =	stream.indirect.gather [spmem:s1], $0x1, s15, s30, $0xb8;
	[tilespmem:$0x1D000] =	vst v63  }
0x6f0: {  	_ = 	snop  }
0x6f1: {  	[tilespmem:s0], [sflag:$0x2] =	stream.indirect.gather [spmem:s2], $0x1, s15, s30, $0xb8;
	[tilespmem:$0x1D000] =	vst v63  }
0x6f2: {  	_ =	swait.ge [sflag:s16], $0x1000  }
0x6f3: {  	[sflag:s16] =	ssyncset.done $0x0  }
0x6f4: {  	[sflag:s16] =	ssyncadd.s32 $0xFFFFF000  }
0x6f5: {  	_ =	swait.ge [sflag:s17], $0x1000  }
0x6f6: {  	[sflag:s17] =	ssyncset.done $0x0  }
0x6f7: {  	s24 =	simm.s32 $0xD030;
	[sflag:s17] =	ssyncadd.s32 $0xFFFFF000  }
0x6f8: {  	s25 =	simm.s32 $0x16020;
	v4 =	vld [tilespmem:s24+$0x0]  }
0x6f9: {  	v5 =	vld [tilespmem:s25+$0x10]  }
0x6fa: {  	v6 =	vld [tilespmem:s25+$0xFFFFFFE0]  }
0x6fb: {  	v7 =	vld [tilespmem:s24+$0xFFFFFFE0]  }
0x6fc: {  	v8 =	vld [tilespmem:s25+$0xFFFFFFF0]  }
0x6fd: {  	v9 =	vld [tilespmem:s24+$0xFFFFFFF0]  }
0x6fe: {  	s13 =	simm.s32 $0x16060;
	v10 =	vld [tilespmem:s25+$0x0]  }
0x6ff: {  	v11 =	vld [tilespmem:s13+$0x10]  }
0x700: {  	s28 =	simm.s32 $0xD070;
	v12 =	vld [tilespmem:s13+$0xFFFFFFE0]  }
0x701: {  	v13 =	vld [tilespmem:s28+$0xFFFFFFE0]  }
0x702: {  	v14 =	vld [tilespmem:s13+$0xFFFFFFF0]  }
0x703: {  	v15 =	vld [tilespmem:s28+$0xFFFFFFF0];
	v4 =	vadd.f32 v5, v4  }
0x704: {  	v5 =	vld [tilespmem:s24+$0xFFFFFFD0]  }
0x705: {  	s3 =	simm.s32 $0x11030;
	v16 =	vld [tilespmem:s13+$0x0];
	[tilespmem:s24+$0x0] =	vst v4;
	v4 =	vadd.f32 v8, v7  }
0x706: {  	v7 =	vld [tilespmem:s3+$0x0]  }
0x707: {  	s10 =	simm.s32 $0x17020;
	[tilespmem:s24+$0xFFFFFFE0] =	vst v4;
	v4 =	vadd.f32 v10, v9;
	v10 =	vld [tilespmem:s28+$0x0]  }
0x708: {  	v8 =	vld [tilespmem:s10+$0x10]  }
0x709: {  	v5 =	vadd.f32 v6, v5;
	v6 =	vld [tilespmem:s3+$0xFFFFFFE0]  }
0x70a: {  	v9 =	vld [tilespmem:s10+$0xFFFFFFF0];
	[tilespmem:s24+$0xFFFFFFF0] =	vst v4  }
0x70b: {  	[tilespmem:s24+$0xFFFFFFD0] =	vst v5;
	v4 =	vld [tilespmem:s3+$0xFFFFFFF0]  }
0x70c: {  	v5 =	vld [tilespmem:s3+$0xFFFFFFD0];
	v10 =	vadd.f32 v11, v10  }
0x70d: {  	v11 =	vld [tilespmem:s28+$0xFFFFFFD0]  }
0x70e: {  	s24 =	simm.s32 $0x11070;
	v7 =	vadd.f32 v8, v7;
	[tilespmem:s28+$0x0] =	vst v10;
	v10 =	vld [tilespmem:s10+$0xFFFFFFE0]  }
0x70f: {  	s22 =	simm.s32 $0x17060;
	v8 =	vadd.f32 v14, v13;
	v61 =	vld [tilespmem:s24+$0x0]  }
0x710: {  	[tilespmem:s3+$0x0] =	vst v7;
	v6 =	vadd.f32 v9, v6;
	v62 =	vld [tilespmem:s22+$0x10]  }
0x711: {  	[tilespmem:s28+$0xFFFFFFE0] =	vst v8;
	v9 =	vadd.f32 v16, v15;
	v7 =	vld [tilespmem:s10+$0x0]  }
0x712: {  	v8 =	vld [tilespmem:s22+$0xFFFFFFF0];
	[tilespmem:s3+$0xFFFFFFE0] =	vst v6;
	v11 =	vadd.f32 v12, v11  }
0x713: {  	v6 =	vld [tilespmem:s24+$0xFFFFFFE0];
	[tilespmem:s28+$0xFFFFFFF0] =	vst v9;
	v63 =	vadd.f32 v10, v5  }
0x714: {  	s19 =	simm.s32 $0x40;
	v9 =	vld [tilespmem:s24+$0xFFFFFFF0];
	[tilespmem:s28+$0xFFFFFFD0] =	vst v11  }
0x715: {  	s20 =	simm.s32 $0xD0B0;
	s21 =	simm.s32 $0x0;
	s10 =	simm.s32 $0x17060;
	v5 =	vld [tilespmem:s24+$0xFFFFFFD0];
	v10 =	vadd.f32 v62, v61;
	[tilespmem:s3+$0xFFFFFFD0] =	vst v63  }
.LBB2_60:
0x716: {  	v11 =	vld [tilespmem:s20+$0x0];
	s13 =	sadd.s32 $0x40, s13;
	v12 =	vadd.f32 v7, v4  }
0x717: {  	v7 =	vld [tilespmem:s13+$0x10];
	[tilespmem:s24+$0x0] =	vst v10  }
0x718: {  	s19 =	sadd.s32 $0x40, s19;
	v10 =	vld [tilespmem:s13+$0xFFFFFFE0];
	v6 =	vadd.f32 v8, v6;
	[tilespmem:s3+$0xFFFFFFF0] =	vst v12;
	s3 =	smov.u32 s24  }
0x719: {  	p0 =	slt.u32 s19, $0xFC0;
	v8 =	vld [tilespmem:s20+$0xFFFFFFE0];
	v4 =	vmov v9  }
0x71a: {  	v9 =	vld [tilespmem:s13+$0xFFFFFFF0];
	[tilespmem:s24+$0xFFFFFFE0] =	vst v6  }
0x71b: {  	v6 =	vld [tilespmem:s20+$0xFFFFFFF0]  }
0x71c: {  	v12 =	vld [tilespmem:s13+$0x0];
	v7 =	vadd.f32 v7, v11  }
0x71d: {  	v11 =	vld [tilespmem:s20+$0xFFFFFFD0]  }
0x71e: {  	s24 =	sadd.s32 $0x40, s24;
	[tilespmem:s20+$0x0] =	vst v7;
	v13 =	vld [tilespmem:s22+$0xFFFFFFE0]  }
0x71f: {  	s22 =	sadd.s32 $0x40, s22;
	v7 =	vadd.f32 v9, v8;
	v14 =	vld [tilespmem:s24+$0x0]  }
0x720: {  	v15 =	vld [tilespmem:s22+$0x10]  }
.Ltmp29:
0x721: {  	[tilespmem:s20+$0xFFFFFFE0] =	vst v7;
	v9 =	vadd.f32 v12, v6;
	v7 =	vld [tilespmem:s10+$0x0];
	s10 =	smov.u32 s22;
	(pc) =	sbr.rel @p0 .LBB2_60-.Ltmp29, $4  }
0x722: {  	v10 =	vadd.f32 v10, v11;
	v6 =	vld [tilespmem:s24+$0xFFFFFFE0]  }
0x723: {  	v8 =	vld [tilespmem:s22+$0xFFFFFFF0];
	[tilespmem:s20+$0xFFFFFFF0] =	vst v9;
	v11 =	vadd.f32 v13, v5  }
0x724: {  	[tilespmem:s20+$0xFFFFFFD0] =	vst v10;
	v9 =	vld [tilespmem:s24+$0xFFFFFFF0]  }
0x725: {  	s20 =	sadd.s32 $0x40, s20;
	v5 =	vld [tilespmem:s24+$0xFFFFFFD0];
	v10 =	vadd.f32 v15, v14;
	[tilespmem:s3+$0xFFFFFFD0] =	vst v11  }
0x726: {  	v11 =	vld [tilespmem:s22+$0xFFFFFFE0]  }
0x727: {  	v12 =	vld [tilespmem:s10+$0x0];
	_ =	sdelay $0x1  }
0x728: {  	v4 =	vadd.f32 v7, v4  }
0x729: {  	[tilespmem:s24+$0x0] =	vst v10;
	v6 =	vadd.f32 v8, v6  }
0x72a: {  	[tilespmem:s3+$0xFFFFFFF0] =	vst v4;
	v4 =	vadd.f32 v11, v5  }
0x72b: {  	[tilespmem:s24+$0xFFFFFFE0] =	vst v6;
	v5 =	vadd.f32 v12, v9  }
0x72c: {  	[tilespmem:s24+$0xFFFFFFD0] =	vst v4  }
0x72d: {  	s13 =	simm.s32 $0x13030;
	[tilespmem:s24+$0xFFFFFFF0] =	vst v5  }
0x72e: {  	s22 =	simm.s32 $0xF030;
	v4 =	vld [tilespmem:s13+$0x0]  }
0x72f: {  	s9 =	sand.u32 $0xC0, s21;
	v5 =	vld [tilespmem:s22+$0x0]  }
0x730: {  	s11 =	simm.s32 $0x30;
	s19 =	simm.s32 $0x3030;
	s20 =	simm.s32 $0x30;
	v6 =	vld [tilespmem:s13+$0xFFFFFFD0]  }
0x731: {  	s19 =	sand.u32 $0xF0, s19;
	s20 =	sor.u32 s6, s20;
	s9 =	scvt.s32.f32 s9;
	v7 =	vld [tilespmem:s13+$0xFFFFFFE0]  }
0x732: {  	s11 =	sor.u32 s6, s11;
	s19 =	scvt.s32.f32 s19;
	s24 =	simm.s32 $0x3010;
	v10 =	vld [tilespmem:s22+$0xFFFFFFD0]  }
0x733: {  	s20 =	scvt.s32.f32 s20;
	s3 =	sand.u32 $0xD0, s24;
	s24 =	simm.s32 $0x30  }
0x734: {  	s25 =	simm.s32 $0x3020;
	s28 =	scvt.s32.f32 s11;
	v9 =	vadd.f32 s19, v3;
	v8 =	vld [tilespmem:s13+$0xFFFFFFF0];
	s19 =	sor.u32 s6, s24  }
0x735: {  	s10 =	sand.u32 $0xE0, s25;
	s25 =	simm.s32 $0x30;
	v11 =	vadd.f32 s9, v3;
	s24 =	scvt.s32.f32 s19;
	v4 =	vadd.f32 s20, v4  }
0x736: {  	s25 =	sor.u32 s6, s25;
	v61 =	vld [tilespmem:s22+$0xFFFFFFE0];
	s3 =	scvt.s32.f32 s3;
	v5 =	vadd.f32 v5, v9;
	v6 =	vadd.f32 s28, v6  }
0x737: {  	v9 =	vld [tilespmem:s22+$0xFFFFFFF0];
	s28 =	scvt.s32.f32 s25;
	v7 =	vadd.f32 s24, v7;
	v10 =	vadd.f32 v10, v11;
	v4 =	vtrunc.f32 v4  }
0x738: {  	s10 =	scvt.s32.f32 s10;
	v13 =	vadd.f32 s3, v3;
	v5 =	vtrunc.f32 v5;
	v6 =	vtrunc.f32 v6  }
0x739: {  	v8 =	vadd.f32 s28, v8;
	v7 =	vtrunc.f32 v7;
	v10 =	vtrunc.f32 v10  }
0x73a: {  	v14 =	vadd.f32 s10, v3;
	v4 =	vcvt.f32.s32 v4;
	v5 =	vcvt.f32.s32 v5  }
0x73b: {  	v11 =	vadd.f32 v61, v13;
	v62 =	vcvt.f32.s32 v6;
	v8 =	vtrunc.f32 v8  }
0x73c: {  	vm0 =	vgt.s32 v4, $0x0;
	vm1 =	vgt.s32 v5, $0x0;
	v9 =	vadd.f32 v9, v14  }
0x73d: {  	v6 =	vcvt.f32.s32 v8;
	v8 =	vcvt.f32.s32 v10;
	v4 =	vnsel vm0, $0x0, v4  }
0x73e: {  	v5 =	vnsel vm1, $0x0, v5;
	vm0 =	vgt.s32 v62, $0x0;
	v4 =	vmin.u32 v4, $0xFF  }
0x73f: {  	v5 =	vmin.u32 v5, $0xFF;
	vm1 =	vgt.s32 v6, $0x0;
	v4 =	vshll.u32 v4, $0x8  }
0x740: {  	v4 =	vor.u32 v5, v4;
	v5 =	vtrunc.f32 v11;
	v11 =	vcvt.f32.s32 v7  }
0x741: {  	vm2 =	vgt.s32 v8, $0x0;
	v7 =	vnsel vm0, $0x0, v62;
	v5 =	vcvt.f32.s32 v5  }
0x742: {  	s3 =	simm.s32 $0x1B020;
	v63 =	vor.u32 v0, v4;
	v4 =	vtrunc.f32 v9;
	vm3 =	vgt.s32 v11, $0x0  }
0x743: {  	v4 =	vcvt.f32.s32 v4;
	[tilespmem:s3+$0x10] =	vst v63;
	vm0 =	vgt.s32 v5, $0x0;
	v9 =	vnsel vm3, $0x0, v11  }
.LBB2_62:
0x744: {  	s9 =	sadd.s32 $0x3040, s21  }
0x745: {  	s10 =	sadd.s32 $0x3050, s21;
	v8 =	vnsel vm2, $0x0, v8;
	vm2 =	vgt.s32 v4, $0x0;
	v6 =	vnsel vm1, $0x0, v6;
	s11 =	smov.u32 s21;
	s21 =	sadd.s32 $0x40, s21  }
0x746: {  	v7 =	vmin.u32 v7, $0xFF;
	v5 =	vnsel vm0, $0x0, v5;
	v9 =	vmin.u32 v9, $0xFF;
	s13 =	sadd.s32 $0x40, s13;
	s19 =	sand.u32 $0xC0, s21;
	s20 =	sadd.s32 $0x3060, s11  }
0x747: {  	s22 =	sadd.s32 $0x40, s22;
	s9 =	sshrl.u32 s9, $0x8;
	s11 =	sadd.s32 $0x3070, s11;
	v8 =	vmin.u32 v8, $0xFF;
	v4 =	vnsel vm2, $0x0, v4;
	v6 =	vmin.u32 v6, $0xFF;
	v10 =	vld [tilespmem:s13+$0x0]  }
0x748: {  	s24 =	sand.u32 $0xD0, s10;
	v7 =	vshll.u32 v7, $0x8;
	v5 =	vmin.u32 v5, $0xFF;
	v9 =	vshll.u32 v9, $0x8;
	s25 =	sand.u32 $0xF0, s11;
	s11 =	sshrl.u32 s11, $0x8;
	v11 =	vld [tilespmem:s22+$0x0]  }
0x749: {  	s10 =	sshrl.u32 s10, $0x8;
	v7 =	vor.u32 v8, v7;
	v4 =	vmin.u32 v4, $0xFF;
	v6 =	vshll.u32 v6, $0x8;
	s25 =	scvt.s32.f32 s25;
	s11 =	sor.u32 s6, s11;
	v12 =	vld [tilespmem:s13+$0xFFFFFFD0]  }
0x74a: {  	s19 =	scvt.s32.f32 s19;
	s28 =	sand.u32 $0xE0, s20;
	v5 =	vor.u32 v5, v9;
	v7 =	vor.u32 v0, v7;
	v4 =	vor.u32 v4, v6;
	s11 =	scvt.s32.f32 s11;
	v8 =	vld [tilespmem:s13+$0xFFFFFFE0]  }
0x74b: {  	s9 =	sor.u32 s6, s9;
	s24 =	scvt.s32.f32 s24;
	s20 =	sshrl.u32 s20, $0x8;
	v5 =	vor.u32 v0, v5;
	v4 =	vor.u32 v0, v4;
	v9 =	vadd.f32 s25, v3;
	v6 =	vld [tilespmem:s13+$0xFFFFFFF0];
	[tilespmem:s3+$0xFFFFFFE0] =	vst v7  }
0x74c: {  	s10 =	sor.u32 s6, s10;
	s9 =	scvt.s32.f32 s9;
	v13 =	vadd.f32 s19, v3;
	s19 =	scvt.s32.f32 s28;
	v7 =	vld [tilespmem:s22+$0xFFFFFFD0];
	v10 =	vadd.f32 s11, v10;
	[tilespmem:s3+$0xFFFFFFF0] =	vst v5  }
0x74d: {  	p0 =	slt.u32 s21, $0xFC0;
	s10 =	scvt.s32.f32 s10;
	v14 =	vadd.f32 s24, v3;
	s11 =	sor.u32 s6, s20;
	v5 =	vld [tilespmem:s22+$0xFFFFFFE0];
	v9 =	vadd.f32 v11, v9;
	[tilespmem:s3+$0x0] =	vst v4  }
0x74e: {  	v4 =	vadd.f32 s9, v12;
	v11 =	vld [tilespmem:s22+$0xFFFFFFF0];
	v12 =	vadd.f32 s19, v3;
	s9 =	scvt.s32.f32 s11;
	v10 =	vtrunc.f32 v10  }
0x74f: {  	v8 =	vadd.f32 s10, v8;
	v9 =	vtrunc.f32 v9;
	v10 =	vcvt.f32.s32 v10  }
0x750: {  	v4 =	vtrunc.f32 v4;
	v6 =	vadd.f32 s9, v6;
	v9 =	vcvt.f32.s32 v9  }
0x751: {  	v7 =	vadd.f32 v7, v13;
	v8 =	vtrunc.f32 v8;
	vm0 =	vgt.s32 v10, $0x0  }
0x752: {  	v5 =	vadd.f32 v5, v14;
	vm1 =	vgt.s32 v9, $0x0;
	v10 =	vnsel vm0, $0x0, v10  }
0x753: {  	v11 =	vadd.f32 v11, v12;
	v9 =	vnsel vm1, $0x0, v9;
	v10 =	vmin.u32 v10, $0xFF  }
0x754: {  	v6 =	vtrunc.f32 v6;
	v9 =	vmin.u32 v9, $0xFF;
	v10 =	vshll.u32 v10, $0x8  }
0x755: {  	v4 =	vcvt.f32.s32 v4;
	v7 =	vtrunc.f32 v7;
	v9 =	vor.u32 v9, v10  }
.Ltmp30:
0x756: {  	s3 =	sadd.s32 $0x40, s3;
	v5 =	vtrunc.f32 v5;
	v10 =	vcvt.f32.s32 v8;
	v8 =	vor.u32 v0, v9;
	(pc) =	sbr.rel @p0 .LBB2_62-.Ltmp30, $4  }
0x757: {  	vm0 =	vgt.s32 v4, $0x0;
	v6 =	vcvt.f32.s32 v6;
	v9 =	vtrunc.f32 v11;
	[tilespmem:s3+$0x10] =	vst v8  }
0x758: {  	v5 =	vcvt.f32.s32 v5;
	v8 =	vcvt.f32.s32 v7;
	vm3 =	vgt.s32 v10, $0x0  }
0x759: {  	vm1 =	vgt.s32 v6, $0x0;
	v7 =	vnsel vm0, $0x0, v4;
	v4 =	vcvt.f32.s32 v9  }
0x75a: {  	vm0 =	vgt.s32 v5, $0x0;
	v9 =	vnsel vm3, $0x0, v10;
	vm2 =	vgt.s32 v8, $0x0  }
0x75b: {  	v8 =	vnsel vm2, $0x0, v8;
	vm15 =	vgt.s32 v4, $0x0  }
0x75c: {  	v6 =	vnsel vm1, $0x0, v6;
	v7 =	vmin.u32 v7, $0xFF;
	v5 =	vnsel vm0, $0x0, v5  }
0x75d: {  	v9 =	vmin.u32 v9, $0xFF;
	v8 =	vmin.u32 v8, $0xFF;
	v4 =	vnsel vm15, $0x0, v4  }
0x75e: {  	v6 =	vmin.u32 v6, $0xFF;
	v7 =	vshll.u32 v7, $0x8;
	v5 =	vmin.u32 v5, $0xFF  }
0x75f: {  	v9 =	vshll.u32 v9, $0x8;
	v7 =	vor.u32 v8, v7;
	v4 =	vmin.u32 v4, $0xFF  }
0x760: {  	v6 =	vshll.u32 v6, $0x8;
	v5 =	vor.u32 v5, v9;
	v7 =	vor.u32 v0, v7  }
0x761: {  	v4 =	vor.u32 v4, v6;
	v5 =	vor.u32 v0, v5;
	[tilespmem:s3+$0xFFFFFFE0] =	vst v7  }
0x762: {  	v4 =	vor.u32 v0, v4;
	[tilespmem:s3+$0xFFFFFFF0] =	vst v5  }
0x763: {  	s20 =	rddreg [dreg:$0x6];
	s9 =	simm.s32 $0x1C000;
	[tilespmem:s3+$0x0] =	vst v4  }
0x764: {  	[spmem:s20] =	stream.indirect.scatter.add.s32 [tilespmem:s9], [sflag:$0x5], $0x1, s18, s30, $0xb8;
	[tilespmem:$0x1D000] =	vst v63  }
0x765: {  	_ =	swait.ge [sflag:s26], $0x1000  }
0x766: {  	[sflag:s26] =	ssyncset.done $0x0  }
0x767: {  	s22 =	simm.s32 $0x400;
	s21 =	rddreg [dreg:$0x13];
	[sflag:s26] =	ssyncadd.s32 $0xFFFFF000  }
0x768: {  	[hbm4b:s21+s23] =	stream.strided.scatter [tilespmem:s18], [sflag:$0x5], $0x1000, s22, s23, $0x38;
	[tilespmem:$0x1D000] =	vst v63  }
0x769: {  	_ =	swait.ge [sflag:s26], $0x1000  }
0x76a: {  	[sflag:s26] =	ssyncset.done $0x0  }
0x76b: {  	[sflag:s26] =	ssyncadd.s32 $0xFFFFF000  }
0x76c: {  	[tilespmem:s7], [sflag:$0x3] =	stream.indirect.gather [spmem:s1], $0x1, s18, s30, $0xb8;
	[tilespmem:$0x1D000] =	vst v63  }
0x76d: {  	_ = 	snop  }
0x76e: {  	[tilespmem:s8], [sflag:$0x4] =	stream.indirect.gather [spmem:s2], $0x1, s18, s30, $0xb8;
	[tilespmem:$0x1D000] =	vst v63  }
0x76f: {  	_ =	swait.ge [sflag:s12], $0x1000  }
0x770: {  	[sflag:s12] =	ssyncset.done $0x0  }
0x771: {  	[sflag:s12] =	ssyncadd.s32 $0xFFFFF000  }
0x772: {  	_ =	swait.ge [sflag:s14], $0x1000  }
0x773: {  	[sflag:s14] =	ssyncset.done $0x0  }
0x774: {  	s24 =	simm.s32 $0xE030;
	[sflag:s14] =	ssyncadd.s32 $0xFFFFF000  }
0x775: {  	s25 =	simm.s32 $0x14020;
	v4 =	vld [tilespmem:s24+$0x0]  }
0x776: {  	v5 =	vld [tilespmem:s25+$0x10]  }
0x777: {  	v6 =	vld [tilespmem:s25+$0xFFFFFFE0]  }
0x778: {  	v7 =	vld [tilespmem:s24+$0xFFFFFFE0]  }
0x779: {  	v8 =	vld [tilespmem:s25+$0xFFFFFFF0]  }
0x77a: {  	v9 =	vld [tilespmem:s24+$0xFFFFFFF0]  }
0x77b: {  	s13 =	simm.s32 $0x14060;
	v10 =	vld [tilespmem:s25+$0x0]  }
0x77c: {  	v11 =	vld [tilespmem:s13+$0x10]  }
0x77d: {  	s28 =	simm.s32 $0xE070;
	v12 =	vld [tilespmem:s13+$0xFFFFFFE0]  }
0x77e: {  	v13 =	vld [tilespmem:s28+$0xFFFFFFE0]  }
0x77f: {  	v14 =	vld [tilespmem:s13+$0xFFFFFFF0]  }
0x780: {  	v15 =	vld [tilespmem:s28+$0xFFFFFFF0];
	v4 =	vadd.f32 v5, v4  }
0x781: {  	v5 =	vld [tilespmem:s24+$0xFFFFFFD0]  }
0x782: {  	s3 =	simm.s32 $0x12030;
	v16 =	vld [tilespmem:s13+$0x0];
	[tilespmem:s24+$0x0] =	vst v4;
	v4 =	vadd.f32 v8, v7  }
0x783: {  	v7 =	vld [tilespmem:s3+$0x0]  }
0x784: {  	s10 =	simm.s32 $0x15020;
	[tilespmem:s24+$0xFFFFFFE0] =	vst v4;
	v4 =	vadd.f32 v10, v9;
	v10 =	vld [tilespmem:s28+$0x0]  }
0x785: {  	v8 =	vld [tilespmem:s10+$0x10]  }
0x786: {  	v5 =	vadd.f32 v6, v5;
	v6 =	vld [tilespmem:s3+$0xFFFFFFE0]  }
0x787: {  	v9 =	vld [tilespmem:s10+$0xFFFFFFF0];
	[tilespmem:s24+$0xFFFFFFF0] =	vst v4  }
0x788: {  	[tilespmem:s24+$0xFFFFFFD0] =	vst v5;
	v4 =	vld [tilespmem:s3+$0xFFFFFFF0]  }
0x789: {  	v5 =	vld [tilespmem:s3+$0xFFFFFFD0];
	v10 =	vadd.f32 v11, v10  }
0x78a: {  	v11 =	vld [tilespmem:s28+$0xFFFFFFD0]  }
0x78b: {  	s21 =	simm.s32 $0x12070;
	v7 =	vadd.f32 v8, v7;
	v8 =	vld [tilespmem:s10+$0xFFFFFFE0];
	[tilespmem:s28+$0x0] =	vst v10  }
0x78c: {  	s22 =	simm.s32 $0x15060;
	v10 =	vadd.f32 v14, v13;
	v61 =	vld [tilespmem:s21+$0x0]  }
0x78d: {  	[tilespmem:s3+$0x0] =	vst v7;
	v6 =	vadd.f32 v9, v6;
	v62 =	vld [tilespmem:s22+$0x10]  }
0x78e: {  	v7 =	vld [tilespmem:s10+$0x0];
	[tilespmem:s28+$0xFFFFFFE0] =	vst v10;
	v10 =	vadd.f32 v16, v15  }
0x78f: {  	[tilespmem:s3+$0xFFFFFFE0] =	vst v6;
	v11 =	vadd.f32 v12, v11;
	v6 =	vld [tilespmem:s21+$0xFFFFFFE0]  }
0x790: {  	v63 =	vadd.f32 v8, v5;
	v9 =	vld [tilespmem:s22+$0xFFFFFFF0];
	[tilespmem:s28+$0xFFFFFFF0] =	vst v10  }
0x791: {  	[tilespmem:s28+$0xFFFFFFD0] =	vst v11;
	v8 =	vld [tilespmem:s21+$0xFFFFFFF0]  }
0x792: {  	s19 =	simm.s32 $0x40;
	s20 =	simm.s32 $0xE0B0;
	s10 =	simm.s32 $0x15060;
	[tilespmem:s3+$0xFFFFFFD0] =	vst v63;
	v5 =	vld [tilespmem:s21+$0xFFFFFFD0];
	v10 =	vadd.f32 v62, v61  }
.LBB2_64:
0x793: {  	v11 =	vld [tilespmem:s20+$0x0];
	s13 =	sadd.s32 $0x40, s13;
	v12 =	vadd.f32 v7, v4  }
0x794: {  	v7 =	vld [tilespmem:s13+$0x10];
	[tilespmem:s21+$0x0] =	vst v10  }
0x795: {  	s19 =	sadd.s32 $0x40, s19;
	v10 =	vld [tilespmem:s13+$0xFFFFFFE0];
	v6 =	vadd.f32 v9, v6;
	[tilespmem:s3+$0xFFFFFFF0] =	vst v12;
	s3 =	smov.u32 s21  }
0x796: {  	p0 =	slt.u32 s19, $0xFC0;
	v9 =	vld [tilespmem:s20+$0xFFFFFFE0];
	v4 =	vmov v8  }
0x797: {  	v8 =	vld [tilespmem:s13+$0xFFFFFFF0];
	[tilespmem:s21+$0xFFFFFFE0] =	vst v6  }
0x798: {  	v6 =	vld [tilespmem:s20+$0xFFFFFFF0]  }
0x799: {  	v12 =	vld [tilespmem:s13+$0x0];
	v7 =	vadd.f32 v7, v11  }
0x79a: {  	v11 =	vld [tilespmem:s20+$0xFFFFFFD0]  }
0x79b: {  	s21 =	sadd.s32 $0x40, s21;
	[tilespmem:s20+$0x0] =	vst v7;
	v13 =	vld [tilespmem:s22+$0xFFFFFFE0]  }
0x79c: {  	s22 =	sadd.s32 $0x40, s22;
	v7 =	vadd.f32 v8, v9;
	v14 =	vld [tilespmem:s21+$0x0]  }
0x79d: {  	v15 =	vld [tilespmem:s22+$0x10]  }
.Ltmp31:
0x79e: {  	[tilespmem:s20+$0xFFFFFFE0] =	vst v7;
	v8 =	vadd.f32 v12, v6;
	v7 =	vld [tilespmem:s10+$0x0];
	s10 =	smov.u32 s22;
	(pc) =	sbr.rel @p0 .LBB2_64-.Ltmp31, $4  }
0x79f: {  	v10 =	vadd.f32 v10, v11;
	v6 =	vld [tilespmem:s21+$0xFFFFFFE0]  }
0x7a0: {  	v9 =	vld [tilespmem:s22+$0xFFFFFFF0];
	[tilespmem:s20+$0xFFFFFFF0] =	vst v8;
	v11 =	vadd.f32 v13, v5  }
0x7a1: {  	[tilespmem:s20+$0xFFFFFFD0] =	vst v10;
	v8 =	vld [tilespmem:s21+$0xFFFFFFF0]  }
0x7a2: {  	s20 =	sadd.s32 $0x40, s20;
	v5 =	vld [tilespmem:s21+$0xFFFFFFD0];
	v10 =	vadd.f32 v15, v14;
	[tilespmem:s3+$0xFFFFFFD0] =	vst v11  }
0x7a3: {  	v11 =	vld [tilespmem:s22+$0xFFFFFFE0]  }
0x7a4: {  	v12 =	vld [tilespmem:s10+$0x0];
	_ =	sdelay $0x1  }
0x7a5: {  	v4 =	vadd.f32 v7, v4  }
0x7a6: {  	[tilespmem:s21+$0x0] =	vst v10;
	v6 =	vadd.f32 v9, v6  }
0x7a7: {  	[tilespmem:s3+$0xFFFFFFF0] =	vst v4;
	v4 =	vadd.f32 v11, v5  }
0x7a8: {  	[tilespmem:s21+$0xFFFFFFE0] =	vst v6;
	v5 =	vadd.f32 v12, v8  }
0x7a9: {  	[tilespmem:s21+$0xFFFFFFD0] =	vst v4  }
0x7aa: {  	[tilespmem:s21+$0xFFFFFFF0] =	vst v5  }
0x7ab: {  	_ =	swait.ge [sflag:s16], $0x1000  }
0x7ac: {  	[sflag:s16] =	ssyncset.done $0x0  }
0x7ad: {  	[sflag:s16] =	ssyncadd.s32 $0xFFFFF000  }
0x7ae: {  	_ =	swait.ge [sflag:s17], $0x1000  }
0x7af: {  	[sflag:s17] =	ssyncset.done $0x0  }
0x7b0: {  	s9 =	simm.s32 $0xF030;
	[sflag:s17] =	ssyncadd.s32 $0xFFFFF000  }
0x7b1: {  	s24 =	simm.s32 $0x16020;
	v4 =	vld [tilespmem:s9+$0x0]  }
0x7b2: {  	v5 =	vld [tilespmem:s24+$0x10]  }
0x7b3: {  	v6 =	vld [tilespmem:s24+$0xFFFFFFE0]  }
0x7b4: {  	v7 =	vld [tilespmem:s9+$0xFFFFFFE0]  }
0x7b5: {  	v8 =	vld [tilespmem:s24+$0xFFFFFFF0]  }
0x7b6: {  	v9 =	vld [tilespmem:s9+$0xFFFFFFF0]  }
0x7b7: {  	s13 =	simm.s32 $0x16060;
	v10 =	vld [tilespmem:s24+$0x0]  }
0x7b8: {  	v11 =	vld [tilespmem:s13+$0x10]  }
0x7b9: {  	s28 =	simm.s32 $0xF070;
	v60 =	vld [tilespmem:s13+$0xFFFFFFE0]  }
0x7ba: {  	v13 =	vld [tilespmem:s28+$0xFFFFFFE0]  }
0x7bb: {  	v14 =	vld [tilespmem:s13+$0xFFFFFFF0]  }
0x7bc: {  	v15 =	vld [tilespmem:s28+$0xFFFFFFF0];
	v4 =	vadd.f32 v5, v4  }
0x7bd: {  	v5 =	vld [tilespmem:s9+$0xFFFFFFD0]  }
0x7be: {  	s3 =	simm.s32 $0x13030;
	v16 =	vld [tilespmem:s13+$0x0];
	[tilespmem:s9+$0x0] =	vst v4;
	v4 =	vadd.f32 v8, v7  }
0x7bf: {  	v7 =	vld [tilespmem:s3+$0x0]  }
0x7c0: {  	s25 =	simm.s32 $0x17020;
	[tilespmem:s9+$0xFFFFFFE0] =	vst v4;
	v4 =	vadd.f32 v10, v9;
	v10 =	vld [tilespmem:s28+$0x0]  }
0x7c1: {  	v8 =	vld [tilespmem:s25+$0x10]  }
0x7c2: {  	v5 =	vadd.f32 v6, v5;
	v6 =	vld [tilespmem:s3+$0xFFFFFFE0]  }
0x7c3: {  	v9 =	vld [tilespmem:s25+$0xFFFFFFF0];
	[tilespmem:s9+$0xFFFFFFF0] =	vst v4  }
0x7c4: {  	[tilespmem:s9+$0xFFFFFFD0] =	vst v5;
	v4 =	vld [tilespmem:s3+$0xFFFFFFF0]  }
0x7c5: {  	v5 =	vld [tilespmem:s3+$0xFFFFFFD0];
	v10 =	vadd.f32 v11, v10  }
0x7c6: {  	v11 =	vld [tilespmem:s28+$0xFFFFFFD0]  }
0x7c7: {  	s21 =	simm.s32 $0x13070;
	v7 =	vadd.f32 v8, v7;
	v8 =	vld [tilespmem:s25+$0xFFFFFFE0];
	[tilespmem:s28+$0x0] =	vst v10  }
0x7c8: {  	s22 =	simm.s32 $0x17060;
	v10 =	vadd.f32 v14, v13;
	v61 =	vld [tilespmem:s21+$0x0]  }
0x7c9: {  	[tilespmem:s3+$0x0] =	vst v7;
	v6 =	vadd.f32 v9, v6;
	v62 =	vld [tilespmem:s22+$0x10]  }
0x7ca: {  	v7 =	vld [tilespmem:s25+$0x0];
	[tilespmem:s28+$0xFFFFFFE0] =	vst v10;
	v10 =	vadd.f32 v16, v15  }
0x7cb: {  	[tilespmem:s3+$0xFFFFFFE0] =	vst v6;
	v11 =	vadd.f32 v60, v11;
	v6 =	vld [tilespmem:s21+$0xFFFFFFE0]  }
0x7cc: {  	v63 =	vadd.f32 v8, v5;
	v9 =	vld [tilespmem:s22+$0xFFFFFFF0];
	[tilespmem:s28+$0xFFFFFFF0] =	vst v10  }
0x7cd: {  	s19 =	simm.s32 $0x40;
	[tilespmem:s28+$0xFFFFFFD0] =	vst v11;
	v8 =	vld [tilespmem:s21+$0xFFFFFFF0]  }
0x7ce: {  	s20 =	simm.s32 $0xF0B0;
	s10 =	simm.s32 $0x17060;
	s11 =	simm.s32 $0x100;
	[tilespmem:s3+$0xFFFFFFD0] =	vst v63;
	v5 =	vld [tilespmem:s21+$0xFFFFFFD0];
	v10 =	vadd.f32 v62, v61  }
.LBB2_66:
0x7cf: {  	v11 =	vld [tilespmem:s20+$0x0];
	s13 =	sadd.s32 $0x40, s13;
	v12 =	vadd.f32 v7, v4  }
0x7d0: {  	v7 =	vld [tilespmem:s13+$0x10];
	[tilespmem:s21+$0x0] =	vst v10  }
0x7d1: {  	s19 =	sadd.s32 $0x40, s19;
	v10 =	vld [tilespmem:s13+$0xFFFFFFE0];
	v6 =	vadd.f32 v9, v6;
	[tilespmem:s3+$0xFFFFFFF0] =	vst v12;
	s3 =	smov.u32 s21  }
0x7d2: {  	p0 =	slt.u32 s19, $0xFC0;
	v9 =	vld [tilespmem:s20+$0xFFFFFFE0];
	v4 =	vmov v8  }
0x7d3: {  	v8 =	vld [tilespmem:s13+$0xFFFFFFF0];
	[tilespmem:s21+$0xFFFFFFE0] =	vst v6  }
0x7d4: {  	v6 =	vld [tilespmem:s20+$0xFFFFFFF0]  }
0x7d5: {  	v12 =	vld [tilespmem:s13+$0x0];
	v7 =	vadd.f32 v7, v11  }
0x7d6: {  	v11 =	vld [tilespmem:s20+$0xFFFFFFD0]  }
0x7d7: {  	s21 =	sadd.s32 $0x40, s21;
	[tilespmem:s20+$0x0] =	vst v7;
	v13 =	vld [tilespmem:s22+$0xFFFFFFE0]  }
0x7d8: {  	s22 =	sadd.s32 $0x40, s22;
	v7 =	vadd.f32 v8, v9;
	v14 =	vld [tilespmem:s21+$0x0]  }
0x7d9: {  	v15 =	vld [tilespmem:s22+$0x10]  }
.Ltmp32:
0x7da: {  	[tilespmem:s20+$0xFFFFFFE0] =	vst v7;
	v8 =	vadd.f32 v12, v6;
	v7 =	vld [tilespmem:s10+$0x0];
	s10 =	smov.u32 s22;
	(pc) =	sbr.rel @p0 .LBB2_66-.Ltmp32, $4  }
0x7db: {  	v10 =	vadd.f32 v10, v11;
	v6 =	vld [tilespmem:s21+$0xFFFFFFE0]  }
0x7dc: {  	v9 =	vld [tilespmem:s22+$0xFFFFFFF0];
	[tilespmem:s20+$0xFFFFFFF0] =	vst v8;
	v11 =	vadd.f32 v13, v5  }
0x7dd: {  	[tilespmem:s20+$0xFFFFFFD0] =	vst v10;
	v8 =	vld [tilespmem:s21+$0xFFFFFFF0]  }
0x7de: {  	s20 =	sadd.s32 $0x40, s20;
	v5 =	vld [tilespmem:s21+$0xFFFFFFD0];
	v10 =	vadd.f32 v15, v14;
	[tilespmem:s3+$0xFFFFFFD0] =	vst v11  }
0x7df: {  	v11 =	vld [tilespmem:s22+$0xFFFFFFE0]  }
0x7e0: {  	v12 =	vld [tilespmem:s10+$0x0];
	_ =	sdelay $0x1  }
0x7e1: {  	v4 =	vadd.f32 v7, v4  }
0x7e2: {  	[tilespmem:s21+$0x0] =	vst v10;
	v6 =	vadd.f32 v9, v6  }
0x7e3: {  	[tilespmem:s3+$0xFFFFFFF0] =	vst v4;
	v4 =	vadd.f32 v11, v5  }
0x7e4: {  	[tilespmem:s21+$0xFFFFFFE0] =	vst v6;
	v5 =	vadd.f32 v12, v8  }
0x7e5: {  	[tilespmem:s21+$0xFFFFFFD0] =	vst v4  }
0x7e6: {  	[tilespmem:s21+$0xFFFFFFF0] =	vst v5  }
0x7e7: {  	s20 =	simm.s32 $0xC000;
	s3 =	rddreg [dreg:$0x14]  }
0x7e8: {  	[hbm4b:s3+s23] =	stream.strided.scatter [tilespmem:s20], [sflag:$0x5], $0x4000, s11, s23, $0x38;
	[tilespmem:$0x1D000] =	vst v63  }
0x7e9: {  	_ =	swait.ge [sflag:s26], $0x4000  }
0x7ea: {  	[sflag:s26] =	ssyncset.done $0x0  }
0x7eb: {  	s21 =	simm.s32 $0x10000;
	s22 =	rddreg [dreg:$0x15];
	[sflag:s26] =	ssyncadd.s32 $0xFFFFC000  }
0x7ec: {  	[hbm4b:s22+s23] =	stream.strided.scatter [tilespmem:s21], [sflag:$0x5], $0x4000, s11, s23, $0x38;
	[tilespmem:$0x1D000] =	vst v63  }
0x7ed: {  	_ =	swait.ge [sflag:s26], $0x4000  }
0x7ee: {  	[sflag:s26] =	ssyncset.done $0x0  }
0x7ef: {  	[sflag:s26] =	ssyncadd.s32 $0xFFFFC000  }
0x7f0: {  	s24 =	stileid.u32;
	[bflag:$0x0] =	sbarrier.arrive $0xFFFF  }
0x7f1: {  	s13 =	simm.s32 $0x10;
	s3 =	sshll.u32 s24, $0x6;
	s19 =	rddreg [dreg:$0xb]  }
0x7f2: {  	s3 =	sor.u32 $0x1C05, s3;
	s25 =	rddreg [dreg:$0x16];
	s9 =	sshrl.u32 s19, $0x3  }
0x7f3: {  	[hbm:s25@s23], [sflag:s3] =	dma.strided [spmem:s9@s13], $0x800, s12, $0x10   }
0x7f4: {  	_ =	swait.ge [sflag:s26], $0x800  }
0x7f5: {  	s5 =	sadd.s32 $0x1, s5;
	s28 =	rddreg [dreg:$0x17]  }
0x7f6: {  	p0 =	sne.s32 s5, s28  }
.Ltmp33:
0x7f7: {  	_ = 	snop;
	(pc) =	sbr.rel @p0 .LBB2_1-.Ltmp33, $3  }
0x7f8: {  	_ =	sdelay $0x1  }
0x7f9: {  	[sflag:s26] =	ssyncset.done $0x0  }
0x7fa: {  	[sflag:s26] =	ssyncadd.s32 $0xFFFFF800  }
0x7fb: {  	_ =	sfence.sel $0x180000  }
0x7fc: {  	[bflag:$0x0] =	sbarrier.arrive $0xFFFF  }
0x7fd: {  	_ =	strace $0x90000047  }
0x7fe: {  	s0 =	stileid.u32;
	[bflag:$0x2] =	sbarrier.arrive $0xFFFF  }
0x7ff: {  	p0 =	sne.s32 s0, $0x0;
	s0 =	rddreg [dreg:$0x7]  }
0x800: {  	s0 =	sadd.s32 @!p0 $0x100000, s0  }
0x801: {  	[sflag:s0] =	ssyncadd.tile.s32 @!p0 $0x1;
	_ =	shalt  }
.Lfunc_end2:
_tile_overlayer_lowered:
.L_overlay_start_2:
0x802: {  	(tag) =	ssettag $0x2  }
0x803: {  	s0 =	rddreg [dreg:$0x0];
	s2 =	stileid.u32  }
0x804: {  	s1 =	rddreg [dreg:$0x1];
	p0 =	sne.s32 s2, $0x0  }
0x805: {  	s3 =	rddreg [dreg:$0x2];
	[bflag:$0x3] =	sbarrier.arrive $0xFFFF;
	s2 =	simm.s32 @!p0 $0x1C05  }
0x806: {  	[timem:s3], [sflag:s2] =	dma.local @!p0 [hbm:s0], s1  }
0x807: {  	s0 =	simm.s32 @!p0 $0x5  }
0x808: {  	_ =	swait.ge @!p0 [sflag:s0], s1  }
0x809: {  	s1 =	ssub.s32 @!p0 $0x0, s1;
	[sflag:s0] =	ssyncset.done @!p0 $0x0  }
0x80a: {  	[sflag:s0] =	ssyncadd.s32 @!p0 s1  }
0x80b: {  	[bflag:$0x3] =	sbarrier.arrive $0xFFFF  }
0x80c: {  	_ =	shalt  }

</sc_bundles>
